<compile_context>
chip_gen: v7x
topology: tpu7x:2x2x1
jax: 0.10.2.dev20260603
libtpu: 0.0.44.dev20260713+nightly
codegen_flags: <defaults>
</compile_context>

<pallas_src>
import functools

import jax
import jax.numpy as jnp
from jax import lax
from jax.experimental import pallas as pl
from jax.experimental.pallas import tpu as pltpu
from jax.experimental.pallas import tpu_sc as plsc

_B = 4
_N = 10000
_E = 160000
_D = 128
_DO = 8
_NT = _B * _N
_TILES = 16
_BS = 128
_NB = 80
_CHUNK = 8
_NCHUNK = _NB // _CHUNK
_NBX = _NB + _CHUNK
_RPT = 624
_REM_OFF = _RPT * _TILES
_REM = _N - _REM_OFF
_NDUMP = 256
_ACC_ROWS = _N + _NDUMP
_EPS = 1e-5


def _make_sc_segsum():
    mesh = plsc.VectorSubcoreMesh(core_axis_name="c", subcore_axis_name="s")

    @functools.partial(
        pl.kernel,
        mesh=mesh,
        out_type=jax.ShapeDtypeStruct((_NT, _D), jnp.float32),
        scratch_types=[
            pltpu.VMEM_SHARED((_ACC_ROWS, _D), jnp.float32),
            pltpu.VMEM((2, _CHUNK, _BS), jnp.int32),
            pltpu.VMEM((_NB, _BS), jnp.int32),
            pltpu.VMEM((2, _BS, _D), jnp.float32),
            pltpu.SemaphoreType.DMA((2,)),
            pltpu.SemaphoreType.DMA((2,)),
            pltpu.SemaphoreType.DMA,
        ],
    )
    def segsum(h_hbm, cols_hbm, rows_hbm, out_hbm, acc, idx_c, idx_r, buf,
               gsem, ssem, isem):
        c = lax.axis_index("c")
        s = lax.axis_index("s")
        pltpu.sync_copy(rows_hbm.at[s], idx_r)
        for gi in range(_B // 2):
            b = c + 2 * gi
            pltpu.sync_copy(
                h_hbm.at[pl.ds(b * _N + s * _RPT, _RPT)],
                acc.at[pl.ds(s * _RPT, _RPT)],
            )

            @pl.when(s == 0)
            def _():
                pltpu.sync_copy(
                    h_hbm.at[pl.ds(b * _N + _REM_OFF, _REM)],
                    acc.at[pl.ds(_REM_OFF, _REM)],
                )

            pltpu.sync_copy(cols_hbm.at[b, s, pl.ds(0, _CHUNK)], idx_c.at[0])
            plsc.subcore_barrier()

            def chunk_body(ci, carry):
                cur = ci % 2
                jb = ci * _CHUNK

                def gath_start(k):
                    pltpu.async_copy(h_hbm.at[idx_c.at[cur, k]],
                                     buf.at[k % 2], gsem.at[k % 2])

                def gath_wait(k):
                    pltpu.make_async_copy(h_hbm.at[idx_c.at[cur, k]],
                                          buf.at[k % 2], gsem.at[k % 2]).wait()

                def scat_start(k):
                    pltpu.async_copy(buf.at[k % 2], acc.at[idx_r.at[jb + k]],
                                     ssem.at[k % 2], add=True)

                def scat_wait(k):
                    pltpu.make_async_copy(buf.at[k % 2],
                                          acc.at[idx_r.at[jb + k]],
                                          ssem.at[k % 2]).wait()

                off = pl.multiple_of((ci + 1) * _CHUNK, 8)
                pltpu.async_copy(cols_hbm.at[b, s, pl.ds(off, _CHUNK)],
                                 idx_c.at[(ci + 1) % 2], isem)

                for k in range(_CHUNK):
                    if k >= 2:
                        scat_wait(k - 2)
                    gath_start(k)
                    if k >= 1:
                        gath_wait(k - 1)
                        scat_start(k - 1)
                gath_wait(_CHUNK - 1)
                scat_start(_CHUNK - 1)
                scat_wait(_CHUNK - 2)
                scat_wait(_CHUNK - 1)
                pltpu.make_async_copy(
                    cols_hbm.at[b, s, pl.ds(off, _CHUNK)],
                    idx_c.at[(ci + 1) % 2], isem).wait()
                return carry

            lax.fori_loop(0, _NCHUNK, chunk_body, 0)
            plsc.subcore_barrier()
            pltpu.sync_copy(
                acc.at[pl.ds(s * _RPT, _RPT)],
                out_hbm.at[pl.ds(b * _N + s * _RPT, _RPT)],
            )

            @pl.when(s == 0)
            def _():
                pltpu.sync_copy(
                    acc.at[pl.ds(_REM_OFF, _REM)],
                    out_hbm.at[pl.ds(b * _N + _REM_OFF, _REM)],
                )

            plsc.subcore_barrier()

    return segsum


_sc_segsum = _make_sc_segsum()


_BLK = 8000
_GRID = _NT // _BLK


def _stats_update(i, st_ref, z):
    ps = jnp.concatenate(
        [jnp.sum(z, axis=0, keepdims=True), jnp.sum(z * z, axis=0, keepdims=True)],
        axis=0,
    )

    @pl.when(i == 0)
    def _():
        st_ref[...] = jnp.zeros_like(st_ref)

    st_ref[...] += ps


def _mm_stats_body(x_ref, w_ref, b_ref, z_ref, st_ref):
    i = pl.program_id(0)
    z = jnp.dot(x_ref[...], w_ref[...], preferred_element_type=jnp.float32) + b_ref[...]
    z_ref[...] = z
    _stats_update(i, st_ref, z)


def _mm_stats(x, w, b):
    return pl.pallas_call(
        _mm_stats_body,
        grid=(_GRID,),
        in_specs=[
            pl.BlockSpec((_BLK, _D), lambda i: (i, 0)),
            pl.BlockSpec((_D, _D), lambda i: (0, 0)),
            pl.BlockSpec((1, _D), lambda i: (0, 0)),
        ],
        out_specs=[
            pl.BlockSpec((_BLK, _D), lambda i: (i, 0)),
            pl.BlockSpec((2, _D), lambda i: (0, 0)),
        ],
        out_shape=[
            jax.ShapeDtypeStruct((_NT, _D), jnp.float32),
            jax.ShapeDtypeStruct((2, _D), jnp.float32),
        ],
    )(x, w, b)


def _affine_from_stats(st, g, be):
    mean = st[0:1, :] * (1.0 / _NT)
    var = st[1:2, :] * (1.0 / _NT) - mean * mean
    scale = g * lax.rsqrt(var + _EPS)
    shift = be - mean * scale
    return scale, shift


def _bn_mm_stats_body(z1_ref, st_ref, g_ref, be_ref, w_ref, b_ref, z2_ref, st2_ref):
    i = pl.program_id(0)
    scale, shift = _affine_from_stats(st_ref[...], g_ref[...], be_ref[...])
    x = jnp.maximum(z1_ref[...] * scale + shift, 0.0)
    z2 = jnp.dot(x, w_ref[...], preferred_element_type=jnp.float32) + b_ref[...]
    z2_ref[...] = z2
    _stats_update(i, st2_ref, z2)


def _bn_mm_stats(z1, st, g, be, w, b):
    return pl.pallas_call(
        _bn_mm_stats_body,
        grid=(_GRID,),
        in_specs=[
            pl.BlockSpec((_BLK, _D), lambda i: (i, 0)),
            pl.BlockSpec((2, _D), lambda i: (0, 0)),
            pl.BlockSpec((1, _D), lambda i: (0, 0)),
            pl.BlockSpec((1, _D), lambda i: (0, 0)),
            pl.BlockSpec((_D, _D), lambda i: (0, 0)),
            pl.BlockSpec((1, _D), lambda i: (0, 0)),
        ],
        out_specs=[
            pl.BlockSpec((_BLK, _D), lambda i: (i, 0)),
            pl.BlockSpec((2, _D), lambda i: (0, 0)),
        ],
        out_shape=[
            jax.ShapeDtypeStruct((_NT, _D), jnp.float32),
            jax.ShapeDtypeStruct((2, _D), jnp.float32),
        ],
    )(z1, st, g, be, w, b)


def _bn_relu_body(z_ref, st_ref, g_ref, be_ref, h_ref):
    scale, shift = _affine_from_stats(st_ref[...], g_ref[...], be_ref[...])
    h_ref[...] = jnp.maximum(z_ref[...] * scale + shift, 0.0)


def _bn_relu(z, st, g, be):
    return pl.pallas_call(
        _bn_relu_body,
        grid=(_GRID,),
        in_specs=[
            pl.BlockSpec((_BLK, _D), lambda i: (i, 0)),
            pl.BlockSpec((2, _D), lambda i: (0, 0)),
            pl.BlockSpec((1, _D), lambda i: (0, 0)),
            pl.BlockSpec((1, _D), lambda i: (0, 0)),
        ],
        out_specs=pl.BlockSpec((_BLK, _D), lambda i: (i, 0)),
        out_shape=jax.ShapeDtypeStruct((_NT, _D), jnp.float32),
    )(z, st, g, be)


def _pred_body(hs_ref, w_ref, bsum_ref, out_ref):
    prod = hs_ref[...] * w_ref[...][:, None, :]
    s = jnp.sum(jnp.sum(prod, axis=0), axis=1, keepdims=True)
    out_ref[...] = jax.nn.sigmoid(s + bsum_ref[...])


def _pred(hs, w, bsum):
    return pl.pallas_call(
        _pred_body,
        in_specs=[
            pl.BlockSpec(hs.shape, lambda: (0, 0, 0)),
            pl.BlockSpec(w.shape, lambda: (0, 0)),
            pl.BlockSpec(bsum.shape, lambda: (0, 0)),
        ],
        out_specs=pl.BlockSpec((_B * _DO, 1), lambda: (0, 0)),
        out_shape=jax.ShapeDtypeStruct((_B * _DO, 1), jnp.float32),
    )(hs, w, bsum)


def kernel(batch_feature, edge_mat, params):
    em = params["emotion_embeddings"]
    bf = batch_feature.at[:, :_DO, :].set(jnp.broadcast_to(em, (_B, _DO, _D)))
    x = bf.reshape(_NT, _D)

    pad_r = _TILES * _NB * _BS - _E
    r = edge_mat[0].astype(jnp.int32)
    c = edge_mat[1].astype(jnp.int32)
    rows_l = jnp.concatenate(
        [r, _N + (jnp.arange(pad_r, dtype=jnp.int32) % _NDUMP)]
    ).reshape(_TILES, _NB, _BS)
    offs = (jnp.arange(_B, dtype=jnp.int32) * _N)[:, None, None, None]
    c_pad = jnp.concatenate(
        [c, jnp.arange(pad_r, dtype=jnp.int32) % _N]
    ).reshape(_TILES, _NB, _BS)
    extra = jnp.zeros((_TILES, _NBX - _NB, _BS), jnp.int32)
    cols_g = jnp.concatenate([c_pad, extra], axis=1)[None] + offs

    h = x
    reps = [x]
    for layer in range(2):
        p = params["mlp"][layer]
        bn = params["bn"][layer]
        pooled = _sc_segsum(h, cols_g, rows_l)
        z1, st1 = _mm_stats(pooled, p["W1"], p["b1"].reshape(1, _D))
        z2, st2 = _bn_mm_stats(
            z1, st1, p["g1"].reshape(1, _D), p["be1"].reshape(1, _D),
            p["W2"], p["b2"].reshape(1, _D),
        )
        h = _bn_relu(z2, st2, bn["g"].reshape(1, _D), bn["b"].reshape(1, _D))
        reps.append(h)

    em_idx = ((jnp.arange(_B) * _N)[:, None] + jnp.arange(_DO)[None, :]).reshape(-1)
    hs = jnp.stack([hh[em_idx] for hh in reps])
    w = jnp.stack([params["pred"][l]["W"][:, 0] for l in range(3)])
    bsum = (
        params["pred"][0]["b"] + params["pred"][1]["b"] + params["pred"][2]["b"]
    ).reshape(1, 1)
    score = _pred(hs, w, bsum)
    return score.reshape(_B, _DO)

# --- scband reference (transcript-rebuilt; emitter-appended) ---
"""Pipeline reference for scband-graph-cnn-73212012528326 (READ-ONLY COPY).

The authoritative reference and input builder live on the scoring server;
editing this copy changes nothing except your own understanding.
"""

import jax, jax.numpy as jnp
import numpy as np

B = 4
N = 10000
E = 160000
D_IN = 128
D_HID = 128
D_OUT = 8
NUM_LAYERS = 3


def _bn(x, gamma, beta, eps=1e-5):
    mean = jnp.mean(x, axis=0)
    var = jnp.var(x, axis=0)
    return gamma * (x - mean) / jnp.sqrt(var + eps) + beta


def setup_inputs(seed: int = 0) -> dict:
    key = jax.random.key(seed)
    ks = jax.random.split(key, 40)
    batch_feature = jax.random.normal(ks[0], (B, N, D_IN), dtype=jnp.float32)
    edge_mat = jax.random.randint(ks[1], (2, E), 0, N, dtype=jnp.int32)
    bound = float(np.sqrt(6.0 / (D_OUT * D_IN + D_IN)))
    emotion_embeddings = jax.random.uniform(ks[2], (1, D_OUT, D_IN), minval=-bound, maxval=bound, dtype=jnp.float32)
    mlp = []
    bnp = []
    k = 3
    for layer in range(NUM_LAYERS - 1):
        din = D_IN if layer == 0 else D_HID
        mlp.append({
            'W1': jax.random.normal(ks[k], (din, D_HID), dtype=jnp.float32) * 0.05,
            'b1': jnp.zeros((D_HID,), dtype=jnp.float32),
            'g1': jnp.ones((D_HID,), dtype=jnp.float32),
            'be1': jnp.zeros((D_HID,), dtype=jnp.float32),
            'W2': jax.random.normal(ks[k + 1], (D_HID, D_HID), dtype=jnp.float32) * 0.05,
            'b2': jnp.zeros((D_HID,), dtype=jnp.float32),
        })
        bnp.append({'g': jnp.ones((D_HID,), dtype=jnp.float32), 'b': jnp.zeros((D_HID,), dtype=jnp.float32)})
        k += 2
    pred = []
    for layer in range(NUM_LAYERS):
        din = D_IN if layer == 0 else D_HID
        pred.append({'W': jax.random.normal(ks[k], (din, 1), dtype=jnp.float32) * 0.05,
                     'b': jnp.zeros((1,), dtype=jnp.float32)})
        k += 1
    params = {'emotion_embeddings': emotion_embeddings, 'mlp': mlp, 'bn': bnp, 'pred': pred}
    return {'batch_feature': batch_feature, 'edge_mat': edge_mat, 'params': params}


def _forward(batch_feature, params, rows, cols):
    # overwrite first output_dim node rows of every graph with emotion embeddings
    bf = batch_feature.at[:, :D_OUT, :].set(
        jnp.broadcast_to(params['emotion_embeddings'], (batch_feature.shape[0], D_OUT, D_IN)))
    X = bf.reshape(-1, D_IN)
    BNn = X.shape[0]
    h = X
    hidden_rep = [X]
    for layer in range(NUM_LAYERS - 1):
        # sparse Adj (block-diagonal batched edges + identity self-loops) @ h
        pooled = jax.ops.segment_sum(h[cols], rows, num_segments=BNn) + h
        p = params['mlp'][layer]
        t = pooled @ p['W1'] + p['b1']
        t = jax.nn.relu(_bn(t, p['g1'], p['be1']))
        t = t @ p['W2'] + p['b2']
        bn = params['bn'][layer]
        h = jax.nn.relu(_bn(t, bn['g'], bn['b']))
        hidden_rep.append(h)
    offs = jnp.arange(B) * N
    em_idx = (offs[:, None] + jnp.arange(D_OUT)[None, :]).reshape(-1)
    score = jnp.zeros((B * D_OUT, 1), dtype=jnp.float32)
    for layer, hh in enumerate(hidden_rep):
        pr = params['pred'][layer]
        score = score + (hh[em_idx] @ pr['W'] + pr['b'])
    return jax.nn.sigmoid(score).reshape(B, D_OUT)


def reference(batch_feature, edge_mat, params):
    offs = (jnp.arange(B, dtype=edge_mat.dtype) * N)
    rows = (edge_mat[0][None, :] + offs[:, None]).reshape(-1)
    cols = (edge_mat[1][None, :] + offs[:, None]).reshape(-1)
    return _forward(batch_feature, params, rows, cols)

if __name__ == "__main__":
    import jax
    _d = setup_inputs()
    print(jax.jit(kernel)(*tuple(_d.values())))

</pallas_src>

<mosaic_0001>
#map = affine_map<(d0, d1) -> (0, 0)>
#map1 = affine_map<(d0, d1) -> (0, 0, 0, 0)>
#map2 = affine_map<(d0, d1) -> (0, 0, 0)>
module attributes {stable_mosaic.version = 14 : i64} {
  func.func @segsum(%arg0: i32, %arg1: i32, %arg2: memref<40000x128xf32, #tpu.memory_space<hbm>>, %arg3: memref<4x16x88x128xi32, #tpu.memory_space<hbm>>, %arg4: memref<16x80x128xi32, #tpu.memory_space<hbm>>, %arg5: memref<40000x128xf32, #tpu.memory_space<hbm>>, %arg6: memref<10256x128xf32, #tpu.memory_space<vmem_shared>>, %arg7: memref<2x8x128xi32, #tpu.memory_space<vmem>>, %arg8: memref<80x128xi32, #tpu.memory_space<vmem>>, %arg9: memref<2x128x128xf32, #tpu.memory_space<vmem>>, %arg10: memref<2x!tpu.dma_semaphore, #tpu.memory_space<semaphore_mem>>, %arg11: memref<2x!tpu.dma_semaphore, #tpu.memory_space<semaphore_mem>>, %arg12: memref<!tpu.dma_semaphore, #tpu.memory_space<semaphore_mem>>) attributes {dimension_semantics = [#tpu.dimension_semantics<core_parallel>, #tpu.dimension_semantics<subcore_parallel>], iteration_bounds = array<i64: 2, 16>, scalar_prefetch = 0 : i64, scratch_operands = 7 : i64, tpu.core_type = #tpu.core_type<sc_vector_subcore>, window_params = [{transform_indices = #map}, {transform_indices = #map1}, {transform_indices = #map2}, {transform_indices = #map}]} {
    "tpu.region"() ({
      %run_scoped3A_64 = tpu.sem_alloc : memref<!tpu.dma_semaphore, #tpu.memory_space<semaphore_mem>>
      %dma_start3A = arith.constant 0 : i32
      %dma_start3A_65 = arith.constant 0 : i32
      %dma_start3A_66 = tpu.memref_slice %arg4[%arg1, %dma_start3A, %dma_start3A_65] : memref<16x80x128xi32, #tpu.memory_space<hbm>> -> memref<1x80x128xi32, #tpu.memory_space<hbm>>
      %dma_start3A_67 = tpu.memref_squeeze %dma_start3A_66 : memref<1x80x128xi32, #tpu.memory_space<hbm>> -> memref<80x128xi32, #tpu.memory_space<hbm>>
      %dma_start3A_68 = arith.constant 0 : i32
      %dma_start3A_69 = arith.constant 0 : i32
      %dma_start3A_70 = tpu.memref_slice %arg4[%arg1, %dma_start3A_68, %dma_start3A_69] : memref<16x80x128xi32, #tpu.memory_space<hbm>> -> memref<1x80x128xi32, #tpu.memory_space<hbm>>
      %dma_start3A_71 = tpu.memref_squeeze %dma_start3A_70 : memref<1x80x128xi32, #tpu.memory_space<hbm>> -> memref<80x128xi32, #tpu.memory_space<hbm>>
      tpu.enqueue_dma source(%dma_start3A_71 : memref<80x128xi32, #tpu.memory_space<hbm>>) target(%arg8 : memref<80x128xi32, #tpu.memory_space<vmem>>) target_semaphore(%run_scoped3A_64 : memref<!tpu.dma_semaphore, #tpu.memory_space<semaphore_mem>>)
      %dma_wait3A = arith.constant 0 : i32
      %dma_wait3A_72 = arith.constant 0 : i32
      %dma_wait3A_73 = tpu.memref_slice %arg4[%arg1, %dma_wait3A, %dma_wait3A_72] : memref<16x80x128xi32, #tpu.memory_space<hbm>> -> memref<1x80x128xi32, #tpu.memory_space<hbm>>
      %dma_wait3A_74 = tpu.memref_squeeze %dma_wait3A_73 : memref<1x80x128xi32, #tpu.memory_space<hbm>> -> memref<80x128xi32, #tpu.memory_space<hbm>>
      %dma_wait3A_75 = arith.constant 0 : i32
      %dma_wait3A_76 = arith.constant 0 : i32
      %dma_wait3A_77 = tpu.memref_slice %arg4[%arg1, %dma_wait3A_75, %dma_wait3A_76] : memref<16x80x128xi32, #tpu.memory_space<hbm>> -> memref<1x80x128xi32, #tpu.memory_space<hbm>>
      %dma_wait3A_78 = tpu.memref_squeeze %dma_wait3A_77 : memref<1x80x128xi32, #tpu.memory_space<hbm>> -> memref<80x128xi32, #tpu.memory_space<hbm>>
      tpu.wait_dma2 semaphore(%run_scoped3A_64 : memref<!tpu.dma_semaphore, #tpu.memory_space<semaphore_mem>>) src(%dma_wait3A_78 : memref<80x128xi32, #tpu.memory_space<hbm>>) dst(%arg8 : memref<80x128xi32, #tpu.memory_space<vmem>>)
      tpu.yield
    }) : () -> ()
    %add3A = arith.constant 0 : i32
    %add3A_0 = arith.addi %arg0, %add3A : i32
    %mul3A = arith.constant 10000 : i32
    %mul3A_1 = arith.muli %add3A_0, %mul3A : i32
    %mul3A_2 = arith.constant 624 : i32
    %mul3A_3 = arith.muli %arg1, %mul3A_2 : i32
    %add3A_4 = arith.addi %mul3A_1, %mul3A_3 : i32
    %mul3A_5 = arith.constant 624 : i32
    %mul3A_6 = arith.muli %arg1, %mul3A_5 : i32
    "tpu.region"() ({
      %run_scoped3A_64 = tpu.sem_alloc : memref<!tpu.dma_semaphore, #tpu.memory_space<semaphore_mem>>
      %dma_start3A = arith.constant 0 : i32
      %dma_start3A_65 = tpu.memref_slice %arg6[%mul3A_6, %dma_start3A] : memref<10256x128xf32, #tpu.memory_space<vmem_shared>> -> memref<624x128xf32, #tpu.memory_space<vmem_shared>>
      %dma_start3A_66 = arith.constant 0 : i32
      %dma_start3A_67 = tpu.memref_slice %arg2[%add3A_4, %dma_start3A_66] : memref<40000x128xf32, #tpu.memory_space<hbm>> -> memref<624x128xf32, #tpu.memory_space<hbm>>
      tpu.enqueue_dma source(%dma_start3A_67 : memref<624x128xf32, #tpu.memory_space<hbm>>) target(%dma_start3A_65 : memref<624x128xf32, #tpu.memory_space<vmem_shared>>) target_semaphore(%run_scoped3A_64 : memref<!tpu.dma_semaphore, #tpu.memory_space<semaphore_mem>>)
      %dma_wait3A = arith.constant 0 : i32
      %dma_wait3A_68 = tpu.memref_slice %arg6[%mul3A_6, %dma_wait3A] : memref<10256x128xf32, #tpu.memory_space<vmem_shared>> -> memref<624x128xf32, #tpu.memory_space<vmem_shared>>
      %dma_wait3A_69 = arith.constant 0 : i32
      %dma_wait3A_70 = tpu.memref_slice %arg2[%add3A_4, %dma_wait3A_69] : memref<40000x128xf32, #tpu.memory_space<hbm>> -> memref<624x128xf32, #tpu.memory_space<hbm>>
      tpu.wait_dma2 semaphore(%run_scoped3A_64 : memref<!tpu.dma_semaphore, #tpu.memory_space<semaphore_mem>>) src(%dma_wait3A_70 : memref<624x128xf32, #tpu.memory_space<hbm>>) dst(%dma_wait3A_68 : memref<624x128xf32, #tpu.memory_space<vmem_shared>>)
      tpu.yield
    }) : () -> ()
    %eq3A = arith.constant 0 : i32
    %eq3A_7 = arith.cmpi eq, %arg1, %eq3A : i32
    %convert_element_type3A = arith.extui %eq3A_7 : i1 to i32
    %cond3A = arith.constant 0 : i32
    %cond3A_8 = arith.cmpi ne, %convert_element_type3A, %cond3A : i32
    scf.if %cond3A_8 {
      %mul3A_64 = arith.constant 10000 : i32
      %mul3A_65 = arith.muli %add3A_0, %mul3A_64 : i32
      %add3A_66 = arith.constant 9984 : i32
      %add3A_67 = arith.addi %mul3A_65, %add3A_66 : i32
      "tpu.region"() ({
        %run_scoped3A_68 = tpu.sem_alloc : memref<!tpu.dma_semaphore, #tpu.memory_space<semaphore_mem>>
        %dma_start3A = arith.constant 9984 : i32
        %dma_start3A_69 = arith.constant 0 : i32
        %dma_start3A_70 = tpu.memref_slice %arg6[%dma_start3A, %dma_start3A_69] : memref<10256x128xf32, #tpu.memory_space<vmem_shared>> -> memref<16x128xf32, #tpu.memory_space<vmem_shared>>
        %dma_start3A_71 = arith.constant 0 : i32
        %dma_start3A_72 = tpu.memref_slice %arg2[%add3A_67, %dma_start3A_71] : memref<40000x128xf32, #tpu.memory_space<hbm>> -> memref<16x128xf32, #tpu.memory_space<hbm>>
        tpu.enqueue_dma source(%dma_start3A_72 : memref<16x128xf32, #tpu.memory_space<hbm>>) target(%dma_start3A_70 : memref<16x128xf32, #tpu.memory_space<vmem_shared>>) target_semaphore(%run_scoped3A_68 : memref<!tpu.dma_semaphore, #tpu.memory_space<semaphore_mem>>)
        %dma_wait3A = arith.constant 9984 : i32
        %dma_wait3A_73 = arith.constant 0 : i32
        %dma_wait3A_74 = tpu.memref_slice %arg6[%dma_wait3A, %dma_wait3A_73] : memref<10256x128xf32, #tpu.memory_space<vmem_shared>> -> memref<16x128xf32, #tpu.memory_space<vmem_shared>>
        %dma_wait3A_75 = arith.constant 0 : i32
        %dma_wait3A_76 = tpu.memref_slice %arg2[%add3A_67, %dma_wait3A_75] : memref<40000x128xf32, #tpu.memory_space<hbm>> -> memref<16x128xf32, #tpu.memory_space<hbm>>
        tpu.wait_dma2 semaphore(%run_scoped3A_68 : memref<!tpu.dma_semaphore, #tpu.memory_space<semaphore_mem>>) src(%dma_wait3A_76 : memref<16x128xf32, #tpu.memory_space<hbm>>) dst(%dma_wait3A_74 : memref<16x128xf32, #tpu.memory_space<vmem_shared>>)
        tpu.yield
      }) : () -> ()
    } else {
    }
    %run_scoped3A = arith.constant 0 : i32
    "tpu.region"() ({
      %run_scoped3A_64 = tpu.sem_alloc : memref<!tpu.dma_semaphore, #tpu.memory_space<semaphore_mem>>
      %dma_start3A = arith.constant 0 : i32
      %dma_start3A_65 = arith.constant 0 : i32
      %dma_start3A_66 = tpu.memref_slice %arg7[%run_scoped3A, %dma_start3A, %dma_start3A_65] : memref<2x8x128xi32, #tpu.memory_space<vmem>> -> memref<1x8x128xi32, #tpu.memory_space<vmem>>
      %dma_start3A_67 = tpu.memref_squeeze %dma_start3A_66 : memref<1x8x128xi32, #tpu.memory_space<vmem>> -> memref<8x128xi32, #tpu.memory_space<vmem>>
      %dma_start3A_68 = arith.constant 0 : i32
      %dma_start3A_69 = arith.constant 0 : i32
      %dma_start3A_70 = tpu.memref_slice %arg3[%add3A_0, %arg1, %dma_start3A_68, %dma_start3A_69] : memref<4x16x88x128xi32, #tpu.memory_space<hbm>> -> memref<1x1x8x128xi32, #tpu.memory_space<hbm>>
      %dma_start3A_71 = tpu.memref_squeeze %dma_start3A_70 : memref<1x1x8x128xi32, #tpu.memory_space<hbm>> -> memref<8x128xi32, #tpu.memory_space<hbm>>
      %dma_start3A_72 = arith.constant 0 : i32
      %dma_start3A_73 = arith.constant 0 : i32
      %dma_start3A_74 = tpu.memref_slice %arg7[%run_scoped3A, %dma_start3A_72, %dma_start3A_73] : memref<2x8x128xi32, #tpu.memory_space<vmem>> -> memref<1x8x128xi32, #tpu.memory_space<vmem>>
      %dma_start3A_75 = tpu.memref_squeeze %dma_start3A_74 : memref<1x8x128xi32, #tpu.memory_space<vmem>> -> memref<8x128xi32, #tpu.memory_space<vmem>>
      %dma_start3A_76 = arith.constant 0 : i32
      %dma_start3A_77 = arith.constant 0 : i32
      %dma_start3A_78 = tpu.memref_slice %arg3[%add3A_0, %arg1, %dma_start3A_76, %dma_start3A_77] : memref<4x16x88x128xi32, #tpu.memory_space<hbm>> -> memref<1x1x8x128xi32, #tpu.memory_space<hbm>>
      %dma_start3A_79 = tpu.memref_squeeze %dma_start3A_78 : memref<1x1x8x128xi32, #tpu.memory_space<hbm>> -> memref<8x128xi32, #tpu.memory_space<hbm>>
      tpu.enqueue_dma source(%dma_start3A_79 : memref<8x128xi32, #tpu.memory_space<hbm>>) target(%dma_start3A_75 : memref<8x128xi32, #tpu.memory_space<vmem>>) target_semaphore(%run_scoped3A_64 : memref<!tpu.dma_semaphore, #tpu.memory_space<semaphore_mem>>)
      %dma_wait3A = arith.constant 0 : i32
      %dma_wait3A_80 = arith.constant 0 : i32
      %dma_wait3A_81 = tpu.memref_slice %arg7[%run_scoped3A, %dma_wait3A, %dma_wait3A_80] : memref<2x8x128xi32, #tpu.memory_space<vmem>> -> memref<1x8x128xi32, #tpu.memory_space<vmem>>
      %dma_wait3A_82 = tpu.memref_squeeze %dma_wait3A_81 : memref<1x8x128xi32, #tpu.memory_space<vmem>> -> memref<8x128xi32, #tpu.memory_space<vmem>>
      %dma_wait3A_83 = arith.constant 0 : i32
      %dma_wait3A_84 = arith.constant 0 : i32
      %dma_wait3A_85 = tpu.memref_slice %arg3[%add3A_0, %arg1, %dma_wait3A_83, %dma_wait3A_84] : memref<4x16x88x128xi32, #tpu.memory_space<hbm>> -> memref<1x1x8x128xi32, #tpu.memory_space<hbm>>
      %dma_wait3A_86 = tpu.memref_squeeze %dma_wait3A_85 : memref<1x1x8x128xi32, #tpu.memory_space<hbm>> -> memref<8x128xi32, #tpu.memory_space<hbm>>
      %dma_wait3A_87 = arith.constant 0 : i32
      %dma_wait3A_88 = arith.constant 0 : i32
      %dma_wait3A_89 = tpu.memref_slice %arg7[%run_scoped3A, %dma_wait3A_87, %dma_wait3A_88] : memref<2x8x128xi32, #tpu.memory_space<vmem>> -> memref<1x8x128xi32, #tpu.memory_space<vmem>>
      %dma_wait3A_90 = tpu.memref_squeeze %dma_wait3A_89 : memref<1x8x128xi32, #tpu.memory_space<vmem>> -> memref<8x128xi32, #tpu.memory_space<vmem>>
      %dma_wait3A_91 = arith.constant 0 : i32
      %dma_wait3A_92 = arith.constant 0 : i32
      %dma_wait3A_93 = tpu.memref_slice %arg3[%add3A_0, %arg1, %dma_wait3A_91, %dma_wait3A_92] : memref<4x16x88x128xi32, #tpu.memory_space<hbm>> -> memref<1x1x8x128xi32, #tpu.memory_space<hbm>>
      %dma_wait3A_94 = tpu.memref_squeeze %dma_wait3A_93 : memref<1x1x8x128xi32, #tpu.memory_space<hbm>> -> memref<8x128xi32, #tpu.memory_space<hbm>>
      tpu.wait_dma2 semaphore(%run_scoped3A_64 : memref<!tpu.dma_semaphore, #tpu.memory_space<semaphore_mem>>) src(%dma_wait3A_94 : memref<8x128xi32, #tpu.memory_space<hbm>>) dst(%dma_wait3A_90 : memref<8x128xi32, #tpu.memory_space<vmem>>)
      tpu.yield
    }) : () -> ()
    %barrier3A = arith.constant 0 : index
    tpu.barrier barrier_id(%barrier3A)
    %scan3A = arith.constant 0 : i32
    %scan3A_9 = arith.constant 0 : i32
    %scan3A_10 = arith.constant 10 : i32
    %scan3A_11 = arith.addi %scan3A_9, %scan3A_10 : i32
    %scan3A_12 = arith.constant 1 : i32
    scf.for %scan3A_64 = %scan3A_9 to %scan3A_11 step %scan3A_12  : i32 {
      %jit3A = arith.constant 2 : i32
      %eq3A_65 = arith.constant 0 : i32
      %eq3A_66 = arith.cmpi eq, %jit3A, %eq3A_65 : i32
      %jit3A_67 = arith.constant 1 : i32
      %select_n3A = arith.select %eq3A_66, %jit3A_67, %jit3A : i32
      %rem3A = arith.remsi %scan3A_64, %select_n3A : i32
      %ne3A = arith.constant 0 : i32
      %ne3A_68 = arith.cmpi ne, %rem3A, %ne3A : i32
      %lt3A = arith.constant 0 : i32
      %lt3A_69 = arith.cmpi slt, %rem3A, %lt3A : i32
      %lt3A_70 = arith.constant 0 : i32
      %lt3A_71 = arith.cmpi slt, %select_n3A, %lt3A_70 : i32
      %ne3A_72 = arith.xori %lt3A_69, %lt3A_71 : i1
      %and3A = arith.andi %ne3A_72, %ne3A_68 : i1
      %add3A_73 = arith.addi %rem3A, %select_n3A : i32
      %select_n3A_74 = arith.select %and3A, %add3A_73, %rem3A : i32
      %mul3A_75 = arith.constant 8 : i32
      %mul3A_76 = arith.muli %scan3A_64, %mul3A_75 : i32
      %add3A_77 = arith.constant 1 : i32
      %add3A_78 = arith.addi %scan3A_64, %add3A_77 : i32
      %mul3A_79 = arith.constant 8 : i32
      %mul3A_80 = arith.muli %add3A_78, %mul3A_79 : i32
      %multiple_of3A = tpu.assume_multiple %mul3A_80, 8 : i32
      %add3A_81 = arith.constant 1 : i32
      %add3A_82 = arith.addi %scan3A_64, %add3A_81 : i32
      %jit3A_83 = arith.constant 2 : i32
      %eq3A_84 = arith.constant 0 : i32
      %eq3A_85 = arith.cmpi eq, %jit3A_83, %eq3A_84 : i32
      %jit3A_86 = arith.constant 1 : i32
      %select_n3A_87 = arith.select %eq3A_85, %jit3A_86, %jit3A_83 : i32
      %rem3A_88 = arith.remsi %add3A_82, %select_n3A_87 : i32
      %ne3A_89 = arith.constant 0 : i32
      %ne3A_90 = arith.cmpi ne, %rem3A_88, %ne3A_89 : i32
      %lt3A_91 = arith.constant 0 : i32
      %lt3A_92 = arith.cmpi slt, %rem3A_88, %lt3A_91 : i32
      %lt3A_93 = arith.constant 0 : i32
      %lt3A_94 = arith.cmpi slt, %select_n3A_87, %lt3A_93 : i32
      %ne3A_95 = arith.xori %lt3A_92, %lt3A_94 : i1
      %and3A_96 = arith.andi %ne3A_95, %ne3A_90 : i1
      %add3A_97 = arith.addi %rem3A_88, %select_n3A_87 : i32
      %select_n3A_98 = arith.select %and3A_96, %add3A_97, %rem3A_88 : i32
      %dma_start3A = arith.constant 0 : i32
      %dma_start3A_99 = arith.constant 0 : i32
      %dma_start3A_100 = tpu.memref_slice %arg7[%select_n3A_98, %dma_start3A, %dma_start3A_99] : memref<2x8x128xi32, #tpu.memory_space<vmem>> -> memref<1x8x128xi32, #tpu.memory_space<vmem>>
      %dma_start3A_101 = tpu.memref_squeeze %dma_start3A_100 : memref<1x8x128xi32, #tpu.memory_space<vmem>> -> memref<8x128xi32, #tpu.memory_space<vmem>>
      %dma_start3A_102 = arith.constant 0 : i32
      %dma_start3A_103 = tpu.memref_slice %arg3[%add3A_0, %arg1, %multiple_of3A, %dma_start3A_102] : memref<4x16x88x128xi32, #tpu.memory_space<hbm>> -> memref<1x1x8x128xi32, #tpu.memory_space<hbm>>
      %dma_start3A_104 = tpu.memref_squeeze %dma_start3A_103 : memref<1x1x8x128xi32, #tpu.memory_space<hbm>> -> memref<8x128xi32, #tpu.memory_space<hbm>>
      %dma_start3A_105 = arith.constant 0 : i32
      %dma_start3A_106 = arith.constant 0 : i32
      %dma_start3A_107 = tpu.memref_slice %arg7[%select_n3A_98, %dma_start3A_105, %dma_start3A_106] : memref<2x8x128xi32, #tpu.memory_space<vmem>> -> memref<1x8x128xi32, #tpu.memory_space<vmem>>
      %dma_start3A_108 = tpu.memref_squeeze %dma_start3A_107 : memref<1x8x128xi32, #tpu.memory_space<vmem>> -> memref<8x128xi32, #tpu.memory_space<vmem>>
      %dma_start3A_109 = arith.constant 0 : i32
      %dma_start3A_110 = tpu.memref_slice %arg3[%add3A_0, %arg1, %multiple_of3A, %dma_start3A_109] : memref<4x16x88x128xi32, #tpu.memory_space<hbm>> -> memref<1x1x8x128xi32, #tpu.memory_space<hbm>>
      %dma_start3A_111 = tpu.memref_squeeze %dma_start3A_110 : memref<1x1x8x128xi32, #tpu.memory_space<hbm>> -> memref<8x128xi32, #tpu.memory_space<hbm>>
      tpu.enqueue_dma source(%dma_start3A_111 : memref<8x128xi32, #tpu.memory_space<hbm>>) target(%dma_start3A_108 : memref<8x128xi32, #tpu.memory_space<vmem>>) target_semaphore(%arg12 : memref<!tpu.dma_semaphore, #tpu.memory_space<semaphore_mem>>)
      %dma_start3A_112 = arith.constant 0 : i32
      %dma_start3A_113 = arith.constant 0 : i32
      %dma_start3A_114 = arith.constant 0 : i32
      %dma_start3A_115 = arith.constant 0 : i32
      %dma_start3A_116 = arith.constant 0 : i32
      %dma_start3A_117 = tpu.memref_slice %arg9[%dma_start3A_113, %dma_start3A_115, %dma_start3A_116] : memref<2x128x128xf32, #tpu.memory_space<vmem>> -> memref<1x128x128xf32, #tpu.memory_space<vmem>>
      %dma_start3A_118 = tpu.memref_squeeze %dma_start3A_117 : memref<1x128x128xf32, #tpu.memory_space<vmem>> -> memref<128x128xf32, #tpu.memory_space<vmem>>
      %dma_start3A_119 = arith.constant 0 : i32
      %dma_start3A_120 = tpu.memref_slice %arg7[%select_n3A_74, %dma_start3A_112, %dma_start3A_119] : memref<2x8x128xi32, #tpu.memory_space<vmem>> -> memref<1x1x128xi32, #tpu.memory_space<vmem>>
      %dma_start3A_121 = tpu.memref_squeeze %dma_start3A_120 : memref<1x1x128xi32, #tpu.memory_space<vmem>> -> memref<128xi32, #tpu.memory_space<vmem>>
      %dma_start3A_122 = arith.constant 0 : i32
      %dma_start3A_123 = arith.constant 0 : i32
      %dma_start3A_124 = tpu.memref_slice %arg2[%dma_start3A_122, %dma_start3A_123] : memref<40000x128xf32, #tpu.memory_space<hbm>> -> memref<40000x128xf32, #tpu.memory_space<hbm>>
      %dma_start3A_125 = tpu.memref_slice %arg10[%dma_start3A_114] : memref<2x!tpu.dma_semaphore, #tpu.memory_space<semaphore_mem>> -> memref<1x!tpu.dma_semaphore, #tpu.memory_space<semaphore_mem>>
      %dma_start3A_126 = tpu.memref_squeeze %dma_start3A_125 : memref<1x!tpu.dma_semaphore, #tpu.memory_space<semaphore_mem>> -> memref<!tpu.dma_semaphore, #tpu.memory_space<semaphore_mem>>
      tpu.enqueue_indirect_dma source(%dma_start3A_124 : memref<40000x128xf32, #tpu.memory_space<hbm>>) target(%dma_start3A_118 : memref<128x128xf32, #tpu.memory_space<vmem>>) offsets(%dma_start3A_121 : memref<128xi32, #tpu.memory_space<vmem>>) semaphore(%dma_start3A_126 : memref<!tpu.dma_semaphore, #tpu.memory_space<semaphore_mem>>)
      %dma_start3A_127 = arith.constant 1 : i32
      %dma_start3A_128 = arith.constant 1 : i32
      %dma_start3A_129 = arith.constant 1 : i32
      %dma_start3A_130 = arith.constant 0 : i32
      %dma_start3A_131 = arith.constant 0 : i32
      %dma_start3A_132 = tpu.memref_slice %arg9[%dma_start3A_128, %dma_start3A_130, %dma_start3A_131] : memref<2x128x128xf32, #tpu.memory_space<vmem>> -> memref<1x128x128xf32, #tpu.memory_space<vmem>>
      %dma_start3A_133 = tpu.memref_squeeze %dma_start3A_132 : memref<1x128x128xf32, #tpu.memory_space<vmem>> -> memref<128x128xf32, #tpu.memory_space<vmem>>
      %dma_start3A_134 = arith.constant 0 : i32
      %dma_start3A_135 = tpu.memref_slice %arg7[%select_n3A_74, %dma_start3A_127, %dma_start3A_134] : memref<2x8x128xi32, #tpu.memory_space<vmem>> -> memref<1x1x128xi32, #tpu.memory_space<vmem>>
      %dma_start3A_136 = tpu.memref_squeeze %dma_start3A_135 : memref<1x1x128xi32, #tpu.memory_space<vmem>> -> memref<128xi32, #tpu.memory_space<vmem>>
      %dma_start3A_137 = arith.constant 0 : i32
      %dma_start3A_138 = arith.constant 0 : i32
      %dma_start3A_139 = tpu.memref_slice %arg2[%dma_start3A_137, %dma_start3A_138] : memref<40000x128xf32, #tpu.memory_space<hbm>> -> memref<40000x128xf32, #tpu.memory_space<hbm>>
      %dma_start3A_140 = tpu.memref_slice %arg10[%dma_start3A_129] : memref<2x!tpu.dma_semaphore, #tpu.memory_space<semaphore_mem>> -> memref<1x!tpu.dma_semaphore, #tpu.memory_space<semaphore_mem>>
      %dma_start3A_141 = tpu.memref_squeeze %dma_start3A_140 : memref<1x!tpu.dma_semaphore, #tpu.memory_space<semaphore_mem>> -> memref<!tpu.dma_semaphore, #tpu.memory_space<semaphore_mem>>
      tpu.enqueue_indirect_dma source(%dma_start3A_139 : memref<40000x128xf32, #tpu.memory_space<hbm>>) target(%dma_start3A_133 : memref<128x128xf32, #tpu.memory_space<vmem>>) offsets(%dma_start3A_136 : memref<128xi32, #tpu.memory_space<vmem>>) semaphore(%dma_start3A_141 : memref<!tpu.dma_semaphore, #tpu.memory_space<semaphore_mem>>)
      %dma_wait3A = arith.constant 0 : i32
      %dma_wait3A_142 = arith.constant 0 : i32
      %dma_wait3A_143 = arith.constant 0 : i32
      %dma_wait3A_144 = arith.constant 0 : i32
      %dma_wait3A_145 = arith.constant 0 : i32
      %dma_wait3A_146 = tpu.memref_slice %arg9[%dma_wait3A_142, %dma_wait3A_144, %dma_wait3A_145] : memref<2x128x128xf32, #tpu.memory_space<vmem>> -> memref<1x128x128xf32, #tpu.memory_space<vmem>>
      %dma_wait3A_147 = tpu.memref_squeeze %dma_wait3A_146 : memref<1x128x128xf32, #tpu.memory_space<vmem>> -> memref<128x128xf32, #tpu.memory_space<vmem>>
      %dma_wait3A_148 = arith.constant 0 : i32
      %dma_wait3A_149 = tpu.memref_slice %arg7[%select_n3A_74, %dma_wait3A, %dma_wait3A_148] : memref<2x8x128xi32, #tpu.memory_space<vmem>> -> memref<1x1x128xi32, #tpu.memory_space<vmem>>
      %dma_wait3A_150 = tpu.memref_squeeze %dma_wait3A_149 : memref<1x1x128xi32, #tpu.memory_space<vmem>> -> memref<128xi32, #tpu.memory_space<vmem>>
      %dma_wait3A_151 = arith.constant 0 : i32
      %dma_wait3A_152 = arith.constant 0 : i32
      %dma_wait3A_153 = tpu.memref_slice %arg2[%dma_wait3A_151, %dma_wait3A_152] : memref<40000x128xf32, #tpu.memory_space<hbm>> -> memref<40000x128xf32, #tpu.memory_space<hbm>>
      %dma_wait3A_154 = tpu.memref_slice %arg10[%dma_wait3A_143] : memref<2x!tpu.dma_semaphore, #tpu.memory_space<semaphore_mem>> -> memref<1x!tpu.dma_semaphore, #tpu.memory_space<semaphore_mem>>
      %dma_wait3A_155 = tpu.memref_squeeze %dma_wait3A_154 : memref<1x!tpu.dma_semaphore, #tpu.memory_space<semaphore_mem>> -> memref<!tpu.dma_semaphore, #tpu.memory_space<semaphore_mem>>
      tpu.wait_indirect_dma semaphore(%dma_wait3A_155 : memref<!tpu.dma_semaphore, #tpu.memory_space<semaphore_mem>>) src(%dma_wait3A_153 : memref<40000x128xf32, #tpu.memory_space<hbm>>) dst(%dma_wait3A_147 : memref<128x128xf32, #tpu.memory_space<vmem>>)
      %add3A_156 = arith.constant 0 : i32
      %add3A_157 = arith.addi %mul3A_76, %add3A_156 : i32
      %dma_start3A_158 = arith.constant 0 : i32
      %dma_start3A_159 = arith.constant 0 : i32
      %dma_start3A_160 = arith.constant 0 : i32
      %dma_start3A_161 = arith.constant 0 : i32
      %dma_start3A_162 = tpu.memref_slice %arg9[%dma_start3A_158, %dma_start3A_160, %dma_start3A_161] : memref<2x128x128xf32, #tpu.memory_space<vmem>> -> memref<1x128x128xf32, #tpu.memory_space<vmem>>
      %dma_start3A_163 = tpu.memref_squeeze %dma_start3A_162 : memref<1x128x128xf32, #tpu.memory_space<vmem>> -> memref<128x128xf32, #tpu.memory_space<vmem>>
      %dma_start3A_164 = arith.constant 0 : i32
      %dma_start3A_165 = tpu.memref_slice %arg8[%add3A_157, %dma_start3A_164] : memref<80x128xi32, #tpu.memory_space<vmem>> -> memref<1x128xi32, #tpu.memory_space<vmem>>
      %dma_start3A_166 = tpu.memref_squeeze %dma_start3A_165 : memref<1x128xi32, #tpu.memory_space<vmem>> -> memref<128xi32, #tpu.memory_space<vmem>>
      %dma_start3A_167 = arith.constant 0 : i32
      %dma_start3A_168 = arith.constant 0 : i32
      %dma_start3A_169 = tpu.memref_slice %arg6[%dma_start3A_167, %dma_start3A_168] : memref<10256x128xf32, #tpu.memory_space<vmem_shared>> -> memref<10256x128xf32, #tpu.memory_space<vmem_shared>>
      %dma_start3A_170 = tpu.memref_slice %arg11[%dma_start3A_159] : memref<2x!tpu.dma_semaphore, #tpu.memory_space<semaphore_mem>> -> memref<1x!tpu.dma_semaphore, #tpu.memory_space<semaphore_mem>>
      %dma_start3A_171 = tpu.memref_squeeze %dma_start3A_170 : memref<1x!tpu.dma_semaphore, #tpu.memory_space<semaphore_mem>> -> memref<!tpu.dma_semaphore, #tpu.memory_space<semaphore_mem>>
      tpu.enqueue_indirect_dma source(%dma_start3A_163 : memref<128x128xf32, #tpu.memory_space<vmem>>) target(%dma_start3A_169 : memref<10256x128xf32, #tpu.memory_space<vmem_shared>>) offsets(%dma_start3A_166 : memref<128xi32, #tpu.memory_space<vmem>>) semaphore(%dma_start3A_171 : memref<!tpu.dma_semaphore, #tpu.memory_space<semaphore_mem>>) {add = true}
      %add3A_172 = arith.constant 0 : i32
      %add3A_173 = arith.addi %mul3A_76, %add3A_172 : i32
      %dma_wait3A_174 = arith.constant 0 : i32
      %dma_wait3A_175 = arith.constant 0 : i32
      %dma_wait3A_176 = arith.constant 0 : i32
      %dma_wait3A_177 = arith.constant 0 : i32
      %dma_wait3A_178 = tpu.memref_slice %arg9[%dma_wait3A_174, %dma_wait3A_176, %dma_wait3A_177] : memref<2x128x128xf32, #tpu.memory_space<vmem>> -> memref<1x128x128xf32, #tpu.memory_space<vmem>>
      %dma_wait3A_179 = tpu.memref_squeeze %dma_wait3A_178 : memref<1x128x128xf32, #tpu.memory_space<vmem>> -> memref<128x128xf32, #tpu.memory_space<vmem>>
      %dma_wait3A_180 = arith.constant 0 : i32
      %dma_wait3A_181 = tpu.memref_slice %arg8[%add3A_173, %dma_wait3A_180] : memref<80x128xi32, #tpu.memory_space<vmem>> -> memref<1x128xi32, #tpu.memory_space<vmem>>
      %dma_wait3A_182 = tpu.memref_squeeze %dma_wait3A_181 : memref<1x128xi32, #tpu.memory_space<vmem>> -> memref<128xi32, #tpu.memory_space<vmem>>
      %dma_wait3A_183 = arith.constant 0 : i32
      %dma_wait3A_184 = arith.constant 0 : i32
      %dma_wait3A_185 = tpu.memref_slice %arg6[%dma_wait3A_183, %dma_wait3A_184] : memref<10256x128xf32, #tpu.memory_space<vmem_shared>> -> memref<10256x128xf32, #tpu.memory_space<vmem_shared>>
      %dma_wait3A_186 = tpu.memref_slice %arg11[%dma_wait3A_175] : memref<2x!tpu.dma_semaphore, #tpu.memory_space<semaphore_mem>> -> memref<1x!tpu.dma_semaphore, #tpu.memory_space<semaphore_mem>>
      %dma_wait3A_187 = tpu.memref_squeeze %dma_wait3A_186 : memref<1x!tpu.dma_semaphore, #tpu.memory_space<semaphore_mem>> -> memref<!tpu.dma_semaphore, #tpu.memory_space<semaphore_mem>>
      tpu.wait_indirect_dma semaphore(%dma_wait3A_187 : memref<!tpu.dma_semaphore, #tpu.memory_space<semaphore_mem>>) src(%dma_wait3A_179 : memref<128x128xf32, #tpu.memory_space<vmem>>) dst(%dma_wait3A_185 : memref<10256x128xf32, #tpu.memory_space<vmem_shared>>)
      %dma_start3A_188 = arith.constant 2 : i32
      %dma_start3A_189 = arith.constant 0 : i32
      %dma_start3A_190 = arith.constant 0 : i32
      %dma_start3A_191 = arith.constant 0 : i32
      %dma_start3A_192 = arith.constant 0 : i32
      %dma_start3A_193 = tpu.memref_slice %arg9[%dma_start3A_189, %dma_start3A_191, %dma_start3A_192] : memref<2x128x128xf32, #tpu.memory_space<vmem>> -> memref<1x128x128xf32, #tpu.memory_space<vmem>>
      %dma_start3A_194 = tpu.memref_squeeze %dma_start3A_193 : memref<1x128x128xf32, #tpu.memory_space<vmem>> -> memref<128x128xf32, #tpu.memory_space<vmem>>
      %dma_start3A_195 = arith.constant 0 : i32
      %dma_start3A_196 = tpu.memref_slice %arg7[%select_n3A_74, %dma_start3A_188, %dma_start3A_195] : memref<2x8x128xi32, #tpu.memory_space<vmem>> -> memref<1x1x128xi32, #tpu.memory_space<vmem>>
      %dma_start3A_197 = tpu.memref_squeeze %dma_start3A_196 : memref<1x1x128xi32, #tpu.memory_space<vmem>> -> memref<128xi32, #tpu.memory_space<vmem>>
      %dma_start3A_198 = arith.constant 0 : i32
      %dma_start3A_199 = arith.constant 0 : i32
      %dma_start3A_200 = tpu.memref_slice %arg2[%dma_start3A_198, %dma_start3A_199] : memref<40000x128xf32, #tpu.memory_space<hbm>> -> memref<40000x128xf32, #tpu.memory_space<hbm>>
      %dma_start3A_201 = tpu.memref_slice %arg10[%dma_start3A_190] : memref<2x!tpu.dma_semaphore, #tpu.memory_space<semaphore_mem>> -> memref<1x!tpu.dma_semaphore, #tpu.memory_space<semaphore_mem>>
      %dma_start3A_202 = tpu.memref_squeeze %dma_start3A_201 : memref<1x!tpu.dma_semaphore, #tpu.memory_space<semaphore_mem>> -> memref<!tpu.dma_semaphore, #tpu.memory_space<semaphore_mem>>
      tpu.enqueue_indirect_dma source(%dma_start3A_200 : memref<40000x128xf32, #tpu.memory_space<hbm>>) target(%dma_start3A_194 : memref<128x128xf32, #tpu.memory_space<vmem>>) offsets(%dma_start3A_197 : memref<128xi32, #tpu.memory_space<vmem>>) semaphore(%dma_start3A_202 : memref<!tpu.dma_semaphore, #tpu.memory_space<semaphore_mem>>)
      %dma_wait3A_203 = arith.constant 1 : i32
      %dma_wait3A_204 = arith.constant 1 : i32
      %dma_wait3A_205 = arith.constant 1 : i32
      %dma_wait3A_206 = arith.constant 0 : i32
      %dma_wait3A_207 = arith.constant 0 : i32
      %dma_wait3A_208 = tpu.memref_slice %arg9[%dma_wait3A_204, %dma_wait3A_206, %dma_wait3A_207] : memref<2x128x128xf32, #tpu.memory_space<vmem>> -> memref<1x128x128xf32, #tpu.memory_space<vmem>>
      %dma_wait3A_209 = tpu.memref_squeeze %dma_wait3A_208 : memref<1x128x128xf32, #tpu.memory_space<vmem>> -> memref<128x128xf32, #tpu.memory_space<vmem>>
      %dma_wait3A_210 = arith.constant 0 : i32
      %dma_wait3A_211 = tpu.memref_slice %arg7[%select_n3A_74, %dma_wait3A_203, %dma_wait3A_210] : memref<2x8x128xi32, #tpu.memory_space<vmem>> -> memref<1x1x128xi32, #tpu.memory_space<vmem>>
      %dma_wait3A_212 = tpu.memref_squeeze %dma_wait3A_211 : memref<1x1x128xi32, #tpu.memory_space<vmem>> -> memref<128xi32, #tpu.memory_space<vmem>>
      %dma_wait3A_213 = arith.constant 0 : i32
      %dma_wait3A_214 = arith.constant 0 : i32
      %dma_wait3A_215 = tpu.memref_slice %arg2[%dma_wait3A_213, %dma_wait3A_214] : memref<40000x128xf32, #tpu.memory_space<hbm>> -> memref<40000x128xf32, #tpu.memory_space<hbm>>
      %dma_wait3A_216 = tpu.memref_slice %arg10[%dma_wait3A_205] : memref<2x!tpu.dma_semaphore, #tpu.memory_space<semaphore_mem>> -> memref<1x!tpu.dma_semaphore, #tpu.memory_space<semaphore_mem>>
      %dma_wait3A_217 = tpu.memref_squeeze %dma_wait3A_216 : memref<1x!tpu.dma_semaphore, #tpu.memory_space<semaphore_mem>> -> memref<!tpu.dma_semaphore, #tpu.memory_space<semaphore_mem>>
      tpu.wait_indirect_dma semaphore(%dma_wait3A_217 : memref<!tpu.dma_semaphore, #tpu.memory_space<semaphore_mem>>) src(%dma_wait3A_215 : memref<40000x128xf32, #tpu.memory_space<hbm>>) dst(%dma_wait3A_209 : memref<128x128xf32, #tpu.memory_space<vmem>>)
      %add3A_218 = arith.constant 1 : i32
      %add3A_219 = arith.addi %mul3A_76, %add3A_218 : i32
      %dma_start3A_220 = arith.constant 1 : i32
      %dma_start3A_221 = arith.constant 1 : i32
      %dma_start3A_222 = arith.constant 0 : i32
      %dma_start3A_223 = arith.constant 0 : i32
      %dma_start3A_224 = tpu.memref_slice %arg9[%dma_start3A_220, %dma_start3A_222, %dma_start3A_223] : memref<2x128x128xf32, #tpu.memory_space<vmem>> -> memref<1x128x128xf32, #tpu.memory_space<vmem>>
      %dma_start3A_225 = tpu.memref_squeeze %dma_start3A_224 : memref<1x128x128xf32, #tpu.memory_space<vmem>> -> memref<128x128xf32, #tpu.memory_space<vmem>>
      %dma_start3A_226 = arith.constant 0 : i32
      %dma_start3A_227 = tpu.memref_slice %arg8[%add3A_219, %dma_start3A_226] : memref<80x128xi32, #tpu.memory_space<vmem>> -> memref<1x128xi32, #tpu.memory_space<vmem>>
      %dma_start3A_228 = tpu.memref_squeeze %dma_start3A_227 : memref<1x128xi32, #tpu.memory_space<vmem>> -> memref<128xi32, #tpu.memory_space<vmem>>
      %dma_start3A_229 = arith.constant 0 : i32
      %dma_start3A_230 = arith.constant 0 : i32
      %dma_start3A_231 = tpu.memref_slice %arg6[%dma_start3A_229, %dma_start3A_230] : memref<10256x128xf32, #tpu.memory_space<vmem_shared>> -> memref<10256x128xf32, #tpu.memory_space<vmem_shared>>
      %dma_start3A_232 = tpu.memref_slice %arg11[%dma_start3A_221] : memref<2x!tpu.dma_semaphore, #tpu.memory_space<semaphore_mem>> -> memref<1x!tpu.dma_semaphore, #tpu.memory_space<semaphore_mem>>
      %dma_start3A_233 = tpu.memref_squeeze %dma_start3A_232 : memref<1x!tpu.dma_semaphore, #tpu.memory_space<semaphore_mem>> -> memref<!tpu.dma_semaphore, #tpu.memory_space<semaphore_mem>>
      tpu.enqueue_indirect_dma source(%dma_start3A_225 : memref<128x128xf32, #tpu.memory_space<vmem>>) target(%dma_start3A_231 : memref<10256x128xf32, #tpu.memory_space<vmem_shared>>) offsets(%dma_start3A_228 : memref<128xi32, #tpu.memory_space<vmem>>) semaphore(%dma_start3A_233 : memref<!tpu.dma_semaphore, #tpu.memory_space<semaphore_mem>>) {add = true}
      %add3A_234 = arith.constant 1 : i32
      %add3A_235 = arith.addi %mul3A_76, %add3A_234 : i32
      %dma_wait3A_236 = arith.constant 1 : i32
      %dma_wait3A_237 = arith.constant 1 : i32
      %dma_wait3A_238 = arith.constant 0 : i32
      %dma_wait3A_239 = arith.constant 0 : i32
      %dma_wait3A_240 = tpu.memref_slice %arg9[%dma_wait3A_236, %dma_wait3A_238, %dma_wait3A_239] : memref<2x128x128xf32, #tpu.memory_space<vmem>> -> memref<1x128x128xf32, #tpu.memory_space<vmem>>
      %dma_wait3A_241 = tpu.memref_squeeze %dma_wait3A_240 : memref<1x128x128xf32, #tpu.memory_space<vmem>> -> memref<128x128xf32, #tpu.memory_space<vmem>>
      %dma_wait3A_242 = arith.constant 0 : i32
      %dma_wait3A_243 = tpu.memref_slice %arg8[%add3A_235, %dma_wait3A_242] : memref<80x128xi32, #tpu.memory_space<vmem>> -> memref<1x128xi32, #tpu.memory_space<vmem>>
      %dma_wait3A_244 = tpu.memref_squeeze %dma_wait3A_243 : memref<1x128xi32, #tpu.memory_space<vmem>> -> memref<128xi32, #tpu.memory_space<vmem>>
      %dma_wait3A_245 = arith.constant 0 : i32
      %dma_wait3A_246 = arith.constant 0 : i32
      %dma_wait3A_247 = tpu.memref_slice %arg6[%dma_wait3A_245, %dma_wait3A_246] : memref<10256x128xf32, #tpu.memory_space<vmem_shared>> -> memref<10256x128xf32, #tpu.memory_space<vmem_shared>>
      %dma_wait3A_248 = tpu.memref_slice %arg11[%dma_wait3A_237] : memref<2x!tpu.dma_semaphore, #tpu.memory_space<semaphore_mem>> -> memref<1x!tpu.dma_semaphore, #tpu.memory_space<semaphore_mem>>
      %dma_wait3A_249 = tpu.memref_squeeze %dma_wait3A_248 : memref<1x!tpu.dma_semaphore, #tpu.memory_space<semaphore_mem>> -> memref<!tpu.dma_semaphore, #tpu.memory_space<semaphore_mem>>
      tpu.wait_indirect_dma semaphore(%dma_wait3A_249 : memref<!tpu.dma_semaphore, #tpu.memory_space<semaphore_mem>>) src(%dma_wait3A_241 : memref<128x128xf32, #tpu.memory_space<vmem>>) dst(%dma_wait3A_247 : memref<10256x128xf32, #tpu.memory_space<vmem_shared>>)
      %dma_start3A_250 = arith.constant 3 : i32
      %dma_start3A_251 = arith.constant 1 : i32
      %dma_start3A_252 = arith.constant 1 : i32
      %dma_start3A_253 = arith.constant 0 : i32
      %dma_start3A_254 = arith.constant 0 : i32
      %dma_start3A_255 = tpu.memref_slice %arg9[%dma_start3A_251, %dma_start3A_253, %dma_start3A_254] : memref<2x128x128xf32, #tpu.memory_space<vmem>> -> memref<1x128x128xf32, #tpu.memory_space<vmem>>
      %dma_start3A_256 = tpu.memref_squeeze %dma_start3A_255 : memref<1x128x128xf32, #tpu.memory_space<vmem>> -> memref<128x128xf32, #tpu.memory_space<vmem>>
      %dma_start3A_257 = arith.constant 0 : i32
      %dma_start3A_258 = tpu.memref_slice %arg7[%select_n3A_74, %dma_start3A_250, %dma_start3A_257] : memref<2x8x128xi32, #tpu.memory_space<vmem>> -> memref<1x1x128xi32, #tpu.memory_space<vmem>>
      %dma_start3A_259 = tpu.memref_squeeze %dma_start3A_258 : memref<1x1x128xi32, #tpu.memory_space<vmem>> -> memref<128xi32, #tpu.memory_space<vmem>>
      %dma_start3A_260 = arith.constant 0 : i32
      %dma_start3A_261 = arith.constant 0 : i32
      %dma_start3A_262 = tpu.memref_slice %arg2[%dma_start3A_260, %dma_start3A_261] : memref<40000x128xf32, #tpu.memory_space<hbm>> -> memref<40000x128xf32, #tpu.memory_space<hbm>>
      %dma_start3A_263 = tpu.memref_slice %arg10[%dma_start3A_252] : memref<2x!tpu.dma_semaphore, #tpu.memory_space<semaphore_mem>> -> memref<1x!tpu.dma_semaphore, #tpu.memory_space<semaphore_mem>>
      %dma_start3A_264 = tpu.memref_squeeze %dma_start3A_263 : memref<1x!tpu.dma_semaphore, #tpu.memory_space<semaphore_mem>> -> memref<!tpu.dma_semaphore, #tpu.memory_space<semaphore_mem>>
      tpu.enqueue_indirect_dma source(%dma_start3A_262 : memref<40000x128xf32, #tpu.memory_space<hbm>>) target(%dma_start3A_256 : memref<128x128xf32, #tpu.memory_space<vmem>>) offsets(%dma_start3A_259 : memref<128xi32, #tpu.memory_space<vmem>>) semaphore(%dma_start3A_264 : memref<!tpu.dma_semaphore, #tpu.memory_space<semaphore_mem>>)
      %dma_wait3A_265 = arith.constant 2 : i32
      %dma_wait3A_266 = arith.constant 0 : i32
      %dma_wait3A_267 = arith.constant 0 : i32
      %dma_wait3A_268 = arith.constant 0 : i32
      %dma_wait3A_269 = arith.constant 0 : i32
      %dma_wait3A_270 = tpu.memref_slice %arg9[%dma_wait3A_266, %dma_wait3A_268, %dma_wait3A_269] : memref<2x128x128xf32, #tpu.memory_space<vmem>> -> memref<1x128x128xf32, #tpu.memory_space<vmem>>
      %dma_wait3A_271 = tpu.memref_squeeze %dma_wait3A_270 : memref<1x128x128xf32, #tpu.memory_space<vmem>> -> memref<128x128xf32, #tpu.memory_space<vmem>>
      %dma_wait3A_272 = arith.constant 0 : i32
      %dma_wait3A_273 = tpu.memref_slice %arg7[%select_n3A_74, %dma_wait3A_265, %dma_wait3A_272] : memref<2x8x128xi32, #tpu.memory_space<vmem>> -> memref<1x1x128xi32, #tpu.memory_space<vmem>>
      %dma_wait3A_274 = tpu.memref_squeeze %dma_wait3A_273 : memref<1x1x128xi32, #tpu.memory_space<vmem>> -> memref<128xi32, #tpu.memory_space<vmem>>
      %dma_wait3A_275 = arith.constant 0 : i32
      %dma_wait3A_276 = arith.constant 0 : i32
      %dma_wait3A_277 = tpu.memref_slice %arg2[%dma_wait3A_275, %dma_wait3A_276] : memref<40000x128xf32, #tpu.memory_space<hbm>> -> memref<40000x128xf32, #tpu.memory_space<hbm>>
      %dma_wait3A_278 = tpu.memref_slice %arg10[%dma_wait3A_267] : memref<2x!tpu.dma_semaphore, #tpu.memory_space<semaphore_mem>> -> memref<1x!tpu.dma_semaphore, #tpu.memory_space<semaphore_mem>>
      %dma_wait3A_279 = tpu.memref_squeeze %dma_wait3A_278 : memref<1x!tpu.dma_semaphore, #tpu.memory_space<semaphore_mem>> -> memref<!tpu.dma_semaphore, #tpu.memory_space<semaphore_mem>>
      tpu.wait_indirect_dma semaphore(%dma_wait3A_279 : memref<!tpu.dma_semaphore, #tpu.memory_space<semaphore_mem>>) src(%dma_wait3A_277 : memref<40000x128xf32, #tpu.memory_space<hbm>>) dst(%dma_wait3A_271 : memref<128x128xf32, #tpu.memory_space<vmem>>)
      %add3A_280 = arith.constant 2 : i32
      %add3A_281 = arith.addi %mul3A_76, %add3A_280 : i32
      %dma_start3A_282 = arith.constant 0 : i32
      %dma_start3A_283 = arith.constant 0 : i32
      %dma_start3A_284 = arith.constant 0 : i32
      %dma_start3A_285 = arith.constant 0 : i32
      %dma_start3A_286 = tpu.memref_slice %arg9[%dma_start3A_282, %dma_start3A_284, %dma_start3A_285] : memref<2x128x128xf32, #tpu.memory_space<vmem>> -> memref<1x128x128xf32, #tpu.memory_space<vmem>>
      %dma_start3A_287 = tpu.memref_squeeze %dma_start3A_286 : memref<1x128x128xf32, #tpu.memory_space<vmem>> -> memref<128x128xf32, #tpu.memory_space<vmem>>
      %dma_start3A_288 = arith.constant 0 : i32
      %dma_start3A_289 = tpu.memref_slice %arg8[%add3A_281, %dma_start3A_288] : memref<80x128xi32, #tpu.memory_space<vmem>> -> memref<1x128xi32, #tpu.memory_space<vmem>>
      %dma_start3A_290 = tpu.memref_squeeze %dma_start3A_289 : memref<1x128xi32, #tpu.memory_space<vmem>> -> memref<128xi32, #tpu.memory_space<vmem>>
      %dma_start3A_291 = arith.constant 0 : i32
      %dma_start3A_292 = arith.constant 0 : i32
      %dma_start3A_293 = tpu.memref_slice %arg6[%dma_start3A_291, %dma_start3A_292] : memref<10256x128xf32, #tpu.memory_space<vmem_shared>> -> memref<10256x128xf32, #tpu.memory_space<vmem_shared>>
      %dma_start3A_294 = tpu.memref_slice %arg11[%dma_start3A_283] : memref<2x!tpu.dma_semaphore, #tpu.memory_space<semaphore_mem>> -> memref<1x!tpu.dma_semaphore, #tpu.memory_space<semaphore_mem>>
      %dma_start3A_295 = tpu.memref_squeeze %dma_start3A_294 : memref<1x!tpu.dma_semaphore, #tpu.memory_space<semaphore_mem>> -> memref<!tpu.dma_semaphore, #tpu.memory_space<semaphore_mem>>
      tpu.enqueue_indirect_dma source(%dma_start3A_287 : memref<128x128xf32, #tpu.memory_space<vmem>>) target(%dma_start3A_293 : memref<10256x128xf32, #tpu.memory_space<vmem_shared>>) offsets(%dma_start3A_290 : memref<128xi32, #tpu.memory_space<vmem>>) semaphore(%dma_start3A_295 : memref<!tpu.dma_semaphore, #tpu.memory_space<semaphore_mem>>) {add = true}
      %add3A_296 = arith.constant 2 : i32
      %add3A_297 = arith.addi %mul3A_76, %add3A_296 : i32
      %dma_wait3A_298 = arith.constant 0 : i32
      %dma_wait3A_299 = arith.constant 0 : i32
      %dma_wait3A_300 = arith.constant 0 : i32
      %dma_wait3A_301 = arith.constant 0 : i32
      %dma_wait3A_302 = tpu.memref_slice %arg9[%dma_wait3A_298, %dma_wait3A_300, %dma_wait3A_301] : memref<2x128x128xf32, #tpu.memory_space<vmem>> -> memref<1x128x128xf32, #tpu.memory_space<vmem>>
      %dma_wait3A_303 = tpu.memref_squeeze %dma_wait3A_302 : memref<1x128x128xf32, #tpu.memory_space<vmem>> -> memref<128x128xf32, #tpu.memory_space<vmem>>
      %dma_wait3A_304 = arith.constant 0 : i32
      %dma_wait3A_305 = tpu.memref_slice %arg8[%add3A_297, %dma_wait3A_304] : memref<80x128xi32, #tpu.memory_space<vmem>> -> memref<1x128xi32, #tpu.memory_space<vmem>>
      %dma_wait3A_306 = tpu.memref_squeeze %dma_wait3A_305 : memref<1x128xi32, #tpu.memory_space<vmem>> -> memref<128xi32, #tpu.memory_space<vmem>>
      %dma_wait3A_307 = arith.constant 0 : i32
      %dma_wait3A_308 = arith.constant 0 : i32
      %dma_wait3A_309 = tpu.memref_slice %arg6[%dma_wait3A_307, %dma_wait3A_308] : memref<10256x128xf32, #tpu.memory_space<vmem_shared>> -> memref<10256x128xf32, #tpu.memory_space<vmem_shared>>
      %dma_wait3A_310 = tpu.memref_slice %arg11[%dma_wait3A_299] : memref<2x!tpu.dma_semaphore, #tpu.memory_space<semaphore_mem>> -> memref<1x!tpu.dma_semaphore, #tpu.memory_space<semaphore_mem>>
      %dma_wait3A_311 = tpu.memref_squeeze %dma_wait3A_310 : memref<1x!tpu.dma_semaphore, #tpu.memory_space<semaphore_mem>> -> memref<!tpu.dma_semaphore, #tpu.memory_space<semaphore_mem>>
      tpu.wait_indirect_dma semaphore(%dma_wait3A_311 : memref<!tpu.dma_semaphore, #tpu.memory_space<semaphore_mem>>) src(%dma_wait3A_303 : memref<128x128xf32, #tpu.memory_space<vmem>>) dst(%dma_wait3A_309 : memref<10256x128xf32, #tpu.memory_space<vmem_shared>>)
      %dma_start3A_312 = arith.constant 4 : i32
      %dma_start3A_313 = arith.constant 0 : i32
      %dma_start3A_314 = arith.constant 0 : i32
      %dma_start3A_315 = arith.constant 0 : i32
      %dma_start3A_316 = arith.constant 0 : i32
      %dma_start3A_317 = tpu.memref_slice %arg9[%dma_start3A_313, %dma_start3A_315, %dma_start3A_316] : memref<2x128x128xf32, #tpu.memory_space<vmem>> -> memref<1x128x128xf32, #tpu.memory_space<vmem>>
      %dma_start3A_318 = tpu.memref_squeeze %dma_start3A_317 : memref<1x128x128xf32, #tpu.memory_space<vmem>> -> memref<128x128xf32, #tpu.memory_space<vmem>>
      %dma_start3A_319 = arith.constant 0 : i32
      %dma_start3A_320 = tpu.memref_slice %arg7[%select_n3A_74, %dma_start3A_312, %dma_start3A_319] : memref<2x8x128xi32, #tpu.memory_space<vmem>> -> memref<1x1x128xi32, #tpu.memory_space<vmem>>
      %dma_start3A_321 = tpu.memref_squeeze %dma_start3A_320 : memref<1x1x128xi32, #tpu.memory_space<vmem>> -> memref<128xi32, #tpu.memory_space<vmem>>
      %dma_start3A_322 = arith.constant 0 : i32
      %dma_start3A_323 = arith.constant 0 : i32
      %dma_start3A_324 = tpu.memref_slice %arg2[%dma_start3A_322, %dma_start3A_323] : memref<40000x128xf32, #tpu.memory_space<hbm>> -> memref<40000x128xf32, #tpu.memory_space<hbm>>
      %dma_start3A_325 = tpu.memref_slice %arg10[%dma_start3A_314] : memref<2x!tpu.dma_semaphore, #tpu.memory_space<semaphore_mem>> -> memref<1x!tpu.dma_semaphore, #tpu.memory_space<semaphore_mem>>
      %dma_start3A_326 = tpu.memref_squeeze %dma_start3A_325 : memref<1x!tpu.dma_semaphore, #tpu.memory_space<semaphore_mem>> -> memref<!tpu.dma_semaphore, #tpu.memory_space<semaphore_mem>>
      tpu.enqueue_indirect_dma source(%dma_start3A_324 : memref<40000x128xf32, #tpu.memory_space<hbm>>) target(%dma_start3A_318 : memref<128x128xf32, #tpu.memory_space<vmem>>) offsets(%dma_start3A_321 : memref<128xi32, #tpu.memory_space<vmem>>) semaphore(%dma_start3A_326 : memref<!tpu.dma_semaphore, #tpu.memory_space<semaphore_mem>>)
      %dma_wait3A_327 = arith.constant 3 : i32
      %dma_wait3A_328 = arith.constant 1 : i32
      %dma_wait3A_329 = arith.constant 1 : i32
      %dma_wait3A_330 = arith.constant 0 : i32
      %dma_wait3A_331 = arith.constant 0 : i32
      %dma_wait3A_332 = tpu.memref_slice %arg9[%dma_wait3A_328, %dma_wait3A_330, %dma_wait3A_331] : memref<2x128x128xf32, #tpu.memory_space<vmem>> -> memref<1x128x128xf32, #tpu.memory_space<vmem>>
      %dma_wait3A_333 = tpu.memref_squeeze %dma_wait3A_332 : memref<1x128x128xf32, #tpu.memory_space<vmem>> -> memref<128x128xf32, #tpu.memory_space<vmem>>
      %dma_wait3A_334 = arith.constant 0 : i32
      %dma_wait3A_335 = tpu.memref_slice %arg7[%select_n3A_74, %dma_wait3A_327, %dma_wait3A_334] : memref<2x8x128xi32, #tpu.memory_space<vmem>> -> memref<1x1x128xi32, #tpu.memory_space<vmem>>
      %dma_wait3A_336 = tpu.memref_squeeze %dma_wait3A_335 : memref<1x1x128xi32, #tpu.memory_space<vmem>> -> memref<128xi32, #tpu.memory_space<vmem>>
      %dma_wait3A_337 = arith.constant 0 : i32
      %dma_wait3A_338 = arith.constant 0 : i32
      %dma_wait3A_339 = tpu.memref_slice %arg2[%dma_wait3A_337, %dma_wait3A_338] : memref<40000x128xf32, #tpu.memory_space<hbm>> -> memref<40000x128xf32, #tpu.memory_space<hbm>>
      %dma_wait3A_340 = tpu.memref_slice %arg10[%dma_wait3A_329] : memref<2x!tpu.dma_semaphore, #tpu.memory_space<semaphore_mem>> -> memref<1x!tpu.dma_semaphore, #tpu.memory_space<semaphore_mem>>
      %dma_wait3A_341 = tpu.memref_squeeze %dma_wait3A_340 : memref<1x!tpu.dma_semaphore, #tpu.memory_space<semaphore_mem>> -> memref<!tpu.dma_semaphore, #tpu.memory_space<semaphore_mem>>
      tpu.wait_indirect_dma semaphore(%dma_wait3A_341 : memref<!tpu.dma_semaphore, #tpu.memory_space<semaphore_mem>>) src(%dma_wait3A_339 : memref<40000x128xf32, #tpu.memory_space<hbm>>) dst(%dma_wait3A_333 : memref<128x128xf32, #tpu.memory_space<vmem>>)
      %add3A_342 = arith.constant 3 : i32
      %add3A_343 = arith.addi %mul3A_76, %add3A_342 : i32
      %dma_start3A_344 = arith.constant 1 : i32
      %dma_start3A_345 = arith.constant 1 : i32
      %dma_start3A_346 = arith.constant 0 : i32
      %dma_start3A_347 = arith.constant 0 : i32
      %dma_start3A_348 = tpu.memref_slice %arg9[%dma_start3A_344, %dma_start3A_346, %dma_start3A_347] : memref<2x128x128xf32, #tpu.memory_space<vmem>> -> memref<1x128x128xf32, #tpu.memory_space<vmem>>
      %dma_start3A_349 = tpu.memref_squeeze %dma_start3A_348 : memref<1x128x128xf32, #tpu.memory_space<vmem>> -> memref<128x128xf32, #tpu.memory_space<vmem>>
      %dma_start3A_350 = arith.constant 0 : i32
      %dma_start3A_351 = tpu.memref_slice %arg8[%add3A_343, %dma_start3A_350] : memref<80x128xi32, #tpu.memory_space<vmem>> -> memref<1x128xi32, #tpu.memory_space<vmem>>
      %dma_start3A_352 = tpu.memref_squeeze %dma_start3A_351 : memref<1x128xi32, #tpu.memory_space<vmem>> -> memref<128xi32, #tpu.memory_space<vmem>>
      %dma_start3A_353 = arith.constant 0 : i32
      %dma_start3A_354 = arith.constant 0 : i32
      %dma_start3A_355 = tpu.memref_slice %arg6[%dma_start3A_353, %dma_start3A_354] : memref<10256x128xf32, #tpu.memory_space<vmem_shared>> -> memref<10256x128xf32, #tpu.memory_space<vmem_shared>>
      %dma_start3A_356 = tpu.memref_slice %arg11[%dma_start3A_345] : memref<2x!tpu.dma_semaphore, #tpu.memory_space<semaphore_mem>> -> memref<1x!tpu.dma_semaphore, #tpu.memory_space<semaphore_mem>>
      %dma_start3A_357 = tpu.memref_squeeze %dma_start3A_356 : memref<1x!tpu.dma_semaphore, #tpu.memory_space<semaphore_mem>> -> memref<!tpu.dma_semaphore, #tpu.memory_space<semaphore_mem>>
      tpu.enqueue_indirect_dma source(%dma_start3A_349 : memref<128x128xf32, #tpu.memory_space<vmem>>) target(%dma_start3A_355 : memref<10256x128xf32, #tpu.memory_space<vmem_shared>>) offsets(%dma_start3A_352 : memref<128xi32, #tpu.memory_space<vmem>>) semaphore(%dma_start3A_357 : memref<!tpu.dma_semaphore, #tpu.memory_space<semaphore_mem>>) {add = true}
      %add3A_358 = arith.constant 3 : i32
      %add3A_359 = arith.addi %mul3A_76, %add3A_358 : i32
      %dma_wait3A_360 = arith.constant 1 : i32
      %dma_wait3A_361 = arith.constant 1 : i32
      %dma_wait3A_362 = arith.constant 0 : i32
      %dma_wait3A_363 = arith.constant 0 : i32
      %dma_wait3A_364 = tpu.memref_slice %arg9[%dma_wait3A_360, %dma_wait3A_362, %dma_wait3A_363] : memref<2x128x128xf32, #tpu.memory_space<vmem>> -> memref<1x128x128xf32, #tpu.memory_space<vmem>>
      %dma_wait3A_365 = tpu.memref_squeeze %dma_wait3A_364 : memref<1x128x128xf32, #tpu.memory_space<vmem>> -> memref<128x128xf32, #tpu.memory_space<vmem>>
      %dma_wait3A_366 = arith.constant 0 : i32
      %dma_wait3A_367 = tpu.memref_slice %arg8[%add3A_359, %dma_wait3A_366] : memref<80x128xi32, #tpu.memory_space<vmem>> -> memref<1x128xi32, #tpu.memory_space<vmem>>
      %dma_wait3A_368 = tpu.memref_squeeze %dma_wait3A_367 : memref<1x128xi32, #tpu.memory_space<vmem>> -> memref<128xi32, #tpu.memory_space<vmem>>
      %dma_wait3A_369 = arith.constant 0 : i32
      %dma_wait3A_370 = arith.constant 0 : i32
      %dma_wait3A_371 = tpu.memref_slice %arg6[%dma_wait3A_369, %dma_wait3A_370] : memref<10256x128xf32, #tpu.memory_space<vmem_shared>> -> memref<10256x128xf32, #tpu.memory_space<vmem_shared>>
      %dma_wait3A_372 = tpu.memref_slice %arg11[%dma_wait3A_361] : memref<2x!tpu.dma_semaphore, #tpu.memory_space<semaphore_mem>> -> memref<1x!tpu.dma_semaphore, #tpu.memory_space<semaphore_mem>>
      %dma_wait3A_373 = tpu.memref_squeeze %dma_wait3A_372 : memref<1x!tpu.dma_semaphore, #tpu.memory_space<semaphore_mem>> -> memref<!tpu.dma_semaphore, #tpu.memory_space<semaphore_mem>>
      tpu.wait_indirect_dma semaphore(%dma_wait3A_373 : memref<!tpu.dma_semaphore, #tpu.memory_space<semaphore_mem>>) src(%dma_wait3A_365 : memref<128x128xf32, #tpu.memory_space<vmem>>) dst(%dma_wait3A_371 : memref<10256x128xf32, #tpu.memory_space<vmem_shared>>)
      %dma_start3A_374 = arith.constant 5 : i32
      %dma_start3A_375 = arith.constant 1 : i32
      %dma_start3A_376 = arith.constant 1 : i32
      %dma_start3A_377 = arith.constant 0 : i32
      %dma_start3A_378 = arith.constant 0 : i32
      %dma_start3A_379 = tpu.memref_slice %arg9[%dma_start3A_375, %dma_start3A_377, %dma_start3A_378] : memref<2x128x128xf32, #tpu.memory_space<vmem>> -> memref<1x128x128xf32, #tpu.memory_space<vmem>>
      %dma_start3A_380 = tpu.memref_squeeze %dma_start3A_379 : memref<1x128x128xf32, #tpu.memory_space<vmem>> -> memref<128x128xf32, #tpu.memory_space<vmem>>
      %dma_start3A_381 = arith.constant 0 : i32
      %dma_start3A_382 = tpu.memref_slice %arg7[%select_n3A_74, %dma_start3A_374, %dma_start3A_381] : memref<2x8x128xi32, #tpu.memory_space<vmem>> -> memref<1x1x128xi32, #tpu.memory_space<vmem>>
      %dma_start3A_383 = tpu.memref_squeeze %dma_start3A_382 : memref<1x1x128xi32, #tpu.memory_space<vmem>> -> memref<128xi32, #tpu.memory_space<vmem>>
      %dma_start3A_384 = arith.constant 0 : i32
      %dma_start3A_385 = arith.constant 0 : i32
      %dma_start3A_386 = tpu.memref_slice %arg2[%dma_start3A_384, %dma_start3A_385] : memref<40000x128xf32, #tpu.memory_space<hbm>> -> memref<40000x128xf32, #tpu.memory_space<hbm>>
      %dma_start3A_387 = tpu.memref_slice %arg10[%dma_start3A_376] : memref<2x!tpu.dma_semaphore, #tpu.memory_space<semaphore_mem>> -> memref<1x!tpu.dma_semaphore, #tpu.memory_space<semaphore_mem>>
      %dma_start3A_388 = tpu.memref_squeeze %dma_start3A_387 : memref<1x!tpu.dma_semaphore, #tpu.memory_space<semaphore_mem>> -> memref<!tpu.dma_semaphore, #tpu.memory_space<semaphore_mem>>
      tpu.enqueue_indirect_dma source(%dma_start3A_386 : memref<40000x128xf32, #tpu.memory_space<hbm>>) target(%dma_start3A_380 : memref<128x128xf32, #tpu.memory_space<vmem>>) offsets(%dma_start3A_383 : memref<128xi32, #tpu.memory_space<vmem>>) semaphore(%dma_start3A_388 : memref<!tpu.dma_semaphore, #tpu.memory_space<semaphore_mem>>)
      %dma_wait3A_389 = arith.constant 4 : i32
      %dma_wait3A_390 = arith.constant 0 : i32
      %dma_wait3A_391 = arith.constant 0 : i32
      %dma_wait3A_392 = arith.constant 0 : i32
      %dma_wait3A_393 = arith.constant 0 : i32
      %dma_wait3A_394 = tpu.memref_slice %arg9[%dma_wait3A_390, %dma_wait3A_392, %dma_wait3A_393] : memref<2x128x128xf32, #tpu.memory_space<vmem>> -> memref<1x128x128xf32, #tpu.memory_space<vmem>>
      %dma_wait3A_395 = tpu.memref_squeeze %dma_wait3A_394 : memref<1x128x128xf32, #tpu.memory_space<vmem>> -> memref<128x128xf32, #tpu.memory_space<vmem>>
      %dma_wait3A_396 = arith.constant 0 : i32
      %dma_wait3A_397 = tpu.memref_slice %arg7[%select_n3A_74, %dma_wait3A_389, %dma_wait3A_396] : memref<2x8x128xi32, #tpu.memory_space<vmem>> -> memref<1x1x128xi32, #tpu.memory_space<vmem>>
      %dma_wait3A_398 = tpu.memref_squeeze %dma_wait3A_397 : memref<1x1x128xi32, #tpu.memory_space<vmem>> -> memref<128xi32, #tpu.memory_space<vmem>>
      %dma_wait3A_399 = arith.constant 0 : i32
      %dma_wait3A_400 = arith.constant 0 : i32
      %dma_wait3A_401 = tpu.memref_slice %arg2[%dma_wait3A_399, %dma_wait3A_400] : memref<40000x128xf32, #tpu.memory_space<hbm>> -> memref<40000x128xf32, #tpu.memory_space<hbm>>
      %dma_wait3A_402 = tpu.memref_slice %arg10[%dma_wait3A_391] : memref<2x!tpu.dma_semaphore, #tpu.memory_space<semaphore_mem>> -> memref<1x!tpu.dma_semaphore, #tpu.memory_space<semaphore_mem>>
      %dma_wait3A_403 = tpu.memref_squeeze %dma_wait3A_402 : memref<1x!tpu.dma_semaphore, #tpu.memory_space<semaphore_mem>> -> memref<!tpu.dma_semaphore, #tpu.memory_space<semaphore_mem>>
      tpu.wait_indirect_dma semaphore(%dma_wait3A_403 : memref<!tpu.dma_semaphore, #tpu.memory_space<semaphore_mem>>) src(%dma_wait3A_401 : memref<40000x128xf32, #tpu.memory_space<hbm>>) dst(%dma_wait3A_395 : memref<128x128xf32, #tpu.memory_space<vmem>>)
      %add3A_404 = arith.constant 4 : i32
      %add3A_405 = arith.addi %mul3A_76, %add3A_404 : i32
      %dma_start3A_406 = arith.constant 0 : i32
      %dma_start3A_407 = arith.constant 0 : i32
      %dma_start3A_408 = arith.constant 0 : i32
      %dma_start3A_409 = arith.constant 0 : i32
      %dma_start3A_410 = tpu.memref_slice %arg9[%dma_start3A_406, %dma_start3A_408, %dma_start3A_409] : memref<2x128x128xf32, #tpu.memory_space<vmem>> -> memref<1x128x128xf32, #tpu.memory_space<vmem>>
      %dma_start3A_411 = tpu.memref_squeeze %dma_start3A_410 : memref<1x128x128xf32, #tpu.memory_space<vmem>> -> memref<128x128xf32, #tpu.memory_space<vmem>>
      %dma_start3A_412 = arith.constant 0 : i32
      %dma_start3A_413 = tpu.memref_slice %arg8[%add3A_405, %dma_start3A_412] : memref<80x128xi32, #tpu.memory_space<vmem>> -> memref<1x128xi32, #tpu.memory_space<vmem>>
      %dma_start3A_414 = tpu.memref_squeeze %dma_start3A_413 : memref<1x128xi32, #tpu.memory_space<vmem>> -> memref<128xi32, #tpu.memory_space<vmem>>
      %dma_start3A_415 = arith.constant 0 : i32
      %dma_start3A_416 = arith.constant 0 : i32
      %dma_start3A_417 = tpu.memref_slice %arg6[%dma_start3A_415, %dma_start3A_416] : memref<10256x128xf32, #tpu.memory_space<vmem_shared>> -> memref<10256x128xf32, #tpu.memory_space<vmem_shared>>
      %dma_start3A_418 = tpu.memref_slice %arg11[%dma_start3A_407] : memref<2x!tpu.dma_semaphore, #tpu.memory_space<semaphore_mem>> -> memref<1x!tpu.dma_semaphore, #tpu.memory_space<semaphore_mem>>
      %dma_start3A_419 = tpu.memref_squeeze %dma_start3A_418 : memref<1x!tpu.dma_semaphore, #tpu.memory_space<semaphore_mem>> -> memref<!tpu.dma_semaphore, #tpu.memory_space<semaphore_mem>>
      tpu.enqueue_indirect_dma source(%dma_start3A_411 : memref<128x128xf32, #tpu.memory_space<vmem>>) target(%dma_start3A_417 : memref<10256x128xf32, #tpu.memory_space<vmem_shared>>) offsets(%dma_start3A_414 : memref<128xi32, #tpu.memory_space<vmem>>) semaphore(%dma_start3A_419 : memref<!tpu.dma_semaphore, #tpu.memory_space<semaphore_mem>>) {add = true}
      %add3A_420 = arith.constant 4 : i32
      %add3A_421 = arith.addi %mul3A_76, %add3A_420 : i32
      %dma_wait3A_422 = arith.constant 0 : i32
      %dma_wait3A_423 = arith.constant 0 : i32
      %dma_wait3A_424 = arith.constant 0 : i32
      %dma_wait3A_425 = arith.constant 0 : i32
      %dma_wait3A_426 = tpu.memref_slice %arg9[%dma_wait3A_422, %dma_wait3A_424, %dma_wait3A_425] : memref<2x128x128xf32, #tpu.memory_space<vmem>> -> memref<1x128x128xf32, #tpu.memory_space<vmem>>
      %dma_wait3A_427 = tpu.memref_squeeze %dma_wait3A_426 : memref<1x128x128xf32, #tpu.memory_space<vmem>> -> memref<128x128xf32, #tpu.memory_space<vmem>>
      %dma_wait3A_428 = arith.constant 0 : i32
      %dma_wait3A_429 = tpu.memref_slice %arg8[%add3A_421, %dma_wait3A_428] : memref<80x128xi32, #tpu.memory_space<vmem>> -> memref<1x128xi32, #tpu.memory_space<vmem>>
      %dma_wait3A_430 = tpu.memref_squeeze %dma_wait3A_429 : memref<1x128xi32, #tpu.memory_space<vmem>> -> memref<128xi32, #tpu.memory_space<vmem>>
      %dma_wait3A_431 = arith.constant 0 : i32
      %dma_wait3A_432 = arith.constant 0 : i32
      %dma_wait3A_433 = tpu.memref_slice %arg6[%dma_wait3A_431, %dma_wait3A_432] : memref<10256x128xf32, #tpu.memory_space<vmem_shared>> -> memref<10256x128xf32, #tpu.memory_space<vmem_shared>>
      %dma_wait3A_434 = tpu.memref_slice %arg11[%dma_wait3A_423] : memref<2x!tpu.dma_semaphore, #tpu.memory_space<semaphore_mem>> -> memref<1x!tpu.dma_semaphore, #tpu.memory_space<semaphore_mem>>
      %dma_wait3A_435 = tpu.memref_squeeze %dma_wait3A_434 : memref<1x!tpu.dma_semaphore, #tpu.memory_space<semaphore_mem>> -> memref<!tpu.dma_semaphore, #tpu.memory_space<semaphore_mem>>
      tpu.wait_indirect_dma semaphore(%dma_wait3A_435 : memref<!tpu.dma_semaphore, #tpu.memory_space<semaphore_mem>>) src(%dma_wait3A_427 : memref<128x128xf32, #tpu.memory_space<vmem>>) dst(%dma_wait3A_433 : memref<10256x128xf32, #tpu.memory_space<vmem_shared>>)
      %dma_start3A_436 = arith.constant 6 : i32
      %dma_start3A_437 = arith.constant 0 : i32
      %dma_start3A_438 = arith.constant 0 : i32
      %dma_start3A_439 = arith.constant 0 : i32
      %dma_start3A_440 = arith.constant 0 : i32
      %dma_start3A_441 = tpu.memref_slice %arg9[%dma_start3A_437, %dma_start3A_439, %dma_start3A_440] : memref<2x128x128xf32, #tpu.memory_space<vmem>> -> memref<1x128x128xf32, #tpu.memory_space<vmem>>
      %dma_start3A_442 = tpu.memref_squeeze %dma_start3A_441 : memref<1x128x128xf32, #tpu.memory_space<vmem>> -> memref<128x128xf32, #tpu.memory_space<vmem>>
      %dma_start3A_443 = arith.constant 0 : i32
      %dma_start3A_444 = tpu.memref_slice %arg7[%select_n3A_74, %dma_start3A_436, %dma_start3A_443] : memref<2x8x128xi32, #tpu.memory_space<vmem>> -> memref<1x1x128xi32, #tpu.memory_space<vmem>>
      %dma_start3A_445 = tpu.memref_squeeze %dma_start3A_444 : memref<1x1x128xi32, #tpu.memory_space<vmem>> -> memref<128xi32, #tpu.memory_space<vmem>>
      %dma_start3A_446 = arith.constant 0 : i32
      %dma_start3A_447 = arith.constant 0 : i32
      %dma_start3A_448 = tpu.memref_slice %arg2[%dma_start3A_446, %dma_start3A_447] : memref<40000x128xf32, #tpu.memory_space<hbm>> -> memref<40000x128xf32, #tpu.memory_space<hbm>>
      %dma_start3A_449 = tpu.memref_slice %arg10[%dma_start3A_438] : memref<2x!tpu.dma_semaphore, #tpu.memory_space<semaphore_mem>> -> memref<1x!tpu.dma_semaphore, #tpu.memory_space<semaphore_mem>>
      %dma_start3A_450 = tpu.memref_squeeze %dma_start3A_449 : memref<1x!tpu.dma_semaphore, #tpu.memory_space<semaphore_mem>> -> memref<!tpu.dma_semaphore, #tpu.memory_space<semaphore_mem>>
      tpu.enqueue_indirect_dma source(%dma_start3A_448 : memref<40000x128xf32, #tpu.memory_space<hbm>>) target(%dma_start3A_442 : memref<128x128xf32, #tpu.memory_space<vmem>>) offsets(%dma_start3A_445 : memref<128xi32, #tpu.memory_space<vmem>>) semaphore(%dma_start3A_450 : memref<!tpu.dma_semaphore, #tpu.memory_space<semaphore_mem>>)
      %dma_wait3A_451 = arith.constant 5 : i32
      %dma_wait3A_452 = arith.constant 1 : i32
      %dma_wait3A_453 = arith.constant 1 : i32
      %dma_wait3A_454 = arith.constant 0 : i32
      %dma_wait3A_455 = arith.constant 0 : i32
      %dma_wait3A_456 = tpu.memref_slice %arg9[%dma_wait3A_452, %dma_wait3A_454, %dma_wait3A_455] : memref<2x128x128xf32, #tpu.memory_space<vmem>> -> memref<1x128x128xf32, #tpu.memory_space<vmem>>
      %dma_wait3A_457 = tpu.memref_squeeze %dma_wait3A_456 : memref<1x128x128xf32, #tpu.memory_space<vmem>> -> memref<128x128xf32, #tpu.memory_space<vmem>>
      %dma_wait3A_458 = arith.constant 0 : i32
      %dma_wait3A_459 = tpu.memref_slice %arg7[%select_n3A_74, %dma_wait3A_451, %dma_wait3A_458] : memref<2x8x128xi32, #tpu.memory_space<vmem>> -> memref<1x1x128xi32, #tpu.memory_space<vmem>>
      %dma_wait3A_460 = tpu.memref_squeeze %dma_wait3A_459 : memref<1x1x128xi32, #tpu.memory_space<vmem>> -> memref<128xi32, #tpu.memory_space<vmem>>
      %dma_wait3A_461 = arith.constant 0 : i32
      %dma_wait3A_462 = arith.constant 0 : i32
      %dma_wait3A_463 = tpu.memref_slice %arg2[%dma_wait3A_461, %dma_wait3A_462] : memref<40000x128xf32, #tpu.memory_space<hbm>> -> memref<40000x128xf32, #tpu.memory_space<hbm>>
      %dma_wait3A_464 = tpu.memref_slice %arg10[%dma_wait3A_453] : memref<2x!tpu.dma_semaphore, #tpu.memory_space<semaphore_mem>> -> memref<1x!tpu.dma_semaphore, #tpu.memory_space<semaphore_mem>>
      %dma_wait3A_465 = tpu.memref_squeeze %dma_wait3A_464 : memref<1x!tpu.dma_semaphore, #tpu.memory_space<semaphore_mem>> -> memref<!tpu.dma_semaphore, #tpu.memory_space<semaphore_mem>>
      tpu.wait_indirect_dma semaphore(%dma_wait3A_465 : memref<!tpu.dma_semaphore, #tpu.memory_space<semaphore_mem>>) src(%dma_wait3A_463 : memref<40000x128xf32, #tpu.memory_space<hbm>>) dst(%dma_wait3A_457 : memref<128x128xf32, #tpu.memory_space<vmem>>)
      %add3A_466 = arith.constant 5 : i32
      %add3A_467 = arith.addi %mul3A_76, %add3A_466 : i32
      %dma_start3A_468 = arith.constant 1 : i32
      %dma_start3A_469 = arith.constant 1 : i32
      %dma_start3A_470 = arith.constant 0 : i32
      %dma_start3A_471 = arith.constant 0 : i32
      %dma_start3A_472 = tpu.memref_slice %arg9[%dma_start3A_468, %dma_start3A_470, %dma_start3A_471] : memref<2x128x128xf32, #tpu.memory_space<vmem>> -> memref<1x128x128xf32, #tpu.memory_space<vmem>>
      %dma_start3A_473 = tpu.memref_squeeze %dma_start3A_472 : memref<1x128x128xf32, #tpu.memory_space<vmem>> -> memref<128x128xf32, #tpu.memory_space<vmem>>
      %dma_start3A_474 = arith.constant 0 : i32
      %dma_start3A_475 = tpu.memref_slice %arg8[%add3A_467, %dma_start3A_474] : memref<80x128xi32, #tpu.memory_space<vmem>> -> memref<1x128xi32, #tpu.memory_space<vmem>>
      %dma_start3A_476 = tpu.memref_squeeze %dma_start3A_475 : memref<1x128xi32, #tpu.memory_space<vmem>> -> memref<128xi32, #tpu.memory_space<vmem>>
      %dma_start3A_477 = arith.constant 0 : i32
      %dma_start3A_478 = arith.constant 0 : i32
      %dma_start3A_479 = tpu.memref_slice %arg6[%dma_start3A_477, %dma_start3A_478] : memref<10256x128xf32, #tpu.memory_space<vmem_shared>> -> memref<10256x128xf32, #tpu.memory_space<vmem_shared>>
      %dma_start3A_480 = tpu.memref_slice %arg11[%dma_start3A_469] : memref<2x!tpu.dma_semaphore, #tpu.memory_space<semaphore_mem>> -> memref<1x!tpu.dma_semaphore, #tpu.memory_space<semaphore_mem>>
      %dma_start3A_481 = tpu.memref_squeeze %dma_start3A_480 : memref<1x!tpu.dma_semaphore, #tpu.memory_space<semaphore_mem>> -> memref<!tpu.dma_semaphore, #tpu.memory_space<semaphore_mem>>
      tpu.enqueue_indirect_dma source(%dma_start3A_473 : memref<128x128xf32, #tpu.memory_space<vmem>>) target(%dma_start3A_479 : memref<10256x128xf32, #tpu.memory_space<vmem_shared>>) offsets(%dma_start3A_476 : memref<128xi32, #tpu.memory_space<vmem>>) semaphore(%dma_start3A_481 : memref<!tpu.dma_semaphore, #tpu.memory_space<semaphore_mem>>) {add = true}
      %add3A_482 = arith.constant 5 : i32
      %add3A_483 = arith.addi %mul3A_76, %add3A_482 : i32
      %dma_wait3A_484 = arith.constant 1 : i32
      %dma_wait3A_485 = arith.constant 1 : i32
      %dma_wait3A_486 = arith.constant 0 : i32
      %dma_wait3A_487 = arith.constant 0 : i32
      %dma_wait3A_488 = tpu.memref_slice %arg9[%dma_wait3A_484, %dma_wait3A_486, %dma_wait3A_487] : memref<2x128x128xf32, #tpu.memory_space<vmem>> -> memref<1x128x128xf32, #tpu.memory_space<vmem>>
      %dma_wait3A_489 = tpu.memref_squeeze %dma_wait3A_488 : memref<1x128x128xf32, #tpu.memory_space<vmem>> -> memref<128x128xf32, #tpu.memory_space<vmem>>
      %dma_wait3A_490 = arith.constant 0 : i32
      %dma_wait3A_491 = tpu.memref_slice %arg8[%add3A_483, %dma_wait3A_490] : memref<80x128xi32, #tpu.memory_space<vmem>> -> memref<1x128xi32, #tpu.memory_space<vmem>>
      %dma_wait3A_492 = tpu.memref_squeeze %dma_wait3A_491 : memref<1x128xi32, #tpu.memory_space<vmem>> -> memref<128xi32, #tpu.memory_space<vmem>>
      %dma_wait3A_493 = arith.constant 0 : i32
      %dma_wait3A_494 = arith.constant 0 : i32
      %dma_wait3A_495 = tpu.memref_slice %arg6[%dma_wait3A_493, %dma_wait3A_494] : memref<10256x128xf32, #tpu.memory_space<vmem_shared>> -> memref<10256x128xf32, #tpu.memory_space<vmem_shared>>
      %dma_wait3A_496 = tpu.memref_slice %arg11[%dma_wait3A_485] : memref<2x!tpu.dma_semaphore, #tpu.memory_space<semaphore_mem>> -> memref<1x!tpu.dma_semaphore, #tpu.memory_space<semaphore_mem>>
      %dma_wait3A_497 = tpu.memref_squeeze %dma_wait3A_496 : memref<1x!tpu.dma_semaphore, #tpu.memory_space<semaphore_mem>> -> memref<!tpu.dma_semaphore, #tpu.memory_space<semaphore_mem>>
      tpu.wait_indirect_dma semaphore(%dma_wait3A_497 : memref<!tpu.dma_semaphore, #tpu.memory_space<semaphore_mem>>) src(%dma_wait3A_489 : memref<128x128xf32, #tpu.memory_space<vmem>>) dst(%dma_wait3A_495 : memref<10256x128xf32, #tpu.memory_space<vmem_shared>>)
      %dma_start3A_498 = arith.constant 7 : i32
      %dma_start3A_499 = arith.constant 1 : i32
      %dma_start3A_500 = arith.constant 1 : i32
      %dma_start3A_501 = arith.constant 0 : i32
      %dma_start3A_502 = arith.constant 0 : i32
      %dma_start3A_503 = tpu.memref_slice %arg9[%dma_start3A_499, %dma_start3A_501, %dma_start3A_502] : memref<2x128x128xf32, #tpu.memory_space<vmem>> -> memref<1x128x128xf32, #tpu.memory_space<vmem>>
      %dma_start3A_504 = tpu.memref_squeeze %dma_start3A_503 : memref<1x128x128xf32, #tpu.memory_space<vmem>> -> memref<128x128xf32, #tpu.memory_space<vmem>>
      %dma_start3A_505 = arith.constant 0 : i32
      %dma_start3A_506 = tpu.memref_slice %arg7[%select_n3A_74, %dma_start3A_498, %dma_start3A_505] : memref<2x8x128xi32, #tpu.memory_space<vmem>> -> memref<1x1x128xi32, #tpu.memory_space<vmem>>
      %dma_start3A_507 = tpu.memref_squeeze %dma_start3A_506 : memref<1x1x128xi32, #tpu.memory_space<vmem>> -> memref<128xi32, #tpu.memory_space<vmem>>
      %dma_start3A_508 = arith.constant 0 : i32
      %dma_start3A_509 = arith.constant 0 : i32
      %dma_start3A_510 = tpu.memref_slice %arg2[%dma_start3A_508, %dma_start3A_509] : memref<40000x128xf32, #tpu.memory_space<hbm>> -> memref<40000x128xf32, #tpu.memory_space<hbm>>
      %dma_start3A_511 = tpu.memref_slice %arg10[%dma_start3A_500] : memref<2x!tpu.dma_semaphore, #tpu.memory_space<semaphore_mem>> -> memref<1x!tpu.dma_semaphore, #tpu.memory_space<semaphore_mem>>
      %dma_start3A_512 = tpu.memref_squeeze %dma_start3A_511 : memref<1x!tpu.dma_semaphore, #tpu.memory_space<semaphore_mem>> -> memref<!tpu.dma_semaphore, #tpu.memory_space<semaphore_mem>>
      tpu.enqueue_indirect_dma source(%dma_start3A_510 : memref<40000x128xf32, #tpu.memory_space<hbm>>) target(%dma_start3A_504 : memref<128x128xf32, #tpu.memory_space<vmem>>) offsets(%dma_start3A_507 : memref<128xi32, #tpu.memory_space<vmem>>) semaphore(%dma_start3A_512 : memref<!tpu.dma_semaphore, #tpu.memory_space<semaphore_mem>>)
      %dma_wait3A_513 = arith.constant 6 : i32
      %dma_wait3A_514 = arith.constant 0 : i32
      %dma_wait3A_515 = arith.constant 0 : i32
      %dma_wait3A_516 = arith.constant 0 : i32
      %dma_wait3A_517 = arith.constant 0 : i32
      %dma_wait3A_518 = tpu.memref_slice %arg9[%dma_wait3A_514, %dma_wait3A_516, %dma_wait3A_517] : memref<2x128x128xf32, #tpu.memory_space<vmem>> -> memref<1x128x128xf32, #tpu.memory_space<vmem>>
      %dma_wait3A_519 = tpu.memref_squeeze %dma_wait3A_518 : memref<1x128x128xf32, #tpu.memory_space<vmem>> -> memref<128x128xf32, #tpu.memory_space<vmem>>
      %dma_wait3A_520 = arith.constant 0 : i32
      %dma_wait3A_521 = tpu.memref_slice %arg7[%select_n3A_74, %dma_wait3A_513, %dma_wait3A_520] : memref<2x8x128xi32, #tpu.memory_space<vmem>> -> memref<1x1x128xi32, #tpu.memory_space<vmem>>
      %dma_wait3A_522 = tpu.memref_squeeze %dma_wait3A_521 : memref<1x1x128xi32, #tpu.memory_space<vmem>> -> memref<128xi32, #tpu.memory_space<vmem>>
      %dma_wait3A_523 = arith.constant 0 : i32
      %dma_wait3A_524 = arith.constant 0 : i32
      %dma_wait3A_525 = tpu.memref_slice %arg2[%dma_wait3A_523, %dma_wait3A_524] : memref<40000x128xf32, #tpu.memory_space<hbm>> -> memref<40000x128xf32, #tpu.memory_space<hbm>>
      %dma_wait3A_526 = tpu.memref_slice %arg10[%dma_wait3A_515] : memref<2x!tpu.dma_semaphore, #tpu.memory_space<semaphore_mem>> -> memref<1x!tpu.dma_semaphore, #tpu.memory_space<semaphore_mem>>
      %dma_wait3A_527 = tpu.memref_squeeze %dma_wait3A_526 : memref<1x!tpu.dma_semaphore, #tpu.memory_space<semaphore_mem>> -> memref<!tpu.dma_semaphore, #tpu.memory_space<semaphore_mem>>
      tpu.wait_indirect_dma semaphore(%dma_wait3A_527 : memref<!tpu.dma_semaphore, #tpu.memory_space<semaphore_mem>>) src(%dma_wait3A_525 : memref<40000x128xf32, #tpu.memory_space<hbm>>) dst(%dma_wait3A_519 : memref<128x128xf32, #tpu.memory_space<vmem>>)
      %add3A_528 = arith.constant 6 : i32
      %add3A_529 = arith.addi %mul3A_76, %add3A_528 : i32
      %dma_start3A_530 = arith.constant 0 : i32
      %dma_start3A_531 = arith.constant 0 : i32
      %dma_start3A_532 = arith.constant 0 : i32
      %dma_start3A_533 = arith.constant 0 : i32
      %dma_start3A_534 = tpu.memref_slice %arg9[%dma_start3A_530, %dma_start3A_532, %dma_start3A_533] : memref<2x128x128xf32, #tpu.memory_space<vmem>> -> memref<1x128x128xf32, #tpu.memory_space<vmem>>
      %dma_start3A_535 = tpu.memref_squeeze %dma_start3A_534 : memref<1x128x128xf32, #tpu.memory_space<vmem>> -> memref<128x128xf32, #tpu.memory_space<vmem>>
      %dma_start3A_536 = arith.constant 0 : i32
      %dma_start3A_537 = tpu.memref_slice %arg8[%add3A_529, %dma_start3A_536] : memref<80x128xi32, #tpu.memory_space<vmem>> -> memref<1x128xi32, #tpu.memory_space<vmem>>
      %dma_start3A_538 = tpu.memref_squeeze %dma_start3A_537 : memref<1x128xi32, #tpu.memory_space<vmem>> -> memref<128xi32, #tpu.memory_space<vmem>>
      %dma_start3A_539 = arith.constant 0 : i32
      %dma_start3A_540 = arith.constant 0 : i32
      %dma_start3A_541 = tpu.memref_slice %arg6[%dma_start3A_539, %dma_start3A_540] : memref<10256x128xf32, #tpu.memory_space<vmem_shared>> -> memref<10256x128xf32, #tpu.memory_space<vmem_shared>>
      %dma_start3A_542 = tpu.memref_slice %arg11[%dma_start3A_531] : memref<2x!tpu.dma_semaphore, #tpu.memory_space<semaphore_mem>> -> memref<1x!tpu.dma_semaphore, #tpu.memory_space<semaphore_mem>>
      %dma_start3A_543 = tpu.memref_squeeze %dma_start3A_542 : memref<1x!tpu.dma_semaphore, #tpu.memory_space<semaphore_mem>> -> memref<!tpu.dma_semaphore, #tpu.memory_space<semaphore_mem>>
      tpu.enqueue_indirect_dma source(%dma_start3A_535 : memref<128x128xf32, #tpu.memory_space<vmem>>) target(%dma_start3A_541 : memref<10256x128xf32, #tpu.memory_space<vmem_shared>>) offsets(%dma_start3A_538 : memref<128xi32, #tpu.memory_space<vmem>>) semaphore(%dma_start3A_543 : memref<!tpu.dma_semaphore, #tpu.memory_space<semaphore_mem>>) {add = true}
      %dma_wait3A_544 = arith.constant 7 : i32
      %dma_wait3A_545 = arith.constant 1 : i32
      %dma_wait3A_546 = arith.constant 1 : i32
      %dma_wait3A_547 = arith.constant 0 : i32
      %dma_wait3A_548 = arith.constant 0 : i32
      %dma_wait3A_549 = tpu.memref_slice %arg9[%dma_wait3A_545, %dma_wait3A_547, %dma_wait3A_548] : memref<2x128x128xf32, #tpu.memory_space<vmem>> -> memref<1x128x128xf32, #tpu.memory_space<vmem>>
      %dma_wait3A_550 = tpu.memref_squeeze %dma_wait3A_549 : memref<1x128x128xf32, #tpu.memory_space<vmem>> -> memref<128x128xf32, #tpu.memory_space<vmem>>
      %dma_wait3A_551 = arith.constant 0 : i32
      %dma_wait3A_552 = tpu.memref_slice %arg7[%select_n3A_74, %dma_wait3A_544, %dma_wait3A_551] : memref<2x8x128xi32, #tpu.memory_space<vmem>> -> memref<1x1x128xi32, #tpu.memory_space<vmem>>
      %dma_wait3A_553 = tpu.memref_squeeze %dma_wait3A_552 : memref<1x1x128xi32, #tpu.memory_space<vmem>> -> memref<128xi32, #tpu.memory_space<vmem>>
      %dma_wait3A_554 = arith.constant 0 : i32
      %dma_wait3A_555 = arith.constant 0 : i32
      %dma_wait3A_556 = tpu.memref_slice %arg2[%dma_wait3A_554, %dma_wait3A_555] : memref<40000x128xf32, #tpu.memory_space<hbm>> -> memref<40000x128xf32, #tpu.memory_space<hbm>>
      %dma_wait3A_557 = tpu.memref_slice %arg10[%dma_wait3A_546] : memref<2x!tpu.dma_semaphore, #tpu.memory_space<semaphore_mem>> -> memref<1x!tpu.dma_semaphore, #tpu.memory_space<semaphore_mem>>
      %dma_wait3A_558 = tpu.memref_squeeze %dma_wait3A_557 : memref<1x!tpu.dma_semaphore, #tpu.memory_space<semaphore_mem>> -> memref<!tpu.dma_semaphore, #tpu.memory_space<semaphore_mem>>
      tpu.wait_indirect_dma semaphore(%dma_wait3A_558 : memref<!tpu.dma_semaphore, #tpu.memory_space<semaphore_mem>>) src(%dma_wait3A_556 : memref<40000x128xf32, #tpu.memory_space<hbm>>) dst(%dma_wait3A_550 : memref<128x128xf32, #tpu.memory_space<vmem>>)
      %add3A_559 = arith.constant 7 : i32
      %add3A_560 = arith.addi %mul3A_76, %add3A_559 : i32
      %dma_start3A_561 = arith.constant 1 : i32
      %dma_start3A_562 = arith.constant 1 : i32
      %dma_start3A_563 = arith.constant 0 : i32
      %dma_start3A_564 = arith.constant 0 : i32
      %dma_start3A_565 = tpu.memref_slice %arg9[%dma_start3A_561, %dma_start3A_563, %dma_start3A_564] : memref<2x128x128xf32, #tpu.memory_space<vmem>> -> memref<1x128x128xf32, #tpu.memory_space<vmem>>
      %dma_start3A_566 = tpu.memref_squeeze %dma_start3A_565 : memref<1x128x128xf32, #tpu.memory_space<vmem>> -> memref<128x128xf32, #tpu.memory_space<vmem>>
      %dma_start3A_567 = arith.constant 0 : i32
      %dma_start3A_568 = tpu.memref_slice %arg8[%add3A_560, %dma_start3A_567] : memref<80x128xi32, #tpu.memory_space<vmem>> -> memref<1x128xi32, #tpu.memory_space<vmem>>
      %dma_start3A_569 = tpu.memref_squeeze %dma_start3A_568 : memref<1x128xi32, #tpu.memory_space<vmem>> -> memref<128xi32, #tpu.memory_space<vmem>>
      %dma_start3A_570 = arith.constant 0 : i32
      %dma_start3A_571 = arith.constant 0 : i32
      %dma_start3A_572 = tpu.memref_slice %arg6[%dma_start3A_570, %dma_start3A_571] : memref<10256x128xf32, #tpu.memory_space<vmem_shared>> -> memref<10256x128xf32, #tpu.memory_space<vmem_shared>>
      %dma_start3A_573 = tpu.memref_slice %arg11[%dma_start3A_562] : memref<2x!tpu.dma_semaphore, #tpu.memory_space<semaphore_mem>> -> memref<1x!tpu.dma_semaphore, #tpu.memory_space<semaphore_mem>>
      %dma_start3A_574 = tpu.memref_squeeze %dma_start3A_573 : memref<1x!tpu.dma_semaphore, #tpu.memory_space<semaphore_mem>> -> memref<!tpu.dma_semaphore, #tpu.memory_space<semaphore_mem>>
      tpu.enqueue_indirect_dma source(%dma_start3A_566 : memref<128x128xf32, #tpu.memory_space<vmem>>) target(%dma_start3A_572 : memref<10256x128xf32, #tpu.memory_space<vmem_shared>>) offsets(%dma_start3A_569 : memref<128xi32, #tpu.memory_space<vmem>>) semaphore(%dma_start3A_574 : memref<!tpu.dma_semaphore, #tpu.memory_space<semaphore_mem>>) {add = true}
      %add3A_575 = arith.constant 6 : i32
      %add3A_576 = arith.addi %mul3A_76, %add3A_575 : i32
      %dma_wait3A_577 = arith.constant 0 : i32
      %dma_wait3A_578 = arith.constant 0 : i32
      %dma_wait3A_579 = arith.constant 0 : i32
      %dma_wait3A_580 = arith.constant 0 : i32
      %dma_wait3A_581 = tpu.memref_slice %arg9[%dma_wait3A_577, %dma_wait3A_579, %dma_wait3A_580] : memref<2x128x128xf32, #tpu.memory_space<vmem>> -> memref<1x128x128xf32, #tpu.memory_space<vmem>>
      %dma_wait3A_582 = tpu.memref_squeeze %dma_wait3A_581 : memref<1x128x128xf32, #tpu.memory_space<vmem>> -> memref<128x128xf32, #tpu.memory_space<vmem>>
      %dma_wait3A_583 = arith.constant 0 : i32
      %dma_wait3A_584 = tpu.memref_slice %arg8[%add3A_576, %dma_wait3A_583] : memref<80x128xi32, #tpu.memory_space<vmem>> -> memref<1x128xi32, #tpu.memory_space<vmem>>
      %dma_wait3A_585 = tpu.memref_squeeze %dma_wait3A_584 : memref<1x128xi32, #tpu.memory_space<vmem>> -> memref<128xi32, #tpu.memory_space<vmem>>
      %dma_wait3A_586 = arith.constant 0 : i32
      %dma_wait3A_587 = arith.constant 0 : i32
      %dma_wait3A_588 = tpu.memref_slice %arg6[%dma_wait3A_586, %dma_wait3A_587] : memref<10256x128xf32, #tpu.memory_space<vmem_shared>> -> memref<10256x128xf32, #tpu.memory_space<vmem_shared>>
      %dma_wait3A_589 = tpu.memref_slice %arg11[%dma_wait3A_578] : memref<2x!tpu.dma_semaphore, #tpu.memory_space<semaphore_mem>> -> memref<1x!tpu.dma_semaphore, #tpu.memory_space<semaphore_mem>>
      %dma_wait3A_590 = tpu.memref_squeeze %dma_wait3A_589 : memref<1x!tpu.dma_semaphore, #tpu.memory_space<semaphore_mem>> -> memref<!tpu.dma_semaphore, #tpu.memory_space<semaphore_mem>>
      tpu.wait_indirect_dma semaphore(%dma_wait3A_590 : memref<!tpu.dma_semaphore, #tpu.memory_space<semaphore_mem>>) src(%dma_wait3A_582 : memref<128x128xf32, #tpu.memory_space<vmem>>) dst(%dma_wait3A_588 : memref<10256x128xf32, #tpu.memory_space<vmem_shared>>)
      %add3A_591 = arith.constant 7 : i32
      %add3A_592 = arith.addi %mul3A_76, %add3A_591 : i32
      %dma_wait3A_593 = arith.constant 1 : i32
      %dma_wait3A_594 = arith.constant 1 : i32
      %dma_wait3A_595 = arith.constant 0 : i32
      %dma_wait3A_596 = arith.constant 0 : i32
      %dma_wait3A_597 = tpu.memref_slice %arg9[%dma_wait3A_593, %dma_wait3A_595, %dma_wait3A_596] : memref<2x128x128xf32, #tpu.memory_space<vmem>> -> memref<1x128x128xf32, #tpu.memory_space<vmem>>
      %dma_wait3A_598 = tpu.memref_squeeze %dma_wait3A_597 : memref<1x128x128xf32, #tpu.memory_space<vmem>> -> memref<128x128xf32, #tpu.memory_space<vmem>>
      %dma_wait3A_599 = arith.constant 0 : i32
      %dma_wait3A_600 = tpu.memref_slice %arg8[%add3A_592, %dma_wait3A_599] : memref<80x128xi32, #tpu.memory_space<vmem>> -> memref<1x128xi32, #tpu.memory_space<vmem>>
      %dma_wait3A_601 = tpu.memref_squeeze %dma_wait3A_600 : memref<1x128xi32, #tpu.memory_space<vmem>> -> memref<128xi32, #tpu.memory_space<vmem>>
      %dma_wait3A_602 = arith.constant 0 : i32
      %dma_wait3A_603 = arith.constant 0 : i32
      %dma_wait3A_604 = tpu.memref_slice %arg6[%dma_wait3A_602, %dma_wait3A_603] : memref<10256x128xf32, #tpu.memory_space<vmem_shared>> -> memref<10256x128xf32, #tpu.memory_space<vmem_shared>>
      %dma_wait3A_605 = tpu.memref_slice %arg11[%dma_wait3A_594] : memref<2x!tpu.dma_semaphore, #tpu.memory_space<semaphore_mem>> -> memref<1x!tpu.dma_semaphore, #tpu.memory_space<semaphore_mem>>
      %dma_wait3A_606 = tpu.memref_squeeze %dma_wait3A_605 : memref<1x!tpu.dma_semaphore, #tpu.memory_space<semaphore_mem>> -> memref<!tpu.dma_semaphore, #tpu.memory_space<semaphore_mem>>
      tpu.wait_indirect_dma semaphore(%dma_wait3A_606 : memref<!tpu.dma_semaphore, #tpu.memory_space<semaphore_mem>>) src(%dma_wait3A_598 : memref<128x128xf32, #tpu.memory_space<vmem>>) dst(%dma_wait3A_604 : memref<10256x128xf32, #tpu.memory_space<vmem_shared>>)
      %add3A_607 = arith.constant 1 : i32
      %add3A_608 = arith.addi %scan3A_64, %add3A_607 : i32
      %jit3A_609 = arith.constant 2 : i32
      %eq3A_610 = arith.constant 0 : i32
      %eq3A_611 = arith.cmpi eq, %jit3A_609, %eq3A_610 : i32
      %jit3A_612 = arith.constant 1 : i32
      %select_n3A_613 = arith.select %eq3A_611, %jit3A_612, %jit3A_609 : i32
      %rem3A_614 = arith.remsi %add3A_608, %select_n3A_613 : i32
      %ne3A_615 = arith.constant 0 : i32
      %ne3A_616 = arith.cmpi ne, %rem3A_614, %ne3A_615 : i32
      %lt3A_617 = arith.constant 0 : i32
      %lt3A_618 = arith.cmpi slt, %rem3A_614, %lt3A_617 : i32
      %lt3A_619 = arith.constant 0 : i32
      %lt3A_620 = arith.cmpi slt, %select_n3A_613, %lt3A_619 : i32
      %ne3A_621 = arith.xori %lt3A_618, %lt3A_620 : i1
      %and3A_622 = arith.andi %ne3A_621, %ne3A_616 : i1
      %add3A_623 = arith.addi %rem3A_614, %select_n3A_613 : i32
      %select_n3A_624 = arith.select %and3A_622, %add3A_623, %rem3A_614 : i32
      %dma_wait3A_625 = arith.constant 0 : i32
      %dma_wait3A_626 = arith.constant 0 : i32
      %dma_wait3A_627 = tpu.memref_slice %arg7[%select_n3A_624, %dma_wait3A_625, %dma_wait3A_626] : memref<2x8x128xi32, #tpu.memory_space<vmem>> -> memref<1x8x128xi32, #tpu.memory_space<vmem>>
      %dma_wait3A_628 = tpu.memref_squeeze %dma_wait3A_627 : memref<1x8x128xi32, #tpu.memory_space<vmem>> -> memref<8x128xi32, #tpu.memory_space<vmem>>
      %dma_wait3A_629 = arith.constant 0 : i32
      %dma_wait3A_630 = tpu.memref_slice %arg3[%add3A_0, %arg1, %multiple_of3A, %dma_wait3A_629] : memref<4x16x88x128xi32, #tpu.memory_space<hbm>> -> memref<1x1x8x128xi32, #tpu.memory_space<hbm>>
      %dma_wait3A_631 = tpu.memref_squeeze %dma_wait3A_630 : memref<1x1x8x128xi32, #tpu.memory_space<hbm>> -> memref<8x128xi32, #tpu.memory_space<hbm>>
      %dma_wait3A_632 = arith.constant 0 : i32
      %dma_wait3A_633 = arith.constant 0 : i32
      %dma_wait3A_634 = tpu.memref_slice %arg7[%select_n3A_624, %dma_wait3A_632, %dma_wait3A_633] : memref<2x8x128xi32, #tpu.memory_space<vmem>> -> memref<1x8x128xi32, #tpu.memory_space<vmem>>
      %dma_wait3A_635 = tpu.memref_squeeze %dma_wait3A_634 : memref<1x8x128xi32, #tpu.memory_space<vmem>> -> memref<8x128xi32, #tpu.memory_space<vmem>>
      %dma_wait3A_636 = arith.constant 0 : i32
      %dma_wait3A_637 = tpu.memref_slice %arg3[%add3A_0, %arg1, %multiple_of3A, %dma_wait3A_636] : memref<4x16x88x128xi32, #tpu.memory_space<hbm>> -> memref<1x1x8x128xi32, #tpu.memory_space<hbm>>
      %dma_wait3A_638 = tpu.memref_squeeze %dma_wait3A_637 : memref<1x1x8x128xi32, #tpu.memory_space<hbm>> -> memref<8x128xi32, #tpu.memory_space<hbm>>
      tpu.wait_dma2 semaphore(%arg12 : memref<!tpu.dma_semaphore, #tpu.memory_space<semaphore_mem>>) src(%dma_wait3A_638 : memref<8x128xi32, #tpu.memory_space<hbm>>) dst(%dma_wait3A_635 : memref<8x128xi32, #tpu.memory_space<vmem>>)
    }
    %scan3A_13 = arith.constant 10 : i32
    %barrier3A_14 = arith.constant 0 : index
    tpu.barrier barrier_id(%barrier3A_14)
    %mul3A_15 = arith.constant 624 : i32
    %mul3A_16 = arith.muli %arg1, %mul3A_15 : i32
    %mul3A_17 = arith.constant 10000 : i32
    %mul3A_18 = arith.muli %add3A_0, %mul3A_17 : i32
    %mul3A_19 = arith.constant 624 : i32
    %mul3A_20 = arith.muli %arg1, %mul3A_19 : i32
    %add3A_21 = arith.addi %mul3A_18, %mul3A_20 : i32
    "tpu.region"() ({
      %run_scoped3A_64 = tpu.sem_alloc : memref<!tpu.dma_semaphore, #tpu.memory_space<semaphore_mem>>
      %dma_start3A = arith.constant 0 : i32
      %dma_start3A_65 = tpu.memref_slice %arg5[%add3A_21, %dma_start3A] : memref<40000x128xf32, #tpu.memory_space<hbm>> -> memref<624x128xf32, #tpu.memory_space<hbm>>
      %dma_start3A_66 = arith.constant 0 : i32
      %dma_start3A_67 = tpu.memref_slice %arg6[%mul3A_16, %dma_start3A_66] : memref<10256x128xf32, #tpu.memory_space<vmem_shared>> -> memref<624x128xf32, #tpu.memory_space<vmem_shared>>
      tpu.enqueue_dma source(%dma_start3A_67 : memref<624x128xf32, #tpu.memory_space<vmem_shared>>) target(%dma_start3A_65 : memref<624x128xf32, #tpu.memory_space<hbm>>) target_semaphore(%run_scoped3A_64 : memref<!tpu.dma_semaphore, #tpu.memory_space<semaphore_mem>>)
      %dma_wait3A = arith.constant 0 : i32
      %dma_wait3A_68 = tpu.memref_slice %arg5[%add3A_21, %dma_wait3A] : memref<40000x128xf32, #tpu.memory_space<hbm>> -> memref<624x128xf32, #tpu.memory_space<hbm>>
      %dma_wait3A_69 = arith.constant 0 : i32
      %dma_wait3A_70 = tpu.memref_slice %arg6[%mul3A_16, %dma_wait3A_69] : memref<10256x128xf32, #tpu.memory_space<vmem_shared>> -> memref<624x128xf32, #tpu.memory_space<vmem_shared>>
      tpu.wait_dma2 semaphore(%run_scoped3A_64 : memref<!tpu.dma_semaphore, #tpu.memory_space<semaphore_mem>>) src(%dma_wait3A_70 : memref<624x128xf32, #tpu.memory_space<vmem_shared>>) dst(%dma_wait3A_68 : memref<624x128xf32, #tpu.memory_space<hbm>>)
      tpu.yield
    }) : () -> ()
    %eq3A_22 = arith.constant 0 : i32
    %eq3A_23 = arith.cmpi eq, %arg1, %eq3A_22 : i32
    %convert_element_type3A_24 = arith.extui %eq3A_23 : i1 to i32
    %cond3A_25 = arith.constant 0 : i32
    %cond3A_26 = arith.cmpi ne, %convert_element_type3A_24, %cond3A_25 : i32
    scf.if %cond3A_26 {
      %mul3A_64 = arith.constant 10000 : i32
      %mul3A_65 = arith.muli %add3A_0, %mul3A_64 : i32
      %add3A_66 = arith.constant 9984 : i32
      %add3A_67 = arith.addi %mul3A_65, %add3A_66 : i32
      "tpu.region"() ({
        %run_scoped3A_68 = tpu.sem_alloc : memref<!tpu.dma_semaphore, #tpu.memory_space<semaphore_mem>>
        %dma_start3A = arith.constant 0 : i32
        %dma_start3A_69 = tpu.memref_slice %arg5[%add3A_67, %dma_start3A] : memref<40000x128xf32, #tpu.memory_space<hbm>> -> memref<16x128xf32, #tpu.memory_space<hbm>>
        %dma_start3A_70 = arith.constant 9984 : i32
        %dma_start3A_71 = arith.constant 0 : i32
        %dma_start3A_72 = tpu.memref_slice %arg6[%dma_start3A_70, %dma_start3A_71] : memref<10256x128xf32, #tpu.memory_space<vmem_shared>> -> memref<16x128xf32, #tpu.memory_space<vmem_shared>>
        tpu.enqueue_dma source(%dma_start3A_72 : memref<16x128xf32, #tpu.memory_space<vmem_shared>>) target(%dma_start3A_69 : memref<16x128xf32, #tpu.memory_space<hbm>>) target_semaphore(%run_scoped3A_68 : memref<!tpu.dma_semaphore, #tpu.memory_space<semaphore_mem>>)
        %dma_wait3A = arith.constant 0 : i32
        %dma_wait3A_73 = tpu.memref_slice %arg5[%add3A_67, %dma_wait3A] : memref<40000x128xf32, #tpu.memory_space<hbm>> -> memref<16x128xf32, #tpu.memory_space<hbm>>
        %dma_wait3A_74 = arith.constant 9984 : i32
        %dma_wait3A_75 = arith.constant 0 : i32
        %dma_wait3A_76 = tpu.memref_slice %arg6[%dma_wait3A_74, %dma_wait3A_75] : memref<10256x128xf32, #tpu.memory_space<vmem_shared>> -> memref<16x128xf32, #tpu.memory_space<vmem_shared>>
        tpu.wait_dma2 semaphore(%run_scoped3A_68 : memref<!tpu.dma_semaphore, #tpu.memory_space<semaphore_mem>>) src(%dma_wait3A_76 : memref<16x128xf32, #tpu.memory_space<vmem_shared>>) dst(%dma_wait3A_73 : memref<16x128xf32, #tpu.memory_space<hbm>>)
        tpu.yield
      }) : () -> ()
    } else {
    }
    %barrier3A_27 = arith.constant 0 : index
    tpu.barrier barrier_id(%barrier3A_27)
    %add3A_28 = arith.constant 2 : i32
    %add3A_29 = arith.addi %arg0, %add3A_28 : i32
    %mul3A_30 = arith.constant 10000 : i32
    %mul3A_31 = arith.muli %add3A_29, %mul3A_30 : i32
    %mul3A_32 = arith.constant 624 : i32
    %mul3A_33 = arith.muli %arg1, %mul3A_32 : i32
    %add3A_34 = arith.addi %mul3A_31, %mul3A_33 : i32
    %mul3A_35 = arith.constant 624 : i32
    %mul3A_36 = arith.muli %arg1, %mul3A_35 : i32
    "tpu.region"() ({
      %run_scoped3A_64 = tpu.sem_alloc : memref<!tpu.dma_semaphore, #tpu.memory_space<semaphore_mem>>
      %dma_start3A = arith.constant 0 : i32
      %dma_start3A_65 = tpu.memref_slice %arg6[%mul3A_36, %dma_start3A] : memref<10256x128xf32, #tpu.memory_space<vmem_shared>> -> memref<624x128xf32, #tpu.memory_space<vmem_shared>>
      %dma_start3A_66 = arith.constant 0 : i32
      %dma_start3A_67 = tpu.memref_slice %arg2[%add3A_34, %dma_start3A_66] : memref<40000x128xf32, #tpu.memory_space<hbm>> -> memref<624x128xf32, #tpu.memory_space<hbm>>
      tpu.enqueue_dma source(%dma_start3A_67 : memref<624x128xf32, #tpu.memory_space<hbm>>) target(%dma_start3A_65 : memref<624x128xf32, #tpu.memory_space<vmem_shared>>) target_semaphore(%run_scoped3A_64 : memref<!tpu.dma_semaphore, #tpu.memory_space<semaphore_mem>>)
      %dma_wait3A = arith.constant 0 : i32
      %dma_wait3A_68 = tpu.memref_slice %arg6[%mul3A_36, %dma_wait3A] : memref<10256x128xf32, #tpu.memory_space<vmem_shared>> -> memref<624x128xf32, #tpu.memory_space<vmem_shared>>
      %dma_wait3A_69 = arith.constant 0 : i32
      %dma_wait3A_70 = tpu.memref_slice %arg2[%add3A_34, %dma_wait3A_69] : memref<40000x128xf32, #tpu.memory_space<hbm>> -> memref<624x128xf32, #tpu.memory_space<hbm>>
      tpu.wait_dma2 semaphore(%run_scoped3A_64 : memref<!tpu.dma_semaphore, #tpu.memory_space<semaphore_mem>>) src(%dma_wait3A_70 : memref<624x128xf32, #tpu.memory_space<hbm>>) dst(%dma_wait3A_68 : memref<624x128xf32, #tpu.memory_space<vmem_shared>>)
      tpu.yield
    }) : () -> ()
    %eq3A_37 = arith.constant 0 : i32
    %eq3A_38 = arith.cmpi eq, %arg1, %eq3A_37 : i32
    %convert_element_type3A_39 = arith.extui %eq3A_38 : i1 to i32
    %cond3A_40 = arith.constant 0 : i32
    %cond3A_41 = arith.cmpi ne, %convert_element_type3A_39, %cond3A_40 : i32
    scf.if %cond3A_41 {
      %mul3A_64 = arith.constant 10000 : i32
      %mul3A_65 = arith.muli %add3A_29, %mul3A_64 : i32
      %add3A_66 = arith.constant 9984 : i32
      %add3A_67 = arith.addi %mul3A_65, %add3A_66 : i32
      "tpu.region"() ({
        %run_scoped3A_68 = tpu.sem_alloc : memref<!tpu.dma_semaphore, #tpu.memory_space<semaphore_mem>>
        %dma_start3A = arith.constant 9984 : i32
        %dma_start3A_69 = arith.constant 0 : i32
        %dma_start3A_70 = tpu.memref_slice %arg6[%dma_start3A, %dma_start3A_69] : memref<10256x128xf32, #tpu.memory_space<vmem_shared>> -> memref<16x128xf32, #tpu.memory_space<vmem_shared>>
        %dma_start3A_71 = arith.constant 0 : i32
        %dma_start3A_72 = tpu.memref_slice %arg2[%add3A_67, %dma_start3A_71] : memref<40000x128xf32, #tpu.memory_space<hbm>> -> memref<16x128xf32, #tpu.memory_space<hbm>>
        tpu.enqueue_dma source(%dma_start3A_72 : memref<16x128xf32, #tpu.memory_space<hbm>>) target(%dma_start3A_70 : memref<16x128xf32, #tpu.memory_space<vmem_shared>>) target_semaphore(%run_scoped3A_68 : memref<!tpu.dma_semaphore, #tpu.memory_space<semaphore_mem>>)
        %dma_wait3A = arith.constant 9984 : i32
        %dma_wait3A_73 = arith.constant 0 : i32
        %dma_wait3A_74 = tpu.memref_slice %arg6[%dma_wait3A, %dma_wait3A_73] : memref<10256x128xf32, #tpu.memory_space<vmem_shared>> -> memref<16x128xf32, #tpu.memory_space<vmem_shared>>
        %dma_wait3A_75 = arith.constant 0 : i32
        %dma_wait3A_76 = tpu.memref_slice %arg2[%add3A_67, %dma_wait3A_75] : memref<40000x128xf32, #tpu.memory_space<hbm>> -> memref<16x128xf32, #tpu.memory_space<hbm>>
        tpu.wait_dma2 semaphore(%run_scoped3A_68 : memref<!tpu.dma_semaphore, #tpu.memory_space<semaphore_mem>>) src(%dma_wait3A_76 : memref<16x128xf32, #tpu.memory_space<hbm>>) dst(%dma_wait3A_74 : memref<16x128xf32, #tpu.memory_space<vmem_shared>>)
        tpu.yield
      }) : () -> ()
    } else {
    }
    %run_scoped3A_42 = arith.constant 0 : i32
    "tpu.region"() ({
      %run_scoped3A_64 = tpu.sem_alloc : memref<!tpu.dma_semaphore, #tpu.memory_space<semaphore_mem>>
      %dma_start3A = arith.constant 0 : i32
      %dma_start3A_65 = arith.constant 0 : i32
      %dma_start3A_66 = tpu.memref_slice %arg7[%run_scoped3A_42, %dma_start3A, %dma_start3A_65] : memref<2x8x128xi32, #tpu.memory_space<vmem>> -> memref<1x8x128xi32, #tpu.memory_space<vmem>>
      %dma_start3A_67 = tpu.memref_squeeze %dma_start3A_66 : memref<1x8x128xi32, #tpu.memory_space<vmem>> -> memref<8x128xi32, #tpu.memory_space<vmem>>
      %dma_start3A_68 = arith.constant 0 : i32
      %dma_start3A_69 = arith.constant 0 : i32
      %dma_start3A_70 = tpu.memref_slice %arg3[%add3A_29, %arg1, %dma_start3A_68, %dma_start3A_69] : memref<4x16x88x128xi32, #tpu.memory_space<hbm>> -> memref<1x1x8x128xi32, #tpu.memory_space<hbm>>
      %dma_start3A_71 = tpu.memref_squeeze %dma_start3A_70 : memref<1x1x8x128xi32, #tpu.memory_space<hbm>> -> memref<8x128xi32, #tpu.memory_space<hbm>>
      %dma_start3A_72 = arith.constant 0 : i32
      %dma_start3A_73 = arith.constant 0 : i32
      %dma_start3A_74 = tpu.memref_slice %arg7[%run_scoped3A_42, %dma_start3A_72, %dma_start3A_73] : memref<2x8x128xi32, #tpu.memory_space<vmem>> -> memref<1x8x128xi32, #tpu.memory_space<vmem>>
      %dma_start3A_75 = tpu.memref_squeeze %dma_start3A_74 : memref<1x8x128xi32, #tpu.memory_space<vmem>> -> memref<8x128xi32, #tpu.memory_space<vmem>>
      %dma_start3A_76 = arith.constant 0 : i32
      %dma_start3A_77 = arith.constant 0 : i32
      %dma_start3A_78 = tpu.memref_slice %arg3[%add3A_29, %arg1, %dma_start3A_76, %dma_start3A_77] : memref<4x16x88x128xi32, #tpu.memory_space<hbm>> -> memref<1x1x8x128xi32, #tpu.memory_space<hbm>>
      %dma_start3A_79 = tpu.memref_squeeze %dma_start3A_78 : memref<1x1x8x128xi32, #tpu.memory_space<hbm>> -> memref<8x128xi32, #tpu.memory_space<hbm>>
      tpu.enqueue_dma source(%dma_start3A_79 : memref<8x128xi32, #tpu.memory_space<hbm>>) target(%dma_start3A_75 : memref<8x128xi32, #tpu.memory_space<vmem>>) target_semaphore(%run_scoped3A_64 : memref<!tpu.dma_semaphore, #tpu.memory_space<semaphore_mem>>)
      %dma_wait3A = arith.constant 0 : i32
      %dma_wait3A_80 = arith.constant 0 : i32
      %dma_wait3A_81 = tpu.memref_slice %arg7[%run_scoped3A_42, %dma_wait3A, %dma_wait3A_80] : memref<2x8x128xi32, #tpu.memory_space<vmem>> -> memref<1x8x128xi32, #tpu.memory_space<vmem>>
      %dma_wait3A_82 = tpu.memref_squeeze %dma_wait3A_81 : memref<1x8x128xi32, #tpu.memory_space<vmem>> -> memref<8x128xi32, #tpu.memory_space<vmem>>
      %dma_wait3A_83 = arith.constant 0 : i32
      %dma_wait3A_84 = arith.constant 0 : i32
      %dma_wait3A_85 = tpu.memref_slice %arg3[%add3A_29, %arg1, %dma_wait3A_83, %dma_wait3A_84] : memref<4x16x88x128xi32, #tpu.memory_space<hbm>> -> memref<1x1x8x128xi32, #tpu.memory_space<hbm>>
      %dma_wait3A_86 = tpu.memref_squeeze %dma_wait3A_85 : memref<1x1x8x128xi32, #tpu.memory_space<hbm>> -> memref<8x128xi32, #tpu.memory_space<hbm>>
      %dma_wait3A_87 = arith.constant 0 : i32
      %dma_wait3A_88 = arith.constant 0 : i32
      %dma_wait3A_89 = tpu.memref_slice %arg7[%run_scoped3A_42, %dma_wait3A_87, %dma_wait3A_88] : memref<2x8x128xi32, #tpu.memory_space<vmem>> -> memref<1x8x128xi32, #tpu.memory_space<vmem>>
      %dma_wait3A_90 = tpu.memref_squeeze %dma_wait3A_89 : memref<1x8x128xi32, #tpu.memory_space<vmem>> -> memref<8x128xi32, #tpu.memory_space<vmem>>
      %dma_wait3A_91 = arith.constant 0 : i32
      %dma_wait3A_92 = arith.constant 0 : i32
      %dma_wait3A_93 = tpu.memref_slice %arg3[%add3A_29, %arg1, %dma_wait3A_91, %dma_wait3A_92] : memref<4x16x88x128xi32, #tpu.memory_space<hbm>> -> memref<1x1x8x128xi32, #tpu.memory_space<hbm>>
      %dma_wait3A_94 = tpu.memref_squeeze %dma_wait3A_93 : memref<1x1x8x128xi32, #tpu.memory_space<hbm>> -> memref<8x128xi32, #tpu.memory_space<hbm>>
      tpu.wait_dma2 semaphore(%run_scoped3A_64 : memref<!tpu.dma_semaphore, #tpu.memory_space<semaphore_mem>>) src(%dma_wait3A_94 : memref<8x128xi32, #tpu.memory_space<hbm>>) dst(%dma_wait3A_90 : memref<8x128xi32, #tpu.memory_space<vmem>>)
      tpu.yield
    }) : () -> ()
    %barrier3A_43 = arith.constant 0 : index
    tpu.barrier barrier_id(%barrier3A_43)
    %scan3A_44 = arith.constant 0 : i32
    %scan3A_45 = arith.constant 0 : i32
    %scan3A_46 = arith.constant 10 : i32
    %scan3A_47 = arith.addi %scan3A_45, %scan3A_46 : i32
    %scan3A_48 = arith.constant 1 : i32
    scf.for %scan3A_64 = %scan3A_45 to %scan3A_47 step %scan3A_48  : i32 {
      %jit3A = arith.constant 2 : i32
      %eq3A_65 = arith.constant 0 : i32
      %eq3A_66 = arith.cmpi eq, %jit3A, %eq3A_65 : i32
      %jit3A_67 = arith.constant 1 : i32
      %select_n3A = arith.select %eq3A_66, %jit3A_67, %jit3A : i32
      %rem3A = arith.remsi %scan3A_64, %select_n3A : i32
      %ne3A = arith.constant 0 : i32
      %ne3A_68 = arith.cmpi ne, %rem3A, %ne3A : i32
      %lt3A = arith.constant 0 : i32
      %lt3A_69 = arith.cmpi slt, %rem3A, %lt3A : i32
      %lt3A_70 = arith.constant 0 : i32
      %lt3A_71 = arith.cmpi slt, %select_n3A, %lt3A_70 : i32
      %ne3A_72 = arith.xori %lt3A_69, %lt3A_71 : i1
      %and3A = arith.andi %ne3A_72, %ne3A_68 : i1
      %add3A_73 = arith.addi %rem3A, %select_n3A : i32
      %select_n3A_74 = arith.select %and3A, %add3A_73, %rem3A : i32
      %mul3A_75 = arith.constant 8 : i32
      %mul3A_76 = arith.muli %scan3A_64, %mul3A_75 : i32
      %add3A_77 = arith.constant 1 : i32
      %add3A_78 = arith.addi %scan3A_64, %add3A_77 : i32
      %mul3A_79 = arith.constant 8 : i32
      %mul3A_80 = arith.muli %add3A_78, %mul3A_79 : i32
      %multiple_of3A = tpu.assume_multiple %mul3A_80, 8 : i32
      %add3A_81 = arith.constant 1 : i32
      %add3A_82 = arith.addi %scan3A_64, %add3A_81 : i32
      %jit3A_83 = arith.constant 2 : i32
      %eq3A_84 = arith.constant 0 : i32
      %eq3A_85 = arith.cmpi eq, %jit3A_83, %eq3A_84 : i32
      %jit3A_86 = arith.constant 1 : i32
      %select_n3A_87 = arith.select %eq3A_85, %jit3A_86, %jit3A_83 : i32
      %rem3A_88 = arith.remsi %add3A_82, %select_n3A_87 : i32
      %ne3A_89 = arith.constant 0 : i32
      %ne3A_90 = arith.cmpi ne, %rem3A_88, %ne3A_89 : i32
      %lt3A_91 = arith.constant 0 : i32
      %lt3A_92 = arith.cmpi slt, %rem3A_88, %lt3A_91 : i32
      %lt3A_93 = arith.constant 0 : i32
      %lt3A_94 = arith.cmpi slt, %select_n3A_87, %lt3A_93 : i32
      %ne3A_95 = arith.xori %lt3A_92, %lt3A_94 : i1
      %and3A_96 = arith.andi %ne3A_95, %ne3A_90 : i1
      %add3A_97 = arith.addi %rem3A_88, %select_n3A_87 : i32
      %select_n3A_98 = arith.select %and3A_96, %add3A_97, %rem3A_88 : i32
      %dma_start3A = arith.constant 0 : i32
      %dma_start3A_99 = arith.constant 0 : i32
      %dma_start3A_100 = tpu.memref_slice %arg7[%select_n3A_98, %dma_start3A, %dma_start3A_99] : memref<2x8x128xi32, #tpu.memory_space<vmem>> -> memref<1x8x128xi32, #tpu.memory_space<vmem>>
      %dma_start3A_101 = tpu.memref_squeeze %dma_start3A_100 : memref<1x8x128xi32, #tpu.memory_space<vmem>> -> memref<8x128xi32, #tpu.memory_space<vmem>>
      %dma_start3A_102 = arith.constant 0 : i32
      %dma_start3A_103 = tpu.memref_slice %arg3[%add3A_29, %arg1, %multiple_of3A, %dma_start3A_102] : memref<4x16x88x128xi32, #tpu.memory_space<hbm>> -> memref<1x1x8x128xi32, #tpu.memory_space<hbm>>
      %dma_start3A_104 = tpu.memref_squeeze %dma_start3A_103 : memref<1x1x8x128xi32, #tpu.memory_space<hbm>> -> memref<8x128xi32, #tpu.memory_space<hbm>>
      %dma_start3A_105 = arith.constant 0 : i32
      %dma_start3A_106 = arith.constant 0 : i32
      %dma_start3A_107 = tpu.memref_slice %arg7[%select_n3A_98, %dma_start3A_105, %dma_start3A_106] : memref<2x8x128xi32, #tpu.memory_space<vmem>> -> memref<1x8x128xi32, #tpu.memory_space<vmem>>
      %dma_start3A_108 = tpu.memref_squeeze %dma_start3A_107 : memref<1x8x128xi32, #tpu.memory_space<vmem>> -> memref<8x128xi32, #tpu.memory_space<vmem>>
      %dma_start3A_109 = arith.constant 0 : i32
      %dma_start3A_110 = tpu.memref_slice %arg3[%add3A_29, %arg1, %multiple_of3A, %dma_start3A_109] : memref<4x16x88x128xi32, #tpu.memory_space<hbm>> -> memref<1x1x8x128xi32, #tpu.memory_space<hbm>>
      %dma_start3A_111 = tpu.memref_squeeze %dma_start3A_110 : memref<1x1x8x128xi32, #tpu.memory_space<hbm>> -> memref<8x128xi32, #tpu.memory_space<hbm>>
      tpu.enqueue_dma source(%dma_start3A_111 : memref<8x128xi32, #tpu.memory_space<hbm>>) target(%dma_start3A_108 : memref<8x128xi32, #tpu.memory_space<vmem>>) target_semaphore(%arg12 : memref<!tpu.dma_semaphore, #tpu.memory_space<semaphore_mem>>)
      %dma_start3A_112 = arith.constant 0 : i32
      %dma_start3A_113 = arith.constant 0 : i32
      %dma_start3A_114 = arith.constant 0 : i32
      %dma_start3A_115 = arith.constant 0 : i32
      %dma_start3A_116 = arith.constant 0 : i32
      %dma_start3A_117 = tpu.memref_slice %arg9[%dma_start3A_113, %dma_start3A_115, %dma_start3A_116] : memref<2x128x128xf32, #tpu.memory_space<vmem>> -> memref<1x128x128xf32, #tpu.memory_space<vmem>>
      %dma_start3A_118 = tpu.memref_squeeze %dma_start3A_117 : memref<1x128x128xf32, #tpu.memory_space<vmem>> -> memref<128x128xf32, #tpu.memory_space<vmem>>
      %dma_start3A_119 = arith.constant 0 : i32
      %dma_start3A_120 = tpu.memref_slice %arg7[%select_n3A_74, %dma_start3A_112, %dma_start3A_119] : memref<2x8x128xi32, #tpu.memory_space<vmem>> -> memref<1x1x128xi32, #tpu.memory_space<vmem>>
      %dma_start3A_121 = tpu.memref_squeeze %dma_start3A_120 : memref<1x1x128xi32, #tpu.memory_space<vmem>> -> memref<128xi32, #tpu.memory_space<vmem>>
      %dma_start3A_122 = arith.constant 0 : i32
      %dma_start3A_123 = arith.constant 0 : i32
      %dma_start3A_124 = tpu.memref_slice %arg2[%dma_start3A_122, %dma_start3A_123] : memref<40000x128xf32, #tpu.memory_space<hbm>> -> memref<40000x128xf32, #tpu.memory_space<hbm>>
      %dma_start3A_125 = tpu.memref_slice %arg10[%dma_start3A_114] : memref<2x!tpu.dma_semaphore, #tpu.memory_space<semaphore_mem>> -> memref<1x!tpu.dma_semaphore, #tpu.memory_space<semaphore_mem>>
      %dma_start3A_126 = tpu.memref_squeeze %dma_start3A_125 : memref<1x!tpu.dma_semaphore, #tpu.memory_space<semaphore_mem>> -> memref<!tpu.dma_semaphore, #tpu.memory_space<semaphore_mem>>
      tpu.enqueue_indirect_dma source(%dma_start3A_124 : memref<40000x128xf32, #tpu.memory_space<hbm>>) target(%dma_start3A_118 : memref<128x128xf32, #tpu.memory_space<vmem>>) offsets(%dma_start3A_121 : memref<128xi32, #tpu.memory_space<vmem>>) semaphore(%dma_start3A_126 : memref<!tpu.dma_semaphore, #tpu.memory_space<semaphore_mem>>)
      %dma_start3A_127 = arith.constant 1 : i32
      %dma_start3A_128 = arith.constant 1 : i32
      %dma_start3A_129 = arith.constant 1 : i32
      %dma_start3A_130 = arith.constant 0 : i32
      %dma_start3A_131 = arith.constant 0 : i32
      %dma_start3A_132 = tpu.memref_slice %arg9[%dma_start3A_128, %dma_start3A_130, %dma_start3A_131] : memref<2x128x128xf32, #tpu.memory_space<vmem>> -> memref<1x128x128xf32, #tpu.memory_space<vmem>>
      %dma_start3A_133 = tpu.memref_squeeze %dma_start3A_132 : memref<1x128x128xf32, #tpu.memory_space<vmem>> -> memref<128x128xf32, #tpu.memory_space<vmem>>
      %dma_start3A_134 = arith.constant 0 : i32
      %dma_start3A_135 = tpu.memref_slice %arg7[%select_n3A_74, %dma_start3A_127, %dma_start3A_134] : memref<2x8x128xi32, #tpu.memory_space<vmem>> -> memref<1x1x128xi32, #tpu.memory_space<vmem>>
      %dma_start3A_136 = tpu.memref_squeeze %dma_start3A_135 : memref<1x1x128xi32, #tpu.memory_space<vmem>> -> memref<128xi32, #tpu.memory_space<vmem>>
      %dma_start3A_137 = arith.constant 0 : i32
      %dma_start3A_138 = arith.constant 0 : i32
      %dma_start3A_139 = tpu.memref_slice %arg2[%dma_start3A_137, %dma_start3A_138] : memref<40000x128xf32, #tpu.memory_space<hbm>> -> memref<40000x128xf32, #tpu.memory_space<hbm>>
      %dma_start3A_140 = tpu.memref_slice %arg10[%dma_start3A_129] : memref<2x!tpu.dma_semaphore, #tpu.memory_space<semaphore_mem>> -> memref<1x!tpu.dma_semaphore, #tpu.memory_space<semaphore_mem>>
      %dma_start3A_141 = tpu.memref_squeeze %dma_start3A_140 : memref<1x!tpu.dma_semaphore, #tpu.memory_space<semaphore_mem>> -> memref<!tpu.dma_semaphore, #tpu.memory_space<semaphore_mem>>
      tpu.enqueue_indirect_dma source(%dma_start3A_139 : memref<40000x128xf32, #tpu.memory_space<hbm>>) target(%dma_start3A_133 : memref<128x128xf32, #tpu.memory_space<vmem>>) offsets(%dma_start3A_136 : memref<128xi32, #tpu.memory_space<vmem>>) semaphore(%dma_start3A_141 : memref<!tpu.dma_semaphore, #tpu.memory_space<semaphore_mem>>)
      %dma_wait3A = arith.constant 0 : i32
      %dma_wait3A_142 = arith.constant 0 : i32
      %dma_wait3A_143 = arith.constant 0 : i32
      %dma_wait3A_144 = arith.constant 0 : i32
      %dma_wait3A_145 = arith.constant 0 : i32
      %dma_wait3A_146 = tpu.memref_slice %arg9[%dma_wait3A_142, %dma_wait3A_144, %dma_wait3A_145] : memref<2x128x128xf32, #tpu.memory_space<vmem>> -> memref<1x128x128xf32, #tpu.memory_space<vmem>>
      %dma_wait3A_147 = tpu.memref_squeeze %dma_wait3A_146 : memref<1x128x128xf32, #tpu.memory_space<vmem>> -> memref<128x128xf32, #tpu.memory_space<vmem>>
      %dma_wait3A_148 = arith.constant 0 : i32
      %dma_wait3A_149 = tpu.memref_slice %arg7[%select_n3A_74, %dma_wait3A, %dma_wait3A_148] : memref<2x8x128xi32, #tpu.memory_space<vmem>> -> memref<1x1x128xi32, #tpu.memory_space<vmem>>
      %dma_wait3A_150 = tpu.memref_squeeze %dma_wait3A_149 : memref<1x1x128xi32, #tpu.memory_space<vmem>> -> memref<128xi32, #tpu.memory_space<vmem>>
      %dma_wait3A_151 = arith.constant 0 : i32
      %dma_wait3A_152 = arith.constant 0 : i32
      %dma_wait3A_153 = tpu.memref_slice %arg2[%dma_wait3A_151, %dma_wait3A_152] : memref<40000x128xf32, #tpu.memory_space<hbm>> -> memref<40000x128xf32, #tpu.memory_space<hbm>>
      %dma_wait3A_154 = tpu.memref_slice %arg10[%dma_wait3A_143] : memref<2x!tpu.dma_semaphore, #tpu.memory_space<semaphore_mem>> -> memref<1x!tpu.dma_semaphore, #tpu.memory_space<semaphore_mem>>
      %dma_wait3A_155 = tpu.memref_squeeze %dma_wait3A_154 : memref<1x!tpu.dma_semaphore, #tpu.memory_space<semaphore_mem>> -> memref<!tpu.dma_semaphore, #tpu.memory_space<semaphore_mem>>
      tpu.wait_indirect_dma semaphore(%dma_wait3A_155 : memref<!tpu.dma_semaphore, #tpu.memory_space<semaphore_mem>>) src(%dma_wait3A_153 : memref<40000x128xf32, #tpu.memory_space<hbm>>) dst(%dma_wait3A_147 : memref<128x128xf32, #tpu.memory_space<vmem>>)
      %add3A_156 = arith.constant 0 : i32
      %add3A_157 = arith.addi %mul3A_76, %add3A_156 : i32
      %dma_start3A_158 = arith.constant 0 : i32
      %dma_start3A_159 = arith.constant 0 : i32
      %dma_start3A_160 = arith.constant 0 : i32
      %dma_start3A_161 = arith.constant 0 : i32
      %dma_start3A_162 = tpu.memref_slice %arg9[%dma_start3A_158, %dma_start3A_160, %dma_start3A_161] : memref<2x128x128xf32, #tpu.memory_space<vmem>> -> memref<1x128x128xf32, #tpu.memory_space<vmem>>
      %dma_start3A_163 = tpu.memref_squeeze %dma_start3A_162 : memref<1x128x128xf32, #tpu.memory_space<vmem>> -> memref<128x128xf32, #tpu.memory_space<vmem>>
      %dma_start3A_164 = arith.constant 0 : i32
      %dma_start3A_165 = tpu.memref_slice %arg8[%add3A_157, %dma_start3A_164] : memref<80x128xi32, #tpu.memory_space<vmem>> -> memref<1x128xi32, #tpu.memory_space<vmem>>
      %dma_start3A_166 = tpu.memref_squeeze %dma_start3A_165 : memref<1x128xi32, #tpu.memory_space<vmem>> -> memref<128xi32, #tpu.memory_space<vmem>>
      %dma_start3A_167 = arith.constant 0 : i32
      %dma_start3A_168 = arith.constant 0 : i32
      %dma_start3A_169 = tpu.memref_slice %arg6[%dma_start3A_167, %dma_start3A_168] : memref<10256x128xf32, #tpu.memory_space<vmem_shared>> -> memref<10256x128xf32, #tpu.memory_space<vmem_shared>>
      %dma_start3A_170 = tpu.memref_slice %arg11[%dma_start3A_159] : memref<2x!tpu.dma_semaphore, #tpu.memory_space<semaphore_mem>> -> memref<1x!tpu.dma_semaphore, #tpu.memory_space<semaphore_mem>>
      %dma_start3A_171 = tpu.memref_squeeze %dma_start3A_170 : memref<1x!tpu.dma_semaphore, #tpu.memory_space<semaphore_mem>> -> memref<!tpu.dma_semaphore, #tpu.memory_space<semaphore_mem>>
      tpu.enqueue_indirect_dma source(%dma_start3A_163 : memref<128x128xf32, #tpu.memory_space<vmem>>) target(%dma_start3A_169 : memref<10256x128xf32, #tpu.memory_space<vmem_shared>>) offsets(%dma_start3A_166 : memref<128xi32, #tpu.memory_space<vmem>>) semaphore(%dma_start3A_171 : memref<!tpu.dma_semaphore, #tpu.memory_space<semaphore_mem>>) {add = true}
      %add3A_172 = arith.constant 0 : i32
      %add3A_173 = arith.addi %mul3A_76, %add3A_172 : i32
      %dma_wait3A_174 = arith.constant 0 : i32
      %dma_wait3A_175 = arith.constant 0 : i32
      %dma_wait3A_176 = arith.constant 0 : i32
      %dma_wait3A_177 = arith.constant 0 : i32
      %dma_wait3A_178 = tpu.memref_slice %arg9[%dma_wait3A_174, %dma_wait3A_176, %dma_wait3A_177] : memref<2x128x128xf32, #tpu.memory_space<vmem>> -> memref<1x128x128xf32, #tpu.memory_space<vmem>>
      %dma_wait3A_179 = tpu.memref_squeeze %dma_wait3A_178 : memref<1x128x128xf32, #tpu.memory_space<vmem>> -> memref<128x128xf32, #tpu.memory_space<vmem>>
      %dma_wait3A_180 = arith.constant 0 : i32
      %dma_wait3A_181 = tpu.memref_slice %arg8[%add3A_173, %dma_wait3A_180] : memref<80x128xi32, #tpu.memory_space<vmem>> -> memref<1x128xi32, #tpu.memory_space<vmem>>
      %dma_wait3A_182 = tpu.memref_squeeze %dma_wait3A_181 : memref<1x128xi32, #tpu.memory_space<vmem>> -> memref<128xi32, #tpu.memory_space<vmem>>
      %dma_wait3A_183 = arith.constant 0 : i32
      %dma_wait3A_184 = arith.constant 0 : i32
      %dma_wait3A_185 = tpu.memref_slice %arg6[%dma_wait3A_183, %dma_wait3A_184] : memref<10256x128xf32, #tpu.memory_space<vmem_shared>> -> memref<10256x128xf32, #tpu.memory_space<vmem_shared>>
      %dma_wait3A_186 = tpu.memref_slice %arg11[%dma_wait3A_175] : memref<2x!tpu.dma_semaphore, #tpu.memory_space<semaphore_mem>> -> memref<1x!tpu.dma_semaphore, #tpu.memory_space<semaphore_mem>>
      %dma_wait3A_187 = tpu.memref_squeeze %dma_wait3A_186 : memref<1x!tpu.dma_semaphore, #tpu.memory_space<semaphore_mem>> -> memref<!tpu.dma_semaphore, #tpu.memory_space<semaphore_mem>>
      tpu.wait_indirect_dma semaphore(%dma_wait3A_187 : memref<!tpu.dma_semaphore, #tpu.memory_space<semaphore_mem>>) src(%dma_wait3A_179 : memref<128x128xf32, #tpu.memory_space<vmem>>) dst(%dma_wait3A_185 : memref<10256x128xf32, #tpu.memory_space<vmem_shared>>)
      %dma_start3A_188 = arith.constant 2 : i32
      %dma_start3A_189 = arith.constant 0 : i32
      %dma_start3A_190 = arith.constant 0 : i32
      %dma_start3A_191 = arith.constant 0 : i32
      %dma_start3A_192 = arith.constant 0 : i32
      %dma_start3A_193 = tpu.memref_slice %arg9[%dma_start3A_189, %dma_start3A_191, %dma_start3A_192] : memref<2x128x128xf32, #tpu.memory_space<vmem>> -> memref<1x128x128xf32, #tpu.memory_space<vmem>>
      %dma_start3A_194 = tpu.memref_squeeze %dma_start3A_193 : memref<1x128x128xf32, #tpu.memory_space<vmem>> -> memref<128x128xf32, #tpu.memory_space<vmem>>
      %dma_start3A_195 = arith.constant 0 : i32
      %dma_start3A_196 = tpu.memref_slice %arg7[%select_n3A_74, %dma_start3A_188, %dma_start3A_195] : memref<2x8x128xi32, #tpu.memory_space<vmem>> -> memref<1x1x128xi32, #tpu.memory_space<vmem>>
      %dma_start3A_197 = tpu.memref_squeeze %dma_start3A_196 : memref<1x1x128xi32, #tpu.memory_space<vmem>> -> memref<128xi32, #tpu.memory_space<vmem>>
      %dma_start3A_198 = arith.constant 0 : i32
      %dma_start3A_199 = arith.constant 0 : i32
      %dma_start3A_200 = tpu.memref_slice %arg2[%dma_start3A_198, %dma_start3A_199] : memref<40000x128xf32, #tpu.memory_space<hbm>> -> memref<40000x128xf32, #tpu.memory_space<hbm>>
      %dma_start3A_201 = tpu.memref_slice %arg10[%dma_start3A_190] : memref<2x!tpu.dma_semaphore, #tpu.memory_space<semaphore_mem>> -> memref<1x!tpu.dma_semaphore, #tpu.memory_space<semaphore_mem>>
      %dma_start3A_202 = tpu.memref_squeeze %dma_start3A_201 : memref<1x!tpu.dma_semaphore, #tpu.memory_space<semaphore_mem>> -> memref<!tpu.dma_semaphore, #tpu.memory_space<semaphore_mem>>
      tpu.enqueue_indirect_dma source(%dma_start3A_200 : memref<40000x128xf32, #tpu.memory_space<hbm>>) target(%dma_start3A_194 : memref<128x128xf32, #tpu.memory_space<vmem>>) offsets(%dma_start3A_197 : memref<128xi32, #tpu.memory_space<vmem>>) semaphore(%dma_start3A_202 : memref<!tpu.dma_semaphore, #tpu.memory_space<semaphore_mem>>)
      %dma_wait3A_203 = arith.constant 1 : i32
      %dma_wait3A_204 = arith.constant 1 : i32
      %dma_wait3A_205 = arith.constant 1 : i32
      %dma_wait3A_206 = arith.constant 0 : i32
      %dma_wait3A_207 = arith.constant 0 : i32
      %dma_wait3A_208 = tpu.memref_slice %arg9[%dma_wait3A_204, %dma_wait3A_206, %dma_wait3A_207] : memref<2x128x128xf32, #tpu.memory_space<vmem>> -> memref<1x128x128xf32, #tpu.memory_space<vmem>>
      %dma_wait3A_209 = tpu.memref_squeeze %dma_wait3A_208 : memref<1x128x128xf32, #tpu.memory_space<vmem>> -> memref<128x128xf32, #tpu.memory_space<vmem>>
      %dma_wait3A_210 = arith.constant 0 : i32
      %dma_wait3A_211 = tpu.memref_slice %arg7[%select_n3A_74, %dma_wait3A_203, %dma_wait3A_210] : memref<2x8x128xi32, #tpu.memory_space<vmem>> -> memref<1x1x128xi32, #tpu.memory_space<vmem>>
      %dma_wait3A_212 = tpu.memref_squeeze %dma_wait3A_211 : memref<1x1x128xi32, #tpu.memory_space<vmem>> -> memref<128xi32, #tpu.memory_space<vmem>>
      %dma_wait3A_213 = arith.constant 0 : i32
      %dma_wait3A_214 = arith.constant 0 : i32
      %dma_wait3A_215 = tpu.memref_slice %arg2[%dma_wait3A_213, %dma_wait3A_214] : memref<40000x128xf32, #tpu.memory_space<hbm>> -> memref<40000x128xf32, #tpu.memory_space<hbm>>
      %dma_wait3A_216 = tpu.memref_slice %arg10[%dma_wait3A_205] : memref<2x!tpu.dma_semaphore, #tpu.memory_space<semaphore_mem>> -> memref<1x!tpu.dma_semaphore, #tpu.memory_space<semaphore_mem>>
      %dma_wait3A_217 = tpu.memref_squeeze %dma_wait3A_216 : memref<1x!tpu.dma_semaphore, #tpu.memory_space<semaphore_mem>> -> memref<!tpu.dma_semaphore, #tpu.memory_space<semaphore_mem>>
      tpu.wait_indirect_dma semaphore(%dma_wait3A_217 : memref<!tpu.dma_semaphore, #tpu.memory_space<semaphore_mem>>) src(%dma_wait3A_215 : memref<40000x128xf32, #tpu.memory_space<hbm>>) dst(%dma_wait3A_209 : memref<128x128xf32, #tpu.memory_space<vmem>>)
      %add3A_218 = arith.constant 1 : i32
      %add3A_219 = arith.addi %mul3A_76, %add3A_218 : i32
      %dma_start3A_220 = arith.constant 1 : i32
      %dma_start3A_221 = arith.constant 1 : i32
      %dma_start3A_222 = arith.constant 0 : i32
      %dma_start3A_223 = arith.constant 0 : i32
      %dma_start3A_224 = tpu.memref_slice %arg9[%dma_start3A_220, %dma_start3A_222, %dma_start3A_223] : memref<2x128x128xf32, #tpu.memory_space<vmem>> -> memref<1x128x128xf32, #tpu.memory_space<vmem>>
      %dma_start3A_225 = tpu.memref_squeeze %dma_start3A_224 : memref<1x128x128xf32, #tpu.memory_space<vmem>> -> memref<128x128xf32, #tpu.memory_space<vmem>>
      %dma_start3A_226 = arith.constant 0 : i32
      %dma_start3A_227 = tpu.memref_slice %arg8[%add3A_219, %dma_start3A_226] : memref<80x128xi32, #tpu.memory_space<vmem>> -> memref<1x128xi32, #tpu.memory_space<vmem>>
      %dma_start3A_228 = tpu.memref_squeeze %dma_start3A_227 : memref<1x128xi32, #tpu.memory_space<vmem>> -> memref<128xi32, #tpu.memory_space<vmem>>
      %dma_start3A_229 = arith.constant 0 : i32
      %dma_start3A_230 = arith.constant 0 : i32
      %dma_start3A_231 = tpu.memref_slice %arg6[%dma_start3A_229, %dma_start3A_230] : memref<10256x128xf32, #tpu.memory_space<vmem_shared>> -> memref<10256x128xf32, #tpu.memory_space<vmem_shared>>
      %dma_start3A_232 = tpu.memref_slice %arg11[%dma_start3A_221] : memref<2x!tpu.dma_semaphore, #tpu.memory_space<semaphore_mem>> -> memref<1x!tpu.dma_semaphore, #tpu.memory_space<semaphore_mem>>
      %dma_start3A_233 = tpu.memref_squeeze %dma_start3A_232 : memref<1x!tpu.dma_semaphore, #tpu.memory_space<semaphore_mem>> -> memref<!tpu.dma_semaphore, #tpu.memory_space<semaphore_mem>>
      tpu.enqueue_indirect_dma source(%dma_start3A_225 : memref<128x128xf32, #tpu.memory_space<vmem>>) target(%dma_start3A_231 : memref<10256x128xf32, #tpu.memory_space<vmem_shared>>) offsets(%dma_start3A_228 : memref<128xi32, #tpu.memory_space<vmem>>) semaphore(%dma_start3A_233 : memref<!tpu.dma_semaphore, #tpu.memory_space<semaphore_mem>>) {add = true}
      %add3A_234 = arith.constant 1 : i32
      %add3A_235 = arith.addi %mul3A_76, %add3A_234 : i32
      %dma_wait3A_236 = arith.constant 1 : i32
      %dma_wait3A_237 = arith.constant 1 : i32
      %dma_wait3A_238 = arith.constant 0 : i32
      %dma_wait3A_239 = arith.constant 0 : i32
      %dma_wait3A_240 = tpu.memref_slice %arg9[%dma_wait3A_236, %dma_wait3A_238, %dma_wait3A_239] : memref<2x128x128xf32, #tpu.memory_space<vmem>> -> memref<1x128x128xf32, #tpu.memory_space<vmem>>
      %dma_wait3A_241 = tpu.memref_squeeze %dma_wait3A_240 : memref<1x128x128xf32, #tpu.memory_space<vmem>> -> memref<128x128xf32, #tpu.memory_space<vmem>>
      %dma_wait3A_242 = arith.constant 0 : i32
      %dma_wait3A_243 = tpu.memref_slice %arg8[%add3A_235, %dma_wait3A_242] : memref<80x128xi32, #tpu.memory_space<vmem>> -> memref<1x128xi32, #tpu.memory_space<vmem>>
      %dma_wait3A_244 = tpu.memref_squeeze %dma_wait3A_243 : memref<1x128xi32, #tpu.memory_space<vmem>> -> memref<128xi32, #tpu.memory_space<vmem>>
      %dma_wait3A_245 = arith.constant 0 : i32
      %dma_wait3A_246 = arith.constant 0 : i32
      %dma_wait3A_247 = tpu.memref_slice %arg6[%dma_wait3A_245, %dma_wait3A_246] : memref<10256x128xf32, #tpu.memory_space<vmem_shared>> -> memref<10256x128xf32, #tpu.memory_space<vmem_shared>>
      %dma_wait3A_248 = tpu.memref_slice %arg11[%dma_wait3A_237] : memref<2x!tpu.dma_semaphore, #tpu.memory_space<semaphore_mem>> -> memref<1x!tpu.dma_semaphore, #tpu.memory_space<semaphore_mem>>
      %dma_wait3A_249 = tpu.memref_squeeze %dma_wait3A_248 : memref<1x!tpu.dma_semaphore, #tpu.memory_space<semaphore_mem>> -> memref<!tpu.dma_semaphore, #tpu.memory_space<semaphore_mem>>
      tpu.wait_indirect_dma semaphore(%dma_wait3A_249 : memref<!tpu.dma_semaphore, #tpu.memory_space<semaphore_mem>>) src(%dma_wait3A_241 : memref<128x128xf32, #tpu.memory_space<vmem>>) dst(%dma_wait3A_247 : memref<10256x128xf32, #tpu.memory_space<vmem_shared>>)
      %dma_start3A_250 = arith.constant 3 : i32
      %dma_start3A_251 = arith.constant 1 : i32
      %dma_start3A_252 = arith.constant 1 : i32
      %dma_start3A_253 = arith.constant 0 : i32
      %dma_start3A_254 = arith.constant 0 : i32
      %dma_start3A_255 = tpu.memref_slice %arg9[%dma_start3A_251, %dma_start3A_253, %dma_start3A_254] : memref<2x128x128xf32, #tpu.memory_space<vmem>> -> memref<1x128x128xf32, #tpu.memory_space<vmem>>
      %dma_start3A_256 = tpu.memref_squeeze %dma_start3A_255 : memref<1x128x128xf32, #tpu.memory_space<vmem>> -> memref<128x128xf32, #tpu.memory_space<vmem>>
      %dma_start3A_257 = arith.constant 0 : i32
      %dma_start3A_258 = tpu.memref_slice %arg7[%select_n3A_74, %dma_start3A_250, %dma_start3A_257] : memref<2x8x128xi32, #tpu.memory_space<vmem>> -> memref<1x1x128xi32, #tpu.memory_space<vmem>>
      %dma_start3A_259 = tpu.memref_squeeze %dma_start3A_258 : memref<1x1x128xi32, #tpu.memory_space<vmem>> -> memref<128xi32, #tpu.memory_space<vmem>>
      %dma_start3A_260 = arith.constant 0 : i32
      %dma_start3A_261 = arith.constant 0 : i32
      %dma_start3A_262 = tpu.memref_slice %arg2[%dma_start3A_260, %dma_start3A_261] : memref<40000x128xf32, #tpu.memory_space<hbm>> -> memref<40000x128xf32, #tpu.memory_space<hbm>>
      %dma_start3A_263 = tpu.memref_slice %arg10[%dma_start3A_252] : memref<2x!tpu.dma_semaphore, #tpu.memory_space<semaphore_mem>> -> memref<1x!tpu.dma_semaphore, #tpu.memory_space<semaphore_mem>>
      %dma_start3A_264 = tpu.memref_squeeze %dma_start3A_263 : memref<1x!tpu.dma_semaphore, #tpu.memory_space<semaphore_mem>> -> memref<!tpu.dma_semaphore, #tpu.memory_space<semaphore_mem>>
      tpu.enqueue_indirect_dma source(%dma_start3A_262 : memref<40000x128xf32, #tpu.memory_space<hbm>>) target(%dma_start3A_256 : memref<128x128xf32, #tpu.memory_space<vmem>>) offsets(%dma_start3A_259 : memref<128xi32, #tpu.memory_space<vmem>>) semaphore(%dma_start3A_264 : memref<!tpu.dma_semaphore, #tpu.memory_space<semaphore_mem>>)
      %dma_wait3A_265 = arith.constant 2 : i32
      %dma_wait3A_266 = arith.constant 0 : i32
      %dma_wait3A_267 = arith.constant 0 : i32
      %dma_wait3A_268 = arith.constant 0 : i32
      %dma_wait3A_269 = arith.constant 0 : i32
      %dma_wait3A_270 = tpu.memref_slice %arg9[%dma_wait3A_266, %dma_wait3A_268, %dma_wait3A_269] : memref<2x128x128xf32, #tpu.memory_space<vmem>> -> memref<1x128x128xf32, #tpu.memory_space<vmem>>
      %dma_wait3A_271 = tpu.memref_squeeze %dma_wait3A_270 : memref<1x128x128xf32, #tpu.memory_space<vmem>> -> memref<128x128xf32, #tpu.memory_space<vmem>>
      %dma_wait3A_272 = arith.constant 0 : i32
      %dma_wait3A_273 = tpu.memref_slice %arg7[%select_n3A_74, %dma_wait3A_265, %dma_wait3A_272] : memref<2x8x128xi32, #tpu.memory_space<vmem>> -> memref<1x1x128xi32, #tpu.memory_space<vmem>>
      %dma_wait3A_274 = tpu.memref_squeeze %dma_wait3A_273 : memref<1x1x128xi32, #tpu.memory_space<vmem>> -> memref<128xi32, #tpu.memory_space<vmem>>
      %dma_wait3A_275 = arith.constant 0 : i32
      %dma_wait3A_276 = arith.constant 0 : i32
      %dma_wait3A_277 = tpu.memref_slice %arg2[%dma_wait3A_275, %dma_wait3A_276] : memref<40000x128xf32, #tpu.memory_space<hbm>> -> memref<40000x128xf32, #tpu.memory_space<hbm>>
      %dma_wait3A_278 = tpu.memref_slice %arg10[%dma_wait3A_267] : memref<2x!tpu.dma_semaphore, #tpu.memory_space<semaphore_mem>> -> memref<1x!tpu.dma_semaphore, #tpu.memory_space<semaphore_mem>>
      %dma_wait3A_279 = tpu.memref_squeeze %dma_wait3A_278 : memref<1x!tpu.dma_semaphore, #tpu.memory_space<semaphore_mem>> -> memref<!tpu.dma_semaphore, #tpu.memory_space<semaphore_mem>>
      tpu.wait_indirect_dma semaphore(%dma_wait3A_279 : memref<!tpu.dma_semaphore, #tpu.memory_space<semaphore_mem>>) src(%dma_wait3A_277 : memref<40000x128xf32, #tpu.memory_space<hbm>>) dst(%dma_wait3A_271 : memref<128x128xf32, #tpu.memory_space<vmem>>)
      %add3A_280 = arith.constant 2 : i32
      %add3A_281 = arith.addi %mul3A_76, %add3A_280 : i32
      %dma_start3A_282 = arith.constant 0 : i32
      %dma_start3A_283 = arith.constant 0 : i32
      %dma_start3A_284 = arith.constant 0 : i32
      %dma_start3A_285 = arith.constant 0 : i32
      %dma_start3A_286 = tpu.memref_slice %arg9[%dma_start3A_282, %dma_start3A_284, %dma_start3A_285] : memref<2x128x128xf32, #tpu.memory_space<vmem>> -> memref<1x128x128xf32, #tpu.memory_space<vmem>>
      %dma_start3A_287 = tpu.memref_squeeze %dma_start3A_286 : memref<1x128x128xf32, #tpu.memory_space<vmem>> -> memref<128x128xf32, #tpu.memory_space<vmem>>
      %dma_start3A_288 = arith.constant 0 : i32
      %dma_start3A_289 = tpu.memref_slice %arg8[%add3A_281, %dma_start3A_288] : memref<80x128xi32, #tpu.memory_space<vmem>> -> memref<1x128xi32, #tpu.memory_space<vmem>>
      %dma_start3A_290 = tpu.memref_squeeze %dma_start3A_289 : memref<1x128xi32, #tpu.memory_space<vmem>> -> memref<128xi32, #tpu.memory_space<vmem>>
      %dma_start3A_291 = arith.constant 0 : i32
      %dma_start3A_292 = arith.constant 0 : i32
      %dma_start3A_293 = tpu.memref_slice %arg6[%dma_start3A_291, %dma_start3A_292] : memref<10256x128xf32, #tpu.memory_space<vmem_shared>> -> memref<10256x128xf32, #tpu.memory_space<vmem_shared>>
      %dma_start3A_294 = tpu.memref_slice %arg11[%dma_start3A_283] : memref<2x!tpu.dma_semaphore, #tpu.memory_space<semaphore_mem>> -> memref<1x!tpu.dma_semaphore, #tpu.memory_space<semaphore_mem>>
      %dma_start3A_295 = tpu.memref_squeeze %dma_start3A_294 : memref<1x!tpu.dma_semaphore, #tpu.memory_space<semaphore_mem>> -> memref<!tpu.dma_semaphore, #tpu.memory_space<semaphore_mem>>
      tpu.enqueue_indirect_dma source(%dma_start3A_287 : memref<128x128xf32, #tpu.memory_space<vmem>>) target(%dma_start3A_293 : memref<10256x128xf32, #tpu.memory_space<vmem_shared>>) offsets(%dma_start3A_290 : memref<128xi32, #tpu.memory_space<vmem>>) semaphore(%dma_start3A_295 : memref<!tpu.dma_semaphore, #tpu.memory_space<semaphore_mem>>) {add = true}
      %add3A_296 = arith.constant 2 : i32
      %add3A_297 = arith.addi %mul3A_76, %add3A_296 : i32
      %dma_wait3A_298 = arith.constant 0 : i32
      %dma_wait3A_299 = arith.constant 0 : i32
      %dma_wait3A_300 = arith.constant 0 : i32
      %dma_wait3A_301 = arith.constant 0 : i32
      %dma_wait3A_302 = tpu.memref_slice %arg9[%dma_wait3A_298, %dma_wait3A_300, %dma_wait3A_301] : memref<2x128x128xf32, #tpu.memory_space<vmem>> -> memref<1x128x128xf32, #tpu.memory_space<vmem>>
      %dma_wait3A_303 = tpu.memref_squeeze %dma_wait3A_302 : memref<1x128x128xf32, #tpu.memory_space<vmem>> -> memref<128x128xf32, #tpu.memory_space<vmem>>
      %dma_wait3A_304 = arith.constant 0 : i32
      %dma_wait3A_305 = tpu.memref_slice %arg8[%add3A_297, %dma_wait3A_304] : memref<80x128xi32, #tpu.memory_space<vmem>> -> memref<1x128xi32, #tpu.memory_space<vmem>>
      %dma_wait3A_306 = tpu.memref_squeeze %dma_wait3A_305 : memref<1x128xi32, #tpu.memory_space<vmem>> -> memref<128xi32, #tpu.memory_space<vmem>>
      %dma_wait3A_307 = arith.constant 0 : i32
      %dma_wait3A_308 = arith.constant 0 : i32
      %dma_wait3A_309 = tpu.memref_slice %arg6[%dma_wait3A_307, %dma_wait3A_308] : memref<10256x128xf32, #tpu.memory_space<vmem_shared>> -> memref<10256x128xf32, #tpu.memory_space<vmem_shared>>
      %dma_wait3A_310 = tpu.memref_slice %arg11[%dma_wait3A_299] : memref<2x!tpu.dma_semaphore, #tpu.memory_space<semaphore_mem>> -> memref<1x!tpu.dma_semaphore, #tpu.memory_space<semaphore_mem>>
      %dma_wait3A_311 = tpu.memref_squeeze %dma_wait3A_310 : memref<1x!tpu.dma_semaphore, #tpu.memory_space<semaphore_mem>> -> memref<!tpu.dma_semaphore, #tpu.memory_space<semaphore_mem>>
      tpu.wait_indirect_dma semaphore(%dma_wait3A_311 : memref<!tpu.dma_semaphore, #tpu.memory_space<semaphore_mem>>) src(%dma_wait3A_303 : memref<128x128xf32, #tpu.memory_space<vmem>>) dst(%dma_wait3A_309 : memref<10256x128xf32, #tpu.memory_space<vmem_shared>>)
      %dma_start3A_312 = arith.constant 4 : i32
      %dma_start3A_313 = arith.constant 0 : i32
      %dma_start3A_314 = arith.constant 0 : i32
      %dma_start3A_315 = arith.constant 0 : i32
      %dma_start3A_316 = arith.constant 0 : i32
      %dma_start3A_317 = tpu.memref_slice %arg9[%dma_start3A_313, %dma_start3A_315, %dma_start3A_316] : memref<2x128x128xf32, #tpu.memory_space<vmem>> -> memref<1x128x128xf32, #tpu.memory_space<vmem>>
      %dma_start3A_318 = tpu.memref_squeeze %dma_start3A_317 : memref<1x128x128xf32, #tpu.memory_space<vmem>> -> memref<128x128xf32, #tpu.memory_space<vmem>>
      %dma_start3A_319 = arith.constant 0 : i32
      %dma_start3A_320 = tpu.memref_slice %arg7[%select_n3A_74, %dma_start3A_312, %dma_start3A_319] : memref<2x8x128xi32, #tpu.memory_space<vmem>> -> memref<1x1x128xi32, #tpu.memory_space<vmem>>
      %dma_start3A_321 = tpu.memref_squeeze %dma_start3A_320 : memref<1x1x128xi32, #tpu.memory_space<vmem>> -> memref<128xi32, #tpu.memory_space<vmem>>
      %dma_start3A_322 = arith.constant 0 : i32
      %dma_start3A_323 = arith.constant 0 : i32
      %dma_start3A_324 = tpu.memref_slice %arg2[%dma_start3A_322, %dma_start3A_323] : memref<40000x128xf32, #tpu.memory_space<hbm>> -> memref<40000x128xf32, #tpu.memory_space<hbm>>
      %dma_start3A_325 = tpu.memref_slice %arg10[%dma_start3A_314] : memref<2x!tpu.dma_semaphore, #tpu.memory_space<semaphore_mem>> -> memref<1x!tpu.dma_semaphore, #tpu.memory_space<semaphore_mem>>
      %dma_start3A_326 = tpu.memref_squeeze %dma_start3A_325 : memref<1x!tpu.dma_semaphore, #tpu.memory_space<semaphore_mem>> -> memref<!tpu.dma_semaphore, #tpu.memory_space<semaphore_mem>>
      tpu.enqueue_indirect_dma source(%dma_start3A_324 : memref<40000x128xf32, #tpu.memory_space<hbm>>) target(%dma_start3A_318 : memref<128x128xf32, #tpu.memory_space<vmem>>) offsets(%dma_start3A_321 : memref<128xi32, #tpu.memory_space<vmem>>) semaphore(%dma_start3A_326 : memref<!tpu.dma_semaphore, #tpu.memory_space<semaphore_mem>>)
      %dma_wait3A_327 = arith.constant 3 : i32
      %dma_wait3A_328 = arith.constant 1 : i32
      %dma_wait3A_329 = arith.constant 1 : i32
      %dma_wait3A_330 = arith.constant 0 : i32
      %dma_wait3A_331 = arith.constant 0 : i32
      %dma_wait3A_332 = tpu.memref_slice %arg9[%dma_wait3A_328, %dma_wait3A_330, %dma_wait3A_331] : memref<2x128x128xf32, #tpu.memory_space<vmem>> -> memref<1x128x128xf32, #tpu.memory_space<vmem>>
      %dma_wait3A_333 = tpu.memref_squeeze %dma_wait3A_332 : memref<1x128x128xf32, #tpu.memory_space<vmem>> -> memref<128x128xf32, #tpu.memory_space<vmem>>
      %dma_wait3A_334 = arith.constant 0 : i32
      %dma_wait3A_335 = tpu.memref_slice %arg7[%select_n3A_74, %dma_wait3A_327, %dma_wait3A_334] : memref<2x8x128xi32, #tpu.memory_space<vmem>> -> memref<1x1x128xi32, #tpu.memory_space<vmem>>
      %dma_wait3A_336 = tpu.memref_squeeze %dma_wait3A_335 : memref<1x1x128xi32, #tpu.memory_space<vmem>> -> memref<128xi32, #tpu.memory_space<vmem>>
      %dma_wait3A_337 = arith.constant 0 : i32
      %dma_wait3A_338 = arith.constant 0 : i32
      %dma_wait3A_339 = tpu.memref_slice %arg2[%dma_wait3A_337, %dma_wait3A_338] : memref<40000x128xf32, #tpu.memory_space<hbm>> -> memref<40000x128xf32, #tpu.memory_space<hbm>>
      %dma_wait3A_340 = tpu.memref_slice %arg10[%dma_wait3A_329] : memref<2x!tpu.dma_semaphore, #tpu.memory_space<semaphore_mem>> -> memref<1x!tpu.dma_semaphore, #tpu.memory_space<semaphore_mem>>
      %dma_wait3A_341 = tpu.memref_squeeze %dma_wait3A_340 : memref<1x!tpu.dma_semaphore, #tpu.memory_space<semaphore_mem>> -> memref<!tpu.dma_semaphore, #tpu.memory_space<semaphore_mem>>
      tpu.wait_indirect_dma semaphore(%dma_wait3A_341 : memref<!tpu.dma_semaphore, #tpu.memory_space<semaphore_mem>>) src(%dma_wait3A_339 : memref<40000x128xf32, #tpu.memory_space<hbm>>) dst(%dma_wait3A_333 : memref<128x128xf32, #tpu.memory_space<vmem>>)
      %add3A_342 = arith.constant 3 : i32
      %add3A_343 = arith.addi %mul3A_76, %add3A_342 : i32
      %dma_start3A_344 = arith.constant 1 : i32
      %dma_start3A_345 = arith.constant 1 : i32
      %dma_start3A_346 = arith.constant 0 : i32
      %dma_start3A_347 = arith.constant 0 : i32
      %dma_start3A_348 = tpu.memref_slice %arg9[%dma_start3A_344, %dma_start3A_346, %dma_start3A_347] : memref<2x128x128xf32, #tpu.memory_space<vmem>> -> memref<1x128x128xf32, #tpu.memory_space<vmem>>
      %dma_start3A_349 = tpu.memref_squeeze %dma_start3A_348 : memref<1x128x128xf32, #tpu.memory_space<vmem>> -> memref<128x128xf32, #tpu.memory_space<vmem>>
      %dma_start3A_350 = arith.constant 0 : i32
      %dma_start3A_351 = tpu.memref_slice %arg8[%add3A_343, %dma_start3A_350] : memref<80x128xi32, #tpu.memory_space<vmem>> -> memref<1x128xi32, #tpu.memory_space<vmem>>
      %dma_start3A_352 = tpu.memref_squeeze %dma_start3A_351 : memref<1x128xi32, #tpu.memory_space<vmem>> -> memref<128xi32, #tpu.memory_space<vmem>>
      %dma_start3A_353 = arith.constant 0 : i32
      %dma_start3A_354 = arith.constant 0 : i32
      %dma_start3A_355 = tpu.memref_slice %arg6[%dma_start3A_353, %dma_start3A_354] : memref<10256x128xf32, #tpu.memory_space<vmem_shared>> -> memref<10256x128xf32, #tpu.memory_space<vmem_shared>>
      %dma_start3A_356 = tpu.memref_slice %arg11[%dma_start3A_345] : memref<2x!tpu.dma_semaphore, #tpu.memory_space<semaphore_mem>> -> memref<1x!tpu.dma_semaphore, #tpu.memory_space<semaphore_mem>>
      %dma_start3A_357 = tpu.memref_squeeze %dma_start3A_356 : memref<1x!tpu.dma_semaphore, #tpu.memory_space<semaphore_mem>> -> memref<!tpu.dma_semaphore, #tpu.memory_space<semaphore_mem>>
      tpu.enqueue_indirect_dma source(%dma_start3A_349 : memref<128x128xf32, #tpu.memory_space<vmem>>) target(%dma_start3A_355 : memref<10256x128xf32, #tpu.memory_space<vmem_shared>>) offsets(%dma_start3A_352 : memref<128xi32, #tpu.memory_space<vmem>>) semaphore(%dma_start3A_357 : memref<!tpu.dma_semaphore, #tpu.memory_space<semaphore_mem>>) {add = true}
      %add3A_358 = arith.constant 3 : i32
      %add3A_359 = arith.addi %mul3A_76, %add3A_358 : i32
      %dma_wait3A_360 = arith.constant 1 : i32
      %dma_wait3A_361 = arith.constant 1 : i32
      %dma_wait3A_362 = arith.constant 0 : i32
      %dma_wait3A_363 = arith.constant 0 : i32
      %dma_wait3A_364 = tpu.memref_slice %arg9[%dma_wait3A_360, %dma_wait3A_362, %dma_wait3A_363] : memref<2x128x128xf32, #tpu.memory_space<vmem>> -> memref<1x128x128xf32, #tpu.memory_space<vmem>>
      %dma_wait3A_365 = tpu.memref_squeeze %dma_wait3A_364 : memref<1x128x128xf32, #tpu.memory_space<vmem>> -> memref<128x128xf32, #tpu.memory_space<vmem>>
      %dma_wait3A_366 = arith.constant 0 : i32
      %dma_wait3A_367 = tpu.memref_slice %arg8[%add3A_359, %dma_wait3A_366] : memref<80x128xi32, #tpu.memory_space<vmem>> -> memref<1x128xi32, #tpu.memory_space<vmem>>
      %dma_wait3A_368 = tpu.memref_squeeze %dma_wait3A_367 : memref<1x128xi32, #tpu.memory_space<vmem>> -> memref<128xi32, #tpu.memory_space<vmem>>
      %dma_wait3A_369 = arith.constant 0 : i32
      %dma_wait3A_370 = arith.constant 0 : i32
      %dma_wait3A_371 = tpu.memref_slice %arg6[%dma_wait3A_369, %dma_wait3A_370] : memref<10256x128xf32, #tpu.memory_space<vmem_shared>> -> memref<10256x128xf32, #tpu.memory_space<vmem_shared>>
      %dma_wait3A_372 = tpu.memref_slice %arg11[%dma_wait3A_361] : memref<2x!tpu.dma_semaphore, #tpu.memory_space<semaphore_mem>> -> memref<1x!tpu.dma_semaphore, #tpu.memory_space<semaphore_mem>>
      %dma_wait3A_373 = tpu.memref_squeeze %dma_wait3A_372 : memref<1x!tpu.dma_semaphore, #tpu.memory_space<semaphore_mem>> -> memref<!tpu.dma_semaphore, #tpu.memory_space<semaphore_mem>>
      tpu.wait_indirect_dma semaphore(%dma_wait3A_373 : memref<!tpu.dma_semaphore, #tpu.memory_space<semaphore_mem>>) src(%dma_wait3A_365 : memref<128x128xf32, #tpu.memory_space<vmem>>) dst(%dma_wait3A_371 : memref<10256x128xf32, #tpu.memory_space<vmem_shared>>)
      %dma_start3A_374 = arith.constant 5 : i32
      %dma_start3A_375 = arith.constant 1 : i32
      %dma_start3A_376 = arith.constant 1 : i32
      %dma_start3A_377 = arith.constant 0 : i32
      %dma_start3A_378 = arith.constant 0 : i32
      %dma_start3A_379 = tpu.memref_slice %arg9[%dma_start3A_375, %dma_start3A_377, %dma_start3A_378] : memref<2x128x128xf32, #tpu.memory_space<vmem>> -> memref<1x128x128xf32, #tpu.memory_space<vmem>>
      %dma_start3A_380 = tpu.memref_squeeze %dma_start3A_379 : memref<1x128x128xf32, #tpu.memory_space<vmem>> -> memref<128x128xf32, #tpu.memory_space<vmem>>
      %dma_start3A_381 = arith.constant 0 : i32
      %dma_start3A_382 = tpu.memref_slice %arg7[%select_n3A_74, %dma_start3A_374, %dma_start3A_381] : memref<2x8x128xi32, #tpu.memory_space<vmem>> -> memref<1x1x128xi32, #tpu.memory_space<vmem>>
      %dma_start3A_383 = tpu.memref_squeeze %dma_start3A_382 : memref<1x1x128xi32, #tpu.memory_space<vmem>> -> memref<128xi32, #tpu.memory_space<vmem>>
      %dma_start3A_384 = arith.constant 0 : i32
      %dma_start3A_385 = arith.constant 0 : i32
      %dma_start3A_386 = tpu.memref_slice %arg2[%dma_start3A_384, %dma_start3A_385] : memref<40000x128xf32, #tpu.memory_space<hbm>> -> memref<40000x128xf32, #tpu.memory_space<hbm>>
      %dma_start3A_387 = tpu.memref_slice %arg10[%dma_start3A_376] : memref<2x!tpu.dma_semaphore, #tpu.memory_space<semaphore_mem>> -> memref<1x!tpu.dma_semaphore, #tpu.memory_space<semaphore_mem>>
      %dma_start3A_388 = tpu.memref_squeeze %dma_start3A_387 : memref<1x!tpu.dma_semaphore, #tpu.memory_space<semaphore_mem>> -> memref<!tpu.dma_semaphore, #tpu.memory_space<semaphore_mem>>
      tpu.enqueue_indirect_dma source(%dma_start3A_386 : memref<40000x128xf32, #tpu.memory_space<hbm>>) target(%dma_start3A_380 : memref<128x128xf32, #tpu.memory_space<vmem>>) offsets(%dma_start3A_383 : memref<128xi32, #tpu.memory_space<vmem>>) semaphore(%dma_start3A_388 : memref<!tpu.dma_semaphore, #tpu.memory_space<semaphore_mem>>)
      %dma_wait3A_389 = arith.constant 4 : i32
      %dma_wait3A_390 = arith.constant 0 : i32
      %dma_wait3A_391 = arith.constant 0 : i32
      %dma_wait3A_392 = arith.constant 0 : i32
      %dma_wait3A_393 = arith.constant 0 : i32
      %dma_wait3A_394 = tpu.memref_slice %arg9[%dma_wait3A_390, %dma_wait3A_392, %dma_wait3A_393] : memref<2x128x128xf32, #tpu.memory_space<vmem>> -> memref<1x128x128xf32, #tpu.memory_space<vmem>>
      %dma_wait3A_395 = tpu.memref_squeeze %dma_wait3A_394 : memref<1x128x128xf32, #tpu.memory_space<vmem>> -> memref<128x128xf32, #tpu.memory_space<vmem>>
      %dma_wait3A_396 = arith.constant 0 : i32
      %dma_wait3A_397 = tpu.memref_slice %arg7[%select_n3A_74, %dma_wait3A_389, %dma_wait3A_396] : memref<2x8x128xi32, #tpu.memory_space<vmem>> -> memref<1x1x128xi32, #tpu.memory_space<vmem>>
      %dma_wait3A_398 = tpu.memref_squeeze %dma_wait3A_397 : memref<1x1x128xi32, #tpu.memory_space<vmem>> -> memref<128xi32, #tpu.memory_space<vmem>>
      %dma_wait3A_399 = arith.constant 0 : i32
      %dma_wait3A_400 = arith.constant 0 : i32
      %dma_wait3A_401 = tpu.memref_slice %arg2[%dma_wait3A_399, %dma_wait3A_400] : memref<40000x128xf32, #tpu.memory_space<hbm>> -> memref<40000x128xf32, #tpu.memory_space<hbm>>
      %dma_wait3A_402 = tpu.memref_slice %arg10[%dma_wait3A_391] : memref<2x!tpu.dma_semaphore, #tpu.memory_space<semaphore_mem>> -> memref<1x!tpu.dma_semaphore, #tpu.memory_space<semaphore_mem>>
      %dma_wait3A_403 = tpu.memref_squeeze %dma_wait3A_402 : memref<1x!tpu.dma_semaphore, #tpu.memory_space<semaphore_mem>> -> memref<!tpu.dma_semaphore, #tpu.memory_space<semaphore_mem>>
      tpu.wait_indirect_dma semaphore(%dma_wait3A_403 : memref<!tpu.dma_semaphore, #tpu.memory_space<semaphore_mem>>) src(%dma_wait3A_401 : memref<40000x128xf32, #tpu.memory_space<hbm>>) dst(%dma_wait3A_395 : memref<128x128xf32, #tpu.memory_space<vmem>>)
      %add3A_404 = arith.constant 4 : i32
      %add3A_405 = arith.addi %mul3A_76, %add3A_404 : i32
      %dma_start3A_406 = arith.constant 0 : i32
      %dma_start3A_407 = arith.constant 0 : i32
      %dma_start3A_408 = arith.constant 0 : i32
      %dma_start3A_409 = arith.constant 0 : i32
      %dma_start3A_410 = tpu.memref_slice %arg9[%dma_start3A_406, %dma_start3A_408, %dma_start3A_409] : memref<2x128x128xf32, #tpu.memory_space<vmem>> -> memref<1x128x128xf32, #tpu.memory_space<vmem>>
      %dma_start3A_411 = tpu.memref_squeeze %dma_start3A_410 : memref<1x128x128xf32, #tpu.memory_space<vmem>> -> memref<128x128xf32, #tpu.memory_space<vmem>>
      %dma_start3A_412 = arith.constant 0 : i32
      %dma_start3A_413 = tpu.memref_slice %arg8[%add3A_405, %dma_start3A_412] : memref<80x128xi32, #tpu.memory_space<vmem>> -> memref<1x128xi32, #tpu.memory_space<vmem>>
      %dma_start3A_414 = tpu.memref_squeeze %dma_start3A_413 : memref<1x128xi32, #tpu.memory_space<vmem>> -> memref<128xi32, #tpu.memory_space<vmem>>
      %dma_start3A_415 = arith.constant 0 : i32
      %dma_start3A_416 = arith.constant 0 : i32
      %dma_start3A_417 = tpu.memref_slice %arg6[%dma_start3A_415, %dma_start3A_416] : memref<10256x128xf32, #tpu.memory_space<vmem_shared>> -> memref<10256x128xf32, #tpu.memory_space<vmem_shared>>
      %dma_start3A_418 = tpu.memref_slice %arg11[%dma_start3A_407] : memref<2x!tpu.dma_semaphore, #tpu.memory_space<semaphore_mem>> -> memref<1x!tpu.dma_semaphore, #tpu.memory_space<semaphore_mem>>
      %dma_start3A_419 = tpu.memref_squeeze %dma_start3A_418 : memref<1x!tpu.dma_semaphore, #tpu.memory_space<semaphore_mem>> -> memref<!tpu.dma_semaphore, #tpu.memory_space<semaphore_mem>>
      tpu.enqueue_indirect_dma source(%dma_start3A_411 : memref<128x128xf32, #tpu.memory_space<vmem>>) target(%dma_start3A_417 : memref<10256x128xf32, #tpu.memory_space<vmem_shared>>) offsets(%dma_start3A_414 : memref<128xi32, #tpu.memory_space<vmem>>) semaphore(%dma_start3A_419 : memref<!tpu.dma_semaphore, #tpu.memory_space<semaphore_mem>>) {add = true}
      %add3A_420 = arith.constant 4 : i32
      %add3A_421 = arith.addi %mul3A_76, %add3A_420 : i32
      %dma_wait3A_422 = arith.constant 0 : i32
      %dma_wait3A_423 = arith.constant 0 : i32
      %dma_wait3A_424 = arith.constant 0 : i32
      %dma_wait3A_425 = arith.constant 0 : i32
      %dma_wait3A_426 = tpu.memref_slice %arg9[%dma_wait3A_422, %dma_wait3A_424, %dma_wait3A_425] : memref<2x128x128xf32, #tpu.memory_space<vmem>> -> memref<1x128x128xf32, #tpu.memory_space<vmem>>
      %dma_wait3A_427 = tpu.memref_squeeze %dma_wait3A_426 : memref<1x128x128xf32, #tpu.memory_space<vmem>> -> memref<128x128xf32, #tpu.memory_space<vmem>>
      %dma_wait3A_428 = arith.constant 0 : i32
      %dma_wait3A_429 = tpu.memref_slice %arg8[%add3A_421, %dma_wait3A_428] : memref<80x128xi32, #tpu.memory_space<vmem>> -> memref<1x128xi32, #tpu.memory_space<vmem>>
      %dma_wait3A_430 = tpu.memref_squeeze %dma_wait3A_429 : memref<1x128xi32, #tpu.memory_space<vmem>> -> memref<128xi32, #tpu.memory_space<vmem>>
      %dma_wait3A_431 = arith.constant 0 : i32
      %dma_wait3A_432 = arith.constant 0 : i32
      %dma_wait3A_433 = tpu.memref_slice %arg6[%dma_wait3A_431, %dma_wait3A_432] : memref<10256x128xf32, #tpu.memory_space<vmem_shared>> -> memref<10256x128xf32, #tpu.memory_space<vmem_shared>>
      %dma_wait3A_434 = tpu.memref_slice %arg11[%dma_wait3A_423] : memref<2x!tpu.dma_semaphore, #tpu.memory_space<semaphore_mem>> -> memref<1x!tpu.dma_semaphore, #tpu.memory_space<semaphore_mem>>
      %dma_wait3A_435 = tpu.memref_squeeze %dma_wait3A_434 : memref<1x!tpu.dma_semaphore, #tpu.memory_space<semaphore_mem>> -> memref<!tpu.dma_semaphore, #tpu.memory_space<semaphore_mem>>
      tpu.wait_indirect_dma semaphore(%dma_wait3A_435 : memref<!tpu.dma_semaphore, #tpu.memory_space<semaphore_mem>>) src(%dma_wait3A_427 : memref<128x128xf32, #tpu.memory_space<vmem>>) dst(%dma_wait3A_433 : memref<10256x128xf32, #tpu.memory_space<vmem_shared>>)
      %dma_start3A_436 = arith.constant 6 : i32
      %dma_start3A_437 = arith.constant 0 : i32
      %dma_start3A_438 = arith.constant 0 : i32
      %dma_start3A_439 = arith.constant 0 : i32
      %dma_start3A_440 = arith.constant 0 : i32
      %dma_start3A_441 = tpu.memref_slice %arg9[%dma_start3A_437, %dma_start3A_439, %dma_start3A_440] : memref<2x128x128xf32, #tpu.memory_space<vmem>> -> memref<1x128x128xf32, #tpu.memory_space<vmem>>
      %dma_start3A_442 = tpu.memref_squeeze %dma_start3A_441 : memref<1x128x128xf32, #tpu.memory_space<vmem>> -> memref<128x128xf32, #tpu.memory_space<vmem>>
      %dma_start3A_443 = arith.constant 0 : i32
      %dma_start3A_444 = tpu.memref_slice %arg7[%select_n3A_74, %dma_start3A_436, %dma_start3A_443] : memref<2x8x128xi32, #tpu.memory_space<vmem>> -> memref<1x1x128xi32, #tpu.memory_space<vmem>>
      %dma_start3A_445 = tpu.memref_squeeze %dma_start3A_444 : memref<1x1x128xi32, #tpu.memory_space<vmem>> -> memref<128xi32, #tpu.memory_space<vmem>>
      %dma_start3A_446 = arith.constant 0 : i32
      %dma_start3A_447 = arith.constant 0 : i32
      %dma_start3A_448 = tpu.memref_slice %arg2[%dma_start3A_446, %dma_start3A_447] : memref<40000x128xf32, #tpu.memory_space<hbm>> -> memref<40000x128xf32, #tpu.memory_space<hbm>>
      %dma_start3A_449 = tpu.memref_slice %arg10[%dma_start3A_438] : memref<2x!tpu.dma_semaphore, #tpu.memory_space<semaphore_mem>> -> memref<1x!tpu.dma_semaphore, #tpu.memory_space<semaphore_mem>>
      %dma_start3A_450 = tpu.memref_squeeze %dma_start3A_449 : memref<1x!tpu.dma_semaphore, #tpu.memory_space<semaphore_mem>> -> memref<!tpu.dma_semaphore, #tpu.memory_space<semaphore_mem>>
      tpu.enqueue_indirect_dma source(%dma_start3A_448 : memref<40000x128xf32, #tpu.memory_space<hbm>>) target(%dma_start3A_442 : memref<128x128xf32, #tpu.memory_space<vmem>>) offsets(%dma_start3A_445 : memref<128xi32, #tpu.memory_space<vmem>>) semaphore(%dma_start3A_450 : memref<!tpu.dma_semaphore, #tpu.memory_space<semaphore_mem>>)
      %dma_wait3A_451 = arith.constant 5 : i32
      %dma_wait3A_452 = arith.constant 1 : i32
      %dma_wait3A_453 = arith.constant 1 : i32
      %dma_wait3A_454 = arith.constant 0 : i32
      %dma_wait3A_455 = arith.constant 0 : i32
      %dma_wait3A_456 = tpu.memref_slice %arg9[%dma_wait3A_452, %dma_wait3A_454, %dma_wait3A_455] : memref<2x128x128xf32, #tpu.memory_space<vmem>> -> memref<1x128x128xf32, #tpu.memory_space<vmem>>
      %dma_wait3A_457 = tpu.memref_squeeze %dma_wait3A_456 : memref<1x128x128xf32, #tpu.memory_space<vmem>> -> memref<128x128xf32, #tpu.memory_space<vmem>>
      %dma_wait3A_458 = arith.constant 0 : i32
      %dma_wait3A_459 = tpu.memref_slice %arg7[%select_n3A_74, %dma_wait3A_451, %dma_wait3A_458] : memref<2x8x128xi32, #tpu.memory_space<vmem>> -> memref<1x1x128xi32, #tpu.memory_space<vmem>>
      %dma_wait3A_460 = tpu.memref_squeeze %dma_wait3A_459 : memref<1x1x128xi32, #tpu.memory_space<vmem>> -> memref<128xi32, #tpu.memory_space<vmem>>
      %dma_wait3A_461 = arith.constant 0 : i32
      %dma_wait3A_462 = arith.constant 0 : i32
      %dma_wait3A_463 = tpu.memref_slice %arg2[%dma_wait3A_461, %dma_wait3A_462] : memref<40000x128xf32, #tpu.memory_space<hbm>> -> memref<40000x128xf32, #tpu.memory_space<hbm>>
      %dma_wait3A_464 = tpu.memref_slice %arg10[%dma_wait3A_453] : memref<2x!tpu.dma_semaphore, #tpu.memory_space<semaphore_mem>> -> memref<1x!tpu.dma_semaphore, #tpu.memory_space<semaphore_mem>>
      %dma_wait3A_465 = tpu.memref_squeeze %dma_wait3A_464 : memref<1x!tpu.dma_semaphore, #tpu.memory_space<semaphore_mem>> -> memref<!tpu.dma_semaphore, #tpu.memory_space<semaphore_mem>>
      tpu.wait_indirect_dma semaphore(%dma_wait3A_465 : memref<!tpu.dma_semaphore, #tpu.memory_space<semaphore_mem>>) src(%dma_wait3A_463 : memref<40000x128xf32, #tpu.memory_space<hbm>>) dst(%dma_wait3A_457 : memref<128x128xf32, #tpu.memory_space<vmem>>)
      %add3A_466 = arith.constant 5 : i32
      %add3A_467 = arith.addi %mul3A_76, %add3A_466 : i32
      %dma_start3A_468 = arith.constant 1 : i32
      %dma_start3A_469 = arith.constant 1 : i32
      %dma_start3A_470 = arith.constant 0 : i32
      %dma_start3A_471 = arith.constant 0 : i32
      %dma_start3A_472 = tpu.memref_slice %arg9[%dma_start3A_468, %dma_start3A_470, %dma_start3A_471] : memref<2x128x128xf32, #tpu.memory_space<vmem>> -> memref<1x128x128xf32, #tpu.memory_space<vmem>>
      %dma_start3A_473 = tpu.memref_squeeze %dma_start3A_472 : memref<1x128x128xf32, #tpu.memory_space<vmem>> -> memref<128x128xf32, #tpu.memory_space<vmem>>
      %dma_start3A_474 = arith.constant 0 : i32
      %dma_start3A_475 = tpu.memref_slice %arg8[%add3A_467, %dma_start3A_474] : memref<80x128xi32, #tpu.memory_space<vmem>> -> memref<1x128xi32, #tpu.memory_space<vmem>>
      %dma_start3A_476 = tpu.memref_squeeze %dma_start3A_475 : memref<1x128xi32, #tpu.memory_space<vmem>> -> memref<128xi32, #tpu.memory_space<vmem>>
      %dma_start3A_477 = arith.constant 0 : i32
      %dma_start3A_478 = arith.constant 0 : i32
      %dma_start3A_479 = tpu.memref_slice %arg6[%dma_start3A_477, %dma_start3A_478] : memref<10256x128xf32, #tpu.memory_space<vmem_shared>> -> memref<10256x128xf32, #tpu.memory_space<vmem_shared>>
      %dma_start3A_480 = tpu.memref_slice %arg11[%dma_start3A_469] : memref<2x!tpu.dma_semaphore, #tpu.memory_space<semaphore_mem>> -> memref<1x!tpu.dma_semaphore, #tpu.memory_space<semaphore_mem>>
      %dma_start3A_481 = tpu.memref_squeeze %dma_start3A_480 : memref<1x!tpu.dma_semaphore, #tpu.memory_space<semaphore_mem>> -> memref<!tpu.dma_semaphore, #tpu.memory_space<semaphore_mem>>
      tpu.enqueue_indirect_dma source(%dma_start3A_473 : memref<128x128xf32, #tpu.memory_space<vmem>>) target(%dma_start3A_479 : memref<10256x128xf32, #tpu.memory_space<vmem_shared>>) offsets(%dma_start3A_476 : memref<128xi32, #tpu.memory_space<vmem>>) semaphore(%dma_start3A_481 : memref<!tpu.dma_semaphore, #tpu.memory_space<semaphore_mem>>) {add = true}
      %add3A_482 = arith.constant 5 : i32
      %add3A_483 = arith.addi %mul3A_76, %add3A_482 : i32
      %dma_wait3A_484 = arith.constant 1 : i32
      %dma_wait3A_485 = arith.constant 1 : i32
      %dma_wait3A_486 = arith.constant 0 : i32
      %dma_wait3A_487 = arith.constant 0 : i32
      %dma_wait3A_488 = tpu.memref_slice %arg9[%dma_wait3A_484, %dma_wait3A_486, %dma_wait3A_487] : memref<2x128x128xf32, #tpu.memory_space<vmem>> -> memref<1x128x128xf32, #tpu.memory_space<vmem>>
      %dma_wait3A_489 = tpu.memref_squeeze %dma_wait3A_488 : memref<1x128x128xf32, #tpu.memory_space<vmem>> -> memref<128x128xf32, #tpu.memory_space<vmem>>
      %dma_wait3A_490 = arith.constant 0 : i32
      %dma_wait3A_491 = tpu.memref_slice %arg8[%add3A_483, %dma_wait3A_490] : memref<80x128xi32, #tpu.memory_space<vmem>> -> memref<1x128xi32, #tpu.memory_space<vmem>>
      %dma_wait3A_492 = tpu.memref_squeeze %dma_wait3A_491 : memref<1x128xi32, #tpu.memory_space<vmem>> -> memref<128xi32, #tpu.memory_space<vmem>>
      %dma_wait3A_493 = arith.constant 0 : i32
      %dma_wait3A_494 = arith.constant 0 : i32
      %dma_wait3A_495 = tpu.memref_slice %arg6[%dma_wait3A_493, %dma_wait3A_494] : memref<10256x128xf32, #tpu.memory_space<vmem_shared>> -> memref<10256x128xf32, #tpu.memory_space<vmem_shared>>
      %dma_wait3A_496 = tpu.memref_slice %arg11[%dma_wait3A_485] : memref<2x!tpu.dma_semaphore, #tpu.memory_space<semaphore_mem>> -> memref<1x!tpu.dma_semaphore, #tpu.memory_space<semaphore_mem>>
      %dma_wait3A_497 = tpu.memref_squeeze %dma_wait3A_496 : memref<1x!tpu.dma_semaphore, #tpu.memory_space<semaphore_mem>> -> memref<!tpu.dma_semaphore, #tpu.memory_space<semaphore_mem>>
      tpu.wait_indirect_dma semaphore(%dma_wait3A_497 : memref<!tpu.dma_semaphore, #tpu.memory_space<semaphore_mem>>) src(%dma_wait3A_489 : memref<128x128xf32, #tpu.memory_space<vmem>>) dst(%dma_wait3A_495 : memref<10256x128xf32, #tpu.memory_space<vmem_shared>>)
      %dma_start3A_498 = arith.constant 7 : i32
      %dma_start3A_499 = arith.constant 1 : i32
      %dma_start3A_500 = arith.constant 1 : i32
      %dma_start3A_501 = arith.constant 0 : i32
      %dma_start3A_502 = arith.constant 0 : i32
      %dma_start3A_503 = tpu.memref_slice %arg9[%dma_start3A_499, %dma_start3A_501, %dma_start3A_502] : memref<2x128x128xf32, #tpu.memory_space<vmem>> -> memref<1x128x128xf32, #tpu.memory_space<vmem>>
      %dma_start3A_504 = tpu.memref_squeeze %dma_start3A_503 : memref<1x128x128xf32, #tpu.memory_space<vmem>> -> memref<128x128xf32, #tpu.memory_space<vmem>>
      %dma_start3A_505 = arith.constant 0 : i32
      %dma_start3A_506 = tpu.memref_slice %arg7[%select_n3A_74, %dma_start3A_498, %dma_start3A_505] : memref<2x8x128xi32, #tpu.memory_space<vmem>> -> memref<1x1x128xi32, #tpu.memory_space<vmem>>
      %dma_start3A_507 = tpu.memref_squeeze %dma_start3A_506 : memref<1x1x128xi32, #tpu.memory_space<vmem>> -> memref<128xi32, #tpu.memory_space<vmem>>
      %dma_start3A_508 = arith.constant 0 : i32
      %dma_start3A_509 = arith.constant 0 : i32
      %dma_start3A_510 = tpu.memref_slice %arg2[%dma_start3A_508, %dma_start3A_509] : memref<40000x128xf32, #tpu.memory_space<hbm>> -> memref<40000x128xf32, #tpu.memory_space<hbm>>
      %dma_start3A_511 = tpu.memref_slice %arg10[%dma_start3A_500] : memref<2x!tpu.dma_semaphore, #tpu.memory_space<semaphore_mem>> -> memref<1x!tpu.dma_semaphore, #tpu.memory_space<semaphore_mem>>
      %dma_start3A_512 = tpu.memref_squeeze %dma_start3A_511 : memref<1x!tpu.dma_semaphore, #tpu.memory_space<semaphore_mem>> -> memref<!tpu.dma_semaphore, #tpu.memory_space<semaphore_mem>>
      tpu.enqueue_indirect_dma source(%dma_start3A_510 : memref<40000x128xf32, #tpu.memory_space<hbm>>) target(%dma_start3A_504 : memref<128x128xf32, #tpu.memory_space<vmem>>) offsets(%dma_start3A_507 : memref<128xi32, #tpu.memory_space<vmem>>) semaphore(%dma_start3A_512 : memref<!tpu.dma_semaphore, #tpu.memory_space<semaphore_mem>>)
      %dma_wait3A_513 = arith.constant 6 : i32
      %dma_wait3A_514 = arith.constant 0 : i32
      %dma_wait3A_515 = arith.constant 0 : i32
      %dma_wait3A_516 = arith.constant 0 : i32
      %dma_wait3A_517 = arith.constant 0 : i32
      %dma_wait3A_518 = tpu.memref_slice %arg9[%dma_wait3A_514, %dma_wait3A_516, %dma_wait3A_517] : memref<2x128x128xf32, #tpu.memory_space<vmem>> -> memref<1x128x128xf32, #tpu.memory_space<vmem>>
      %dma_wait3A_519 = tpu.memref_squeeze %dma_wait3A_518 : memref<1x128x128xf32, #tpu.memory_space<vmem>> -> memref<128x128xf32, #tpu.memory_space<vmem>>
      %dma_wait3A_520 = arith.constant 0 : i32
      %dma_wait3A_521 = tpu.memref_slice %arg7[%select_n3A_74, %dma_wait3A_513, %dma_wait3A_520] : memref<2x8x128xi32, #tpu.memory_space<vmem>> -> memref<1x1x128xi32, #tpu.memory_space<vmem>>
      %dma_wait3A_522 = tpu.memref_squeeze %dma_wait3A_521 : memref<1x1x128xi32, #tpu.memory_space<vmem>> -> memref<128xi32, #tpu.memory_space<vmem>>
      %dma_wait3A_523 = arith.constant 0 : i32
      %dma_wait3A_524 = arith.constant 0 : i32
      %dma_wait3A_525 = tpu.memref_slice %arg2[%dma_wait3A_523, %dma_wait3A_524] : memref<40000x128xf32, #tpu.memory_space<hbm>> -> memref<40000x128xf32, #tpu.memory_space<hbm>>
      %dma_wait3A_526 = tpu.memref_slice %arg10[%dma_wait3A_515] : memref<2x!tpu.dma_semaphore, #tpu.memory_space<semaphore_mem>> -> memref<1x!tpu.dma_semaphore, #tpu.memory_space<semaphore_mem>>
      %dma_wait3A_527 = tpu.memref_squeeze %dma_wait3A_526 : memref<1x!tpu.dma_semaphore, #tpu.memory_space<semaphore_mem>> -> memref<!tpu.dma_semaphore, #tpu.memory_space<semaphore_mem>>
      tpu.wait_indirect_dma semaphore(%dma_wait3A_527 : memref<!tpu.dma_semaphore, #tpu.memory_space<semaphore_mem>>) src(%dma_wait3A_525 : memref<40000x128xf32, #tpu.memory_space<hbm>>) dst(%dma_wait3A_519 : memref<128x128xf32, #tpu.memory_space<vmem>>)
      %add3A_528 = arith.constant 6 : i32
      %add3A_529 = arith.addi %mul3A_76, %add3A_528 : i32
      %dma_start3A_530 = arith.constant 0 : i32
      %dma_start3A_531 = arith.constant 0 : i32
      %dma_start3A_532 = arith.constant 0 : i32
      %dma_start3A_533 = arith.constant 0 : i32
      %dma_start3A_534 = tpu.memref_slice %arg9[%dma_start3A_530, %dma_start3A_532, %dma_start3A_533] : memref<2x128x128xf32, #tpu.memory_space<vmem>> -> memref<1x128x128xf32, #tpu.memory_space<vmem>>
      %dma_start3A_535 = tpu.memref_squeeze %dma_start3A_534 : memref<1x128x128xf32, #tpu.memory_space<vmem>> -> memref<128x128xf32, #tpu.memory_space<vmem>>
      %dma_start3A_536 = arith.constant 0 : i32
      %dma_start3A_537 = tpu.memref_slice %arg8[%add3A_529, %dma_start3A_536] : memref<80x128xi32, #tpu.memory_space<vmem>> -> memref<1x128xi32, #tpu.memory_space<vmem>>
      %dma_start3A_538 = tpu.memref_squeeze %dma_start3A_537 : memref<1x128xi32, #tpu.memory_space<vmem>> -> memref<128xi32, #tpu.memory_space<vmem>>
      %dma_start3A_539 = arith.constant 0 : i32
      %dma_start3A_540 = arith.constant 0 : i32
      %dma_start3A_541 = tpu.memref_slice %arg6[%dma_start3A_539, %dma_start3A_540] : memref<10256x128xf32, #tpu.memory_space<vmem_shared>> -> memref<10256x128xf32, #tpu.memory_space<vmem_shared>>
      %dma_start3A_542 = tpu.memref_slice %arg11[%dma_start3A_531] : memref<2x!tpu.dma_semaphore, #tpu.memory_space<semaphore_mem>> -> memref<1x!tpu.dma_semaphore, #tpu.memory_space<semaphore_mem>>
      %dma_start3A_543 = tpu.memref_squeeze %dma_start3A_542 : memref<1x!tpu.dma_semaphore, #tpu.memory_space<semaphore_mem>> -> memref<!tpu.dma_semaphore, #tpu.memory_space<semaphore_mem>>
      tpu.enqueue_indirect_dma source(%dma_start3A_535 : memref<128x128xf32, #tpu.memory_space<vmem>>) target(%dma_start3A_541 : memref<10256x128xf32, #tpu.memory_space<vmem_shared>>) offsets(%dma_start3A_538 : memref<128xi32, #tpu.memory_space<vmem>>) semaphore(%dma_start3A_543 : memref<!tpu.dma_semaphore, #tpu.memory_space<semaphore_mem>>) {add = true}
      %dma_wait3A_544 = arith.constant 7 : i32
      %dma_wait3A_545 = arith.constant 1 : i32
      %dma_wait3A_546 = arith.constant 1 : i32
      %dma_wait3A_547 = arith.constant 0 : i32
      %dma_wait3A_548 = arith.constant 0 : i32
      %dma_wait3A_549 = tpu.memref_slice %arg9[%dma_wait3A_545, %dma_wait3A_547, %dma_wait3A_548] : memref<2x128x128xf32, #tpu.memory_space<vmem>> -> memref<1x128x128xf32, #tpu.memory_space<vmem>>
      %dma_wait3A_550 = tpu.memref_squeeze %dma_wait3A_549 : memref<1x128x128xf32, #tpu.memory_space<vmem>> -> memref<128x128xf32, #tpu.memory_space<vmem>>
      %dma_wait3A_551 = arith.constant 0 : i32
      %dma_wait3A_552 = tpu.memref_slice %arg7[%select_n3A_74, %dma_wait3A_544, %dma_wait3A_551] : memref<2x8x128xi32, #tpu.memory_space<vmem>> -> memref<1x1x128xi32, #tpu.memory_space<vmem>>
      %dma_wait3A_553 = tpu.memref_squeeze %dma_wait3A_552 : memref<1x1x128xi32, #tpu.memory_space<vmem>> -> memref<128xi32, #tpu.memory_space<vmem>>
      %dma_wait3A_554 = arith.constant 0 : i32
      %dma_wait3A_555 = arith.constant 0 : i32
      %dma_wait3A_556 = tpu.memref_slice %arg2[%dma_wait3A_554, %dma_wait3A_555] : memref<40000x128xf32, #tpu.memory_space<hbm>> -> memref<40000x128xf32, #tpu.memory_space<hbm>>
      %dma_wait3A_557 = tpu.memref_slice %arg10[%dma_wait3A_546] : memref<2x!tpu.dma_semaphore, #tpu.memory_space<semaphore_mem>> -> memref<1x!tpu.dma_semaphore, #tpu.memory_space<semaphore_mem>>
      %dma_wait3A_558 = tpu.memref_squeeze %dma_wait3A_557 : memref<1x!tpu.dma_semaphore, #tpu.memory_space<semaphore_mem>> -> memref<!tpu.dma_semaphore, #tpu.memory_space<semaphore_mem>>
      tpu.wait_indirect_dma semaphore(%dma_wait3A_558 : memref<!tpu.dma_semaphore, #tpu.memory_space<semaphore_mem>>) src(%dma_wait3A_556 : memref<40000x128xf32, #tpu.memory_space<hbm>>) dst(%dma_wait3A_550 : memref<128x128xf32, #tpu.memory_space<vmem>>)
      %add3A_559 = arith.constant 7 : i32
      %add3A_560 = arith.addi %mul3A_76, %add3A_559 : i32
      %dma_start3A_561 = arith.constant 1 : i32
      %dma_start3A_562 = arith.constant 1 : i32
      %dma_start3A_563 = arith.constant 0 : i32
      %dma_start3A_564 = arith.constant 0 : i32
      %dma_start3A_565 = tpu.memref_slice %arg9[%dma_start3A_561, %dma_start3A_563, %dma_start3A_564] : memref<2x128x128xf32, #tpu.memory_space<vmem>> -> memref<1x128x128xf32, #tpu.memory_space<vmem>>
      %dma_start3A_566 = tpu.memref_squeeze %dma_start3A_565 : memref<1x128x128xf32, #tpu.memory_space<vmem>> -> memref<128x128xf32, #tpu.memory_space<vmem>>
      %dma_start3A_567 = arith.constant 0 : i32
      %dma_start3A_568 = tpu.memref_slice %arg8[%add3A_560, %dma_start3A_567] : memref<80x128xi32, #tpu.memory_space<vmem>> -> memref<1x128xi32, #tpu.memory_space<vmem>>
      %dma_start3A_569 = tpu.memref_squeeze %dma_start3A_568 : memref<1x128xi32, #tpu.memory_space<vmem>> -> memref<128xi32, #tpu.memory_space<vmem>>
      %dma_start3A_570 = arith.constant 0 : i32
      %dma_start3A_571 = arith.constant 0 : i32
      %dma_start3A_572 = tpu.memref_slice %arg6[%dma_start3A_570, %dma_start3A_571] : memref<10256x128xf32, #tpu.memory_space<vmem_shared>> -> memref<10256x128xf32, #tpu.memory_space<vmem_shared>>
      %dma_start3A_573 = tpu.memref_slice %arg11[%dma_start3A_562] : memref<2x!tpu.dma_semaphore, #tpu.memory_space<semaphore_mem>> -> memref<1x!tpu.dma_semaphore, #tpu.memory_space<semaphore_mem>>
      %dma_start3A_574 = tpu.memref_squeeze %dma_start3A_573 : memref<1x!tpu.dma_semaphore, #tpu.memory_space<semaphore_mem>> -> memref<!tpu.dma_semaphore, #tpu.memory_space<semaphore_mem>>
      tpu.enqueue_indirect_dma source(%dma_start3A_566 : memref<128x128xf32, #tpu.memory_space<vmem>>) target(%dma_start3A_572 : memref<10256x128xf32, #tpu.memory_space<vmem_shared>>) offsets(%dma_start3A_569 : memref<128xi32, #tpu.memory_space<vmem>>) semaphore(%dma_start3A_574 : memref<!tpu.dma_semaphore, #tpu.memory_space<semaphore_mem>>) {add = true}
      %add3A_575 = arith.constant 6 : i32
      %add3A_576 = arith.addi %mul3A_76, %add3A_575 : i32
      %dma_wait3A_577 = arith.constant 0 : i32
      %dma_wait3A_578 = arith.constant 0 : i32
      %dma_wait3A_579 = arith.constant 0 : i32
      %dma_wait3A_580 = arith.constant 0 : i32
      %dma_wait3A_581 = tpu.memref_slice %arg9[%dma_wait3A_577, %dma_wait3A_579, %dma_wait3A_580] : memref<2x128x128xf32, #tpu.memory_space<vmem>> -> memref<1x128x128xf32, #tpu.memory_space<vmem>>
      %dma_wait3A_582 = tpu.memref_squeeze %dma_wait3A_581 : memref<1x128x128xf32, #tpu.memory_space<vmem>> -> memref<128x128xf32, #tpu.memory_space<vmem>>
      %dma_wait3A_583 = arith.constant 0 : i32
      %dma_wait3A_584 = tpu.memref_slice %arg8[%add3A_576, %dma_wait3A_583] : memref<80x128xi32, #tpu.memory_space<vmem>> -> memref<1x128xi32, #tpu.memory_space<vmem>>
      %dma_wait3A_585 = tpu.memref_squeeze %dma_wait3A_584 : memref<1x128xi32, #tpu.memory_space<vmem>> -> memref<128xi32, #tpu.memory_space<vmem>>
      %dma_wait3A_586 = arith.constant 0 : i32
      %dma_wait3A_587 = arith.constant 0 : i32
      %dma_wait3A_588 = tpu.memref_slice %arg6[%dma_wait3A_586, %dma_wait3A_587] : memref<10256x128xf32, #tpu.memory_space<vmem_shared>> -> memref<10256x128xf32, #tpu.memory_space<vmem_shared>>
      %dma_wait3A_589 = tpu.memref_slice %arg11[%dma_wait3A_578] : memref<2x!tpu.dma_semaphore, #tpu.memory_space<semaphore_mem>> -> memref<1x!tpu.dma_semaphore, #tpu.memory_space<semaphore_mem>>
      %dma_wait3A_590 = tpu.memref_squeeze %dma_wait3A_589 : memref<1x!tpu.dma_semaphore, #tpu.memory_space<semaphore_mem>> -> memref<!tpu.dma_semaphore, #tpu.memory_space<semaphore_mem>>
      tpu.wait_indirect_dma semaphore(%dma_wait3A_590 : memref<!tpu.dma_semaphore, #tpu.memory_space<semaphore_mem>>) src(%dma_wait3A_582 : memref<128x128xf32, #tpu.memory_space<vmem>>) dst(%dma_wait3A_588 : memref<10256x128xf32, #tpu.memory_space<vmem_shared>>)
      %add3A_591 = arith.constant 7 : i32
      %add3A_592 = arith.addi %mul3A_76, %add3A_591 : i32
      %dma_wait3A_593 = arith.constant 1 : i32
      %dma_wait3A_594 = arith.constant 1 : i32
      %dma_wait3A_595 = arith.constant 0 : i32
      %dma_wait3A_596 = arith.constant 0 : i32
      %dma_wait3A_597 = tpu.memref_slice %arg9[%dma_wait3A_593, %dma_wait3A_595, %dma_wait3A_596] : memref<2x128x128xf32, #tpu.memory_space<vmem>> -> memref<1x128x128xf32, #tpu.memory_space<vmem>>
      %dma_wait3A_598 = tpu.memref_squeeze %dma_wait3A_597 : memref<1x128x128xf32, #tpu.memory_space<vmem>> -> memref<128x128xf32, #tpu.memory_space<vmem>>
      %dma_wait3A_599 = arith.constant 0 : i32
      %dma_wait3A_600 = tpu.memref_slice %arg8[%add3A_592, %dma_wait3A_599] : memref<80x128xi32, #tpu.memory_space<vmem>> -> memref<1x128xi32, #tpu.memory_space<vmem>>
      %dma_wait3A_601 = tpu.memref_squeeze %dma_wait3A_600 : memref<1x128xi32, #tpu.memory_space<vmem>> -> memref<128xi32, #tpu.memory_space<vmem>>
      %dma_wait3A_602 = arith.constant 0 : i32
      %dma_wait3A_603 = arith.constant 0 : i32
      %dma_wait3A_604 = tpu.memref_slice %arg6[%dma_wait3A_602, %dma_wait3A_603] : memref<10256x128xf32, #tpu.memory_space<vmem_shared>> -> memref<10256x128xf32, #tpu.memory_space<vmem_shared>>
      %dma_wait3A_605 = tpu.memref_slice %arg11[%dma_wait3A_594] : memref<2x!tpu.dma_semaphore, #tpu.memory_space<semaphore_mem>> -> memref<1x!tpu.dma_semaphore, #tpu.memory_space<semaphore_mem>>
      %dma_wait3A_606 = tpu.memref_squeeze %dma_wait3A_605 : memref<1x!tpu.dma_semaphore, #tpu.memory_space<semaphore_mem>> -> memref<!tpu.dma_semaphore, #tpu.memory_space<semaphore_mem>>
      tpu.wait_indirect_dma semaphore(%dma_wait3A_606 : memref<!tpu.dma_semaphore, #tpu.memory_space<semaphore_mem>>) src(%dma_wait3A_598 : memref<128x128xf32, #tpu.memory_space<vmem>>) dst(%dma_wait3A_604 : memref<10256x128xf32, #tpu.memory_space<vmem_shared>>)
      %add3A_607 = arith.constant 1 : i32
      %add3A_608 = arith.addi %scan3A_64, %add3A_607 : i32
      %jit3A_609 = arith.constant 2 : i32
      %eq3A_610 = arith.constant 0 : i32
      %eq3A_611 = arith.cmpi eq, %jit3A_609, %eq3A_610 : i32
      %jit3A_612 = arith.constant 1 : i32
      %select_n3A_613 = arith.select %eq3A_611, %jit3A_612, %jit3A_609 : i32
      %rem3A_614 = arith.remsi %add3A_608, %select_n3A_613 : i32
      %ne3A_615 = arith.constant 0 : i32
      %ne3A_616 = arith.cmpi ne, %rem3A_614, %ne3A_615 : i32
      %lt3A_617 = arith.constant 0 : i32
      %lt3A_618 = arith.cmpi slt, %rem3A_614, %lt3A_617 : i32
      %lt3A_619 = arith.constant 0 : i32
      %lt3A_620 = arith.cmpi slt, %select_n3A_613, %lt3A_619 : i32
      %ne3A_621 = arith.xori %lt3A_618, %lt3A_620 : i1
      %and3A_622 = arith.andi %ne3A_621, %ne3A_616 : i1
      %add3A_623 = arith.addi %rem3A_614, %select_n3A_613 : i32
      %select_n3A_624 = arith.select %and3A_622, %add3A_623, %rem3A_614 : i32
      %dma_wait3A_625 = arith.constant 0 : i32
      %dma_wait3A_626 = arith.constant 0 : i32
      %dma_wait3A_627 = tpu.memref_slice %arg7[%select_n3A_624, %dma_wait3A_625, %dma_wait3A_626] : memref<2x8x128xi32, #tpu.memory_space<vmem>> -> memref<1x8x128xi32, #tpu.memory_space<vmem>>
      %dma_wait3A_628 = tpu.memref_squeeze %dma_wait3A_627 : memref<1x8x128xi32, #tpu.memory_space<vmem>> -> memref<8x128xi32, #tpu.memory_space<vmem>>
      %dma_wait3A_629 = arith.constant 0 : i32
      %dma_wait3A_630 = tpu.memref_slice %arg3[%add3A_29, %arg1, %multiple_of3A, %dma_wait3A_629] : memref<4x16x88x128xi32, #tpu.memory_space<hbm>> -> memref<1x1x8x128xi32, #tpu.memory_space<hbm>>
      %dma_wait3A_631 = tpu.memref_squeeze %dma_wait3A_630 : memref<1x1x8x128xi32, #tpu.memory_space<hbm>> -> memref<8x128xi32, #tpu.memory_space<hbm>>
      %dma_wait3A_632 = arith.constant 0 : i32
      %dma_wait3A_633 = arith.constant 0 : i32
      %dma_wait3A_634 = tpu.memref_slice %arg7[%select_n3A_624, %dma_wait3A_632, %dma_wait3A_633] : memref<2x8x128xi32, #tpu.memory_space<vmem>> -> memref<1x8x128xi32, #tpu.memory_space<vmem>>
      %dma_wait3A_635 = tpu.memref_squeeze %dma_wait3A_634 : memref<1x8x128xi32, #tpu.memory_space<vmem>> -> memref<8x128xi32, #tpu.memory_space<vmem>>
      %dma_wait3A_636 = arith.constant 0 : i32
      %dma_wait3A_637 = tpu.memref_slice %arg3[%add3A_29, %arg1, %multiple_of3A, %dma_wait3A_636] : memref<4x16x88x128xi32, #tpu.memory_space<hbm>> -> memref<1x1x8x128xi32, #tpu.memory_space<hbm>>
      %dma_wait3A_638 = tpu.memref_squeeze %dma_wait3A_637 : memref<1x1x8x128xi32, #tpu.memory_space<hbm>> -> memref<8x128xi32, #tpu.memory_space<hbm>>
      tpu.wait_dma2 semaphore(%arg12 : memref<!tpu.dma_semaphore, #tpu.memory_space<semaphore_mem>>) src(%dma_wait3A_638 : memref<8x128xi32, #tpu.memory_space<hbm>>) dst(%dma_wait3A_635 : memref<8x128xi32, #tpu.memory_space<vmem>>)
    }
    %scan3A_49 = arith.constant 10 : i32
    %barrier3A_50 = arith.constant 0 : index
    tpu.barrier barrier_id(%barrier3A_50)
    %mul3A_51 = arith.constant 624 : i32
    %mul3A_52 = arith.muli %arg1, %mul3A_51 : i32
    %mul3A_53 = arith.constant 10000 : i32
    %mul3A_54 = arith.muli %add3A_29, %mul3A_53 : i32
    %mul3A_55 = arith.constant 624 : i32
    %mul3A_56 = arith.muli %arg1, %mul3A_55 : i32
    %add3A_57 = arith.addi %mul3A_54, %mul3A_56 : i32
    "tpu.region"() ({
      %run_scoped3A_64 = tpu.sem_alloc : memref<!tpu.dma_semaphore, #tpu.memory_space<semaphore_mem>>
      %dma_start3A = arith.constant 0 : i32
      %dma_start3A_65 = tpu.memref_slice %arg5[%add3A_57, %dma_start3A] : memref<40000x128xf32, #tpu.memory_space<hbm>> -> memref<624x128xf32, #tpu.memory_space<hbm>>
      %dma_start3A_66 = arith.constant 0 : i32
      %dma_start3A_67 = tpu.memref_slice %arg6[%mul3A_52, %dma_start3A_66] : memref<10256x128xf32, #tpu.memory_space<vmem_shared>> -> memref<624x128xf32, #tpu.memory_space<vmem_shared>>
      tpu.enqueue_dma source(%dma_start3A_67 : memref<624x128xf32, #tpu.memory_space<vmem_shared>>) target(%dma_start3A_65 : memref<624x128xf32, #tpu.memory_space<hbm>>) target_semaphore(%run_scoped3A_64 : memref<!tpu.dma_semaphore, #tpu.memory_space<semaphore_mem>>)
      %dma_wait3A = arith.constant 0 : i32
      %dma_wait3A_68 = tpu.memref_slice %arg5[%add3A_57, %dma_wait3A] : memref<40000x128xf32, #tpu.memory_space<hbm>> -> memref<624x128xf32, #tpu.memory_space<hbm>>
      %dma_wait3A_69 = arith.constant 0 : i32
      %dma_wait3A_70 = tpu.memref_slice %arg6[%mul3A_52, %dma_wait3A_69] : memref<10256x128xf32, #tpu.memory_space<vmem_shared>> -> memref<624x128xf32, #tpu.memory_space<vmem_shared>>
      tpu.wait_dma2 semaphore(%run_scoped3A_64 : memref<!tpu.dma_semaphore, #tpu.memory_space<semaphore_mem>>) src(%dma_wait3A_70 : memref<624x128xf32, #tpu.memory_space<vmem_shared>>) dst(%dma_wait3A_68 : memref<624x128xf32, #tpu.memory_space<hbm>>)
      tpu.yield
    }) : () -> ()
    %eq3A_58 = arith.constant 0 : i32
    %eq3A_59 = arith.cmpi eq, %arg1, %eq3A_58 : i32
    %convert_element_type3A_60 = arith.extui %eq3A_59 : i1 to i32
    %cond3A_61 = arith.constant 0 : i32
    %cond3A_62 = arith.cmpi ne, %convert_element_type3A_60, %cond3A_61 : i32
    scf.if %cond3A_62 {
      %mul3A_64 = arith.constant 10000 : i32
      %mul3A_65 = arith.muli %add3A_29, %mul3A_64 : i32
      %add3A_66 = arith.constant 9984 : i32
      %add3A_67 = arith.addi %mul3A_65, %add3A_66 : i32
      "tpu.region"() ({
        %run_scoped3A_68 = tpu.sem_alloc : memref<!tpu.dma_semaphore, #tpu.memory_space<semaphore_mem>>
        %dma_start3A = arith.constant 0 : i32
        %dma_start3A_69 = tpu.memref_slice %arg5[%add3A_67, %dma_start3A] : memref<40000x128xf32, #tpu.memory_space<hbm>> -> memref<16x128xf32, #tpu.memory_space<hbm>>
        %dma_start3A_70 = arith.constant 9984 : i32
        %dma_start3A_71 = arith.constant 0 : i32
        %dma_start3A_72 = tpu.memref_slice %arg6[%dma_start3A_70, %dma_start3A_71] : memref<10256x128xf32, #tpu.memory_space<vmem_shared>> -> memref<16x128xf32, #tpu.memory_space<vmem_shared>>
        tpu.enqueue_dma source(%dma_start3A_72 : memref<16x128xf32, #tpu.memory_space<vmem_shared>>) target(%dma_start3A_69 : memref<16x128xf32, #tpu.memory_space<hbm>>) target_semaphore(%run_scoped3A_68 : memref<!tpu.dma_semaphore, #tpu.memory_space<semaphore_mem>>)
        %dma_wait3A = arith.constant 0 : i32
        %dma_wait3A_73 = tpu.memref_slice %arg5[%add3A_67, %dma_wait3A] : memref<40000x128xf32, #tpu.memory_space<hbm>> -> memref<16x128xf32, #tpu.memory_space<hbm>>
        %dma_wait3A_74 = arith.constant 9984 : i32
        %dma_wait3A_75 = arith.constant 0 : i32
        %dma_wait3A_76 = tpu.memref_slice %arg6[%dma_wait3A_74, %dma_wait3A_75] : memref<10256x128xf32, #tpu.memory_space<vmem_shared>> -> memref<16x128xf32, #tpu.memory_space<vmem_shared>>
        tpu.wait_dma2 semaphore(%run_scoped3A_68 : memref<!tpu.dma_semaphore, #tpu.memory_space<semaphore_mem>>) src(%dma_wait3A_76 : memref<16x128xf32, #tpu.memory_space<vmem_shared>>) dst(%dma_wait3A_73 : memref<16x128xf32, #tpu.memory_space<hbm>>)
        tpu.yield
      }) : () -> ()
    } else {
    }
    %barrier3A_63 = arith.constant 0 : index
    tpu.barrier barrier_id(%barrier3A_63)
    return
  }
}

#map = affine_map<(d0, d1) -> (0, 0)>
#map1 = affine_map<(d0, d1) -> (0, 0, 0, 0)>
#map2 = affine_map<(d0, d1) -> (0, 0, 0)>
module attributes {stable_mosaic.version = 14 : i64} {
  func.func @segsum(%arg0: i32, %arg1: i32, %arg2: memref<40000x128xf32, #tpu.memory_space<hbm>>, %arg3: memref<4x16x88x128xi32, #tpu.memory_space<hbm>>, %arg4: memref<16x80x128xi32, #tpu.memory_space<hbm>>, %arg5: memref<40000x128xf32, #tpu.memory_space<hbm>>, %arg6: memref<10256x128xf32, #tpu.memory_space<vmem_shared>>, %arg7: memref<2x8x128xi32, #tpu.memory_space<vmem>>, %arg8: memref<80x128xi32, #tpu.memory_space<vmem>>, %arg9: memref<2x128x128xf32, #tpu.memory_space<vmem>>, %arg10: memref<2x!tpu.dma_semaphore, #tpu.memory_space<semaphore_mem>>, %arg11: memref<2x!tpu.dma_semaphore, #tpu.memory_space<semaphore_mem>>, %arg12: memref<!tpu.dma_semaphore, #tpu.memory_space<semaphore_mem>>) attributes {dimension_semantics = [#tpu.dimension_semantics<core_parallel>, #tpu.dimension_semantics<subcore_parallel>], iteration_bounds = array<i64: 2, 16>, scalar_prefetch = 0 : i64, scratch_operands = 7 : i64, tpu.core_type = #tpu.core_type<sc_vector_subcore>, window_params = [{transform_indices = #map}, {transform_indices = #map1}, {transform_indices = #map2}, {transform_indices = #map}]} {
    "tpu.region"() ({
      %run_scoped3A_64 = tpu.sem_alloc : memref<!tpu.dma_semaphore, #tpu.memory_space<semaphore_mem>>
      %dma_start3A = arith.constant 0 : i32
      %dma_start3A_65 = arith.constant 0 : i32
      %dma_start3A_66 = tpu.memref_slice %arg4[%arg1, %dma_start3A, %dma_start3A_65] : memref<16x80x128xi32, #tpu.memory_space<hbm>> -> memref<1x80x128xi32, #tpu.memory_space<hbm>>
      %dma_start3A_67 = tpu.memref_squeeze %dma_start3A_66 : memref<1x80x128xi32, #tpu.memory_space<hbm>> -> memref<80x128xi32, #tpu.memory_space<hbm>>
      %dma_start3A_68 = arith.constant 0 : i32
      %dma_start3A_69 = arith.constant 0 : i32
      %dma_start3A_70 = tpu.memref_slice %arg4[%arg1, %dma_start3A_68, %dma_start3A_69] : memref<16x80x128xi32, #tpu.memory_space<hbm>> -> memref<1x80x128xi32, #tpu.memory_space<hbm>>
      %dma_start3A_71 = tpu.memref_squeeze %dma_start3A_70 : memref<1x80x128xi32, #tpu.memory_space<hbm>> -> memref<80x128xi32, #tpu.memory_space<hbm>>
      tpu.enqueue_dma source(%dma_start3A_71 : memref<80x128xi32, #tpu.memory_space<hbm>>) target(%arg8 : memref<80x128xi32, #tpu.memory_space<vmem>>) target_semaphore(%run_scoped3A_64 : memref<!tpu.dma_semaphore, #tpu.memory_space<semaphore_mem>>)
      %dma_wait3A = arith.constant 0 : i32
      %dma_wait3A_72 = arith.constant 0 : i32
      %dma_wait3A_73 = tpu.memref_slice %arg4[%arg1, %dma_wait3A, %dma_wait3A_72] : memref<16x80x128xi32, #tpu.memory_space<hbm>> -> memref<1x80x128xi32, #tpu.memory_space<hbm>>
      %dma_wait3A_74 = tpu.memref_squeeze %dma_wait3A_73 : memref<1x80x128xi32, #tpu.memory_space<hbm>> -> memref<80x128xi32, #tpu.memory_space<hbm>>
      %dma_wait3A_75 = arith.constant 0 : i32
      %dma_wait3A_76 = arith.constant 0 : i32
      %dma_wait3A_77 = tpu.memref_slice %arg4[%arg1, %dma_wait3A_75, %dma_wait3A_76] : memref<16x80x128xi32, #tpu.memory_space<hbm>> -> memref<1x80x128xi32, #tpu.memory_space<hbm>>
      %dma_wait3A_78 = tpu.memref_squeeze %dma_wait3A_77 : memref<1x80x128xi32, #tpu.memory_space<hbm>> -> memref<80x128xi32, #tpu.memory_space<hbm>>
      tpu.wait_dma2 semaphore(%run_scoped3A_64 : memref<!tpu.dma_semaphore, #tpu.memory_space<semaphore_mem>>) src(%dma_wait3A_78 : memref<80x128xi32, #tpu.memory_space<hbm>>) dst(%arg8 : memref<80x128xi32, #tpu.memory_space<vmem>>)
      tpu.yield
    }) : () -> ()
    %add3A = arith.constant 0 : i32
    %add3A_0 = arith.addi %arg0, %add3A : i32
    %mul3A = arith.constant 10000 : i32
    %mul3A_1 = arith.muli %add3A_0, %mul3A : i32
    %mul3A_2 = arith.constant 624 : i32
    %mul3A_3 = arith.muli %arg1, %mul3A_2 : i32
    %add3A_4 = arith.addi %mul3A_1, %mul3A_3 : i32
    %mul3A_5 = arith.constant 624 : i32
    %mul3A_6 = arith.muli %arg1, %mul3A_5 : i32
    "tpu.region"() ({
      %run_scoped3A_64 = tpu.sem_alloc : memref<!tpu.dma_semaphore, #tpu.memory_space<semaphore_mem>>
      %dma_start3A = arith.constant 0 : i32
      %dma_start3A_65 = tpu.memref_slice %arg6[%mul3A_6, %dma_start3A] : memref<10256x128xf32, #tpu.memory_space<vmem_shared>> -> memref<624x128xf32, #tpu.memory_space<vmem_shared>>
      %dma_start3A_66 = arith.constant 0 : i32
      %dma_start3A_67 = tpu.memref_slice %arg2[%add3A_4, %dma_start3A_66] : memref<40000x128xf32, #tpu.memory_space<hbm>> -> memref<624x128xf32, #tpu.memory_space<hbm>>
      tpu.enqueue_dma source(%dma_start3A_67 : memref<624x128xf32, #tpu.memory_space<hbm>>) target(%dma_start3A_65 : memref<624x128xf32, #tpu.memory_space<vmem_shared>>) target_semaphore(%run_scoped3A_64 : memref<!tpu.dma_semaphore, #tpu.memory_space<semaphore_mem>>)
      %dma_wait3A = arith.constant 0 : i32
      %dma_wait3A_68 = tpu.memref_slice %arg6[%mul3A_6, %dma_wait3A] : memref<10256x128xf32, #tpu.memory_space<vmem_shared>> -> memref<624x128xf32, #tpu.memory_space<vmem_shared>>
      %dma_wait3A_69 = arith.constant 0 : i32
      %dma_wait3A_70 = tpu.memref_slice %arg2[%add3A_4, %dma_wait3A_69] : memref<40000x128xf32, #tpu.memory_space<hbm>> -> memref<624x128xf32, #tpu.memory_space<hbm>>
      tpu.wait_dma2 semaphore(%run_scoped3A_64 : memref<!tpu.dma_semaphore, #tpu.memory_space<semaphore_mem>>) src(%dma_wait3A_70 : memref<624x128xf32, #tpu.memory_space<hbm>>) dst(%dma_wait3A_68 : memref<624x128xf32, #tpu.memory_space<vmem_shared>>)
      tpu.yield
    }) : () -> ()
    %eq3A = arith.constant 0 : i32
    %eq3A_7 = arith.cmpi eq, %arg1, %eq3A : i32
    %convert_element_type3A = arith.extui %eq3A_7 : i1 to i32
    %cond3A = arith.constant 0 : i32
    %cond3A_8 = arith.cmpi ne, %convert_element_type3A, %cond3A : i32
    scf.if %cond3A_8 {
      %mul3A_64 = arith.constant 10000 : i32
      %mul3A_65 = arith.muli %add3A_0, %mul3A_64 : i32
      %add3A_66 = arith.constant 9984 : i32
      %add3A_67 = arith.addi %mul3A_65, %add3A_66 : i32
      "tpu.region"() ({
        %run_scoped3A_68 = tpu.sem_alloc : memref<!tpu.dma_semaphore, #tpu.memory_space<semaphore_mem>>
        %dma_start3A = arith.constant 9984 : i32
        %dma_start3A_69 = arith.constant 0 : i32
        %dma_start3A_70 = tpu.memref_slice %arg6[%dma_start3A, %dma_start3A_69] : memref<10256x128xf32, #tpu.memory_space<vmem_shared>> -> memref<16x128xf32, #tpu.memory_space<vmem_shared>>
        %dma_start3A_71 = arith.constant 0 : i32
        %dma_start3A_72 = tpu.memref_slice %arg2[%add3A_67, %dma_start3A_71] : memref<40000x128xf32, #tpu.memory_space<hbm>> -> memref<16x128xf32, #tpu.memory_space<hbm>>
        tpu.enqueue_dma source(%dma_start3A_72 : memref<16x128xf32, #tpu.memory_space<hbm>>) target(%dma_start3A_70 : memref<16x128xf32, #tpu.memory_space<vmem_shared>>) target_semaphore(%run_scoped3A_68 : memref<!tpu.dma_semaphore, #tpu.memory_space<semaphore_mem>>)
        %dma_wait3A = arith.constant 9984 : i32
        %dma_wait3A_73 = arith.constant 0 : i32
        %dma_wait3A_74 = tpu.memref_slice %arg6[%dma_wait3A, %dma_wait3A_73] : memref<10256x128xf32, #tpu.memory_space<vmem_shared>> -> memref<16x128xf32, #tpu.memory_space<vmem_shared>>
        %dma_wait3A_75 = arith.constant 0 : i32
        %dma_wait3A_76 = tpu.memref_slice %arg2[%add3A_67, %dma_wait3A_75] : memref<40000x128xf32, #tpu.memory_space<hbm>> -> memref<16x128xf32, #tpu.memory_space<hbm>>
        tpu.wait_dma2 semaphore(%run_scoped3A_68 : memref<!tpu.dma_semaphore, #tpu.memory_space<semaphore_mem>>) src(%dma_wait3A_76 : memref<16x128xf32, #tpu.memory_space<hbm>>) dst(%dma_wait3A_74 : memref<16x128xf32, #tpu.memory_space<vmem_shared>>)
        tpu.yield
      }) : () -> ()
    } else {
    }
    %run_scoped3A = arith.constant 0 : i32
    "tpu.region"() ({
      %run_scoped3A_64 = tpu.sem_alloc : memref<!tpu.dma_semaphore, #tpu.memory_space<semaphore_mem>>
      %dma_start3A = arith.constant 0 : i32
      %dma_start3A_65 = arith.constant 0 : i32
      %dma_start3A_66 = tpu.memref_slice %arg7[%run_scoped3A, %dma_start3A, %dma_start3A_65] : memref<2x8x128xi32, #tpu.memory_space<vmem>> -> memref<1x8x128xi32, #tpu.memory_space<vmem>>
      %dma_start3A_67 = tpu.memref_squeeze %dma_start3A_66 : memref<1x8x128xi32, #tpu.memory_space<vmem>> -> memref<8x128xi32, #tpu.memory_space<vmem>>
      %dma_start3A_68 = arith.constant 0 : i32
      %dma_start3A_69 = arith.constant 0 : i32
      %dma_start3A_70 = tpu.memref_slice %arg3[%add3A_0, %arg1, %dma_start3A_68, %dma_start3A_69] : memref<4x16x88x128xi32, #tpu.memory_space<hbm>> -> memref<1x1x8x128xi32, #tpu.memory_space<hbm>>
      %dma_start3A_71 = tpu.memref_squeeze %dma_start3A_70 : memref<1x1x8x128xi32, #tpu.memory_space<hbm>> -> memref<8x128xi32, #tpu.memory_space<hbm>>
      %dma_start3A_72 = arith.constant 0 : i32
      %dma_start3A_73 = arith.constant 0 : i32
      %dma_start3A_74 = tpu.memref_slice %arg7[%run_scoped3A, %dma_start3A_72, %dma_start3A_73] : memref<2x8x128xi32, #tpu.memory_space<vmem>> -> memref<1x8x128xi32, #tpu.memory_space<vmem>>
      %dma_start3A_75 = tpu.memref_squeeze %dma_start3A_74 : memref<1x8x128xi32, #tpu.memory_space<vmem>> -> memref<8x128xi32, #tpu.memory_space<vmem>>
      %dma_start3A_76 = arith.constant 0 : i32
      %dma_start3A_77 = arith.constant 0 : i32
      %dma_start3A_78 = tpu.memref_slice %arg3[%add3A_0, %arg1, %dma_start3A_76, %dma_start3A_77] : memref<4x16x88x128xi32, #tpu.memory_space<hbm>> -> memref<1x1x8x128xi32, #tpu.memory_space<hbm>>
      %dma_start3A_79 = tpu.memref_squeeze %dma_start3A_78 : memref<1x1x8x128xi32, #tpu.memory_space<hbm>> -> memref<8x128xi32, #tpu.memory_space<hbm>>
      tpu.enqueue_dma source(%dma_start3A_79 : memref<8x128xi32, #tpu.memory_space<hbm>>) target(%dma_start3A_75 : memref<8x128xi32, #tpu.memory_space<vmem>>) target_semaphore(%run_scoped3A_64 : memref<!tpu.dma_semaphore, #tpu.memory_space<semaphore_mem>>)
      %dma_wait3A = arith.constant 0 : i32
      %dma_wait3A_80 = arith.constant 0 : i32
      %dma_wait3A_81 = tpu.memref_slice %arg7[%run_scoped3A, %dma_wait3A, %dma_wait3A_80] : memref<2x8x128xi32, #tpu.memory_space<vmem>> -> memref<1x8x128xi32, #tpu.memory_space<vmem>>
      %dma_wait3A_82 = tpu.memref_squeeze %dma_wait3A_81 : memref<1x8x128xi32, #tpu.memory_space<vmem>> -> memref<8x128xi32, #tpu.memory_space<vmem>>
      %dma_wait3A_83 = arith.constant 0 : i32
      %dma_wait3A_84 = arith.constant 0 : i32
      %dma_wait3A_85 = tpu.memref_slice %arg3[%add3A_0, %arg1, %dma_wait3A_83, %dma_wait3A_84] : memref<4x16x88x128xi32, #tpu.memory_space<hbm>> -> memref<1x1x8x128xi32, #tpu.memory_space<hbm>>
      %dma_wait3A_86 = tpu.memref_squeeze %dma_wait3A_85 : memref<1x1x8x128xi32, #tpu.memory_space<hbm>> -> memref<8x128xi32, #tpu.memory_space<hbm>>
      %dma_wait3A_87 = arith.constant 0 : i32
      %dma_wait3A_88 = arith.constant 0 : i32
      %dma_wait3A_89 = tpu.memref_slice %arg7[%run_scoped3A, %dma_wait3A_87, %dma_wait3A_88] : memref<2x8x128xi32, #tpu.memory_space<vmem>> -> memref<1x8x128xi32, #tpu.memory_space<vmem>>
      %dma_wait3A_90 = tpu.memref_squeeze %dma_wait3A_89 : memref<1x8x128xi32, #tpu.memory_space<vmem>> -> memref<8x128xi32, #tpu.memory_space<vmem>>
      %dma_wait3A_91 = arith.constant 0 : i32
      %dma_wait3A_92 = arith.constant 0 : i32
      %dma_wait3A_93 = tpu.memref_slice %arg3[%add3A_0, %arg1, %dma_wait3A_91, %dma_wait3A_92] : memref<4x16x88x128xi32, #tpu.memory_space<hbm>> -> memref<1x1x8x128xi32, #tpu.memory_space<hbm>>
      %dma_wait3A_94 = tpu.memref_squeeze %dma_wait3A_93 : memref<1x1x8x128xi32, #tpu.memory_space<hbm>> -> memref<8x128xi32, #tpu.memory_space<hbm>>
      tpu.wait_dma2 semaphore(%run_scoped3A_64 : memref<!tpu.dma_semaphore, #tpu.memory_space<semaphore_mem>>) src(%dma_wait3A_94 : memref<8x128xi32, #tpu.memory_space<hbm>>) dst(%dma_wait3A_90 : memref<8x128xi32, #tpu.memory_space<vmem>>)
      tpu.yield
    }) : () -> ()
    %barrier3A = arith.constant 0 : index
    tpu.barrier barrier_id(%barrier3A)
    %scan3A = arith.constant 0 : i32
    %scan3A_9 = arith.constant 0 : i32
    %scan3A_10 = arith.constant 10 : i32
    %scan3A_11 = arith.addi %scan3A_9, %scan3A_10 : i32
    %scan3A_12 = arith.constant 1 : i32
    scf.for %scan3A_64 = %scan3A_9 to %scan3A_11 step %scan3A_12  : i32 {
      %jit3A = arith.constant 2 : i32
      %eq3A_65 = arith.constant 0 : i32
      %eq3A_66 = arith.cmpi eq, %jit3A, %eq3A_65 : i32
      %jit3A_67 = arith.constant 1 : i32
      %select_n3A = arith.select %eq3A_66, %jit3A_67, %jit3A : i32
      %rem3A = arith.remsi %scan3A_64, %select_n3A : i32
      %ne3A = arith.constant 0 : i32
      %ne3A_68 = arith.cmpi ne, %rem3A, %ne3A : i32
      %lt3A = arith.constant 0 : i32
      %lt3A_69 = arith.cmpi slt, %rem3A, %lt3A : i32
      %lt3A_70 = arith.constant 0 : i32
      %lt3A_71 = arith.cmpi slt, %select_n3A, %lt3A_70 : i32
      %ne3A_72 = arith.xori %lt3A_69, %lt3A_71 : i1
      %and3A = arith.andi %ne3A_72, %ne3A_68 : i1
      %add3A_73 = arith.addi %rem3A, %select_n3A : i32
      %select_n3A_74 = arith.select %and3A, %add3A_73, %rem3A : i32
      %mul3A_75 = arith.constant 8 : i32
      %mul3A_76 = arith.muli %scan3A_64, %mul3A_75 : i32
      %add3A_77 = arith.constant 1 : i32
      %add3A_78 = arith.addi %scan3A_64, %add3A_77 : i32
      %mul3A_79 = arith.constant 8 : i32
      %mul3A_80 = arith.muli %add3A_78, %mul3A_79 : i32
      %multiple_of3A = tpu.assume_multiple %mul3A_80, 8 : i32
      %add3A_81 = arith.constant 1 : i32
      %add3A_82 = arith.addi %scan3A_64, %add3A_81 : i32
      %jit3A_83 = arith.constant 2 : i32
      %eq3A_84 = arith.constant 0 : i32
      %eq3A_85 = arith.cmpi eq, %jit3A_83, %eq3A_84 : i32
      %jit3A_86 = arith.constant 1 : i32
      %select_n3A_87 = arith.select %eq3A_85, %jit3A_86, %jit3A_83 : i32
      %rem3A_88 = arith.remsi %add3A_82, %select_n3A_87 : i32
      %ne3A_89 = arith.constant 0 : i32
      %ne3A_90 = arith.cmpi ne, %rem3A_88, %ne3A_89 : i32
      %lt3A_91 = arith.constant 0 : i32
      %lt3A_92 = arith.cmpi slt, %rem3A_88, %lt3A_91 : i32
      %lt3A_93 = arith.constant 0 : i32
      %lt3A_94 = arith.cmpi slt, %select_n3A_87, %lt3A_93 : i32
      %ne3A_95 = arith.xori %lt3A_92, %lt3A_94 : i1
      %and3A_96 = arith.andi %ne3A_95, %ne3A_90 : i1
      %add3A_97 = arith.addi %rem3A_88, %select_n3A_87 : i32
      %select_n3A_98 = arith.select %and3A_96, %add3A_97, %rem3A_88 : i32
      %dma_start3A = arith.constant 0 : i32
      %dma_start3A_99 = arith.constant 0 : i32
      %dma_start3A_100 = tpu.memref_slice %arg7[%select_n3A_98, %dma_start3A, %dma_start3A_99] : memref<2x8x128xi32, #tpu.memory_space<vmem>> -> memref<1x8x128xi32, #tpu.memory_space<vmem>>
      %dma_start3A_101 = tpu.memref_squeeze %dma_start3A_100 : memref<1x8x128xi32, #tpu.memory_space<vmem>> -> memref<8x128xi32, #tpu.memory_space<vmem>>
      %dma_start3A_102 = arith.constant 0 : i32
      %dma_start3A_103 = tpu.memref_slice %arg3[%add3A_0, %arg1, %multiple_of3A, %dma_start3A_102] : memref<4x16x88x128xi32, #tpu.memory_space<hbm>> -> memref<1x1x8x128xi32, #tpu.memory_space<hbm>>
      %dma_start3A_104 = tpu.memref_squeeze %dma_start3A_103 : memref<1x1x8x128xi32, #tpu.memory_space<hbm>> -> memref<8x128xi32, #tpu.memory_space<hbm>>
      %dma_start3A_105 = arith.constant 0 : i32
      %dma_start3A_106 = arith.constant 0 : i32
      %dma_start3A_107 = tpu.memref_slice %arg7[%select_n3A_98, %dma_start3A_105, %dma_start3A_106] : memref<2x8x128xi32, #tpu.memory_space<vmem>> -> memref<1x8x128xi32, #tpu.memory_space<vmem>>
      %dma_start3A_108 = tpu.memref_squeeze %dma_start3A_107 : memref<1x8x128xi32, #tpu.memory_space<vmem>> -> memref<8x128xi32, #tpu.memory_space<vmem>>
      %dma_start3A_109 = arith.constant 0 : i32
      %dma_start3A_110 = tpu.memref_slice %arg3[%add3A_0, %arg1, %multiple_of3A, %dma_start3A_109] : memref<4x16x88x128xi32, #tpu.memory_space<hbm>> -> memref<1x1x8x128xi32, #tpu.memory_space<hbm>>
      %dma_start3A_111 = tpu.memref_squeeze %dma_start3A_110 : memref<1x1x8x128xi32, #tpu.memory_space<hbm>> -> memref<8x128xi32, #tpu.memory_space<hbm>>
      tpu.enqueue_dma source(%dma_start3A_111 : memref<8x128xi32, #tpu.memory_space<hbm>>) target(%dma_start3A_108 : memref<8x128xi32, #tpu.memory_space<vmem>>) target_semaphore(%arg12 : memref<!tpu.dma_semaphore, #tpu.memory_space<semaphore_mem>>)
      %dma_start3A_112 = arith.constant 0 : i32
      %dma_start3A_113 = arith.constant 0 : i32
      %dma_start3A_114 = arith.constant 0 : i32
      %dma_start3A_115 = arith.constant 0 : i32
      %dma_start3A_116 = arith.constant 0 : i32
      %dma_start3A_117 = tpu.memref_slice %arg9[%dma_start3A_113, %dma_start3A_115, %dma_start3A_116] : memref<2x128x128xf32, #tpu.memory_space<vmem>> -> memref<1x128x128xf32, #tpu.memory_space<vmem>>
      %dma_start3A_118 = tpu.memref_squeeze %dma_start3A_117 : memref<1x128x128xf32, #tpu.memory_space<vmem>> -> memref<128x128xf32, #tpu.memory_space<vmem>>
      %dma_start3A_119 = arith.constant 0 : i32
      %dma_start3A_120 = tpu.memref_slice %arg7[%select_n3A_74, %dma_start3A_112, %dma_start3A_119] : memref<2x8x128xi32, #tpu.memory_space<vmem>> -> memref<1x1x128xi32, #tpu.memory_space<vmem>>
      %dma_start3A_121 = tpu.memref_squeeze %dma_start3A_120 : memref<1x1x128xi32, #tpu.memory_space<vmem>> -> memref<128xi32, #tpu.memory_space<vmem>>
      %dma_start3A_122 = arith.constant 0 : i32
      %dma_start3A_123 = arith.constant 0 : i32
      %dma_start3A_124 = tpu.memref_slice %arg2[%dma_start3A_122, %dma_start3A_123] : memref<40000x128xf32, #tpu.memory_space<hbm>> -> memref<40000x128xf32, #tpu.memory_space<hbm>>
      %dma_start3A_125 = tpu.memref_slice %arg10[%dma_start3A_114] : memref<2x!tpu.dma_semaphore, #tpu.memory_space<semaphore_mem>> -> memref<1x!tpu.dma_semaphore, #tpu.memory_space<semaphore_mem>>
      %dma_start3A_126 = tpu.memref_squeeze %dma_start3A_125 : memref<1x!tpu.dma_semaphore, #tpu.memory_space<semaphore_mem>> -> memref<!tpu.dma_semaphore, #tpu.memory_space<semaphore_mem>>
      tpu.enqueue_indirect_dma source(%dma_start3A_124 : memref<40000x128xf32, #tpu.memory_space<hbm>>) target(%dma_start3A_118 : memref<128x128xf32, #tpu.memory_space<vmem>>) offsets(%dma_start3A_121 : memref<128xi32, #tpu.memory_space<vmem>>) semaphore(%dma_start3A_126 : memref<!tpu.dma_semaphore, #tpu.memory_space<semaphore_mem>>)
      %dma_start3A_127 = arith.constant 1 : i32
      %dma_start3A_128 = arith.constant 1 : i32
      %dma_start3A_129 = arith.constant 1 : i32
      %dma_start3A_130 = arith.constant 0 : i32
      %dma_start3A_131 = arith.constant 0 : i32
      %dma_start3A_132 = tpu.memref_slice %arg9[%dma_start3A_128, %dma_start3A_130, %dma_start3A_131] : memref<2x128x128xf32, #tpu.memory_space<vmem>> -> memref<1x128x128xf32, #tpu.memory_space<vmem>>
      %dma_start3A_133 = tpu.memref_squeeze %dma_start3A_132 : memref<1x128x128xf32, #tpu.memory_space<vmem>> -> memref<128x128xf32, #tpu.memory_space<vmem>>
      %dma_start3A_134 = arith.constant 0 : i32
      %dma_start3A_135 = tpu.memref_slice %arg7[%select_n3A_74, %dma_start3A_127, %dma_start3A_134] : memref<2x8x128xi32, #tpu.memory_space<vmem>> -> memref<1x1x128xi32, #tpu.memory_space<vmem>>
      %dma_start3A_136 = tpu.memref_squeeze %dma_start3A_135 : memref<1x1x128xi32, #tpu.memory_space<vmem>> -> memref<128xi32, #tpu.memory_space<vmem>>
      %dma_start3A_137 = arith.constant 0 : i32
      %dma_start3A_138 = arith.constant 0 : i32
      %dma_start3A_139 = tpu.memref_slice %arg2[%dma_start3A_137, %dma_start3A_138] : memref<40000x128xf32, #tpu.memory_space<hbm>> -> memref<40000x128xf32, #tpu.memory_space<hbm>>
      %dma_start3A_140 = tpu.memref_slice %arg10[%dma_start3A_129] : memref<2x!tpu.dma_semaphore, #tpu.memory_space<semaphore_mem>> -> memref<1x!tpu.dma_semaphore, #tpu.memory_space<semaphore_mem>>
      %dma_start3A_141 = tpu.memref_squeeze %dma_start3A_140 : memref<1x!tpu.dma_semaphore, #tpu.memory_space<semaphore_mem>> -> memref<!tpu.dma_semaphore, #tpu.memory_space<semaphore_mem>>
      tpu.enqueue_indirect_dma source(%dma_start3A_139 : memref<40000x128xf32, #tpu.memory_space<hbm>>) target(%dma_start3A_133 : memref<128x128xf32, #tpu.memory_space<vmem>>) offsets(%dma_start3A_136 : memref<128xi32, #tpu.memory_space<vmem>>) semaphore(%dma_start3A_141 : memref<!tpu.dma_semaphore, #tpu.memory_space<semaphore_mem>>)
      %dma_wait3A = arith.constant 0 : i32
      %dma_wait3A_142 = arith.constant 0 : i32
      %dma_wait3A_143 = arith.constant 0 : i32
      %dma_wait3A_144 = arith.constant 0 : i32
      %dma_wait3A_145 = arith.constant 0 : i32
      %dma_wait3A_146 = tpu.memref_slice %arg9[%dma_wait3A_142, %dma_wait3A_144, %dma_wait3A_145] : memref<2x128x128xf32, #tpu.memory_space<vmem>> -> memref<1x128x128xf32, #tpu.memory_space<vmem>>
      %dma_wait3A_147 = tpu.memref_squeeze %dma_wait3A_146 : memref<1x128x128xf32, #tpu.memory_space<vmem>> -> memref<128x128xf32, #tpu.memory_space<vmem>>
      %dma_wait3A_148 = arith.constant 0 : i32
      %dma_wait3A_149 = tpu.memref_slice %arg7[%select_n3A_74, %dma_wait3A, %dma_wait3A_148] : memref<2x8x128xi32, #tpu.memory_space<vmem>> -> memref<1x1x128xi32, #tpu.memory_space<vmem>>
      %dma_wait3A_150 = tpu.memref_squeeze %dma_wait3A_149 : memref<1x1x128xi32, #tpu.memory_space<vmem>> -> memref<128xi32, #tpu.memory_space<vmem>>
      %dma_wait3A_151 = arith.constant 0 : i32
      %dma_wait3A_152 = arith.constant 0 : i32
      %dma_wait3A_153 = tpu.memref_slice %arg2[%dma_wait3A_151, %dma_wait3A_152] : memref<40000x128xf32, #tpu.memory_space<hbm>> -> memref<40000x128xf32, #tpu.memory_space<hbm>>
      %dma_wait3A_154 = tpu.memref_slice %arg10[%dma_wait3A_143] : memref<2x!tpu.dma_semaphore, #tpu.memory_space<semaphore_mem>> -> memref<1x!tpu.dma_semaphore, #tpu.memory_space<semaphore_mem>>
      %dma_wait3A_155 = tpu.memref_squeeze %dma_wait3A_154 : memref<1x!tpu.dma_semaphore, #tpu.memory_space<semaphore_mem>> -> memref<!tpu.dma_semaphore, #tpu.memory_space<semaphore_mem>>
      tpu.wait_indirect_dma semaphore(%dma_wait3A_155 : memref<!tpu.dma_semaphore, #tpu.memory_space<semaphore_mem>>) src(%dma_wait3A_153 : memref<40000x128xf32, #tpu.memory_space<hbm>>) dst(%dma_wait3A_147 : memref<128x128xf32, #tpu.memory_space<vmem>>)
      %add3A_156 = arith.constant 0 : i32
      %add3A_157 = arith.addi %mul3A_76, %add3A_156 : i32
      %dma_start3A_158 = arith.constant 0 : i32
      %dma_start3A_159 = arith.constant 0 : i32
      %dma_start3A_160 = arith.constant 0 : i32
      %dma_start3A_161 = arith.constant 0 : i32
      %dma_start3A_162 = tpu.memref_slice %arg9[%dma_start3A_158, %dma_start3A_160, %dma_start3A_161] : memref<2x128x128xf32, #tpu.memory_space<vmem>> -> memref<1x128x128xf32, #tpu.memory_space<vmem>>
      %dma_start3A_163 = tpu.memref_squeeze %dma_start3A_162 : memref<1x128x128xf32, #tpu.memory_space<vmem>> -> memref<128x128xf32, #tpu.memory_space<vmem>>
      %dma_start3A_164 = arith.constant 0 : i32
      %dma_start3A_165 = tpu.memref_slice %arg8[%add3A_157, %dma_start3A_164] : memref<80x128xi32, #tpu.memory_space<vmem>> -> memref<1x128xi32, #tpu.memory_space<vmem>>
      %dma_start3A_166 = tpu.memref_squeeze %dma_start3A_165 : memref<1x128xi32, #tpu.memory_space<vmem>> -> memref<128xi32, #tpu.memory_space<vmem>>
      %dma_start3A_167 = arith.constant 0 : i32
      %dma_start3A_168 = arith.constant 0 : i32
      %dma_start3A_169 = tpu.memref_slice %arg6[%dma_start3A_167, %dma_start3A_168] : memref<10256x128xf32, #tpu.memory_space<vmem_shared>> -> memref<10256x128xf32, #tpu.memory_space<vmem_shared>>
      %dma_start3A_170 = tpu.memref_slice %arg11[%dma_start3A_159] : memref<2x!tpu.dma_semaphore, #tpu.memory_space<semaphore_mem>> -> memref<1x!tpu.dma_semaphore, #tpu.memory_space<semaphore_mem>>
      %dma_start3A_171 = tpu.memref_squeeze %dma_start3A_170 : memref<1x!tpu.dma_semaphore, #tpu.memory_space<semaphore_mem>> -> memref<!tpu.dma_semaphore, #tpu.memory_space<semaphore_mem>>
      tpu.enqueue_indirect_dma source(%dma_start3A_163 : memref<128x128xf32, #tpu.memory_space<vmem>>) target(%dma_start3A_169 : memref<10256x128xf32, #tpu.memory_space<vmem_shared>>) offsets(%dma_start3A_166 : memref<128xi32, #tpu.memory_space<vmem>>) semaphore(%dma_start3A_171 : memref<!tpu.dma_semaphore, #tpu.memory_space<semaphore_mem>>) {add = true}
      %add3A_172 = arith.constant 0 : i32
      %add3A_173 = arith.addi %mul3A_76, %add3A_172 : i32
      %dma_wait3A_174 = arith.constant 0 : i32
      %dma_wait3A_175 = arith.constant 0 : i32
      %dma_wait3A_176 = arith.constant 0 : i32
      %dma_wait3A_177 = arith.constant 0 : i32
      %dma_wait3A_178 = tpu.memref_slice %arg9[%dma_wait3A_174, %dma_wait3A_176, %dma_wait3A_177] : memref<2x128x128xf32, #tpu.memory_space<vmem>> -> memref<1x128x128xf32, #tpu.memory_space<vmem>>
      %dma_wait3A_179 = tpu.memref_squeeze %dma_wait3A_178 : memref<1x128x128xf32, #tpu.memory_space<vmem>> -> memref<128x128xf32, #tpu.memory_space<vmem>>
      %dma_wait3A_180 = arith.constant 0 : i32
      %dma_wait3A_181 = tpu.memref_slice %arg8[%add3A_173, %dma_wait3A_180] : memref<80x128xi32, #tpu.memory_space<vmem>> -> memref<1x128xi32, #tpu.memory_space<vmem>>
      %dma_wait3A_182 = tpu.memref_squeeze %dma_wait3A_181 : memref<1x128xi32, #tpu.memory_space<vmem>> -> memref<128xi32, #tpu.memory_space<vmem>>
      %dma_wait3A_183 = arith.constant 0 : i32
      %dma_wait3A_184 = arith.constant 0 : i32
      %dma_wait3A_185 = tpu.memref_slice %arg6[%dma_wait3A_183, %dma_wait3A_184] : memref<10256x128xf32, #tpu.memory_space<vmem_shared>> -> memref<10256x128xf32, #tpu.memory_space<vmem_shared>>
      %dma_wait3A_186 = tpu.memref_slice %arg11[%dma_wait3A_175] : memref<2x!tpu.dma_semaphore, #tpu.memory_space<semaphore_mem>> -> memref<1x!tpu.dma_semaphore, #tpu.memory_space<semaphore_mem>>
      %dma_wait3A_187 = tpu.memref_squeeze %dma_wait3A_186 : memref<1x!tpu.dma_semaphore, #tpu.memory_space<semaphore_mem>> -> memref<!tpu.dma_semaphore, #tpu.memory_space<semaphore_mem>>
      tpu.wait_indirect_dma semaphore(%dma_wait3A_187 : memref<!tpu.dma_semaphore, #tpu.memory_space<semaphore_mem>>) src(%dma_wait3A_179 : memref<128x128xf32, #tpu.memory_space<vmem>>) dst(%dma_wait3A_185 : memref<10256x128xf32, #tpu.memory_space<vmem_shared>>)
      %dma_start3A_188 = arith.constant 2 : i32
      %dma_start3A_189 = arith.constant 0 : i32
      %dma_start3A_190 = arith.constant 0 : i32
      %dma_start3A_191 = arith.constant 0 : i32
      %dma_start3A_192 = arith.constant 0 : i32
      %dma_start3A_193 = tpu.memref_slice %arg9[%dma_start3A_189, %dma_start3A_191, %dma_start3A_192] : memref<2x128x128xf32, #tpu.memory_space<vmem>> -> memref<1x128x128xf32, #tpu.memory_space<vmem>>
      %dma_start3A_194 = tpu.memref_squeeze %dma_start3A_193 : memref<1x128x128xf32, #tpu.memory_space<vmem>> -> memref<128x128xf32, #tpu.memory_space<vmem>>
      %dma_start3A_195 = arith.constant 0 : i32
      %dma_start3A_196 = tpu.memref_slice %arg7[%select_n3A_74, %dma_start3A_188, %dma_start3A_195] : memref<2x8x128xi32, #tpu.memory_space<vmem>> -> memref<1x1x128xi32, #tpu.memory_space<vmem>>
      %dma_start3A_197 = tpu.memref_squeeze %dma_start3A_196 : memref<1x1x128xi32, #tpu.memory_space<vmem>> -> memref<128xi32, #tpu.memory_space<vmem>>
      %dma_start3A_198 = arith.constant 0 : i32
      %dma_start3A_199 = arith.constant 0 : i32
      %dma_start3A_200 = tpu.memref_slice %arg2[%dma_start3A_198, %dma_start3A_199] : memref<40000x128xf32, #tpu.memory_space<hbm>> -> memref<40000x128xf32, #tpu.memory_space<hbm>>
      %dma_start3A_201 = tpu.memref_slice %arg10[%dma_start3A_190] : memref<2x!tpu.dma_semaphore, #tpu.memory_space<semaphore_mem>> -> memref<1x!tpu.dma_semaphore, #tpu.memory_space<semaphore_mem>>
      %dma_start3A_202 = tpu.memref_squeeze %dma_start3A_201 : memref<1x!tpu.dma_semaphore, #tpu.memory_space<semaphore_mem>> -> memref<!tpu.dma_semaphore, #tpu.memory_space<semaphore_mem>>
      tpu.enqueue_indirect_dma source(%dma_start3A_200 : memref<40000x128xf32, #tpu.memory_space<hbm>>) target(%dma_start3A_194 : memref<128x128xf32, #tpu.memory_space<vmem>>) offsets(%dma_start3A_197 : memref<128xi32, #tpu.memory_space<vmem>>) semaphore(%dma_start3A_202 : memref<!tpu.dma_semaphore, #tpu.memory_space<semaphore_mem>>)
      %dma_wait3A_203 = arith.constant 1 : i32
      %dma_wait3A_204 = arith.constant 1 : i32
      %dma_wait3A_205 = arith.constant 1 : i32
      %dma_wait3A_206 = arith.constant 0 : i32
      %dma_wait3A_207 = arith.constant 0 : i32
      %dma_wait3A_208 = tpu.memref_slice %arg9[%dma_wait3A_204, %dma_wait3A_206, %dma_wait3A_207] : memref<2x128x128xf32, #tpu.memory_space<vmem>> -> memref<1x128x128xf32, #tpu.memory_space<vmem>>
      %dma_wait3A_209 = tpu.memref_squeeze %dma_wait3A_208 : memref<1x128x128xf32, #tpu.memory_space<vmem>> -> memref<128x128xf32, #tpu.memory_space<vmem>>
      %dma_wait3A_210 = arith.constant 0 : i32
      %dma_wait3A_211 = tpu.memref_slice %arg7[%select_n3A_74, %dma_wait3A_203, %dma_wait3A_210] : memref<2x8x128xi32, #tpu.memory_space<vmem>> -> memref<1x1x128xi32, #tpu.memory_space<vmem>>
      %dma_wait3A_212 = tpu.memref_squeeze %dma_wait3A_211 : memref<1x1x128xi32, #tpu.memory_space<vmem>> -> memref<128xi32, #tpu.memory_space<vmem>>
      %dma_wait3A_213 = arith.constant 0 : i32
      %dma_wait3A_214 = arith.constant 0 : i32
      %dma_wait3A_215 = tpu.memref_slice %arg2[%dma_wait3A_213, %dma_wait3A_214] : memref<40000x128xf32, #tpu.memory_space<hbm>> -> memref<40000x128xf32, #tpu.memory_space<hbm>>
      %dma_wait3A_216 = tpu.memref_slice %arg10[%dma_wait3A_205] : memref<2x!tpu.dma_semaphore, #tpu.memory_space<semaphore_mem>> -> memref<1x!tpu.dma_semaphore, #tpu.memory_space<semaphore_mem>>
      %dma_wait3A_217 = tpu.memref_squeeze %dma_wait3A_216 : memref<1x!tpu.dma_semaphore, #tpu.memory_space<semaphore_mem>> -> memref<!tpu.dma_semaphore, #tpu.memory_space<semaphore_mem>>
      tpu.wait_indirect_dma semaphore(%dma_wait3A_217 : memref<!tpu.dma_semaphore, #tpu.memory_space<semaphore_mem>>) src(%dma_wait3A_215 : memref<40000x128xf32, #tpu.memory_space<hbm>>) dst(%dma_wait3A_209 : memref<128x128xf32, #tpu.memory_space<vmem>>)
      %add3A_218 = arith.constant 1 : i32
      %add3A_219 = arith.addi %mul3A_76, %add3A_218 : i32
      %dma_start3A_220 = arith.constant 1 : i32
      %dma_start3A_221 = arith.constant 1 : i32
      %dma_start3A_222 = arith.constant 0 : i32
      %dma_start3A_223 = arith.constant 0 : i32
      %dma_start3A_224 = tpu.memref_slice %arg9[%dma_start3A_220, %dma_start3A_222, %dma_start3A_223] : memref<2x128x128xf32, #tpu.memory_space<vmem>> -> memref<1x128x128xf32, #tpu.memory_space<vmem>>
      %dma_start3A_225 = tpu.memref_squeeze %dma_start3A_224 : memref<1x128x128xf32, #tpu.memory_space<vmem>> -> memref<128x128xf32, #tpu.memory_space<vmem>>
      %dma_start3A_226 = arith.constant 0 : i32
      %dma_start3A_227 = tpu.memref_slice %arg8[%add3A_219, %dma_start3A_226] : memref<80x128xi32, #tpu.memory_space<vmem>> -> memref<1x128xi32, #tpu.memory_space<vmem>>
      %dma_start3A_228 = tpu.memref_squeeze %dma_start3A_227 : memref<1x128xi32, #tpu.memory_space<vmem>> -> memref<128xi32, #tpu.memory_space<vmem>>
      %dma_start3A_229 = arith.constant 0 : i32
      %dma_start3A_230 = arith.constant 0 : i32
      %dma_start3A_231 = tpu.memref_slice %arg6[%dma_start3A_229, %dma_start3A_230] : memref<10256x128xf32, #tpu.memory_space<vmem_shared>> -> memref<10256x128xf32, #tpu.memory_space<vmem_shared>>
      %dma_start3A_232 = tpu.memref_slice %arg11[%dma_start3A_221] : memref<2x!tpu.dma_semaphore, #tpu.memory_space<semaphore_mem>> -> memref<1x!tpu.dma_semaphore, #tpu.memory_space<semaphore_mem>>
      %dma_start3A_233 = tpu.memref_squeeze %dma_start3A_232 : memref<1x!tpu.dma_semaphore, #tpu.memory_space<semaphore_mem>> -> memref<!tpu.dma_semaphore, #tpu.memory_space<semaphore_mem>>
      tpu.enqueue_indirect_dma source(%dma_start3A_225 : memref<128x128xf32, #tpu.memory_space<vmem>>) target(%dma_start3A_231 : memref<10256x128xf32, #tpu.memory_space<vmem_shared>>) offsets(%dma_start3A_228 : memref<128xi32, #tpu.memory_space<vmem>>) semaphore(%dma_start3A_233 : memref<!tpu.dma_semaphore, #tpu.memory_space<semaphore_mem>>) {add = true}
      %add3A_234 = arith.constant 1 : i32
      %add3A_235 = arith.addi %mul3A_76, %add3A_234 : i32
      %dma_wait3A_236 = arith.constant 1 : i32
      %dma_wait3A_237 = arith.constant 1 : i32
      %dma_wait3A_238 = arith.constant 0 : i32
      %dma_wait3A_239 = arith.constant 0 : i32
      %dma_wait3A_240 = tpu.memref_slice %arg9[%dma_wait3A_236, %dma_wait3A_238, %dma_wait3A_239] : memref<2x128x128xf32, #tpu.memory_space<vmem>> -> memref<1x128x128xf32, #tpu.memory_space<vmem>>
      %dma_wait3A_241 = tpu.memref_squeeze %dma_wait3A_240 : memref<1x128x128xf32, #tpu.memory_space<vmem>> -> memref<128x128xf32, #tpu.memory_space<vmem>>
      %dma_wait3A_242 = arith.constant 0 : i32
      %dma_wait3A_243 = tpu.memref_slice %arg8[%add3A_235, %dma_wait3A_242] : memref<80x128xi32, #tpu.memory_space<vmem>> -> memref<1x128xi32, #tpu.memory_space<vmem>>
      %dma_wait3A_244 = tpu.memref_squeeze %dma_wait3A_243 : memref<1x128xi32, #tpu.memory_space<vmem>> -> memref<128xi32, #tpu.memory_space<vmem>>
      %dma_wait3A_245 = arith.constant 0 : i32
      %dma_wait3A_246 = arith.constant 0 : i32
      %dma_wait3A_247 = tpu.memref_slice %arg6[%dma_wait3A_245, %dma_wait3A_246] : memref<10256x128xf32, #tpu.memory_space<vmem_shared>> -> memref<10256x128xf32, #tpu.memory_space<vmem_shared>>
      %dma_wait3A_248 = tpu.memref_slice %arg11[%dma_wait3A_237] : memref<2x!tpu.dma_semaphore, #tpu.memory_space<semaphore_mem>> -> memref<1x!tpu.dma_semaphore, #tpu.memory_space<semaphore_mem>>
      %dma_wait3A_249 = tpu.memref_squeeze %dma_wait3A_248 : memref<1x!tpu.dma_semaphore, #tpu.memory_space<semaphore_mem>> -> memref<!tpu.dma_semaphore, #tpu.memory_space<semaphore_mem>>
      tpu.wait_indirect_dma semaphore(%dma_wait3A_249 : memref<!tpu.dma_semaphore, #tpu.memory_space<semaphore_mem>>) src(%dma_wait3A_241 : memref<128x128xf32, #tpu.memory_space<vmem>>) dst(%dma_wait3A_247 : memref<10256x128xf32, #tpu.memory_space<vmem_shared>>)
      %dma_start3A_250 = arith.constant 3 : i32
      %dma_start3A_251 = arith.constant 1 : i32
      %dma_start3A_252 = arith.constant 1 : i32
      %dma_start3A_253 = arith.constant 0 : i32
      %dma_start3A_254 = arith.constant 0 : i32
      %dma_start3A_255 = tpu.memref_slice %arg9[%dma_start3A_251, %dma_start3A_253, %dma_start3A_254] : memref<2x128x128xf32, #tpu.memory_space<vmem>> -> memref<1x128x128xf32, #tpu.memory_space<vmem>>
      %dma_start3A_256 = tpu.memref_squeeze %dma_start3A_255 : memref<1x128x128xf32, #tpu.memory_space<vmem>> -> memref<128x128xf32, #tpu.memory_space<vmem>>
      %dma_start3A_257 = arith.constant 0 : i32
      %dma_start3A_258 = tpu.memref_slice %arg7[%select_n3A_74, %dma_start3A_250, %dma_start3A_257] : memref<2x8x128xi32, #tpu.memory_space<vmem>> -> memref<1x1x128xi32, #tpu.memory_space<vmem>>
      %dma_start3A_259 = tpu.memref_squeeze %dma_start3A_258 : memref<1x1x128xi32, #tpu.memory_space<vmem>> -> memref<128xi32, #tpu.memory_space<vmem>>
      %dma_start3A_260 = arith.constant 0 : i32
      %dma_start3A_261 = arith.constant 0 : i32
      %dma_start3A_262 = tpu.memref_slice %arg2[%dma_start3A_260, %dma_start3A_261] : memref<40000x128xf32, #tpu.memory_space<hbm>> -> memref<40000x128xf32, #tpu.memory_space<hbm>>
      %dma_start3A_263 = tpu.memref_slice %arg10[%dma_start3A_252] : memref<2x!tpu.dma_semaphore, #tpu.memory_space<semaphore_mem>> -> memref<1x!tpu.dma_semaphore, #tpu.memory_space<semaphore_mem>>
      %dma_start3A_264 = tpu.memref_squeeze %dma_start3A_263 : memref<1x!tpu.dma_semaphore, #tpu.memory_space<semaphore_mem>> -> memref<!tpu.dma_semaphore, #tpu.memory_space<semaphore_mem>>
      tpu.enqueue_indirect_dma source(%dma_start3A_262 : memref<40000x128xf32, #tpu.memory_space<hbm>>) target(%dma_start3A_256 : memref<128x128xf32, #tpu.memory_space<vmem>>) offsets(%dma_start3A_259 : memref<128xi32, #tpu.memory_space<vmem>>) semaphore(%dma_start3A_264 : memref<!tpu.dma_semaphore, #tpu.memory_space<semaphore_mem>>)
      %dma_wait3A_265 = arith.constant 2 : i32
      %dma_wait3A_266 = arith.constant 0 : i32
      %dma_wait3A_267 = arith.constant 0 : i32
      %dma_wait3A_268 = arith.constant 0 : i32
      %dma_wait3A_269 = arith.constant 0 : i32
      %dma_wait3A_270 = tpu.memref_slice %arg9[%dma_wait3A_266, %dma_wait3A_268, %dma_wait3A_269] : memref<2x128x128xf32, #tpu.memory_space<vmem>> -> memref<1x128x128xf32, #tpu.memory_space<vmem>>
      %dma_wait3A_271 = tpu.memref_squeeze %dma_wait3A_270 : memref<1x128x128xf32, #tpu.memory_space<vmem>> -> memref<128x128xf32, #tpu.memory_space<vmem>>
      %dma_wait3A_272 = arith.constant 0 : i32
      %dma_wait3A_273 = tpu.memref_slice %arg7[%select_n3A_74, %dma_wait3A_265, %dma_wait3A_272] : memref<2x8x128xi32, #tpu.memory_space<vmem>> -> memref<1x1x128xi32, #tpu.memory_space<vmem>>
      %dma_wait3A_274 = tpu.memref_squeeze %dma_wait3A_273 : memref<1x1x128xi32, #tpu.memory_space<vmem>> -> memref<128xi32, #tpu.memory_space<vmem>>
      %dma_wait3A_275 = arith.constant 0 : i32
      %dma_wait3A_276 = arith.constant 0 : i32
      %dma_wait3A_277 = tpu.memref_slice %arg2[%dma_wait3A_275, %dma_wait3A_276] : memref<40000x128xf32, #tpu.memory_space<hbm>> -> memref<40000x128xf32, #tpu.memory_space<hbm>>
      %dma_wait3A_278 = tpu.memref_slice %arg10[%dma_wait3A_267] : memref<2x!tpu.dma_semaphore, #tpu.memory_space<semaphore_mem>> -> memref<1x!tpu.dma_semaphore, #tpu.memory_space<semaphore_mem>>
      %dma_wait3A_279 = tpu.memref_squeeze %dma_wait3A_278 : memref<1x!tpu.dma_semaphore, #tpu.memory_space<semaphore_mem>> -> memref<!tpu.dma_semaphore, #tpu.memory_space<semaphore_mem>>
      tpu.wait_indirect_dma semaphore(%dma_wait3A_279 : memref<!tpu.dma_semaphore, #tpu.memory_space<semaphore_mem>>) src(%dma_wait3A_277 : memref<40000x128xf32, #tpu.memory_space<hbm>>) dst(%dma_wait3A_271 : memref<128x128xf32, #tpu.memory_space<vmem>>)
      %add3A_280 = arith.constant 2 : i32
      %add3A_281 = arith.addi %mul3A_76, %add3A_280 : i32
      %dma_start3A_282 = arith.constant 0 : i32
      %dma_start3A_283 = arith.constant 0 : i32
      %dma_start3A_284 = arith.constant 0 : i32
      %dma_start3A_285 = arith.constant 0 : i32
      %dma_start3A_286 = tpu.memref_slice %arg9[%dma_start3A_282, %dma_start3A_284, %dma_start3A_285] : memref<2x128x128xf32, #tpu.memory_space<vmem>> -> memref<1x128x128xf32, #tpu.memory_space<vmem>>
      %dma_start3A_287 = tpu.memref_squeeze %dma_start3A_286 : memref<1x128x128xf32, #tpu.memory_space<vmem>> -> memref<128x128xf32, #tpu.memory_space<vmem>>
      %dma_start3A_288 = arith.constant 0 : i32
      %dma_start3A_289 = tpu.memref_slice %arg8[%add3A_281, %dma_start3A_288] : memref<80x128xi32, #tpu.memory_space<vmem>> -> memref<1x128xi32, #tpu.memory_space<vmem>>
      %dma_start3A_290 = tpu.memref_squeeze %dma_start3A_289 : memref<1x128xi32, #tpu.memory_space<vmem>> -> memref<128xi32, #tpu.memory_space<vmem>>
      %dma_start3A_291 = arith.constant 0 : i32
      %dma_start3A_292 = arith.constant 0 : i32
      %dma_start3A_293 = tpu.memref_slice %arg6[%dma_start3A_291, %dma_start3A_292] : memref<10256x128xf32, #tpu.memory_space<vmem_shared>> -> memref<10256x128xf32, #tpu.memory_space<vmem_shared>>
      %dma_start3A_294 = tpu.memref_slice %arg11[%dma_start3A_283] : memref<2x!tpu.dma_semaphore, #tpu.memory_space<semaphore_mem>> -> memref<1x!tpu.dma_semaphore, #tpu.memory_space<semaphore_mem>>
      %dma_start3A_295 = tpu.memref_squeeze %dma_start3A_294 : memref<1x!tpu.dma_semaphore, #tpu.memory_space<semaphore_mem>> -> memref<!tpu.dma_semaphore, #tpu.memory_space<semaphore_mem>>
      tpu.enqueue_indirect_dma source(%dma_start3A_287 : memref<128x128xf32, #tpu.memory_space<vmem>>) target(%dma_start3A_293 : memref<10256x128xf32, #tpu.memory_space<vmem_shared>>) offsets(%dma_start3A_290 : memref<128xi32, #tpu.memory_space<vmem>>) semaphore(%dma_start3A_295 : memref<!tpu.dma_semaphore, #tpu.memory_space<semaphore_mem>>) {add = true}
      %add3A_296 = arith.constant 2 : i32
      %add3A_297 = arith.addi %mul3A_76, %add3A_296 : i32
      %dma_wait3A_298 = arith.constant 0 : i32
      %dma_wait3A_299 = arith.constant 0 : i32
      %dma_wait3A_300 = arith.constant 0 : i32
      %dma_wait3A_301 = arith.constant 0 : i32
      %dma_wait3A_302 = tpu.memref_slice %arg9[%dma_wait3A_298, %dma_wait3A_300, %dma_wait3A_301] : memref<2x128x128xf32, #tpu.memory_space<vmem>> -> memref<1x128x128xf32, #tpu.memory_space<vmem>>
      %dma_wait3A_303 = tpu.memref_squeeze %dma_wait3A_302 : memref<1x128x128xf32, #tpu.memory_space<vmem>> -> memref<128x128xf32, #tpu.memory_space<vmem>>
      %dma_wait3A_304 = arith.constant 0 : i32
      %dma_wait3A_305 = tpu.memref_slice %arg8[%add3A_297, %dma_wait3A_304] : memref<80x128xi32, #tpu.memory_space<vmem>> -> memref<1x128xi32, #tpu.memory_space<vmem>>
      %dma_wait3A_306 = tpu.memref_squeeze %dma_wait3A_305 : memref<1x128xi32, #tpu.memory_space<vmem>> -> memref<128xi32, #tpu.memory_space<vmem>>
      %dma_wait3A_307 = arith.constant 0 : i32
      %dma_wait3A_308 = arith.constant 0 : i32
      %dma_wait3A_309 = tpu.memref_slice %arg6[%dma_wait3A_307, %dma_wait3A_308] : memref<10256x128xf32, #tpu.memory_space<vmem_shared>> -> memref<10256x128xf32, #tpu.memory_space<vmem_shared>>
      %dma_wait3A_310 = tpu.memref_slice %arg11[%dma_wait3A_299] : memref<2x!tpu.dma_semaphore, #tpu.memory_space<semaphore_mem>> -> memref<1x!tpu.dma_semaphore, #tpu.memory_space<semaphore_mem>>
      %dma_wait3A_311 = tpu.memref_squeeze %dma_wait3A_310 : memref<1x!tpu.dma_semaphore, #tpu.memory_space<semaphore_mem>> -> memref<!tpu.dma_semaphore, #tpu.memory_space<semaphore_mem>>
      tpu.wait_indirect_dma semaphore(%dma_wait3A_311 : memref<!tpu.dma_semaphore, #tpu.memory_space<semaphore_mem>>) src(%dma_wait3A_303 : memref<128x128xf32, #tpu.memory_space<vmem>>) dst(%dma_wait3A_309 : memref<10256x128xf32, #tpu.memory_space<vmem_shared>>)
      %dma_start3A_312 = arith.constant 4 : i32
      %dma_start3A_313 = arith.constant 0 : i32
      %dma_start3A_314 = arith.constant 0 : i32
      %dma_start3A_315 = arith.constant 0 : i32
      %dma_start3A_316 = arith.constant 0 : i32
      %dma_start3A_317 = tpu.memref_slice %arg9[%dma_start3A_313, %dma_start3A_315, %dma_start3A_316] : memref<2x128x128xf32, #tpu.memory_space<vmem>> -> memref<1x128x128xf32, #tpu.memory_space<vmem>>
      %dma_start3A_318 = tpu.memref_squeeze %dma_start3A_317 : memref<1x128x128xf32, #tpu.memory_space<vmem>> -> memref<128x128xf32, #tpu.memory_space<vmem>>
      %dma_start3A_319 = arith.constant 0 : i32
      %dma_start3A_320 = tpu.memref_slice %arg7[%select_n3A_74, %dma_start3A_312, %dma_start3A_319] : memref<2x8x128xi32, #tpu.memory_space<vmem>> -> memref<1x1x128xi32, #tpu.memory_space<vmem>>
      %dma_start3A_321 = tpu.memref_squeeze %dma_start3A_320 : memref<1x1x128xi32, #tpu.memory_space<vmem>> -> memref<128xi32, #tpu.memory_space<vmem>>
      %dma_start3A_322 = arith.constant 0 : i32
      %dma_start3A_323 = arith.constant 0 : i32
      %dma_start3A_324 = tpu.memref_slice %arg2[%dma_start3A_322, %dma_start3A_323] : memref<40000x128xf32, #tpu.memory_space<hbm>> -> memref<40000x128xf32, #tpu.memory_space<hbm>>
      %dma_start3A_325 = tpu.memref_slice %arg10[%dma_start3A_314] : memref<2x!tpu.dma_semaphore, #tpu.memory_space<semaphore_mem>> -> memref<1x!tpu.dma_semaphore, #tpu.memory_space<semaphore_mem>>
      %dma_start3A_326 = tpu.memref_squeeze %dma_start3A_325 : memref<1x!tpu.dma_semaphore, #tpu.memory_space<semaphore_mem>> -> memref<!tpu.dma_semaphore, #tpu.memory_space<semaphore_mem>>
      tpu.enqueue_indirect_dma source(%dma_start3A_324 : memref<40000x128xf32, #tpu.memory_space<hbm>>) target(%dma_start3A_318 : memref<128x128xf32, #tpu.memory_space<vmem>>) offsets(%dma_start3A_321 : memref<128xi32, #tpu.memory_space<vmem>>) semaphore(%dma_start3A_326 : memref<!tpu.dma_semaphore, #tpu.memory_space<semaphore_mem>>)
      %dma_wait3A_327 = arith.constant 3 : i32
      %dma_wait3A_328 = arith.constant 1 : i32
      %dma_wait3A_329 = arith.constant 1 : i32
      %dma_wait3A_330 = arith.constant 0 : i32
      %dma_wait3A_331 = arith.constant 0 : i32
      %dma_wait3A_332 = tpu.memref_slice %arg9[%dma_wait3A_328, %dma_wait3A_330, %dma_wait3A_331] : memref<2x128x128xf32, #tpu.memory_space<vmem>> -> memref<1x128x128xf32, #tpu.memory_space<vmem>>
      %dma_wait3A_333 = tpu.memref_squeeze %dma_wait3A_332 : memref<1x128x128xf32, #tpu.memory_space<vmem>> -> memref<128x128xf32, #tpu.memory_space<vmem>>
      %dma_wait3A_334 = arith.constant 0 : i32
      %dma_wait3A_335 = tpu.memref_slice %arg7[%select_n3A_74, %dma_wait3A_327, %dma_wait3A_334] : memref<2x8x128xi32, #tpu.memory_space<vmem>> -> memref<1x1x128xi32, #tpu.memory_space<vmem>>
      %dma_wait3A_336 = tpu.memref_squeeze %dma_wait3A_335 : memref<1x1x128xi32, #tpu.memory_space<vmem>> -> memref<128xi32, #tpu.memory_space<vmem>>
      %dma_wait3A_337 = arith.constant 0 : i32
      %dma_wait3A_338 = arith.constant 0 : i32
      %dma_wait3A_339 = tpu.memref_slice %arg2[%dma_wait3A_337, %dma_wait3A_338] : memref<40000x128xf32, #tpu.memory_space<hbm>> -> memref<40000x128xf32, #tpu.memory_space<hbm>>
      %dma_wait3A_340 = tpu.memref_slice %arg10[%dma_wait3A_329] : memref<2x!tpu.dma_semaphore, #tpu.memory_space<semaphore_mem>> -> memref<1x!tpu.dma_semaphore, #tpu.memory_space<semaphore_mem>>
      %dma_wait3A_341 = tpu.memref_squeeze %dma_wait3A_340 : memref<1x!tpu.dma_semaphore, #tpu.memory_space<semaphore_mem>> -> memref<!tpu.dma_semaphore, #tpu.memory_space<semaphore_mem>>
      tpu.wait_indirect_dma semaphore(%dma_wait3A_341 : memref<!tpu.dma_semaphore, #tpu.memory_space<semaphore_mem>>) src(%dma_wait3A_339 : memref<40000x128xf32, #tpu.memory_space<hbm>>) dst(%dma_wait3A_333 : memref<128x128xf32, #tpu.memory_space<vmem>>)
      %add3A_342 = arith.constant 3 : i32
      %add3A_343 = arith.addi %mul3A_76, %add3A_342 : i32
      %dma_start3A_344 = arith.constant 1 : i32
      %dma_start3A_345 = arith.constant 1 : i32
      %dma_start3A_346 = arith.constant 0 : i32
      %dma_start3A_347 = arith.constant 0 : i32
      %dma_start3A_348 = tpu.memref_slice %arg9[%dma_start3A_344, %dma_start3A_346, %dma_start3A_347] : memref<2x128x128xf32, #tpu.memory_space<vmem>> -> memref<1x128x128xf32, #tpu.memory_space<vmem>>
      %dma_start3A_349 = tpu.memref_squeeze %dma_start3A_348 : memref<1x128x128xf32, #tpu.memory_space<vmem>> -> memref<128x128xf32, #tpu.memory_space<vmem>>
      %dma_start3A_350 = arith.constant 0 : i32
      %dma_start3A_351 = tpu.memref_slice %arg8[%add3A_343, %dma_start3A_350] : memref<80x128xi32, #tpu.memory_space<vmem>> -> memref<1x128xi32, #tpu.memory_space<vmem>>
      %dma_start3A_352 = tpu.memref_squeeze %dma_start3A_351 : memref<1x128xi32, #tpu.memory_space<vmem>> -> memref<128xi32, #tpu.memory_space<vmem>>
      %dma_start3A_353 = arith.constant 0 : i32
      %dma_start3A_354 = arith.constant 0 : i32
      %dma_start3A_355 = tpu.memref_slice %arg6[%dma_start3A_353, %dma_start3A_354] : memref<10256x128xf32, #tpu.memory_space<vmem_shared>> -> memref<10256x128xf32, #tpu.memory_space<vmem_shared>>
      %dma_start3A_356 = tpu.memref_slice %arg11[%dma_start3A_345] : memref<2x!tpu.dma_semaphore, #tpu.memory_space<semaphore_mem>> -> memref<1x!tpu.dma_semaphore, #tpu.memory_space<semaphore_mem>>
      %dma_start3A_357 = tpu.memref_squeeze %dma_start3A_356 : memref<1x!tpu.dma_semaphore, #tpu.memory_space<semaphore_mem>> -> memref<!tpu.dma_semaphore, #tpu.memory_space<semaphore_mem>>
      tpu.enqueue_indirect_dma source(%dma_start3A_349 : memref<128x128xf32, #tpu.memory_space<vmem>>) target(%dma_start3A_355 : memref<10256x128xf32, #tpu.memory_space<vmem_shared>>) offsets(%dma_start3A_352 : memref<128xi32, #tpu.memory_space<vmem>>) semaphore(%dma_start3A_357 : memref<!tpu.dma_semaphore, #tpu.memory_space<semaphore_mem>>) {add = true}
      %add3A_358 = arith.constant 3 : i32
      %add3A_359 = arith.addi %mul3A_76, %add3A_358 : i32
      %dma_wait3A_360 = arith.constant 1 : i32
      %dma_wait3A_361 = arith.constant 1 : i32
      %dma_wait3A_362 = arith.constant 0 : i32
      %dma_wait3A_363 = arith.constant 0 : i32
      %dma_wait3A_364 = tpu.memref_slice %arg9[%dma_wait3A_360, %dma_wait3A_362, %dma_wait3A_363] : memref<2x128x128xf32, #tpu.memory_space<vmem>> -> memref<1x128x128xf32, #tpu.memory_space<vmem>>
      %dma_wait3A_365 = tpu.memref_squeeze %dma_wait3A_364 : memref<1x128x128xf32, #tpu.memory_space<vmem>> -> memref<128x128xf32, #tpu.memory_space<vmem>>
      %dma_wait3A_366 = arith.constant 0 : i32
      %dma_wait3A_367 = tpu.memref_slice %arg8[%add3A_359, %dma_wait3A_366] : memref<80x128xi32, #tpu.memory_space<vmem>> -> memref<1x128xi32, #tpu.memory_space<vmem>>
      %dma_wait3A_368 = tpu.memref_squeeze %dma_wait3A_367 : memref<1x128xi32, #tpu.memory_space<vmem>> -> memref<128xi32, #tpu.memory_space<vmem>>
      %dma_wait3A_369 = arith.constant 0 : i32
      %dma_wait3A_370 = arith.constant 0 : i32
      %dma_wait3A_371 = tpu.memref_slice %arg6[%dma_wait3A_369, %dma_wait3A_370] : memref<10256x128xf32, #tpu.memory_space<vmem_shared>> -> memref<10256x128xf32, #tpu.memory_space<vmem_shared>>
      %dma_wait3A_372 = tpu.memref_slice %arg11[%dma_wait3A_361] : memref<2x!tpu.dma_semaphore, #tpu.memory_space<semaphore_mem>> -> memref<1x!tpu.dma_semaphore, #tpu.memory_space<semaphore_mem>>
      %dma_wait3A_373 = tpu.memref_squeeze %dma_wait3A_372 : memref<1x!tpu.dma_semaphore, #tpu.memory_space<semaphore_mem>> -> memref<!tpu.dma_semaphore, #tpu.memory_space<semaphore_mem>>
      tpu.wait_indirect_dma semaphore(%dma_wait3A_373 : memref<!tpu.dma_semaphore, #tpu.memory_space<semaphore_mem>>) src(%dma_wait3A_365 : memref<128x128xf32, #tpu.memory_space<vmem>>) dst(%dma_wait3A_371 : memref<10256x128xf32, #tpu.memory_space<vmem_shared>>)
      %dma_start3A_374 = arith.constant 5 : i32
      %dma_start3A_375 = arith.constant 1 : i32
      %dma_start3A_376 = arith.constant 1 : i32
      %dma_start3A_377 = arith.constant 0 : i32
      %dma_start3A_378 = arith.constant 0 : i32
      %dma_start3A_379 = tpu.memref_slice %arg9[%dma_start3A_375, %dma_start3A_377, %dma_start3A_378] : memref<2x128x128xf32, #tpu.memory_space<vmem>> -> memref<1x128x128xf32, #tpu.memory_space<vmem>>
      %dma_start3A_380 = tpu.memref_squeeze %dma_start3A_379 : memref<1x128x128xf32, #tpu.memory_space<vmem>> -> memref<128x128xf32, #tpu.memory_space<vmem>>
      %dma_start3A_381 = arith.constant 0 : i32
      %dma_start3A_382 = tpu.memref_slice %arg7[%select_n3A_74, %dma_start3A_374, %dma_start3A_381] : memref<2x8x128xi32, #tpu.memory_space<vmem>> -> memref<1x1x128xi32, #tpu.memory_space<vmem>>
      %dma_start3A_383 = tpu.memref_squeeze %dma_start3A_382 : memref<1x1x128xi32, #tpu.memory_space<vmem>> -> memref<128xi32, #tpu.memory_space<vmem>>
      %dma_start3A_384 = arith.constant 0 : i32
      %dma_start3A_385 = arith.constant 0 : i32
      %dma_start3A_386 = tpu.memref_slice %arg2[%dma_start3A_384, %dma_start3A_385] : memref<40000x128xf32, #tpu.memory_space<hbm>> -> memref<40000x128xf32, #tpu.memory_space<hbm>>
      %dma_start3A_387 = tpu.memref_slice %arg10[%dma_start3A_376] : memref<2x!tpu.dma_semaphore, #tpu.memory_space<semaphore_mem>> -> memref<1x!tpu.dma_semaphore, #tpu.memory_space<semaphore_mem>>
      %dma_start3A_388 = tpu.memref_squeeze %dma_start3A_387 : memref<1x!tpu.dma_semaphore, #tpu.memory_space<semaphore_mem>> -> memref<!tpu.dma_semaphore, #tpu.memory_space<semaphore_mem>>
      tpu.enqueue_indirect_dma source(%dma_start3A_386 : memref<40000x128xf32, #tpu.memory_space<hbm>>) target(%dma_start3A_380 : memref<128x128xf32, #tpu.memory_space<vmem>>) offsets(%dma_start3A_383 : memref<128xi32, #tpu.memory_space<vmem>>) semaphore(%dma_start3A_388 : memref<!tpu.dma_semaphore, #tpu.memory_space<semaphore_mem>>)
      %dma_wait3A_389 = arith.constant 4 : i32
      %dma_wait3A_390 = arith.constant 0 : i32
      %dma_wait3A_391 = arith.constant 0 : i32
      %dma_wait3A_392 = arith.constant 0 : i32
      %dma_wait3A_393 = arith.constant 0 : i32
      %dma_wait3A_394 = tpu.memref_slice %arg9[%dma_wait3A_390, %dma_wait3A_392, %dma_wait3A_393] : memref<2x128x128xf32, #tpu.memory_space<vmem>> -> memref<1x128x128xf32, #tpu.memory_space<vmem>>
      %dma_wait3A_395 = tpu.memref_squeeze %dma_wait3A_394 : memref<1x128x128xf32, #tpu.memory_space<vmem>> -> memref<128x128xf32, #tpu.memory_space<vmem>>
      %dma_wait3A_396 = arith.constant 0 : i32
      %dma_wait3A_397 = tpu.memref_slice %arg7[%select_n3A_74, %dma_wait3A_389, %dma_wait3A_396] : memref<2x8x128xi32, #tpu.memory_space<vmem>> -> memref<1x1x128xi32, #tpu.memory_space<vmem>>
      %dma_wait3A_398 = tpu.memref_squeeze %dma_wait3A_397 : memref<1x1x128xi32, #tpu.memory_space<vmem>> -> memref<128xi32, #tpu.memory_space<vmem>>
      %dma_wait3A_399 = arith.constant 0 : i32
      %dma_wait3A_400 = arith.constant 0 : i32
      %dma_wait3A_401 = tpu.memref_slice %arg2[%dma_wait3A_399, %dma_wait3A_400] : memref<40000x128xf32, #tpu.memory_space<hbm>> -> memref<40000x128xf32, #tpu.memory_space<hbm>>
      %dma_wait3A_402 = tpu.memref_slice %arg10[%dma_wait3A_391] : memref<2x!tpu.dma_semaphore, #tpu.memory_space<semaphore_mem>> -> memref<1x!tpu.dma_semaphore, #tpu.memory_space<semaphore_mem>>
      %dma_wait3A_403 = tpu.memref_squeeze %dma_wait3A_402 : memref<1x!tpu.dma_semaphore, #tpu.memory_space<semaphore_mem>> -> memref<!tpu.dma_semaphore, #tpu.memory_space<semaphore_mem>>
      tpu.wait_indirect_dma semaphore(%dma_wait3A_403 : memref<!tpu.dma_semaphore, #tpu.memory_space<semaphore_mem>>) src(%dma_wait3A_401 : memref<40000x128xf32, #tpu.memory_space<hbm>>) dst(%dma_wait3A_395 : memref<128x128xf32, #tpu.memory_space<vmem>>)
      %add3A_404 = arith.constant 4 : i32
      %add3A_405 = arith.addi %mul3A_76, %add3A_404 : i32
      %dma_start3A_406 = arith.constant 0 : i32
      %dma_start3A_407 = arith.constant 0 : i32
      %dma_start3A_408 = arith.constant 0 : i32
      %dma_start3A_409 = arith.constant 0 : i32
      %dma_start3A_410 = tpu.memref_slice %arg9[%dma_start3A_406, %dma_start3A_408, %dma_start3A_409] : memref<2x128x128xf32, #tpu.memory_space<vmem>> -> memref<1x128x128xf32, #tpu.memory_space<vmem>>
      %dma_start3A_411 = tpu.memref_squeeze %dma_start3A_410 : memref<1x128x128xf32, #tpu.memory_space<vmem>> -> memref<128x128xf32, #tpu.memory_space<vmem>>
      %dma_start3A_412 = arith.constant 0 : i32
      %dma_start3A_413 = tpu.memref_slice %arg8[%add3A_405, %dma_start3A_412] : memref<80x128xi32, #tpu.memory_space<vmem>> -> memref<1x128xi32, #tpu.memory_space<vmem>>
      %dma_start3A_414 = tpu.memref_squeeze %dma_start3A_413 : memref<1x128xi32, #tpu.memory_space<vmem>> -> memref<128xi32, #tpu.memory_space<vmem>>
      %dma_start3A_415 = arith.constant 0 : i32
      %dma_start3A_416 = arith.constant 0 : i32
      %dma_start3A_417 = tpu.memref_slice %arg6[%dma_start3A_415, %dma_start3A_416] : memref<10256x128xf32, #tpu.memory_space<vmem_shared>> -> memref<10256x128xf32, #tpu.memory_space<vmem_shared>>
      %dma_start3A_418 = tpu.memref_slice %arg11[%dma_start3A_407] : memref<2x!tpu.dma_semaphore, #tpu.memory_space<semaphore_mem>> -> memref<1x!tpu.dma_semaphore, #tpu.memory_space<semaphore_mem>>
      %dma_start3A_419 = tpu.memref_squeeze %dma_start3A_418 : memref<1x!tpu.dma_semaphore, #tpu.memory_space<semaphore_mem>> -> memref<!tpu.dma_semaphore, #tpu.memory_space<semaphore_mem>>
      tpu.enqueue_indirect_dma source(%dma_start3A_411 : memref<128x128xf32, #tpu.memory_space<vmem>>) target(%dma_start3A_417 : memref<10256x128xf32, #tpu.memory_space<vmem_shared>>) offsets(%dma_start3A_414 : memref<128xi32, #tpu.memory_space<vmem>>) semaphore(%dma_start3A_419 : memref<!tpu.dma_semaphore, #tpu.memory_space<semaphore_mem>>) {add = true}
      %add3A_420 = arith.constant 4 : i32
      %add3A_421 = arith.addi %mul3A_76, %add3A_420 : i32
      %dma_wait3A_422 = arith.constant 0 : i32
      %dma_wait3A_423 = arith.constant 0 : i32
      %dma_wait3A_424 = arith.constant 0 : i32
      %dma_wait3A_425 = arith.constant 0 : i32
      %dma_wait3A_426 = tpu.memref_slice %arg9[%dma_wait3A_422, %dma_wait3A_424, %dma_wait3A_425] : memref<2x128x128xf32, #tpu.memory_space<vmem>> -> memref<1x128x128xf32, #tpu.memory_space<vmem>>
      %dma_wait3A_427 = tpu.memref_squeeze %dma_wait3A_426 : memref<1x128x128xf32, #tpu.memory_space<vmem>> -> memref<128x128xf32, #tpu.memory_space<vmem>>
      %dma_wait3A_428 = arith.constant 0 : i32
      %dma_wait3A_429 = tpu.memref_slice %arg8[%add3A_421, %dma_wait3A_428] : memref<80x128xi32, #tpu.memory_space<vmem>> -> memref<1x128xi32, #tpu.memory_space<vmem>>
      %dma_wait3A_430 = tpu.memref_squeeze %dma_wait3A_429 : memref<1x128xi32, #tpu.memory_space<vmem>> -> memref<128xi32, #tpu.memory_space<vmem>>
      %dma_wait3A_431 = arith.constant 0 : i32
      %dma_wait3A_432 = arith.constant 0 : i32
      %dma_wait3A_433 = tpu.memref_slice %arg6[%dma_wait3A_431, %dma_wait3A_432] : memref<10256x128xf32, #tpu.memory_space<vmem_shared>> -> memref<10256x128xf32, #tpu.memory_space<vmem_shared>>
      %dma_wait3A_434 = tpu.memref_slice %arg11[%dma_wait3A_423] : memref<2x!tpu.dma_semaphore, #tpu.memory_space<semaphore_mem>> -> memref<1x!tpu.dma_semaphore, #tpu.memory_space<semaphore_mem>>
      %dma_wait3A_435 = tpu.memref_squeeze %dma_wait3A_434 : memref<1x!tpu.dma_semaphore, #tpu.memory_space<semaphore_mem>> -> memref<!tpu.dma_semaphore, #tpu.memory_space<semaphore_mem>>
      tpu.wait_indirect_dma semaphore(%dma_wait3A_435 : memref<!tpu.dma_semaphore, #tpu.memory_space<semaphore_mem>>) src(%dma_wait3A_427 : memref<128x128xf32, #tpu.memory_space<vmem>>) dst(%dma_wait3A_433 : memref<10256x128xf32, #tpu.memory_space<vmem_shared>>)
      %dma_start3A_436 = arith.constant 6 : i32
      %dma_start3A_437 = arith.constant 0 : i32
      %dma_start3A_438 = arith.constant 0 : i32
      %dma_start3A_439 = arith.constant 0 : i32
      %dma_start3A_440 = arith.constant 0 : i32
      %dma_start3A_441 = tpu.memref_slice %arg9[%dma_start3A_437, %dma_start3A_439, %dma_start3A_440] : memref<2x128x128xf32, #tpu.memory_space<vmem>> -> memref<1x128x128xf32, #tpu.memory_space<vmem>>
      %dma_start3A_442 = tpu.memref_squeeze %dma_start3A_441 : memref<1x128x128xf32, #tpu.memory_space<vmem>> -> memref<128x128xf32, #tpu.memory_space<vmem>>
      %dma_start3A_443 = arith.constant 0 : i32
      %dma_start3A_444 = tpu.memref_slice %arg7[%select_n3A_74, %dma_start3A_436, %dma_start3A_443] : memref<2x8x128xi32, #tpu.memory_space<vmem>> -> memref<1x1x128xi32, #tpu.memory_space<vmem>>
      %dma_start3A_445 = tpu.memref_squeeze %dma_start3A_444 : memref<1x1x128xi32, #tpu.memory_space<vmem>> -> memref<128xi32, #tpu.memory_space<vmem>>
      %dma_start3A_446 = arith.constant 0 : i32
      %dma_start3A_447 = arith.constant 0 : i32
      %dma_start3A_448 = tpu.memref_slice %arg2[%dma_start3A_446, %dma_start3A_447] : memref<40000x128xf32, #tpu.memory_space<hbm>> -> memref<40000x128xf32, #tpu.memory_space<hbm>>
      %dma_start3A_449 = tpu.memref_slice %arg10[%dma_start3A_438] : memref<2x!tpu.dma_semaphore, #tpu.memory_space<semaphore_mem>> -> memref<1x!tpu.dma_semaphore, #tpu.memory_space<semaphore_mem>>
      %dma_start3A_450 = tpu.memref_squeeze %dma_start3A_449 : memref<1x!tpu.dma_semaphore, #tpu.memory_space<semaphore_mem>> -> memref<!tpu.dma_semaphore, #tpu.memory_space<semaphore_mem>>
      tpu.enqueue_indirect_dma source(%dma_start3A_448 : memref<40000x128xf32, #tpu.memory_space<hbm>>) target(%dma_start3A_442 : memref<128x128xf32, #tpu.memory_space<vmem>>) offsets(%dma_start3A_445 : memref<128xi32, #tpu.memory_space<vmem>>) semaphore(%dma_start3A_450 : memref<!tpu.dma_semaphore, #tpu.memory_space<semaphore_mem>>)
      %dma_wait3A_451 = arith.constant 5 : i32
      %dma_wait3A_452 = arith.constant 1 : i32
      %dma_wait3A_453 = arith.constant 1 : i32
      %dma_wait3A_454 = arith.constant 0 : i32
      %dma_wait3A_455 = arith.constant 0 : i32
      %dma_wait3A_456 = tpu.memref_slice %arg9[%dma_wait3A_452, %dma_wait3A_454, %dma_wait3A_455] : memref<2x128x128xf32, #tpu.memory_space<vmem>> -> memref<1x128x128xf32, #tpu.memory_space<vmem>>
      %dma_wait3A_457 = tpu.memref_squeeze %dma_wait3A_456 : memref<1x128x128xf32, #tpu.memory_space<vmem>> -> memref<128x128xf32, #tpu.memory_space<vmem>>
      %dma_wait3A_458 = arith.constant 0 : i32
      %dma_wait3A_459 = tpu.memref_slice %arg7[%select_n3A_74, %dma_wait3A_451, %dma_wait3A_458] : memref<2x8x128xi32, #tpu.memory_space<vmem>> -> memref<1x1x128xi32, #tpu.memory_space<vmem>>
      %dma_wait3A_460 = tpu.memref_squeeze %dma_wait3A_459 : memref<1x1x128xi32, #tpu.memory_space<vmem>> -> memref<128xi32, #tpu.memory_space<vmem>>
      %dma_wait3A_461 = arith.constant 0 : i32
      %dma_wait3A_462 = arith.constant 0 : i32
      %dma_wait3A_463 = tpu.memref_slice %arg2[%dma_wait3A_461, %dma_wait3A_462] : memref<40000x128xf32, #tpu.memory_space<hbm>> -> memref<40000x128xf32, #tpu.memory_space<hbm>>
      %dma_wait3A_464 = tpu.memref_slice %arg10[%dma_wait3A_453] : memref<2x!tpu.dma_semaphore, #tpu.memory_space<semaphore_mem>> -> memref<1x!tpu.dma_semaphore, #tpu.memory_space<semaphore_mem>>
      %dma_wait3A_465 = tpu.memref_squeeze %dma_wait3A_464 : memref<1x!tpu.dma_semaphore, #tpu.memory_space<semaphore_mem>> -> memref<!tpu.dma_semaphore, #tpu.memory_space<semaphore_mem>>
      tpu.wait_indirect_dma semaphore(%dma_wait3A_465 : memref<!tpu.dma_semaphore, #tpu.memory_space<semaphore_mem>>) src(%dma_wait3A_463 : memref<40000x128xf32, #tpu.memory_space<hbm>>) dst(%dma_wait3A_457 : memref<128x128xf32, #tpu.memory_space<vmem>>)
      %add3A_466 = arith.constant 5 : i32
      %add3A_467 = arith.addi %mul3A_76, %add3A_466 : i32
      %dma_start3A_468 = arith.constant 1 : i32
      %dma_start3A_469 = arith.constant 1 : i32
      %dma_start3A_470 = arith.constant 0 : i32
      %dma_start3A_471 = arith.constant 0 : i32
      %dma_start3A_472 = tpu.memref_slice %arg9[%dma_start3A_468, %dma_start3A_470, %dma_start3A_471] : memref<2x128x128xf32, #tpu.memory_space<vmem>> -> memref<1x128x128xf32, #tpu.memory_space<vmem>>
      %dma_start3A_473 = tpu.memref_squeeze %dma_start3A_472 : memref<1x128x128xf32, #tpu.memory_space<vmem>> -> memref<128x128xf32, #tpu.memory_space<vmem>>
      %dma_start3A_474 = arith.constant 0 : i32
      %dma_start3A_475 = tpu.memref_slice %arg8[%add3A_467, %dma_start3A_474] : memref<80x128xi32, #tpu.memory_space<vmem>> -> memref<1x128xi32, #tpu.memory_space<vmem>>
      %dma_start3A_476 = tpu.memref_squeeze %dma_start3A_475 : memref<1x128xi32, #tpu.memory_space<vmem>> -> memref<128xi32, #tpu.memory_space<vmem>>
      %dma_start3A_477 = arith.constant 0 : i32
      %dma_start3A_478 = arith.constant 0 : i32
      %dma_start3A_479 = tpu.memref_slice %arg6[%dma_start3A_477, %dma_start3A_478] : memref<10256x128xf32, #tpu.memory_space<vmem_shared>> -> memref<10256x128xf32, #tpu.memory_space<vmem_shared>>
      %dma_start3A_480 = tpu.memref_slice %arg11[%dma_start3A_469] : memref<2x!tpu.dma_semaphore, #tpu.memory_space<semaphore_mem>> -> memref<1x!tpu.dma_semaphore, #tpu.memory_space<semaphore_mem>>
      %dma_start3A_481 = tpu.memref_squeeze %dma_start3A_480 : memref<1x!tpu.dma_semaphore, #tpu.memory_space<semaphore_mem>> -> memref<!tpu.dma_semaphore, #tpu.memory_space<semaphore_mem>>
      tpu.enqueue_indirect_dma source(%dma_start3A_473 : memref<128x128xf32, #tpu.memory_space<vmem>>) target(%dma_start3A_479 : memref<10256x128xf32, #tpu.memory_space<vmem_shared>>) offsets(%dma_start3A_476 : memref<128xi32, #tpu.memory_space<vmem>>) semaphore(%dma_start3A_481 : memref<!tpu.dma_semaphore, #tpu.memory_space<semaphore_mem>>) {add = true}
      %add3A_482 = arith.constant 5 : i32
      %add3A_483 = arith.addi %mul3A_76, %add3A_482 : i32
      %dma_wait3A_484 = arith.constant 1 : i32
      %dma_wait3A_485 = arith.constant 1 : i32
      %dma_wait3A_486 = arith.constant 0 : i32
      %dma_wait3A_487 = arith.constant 0 : i32
      %dma_wait3A_488 = tpu.memref_slice %arg9[%dma_wait3A_484, %dma_wait3A_486, %dma_wait3A_487] : memref<2x128x128xf32, #tpu.memory_space<vmem>> -> memref<1x128x128xf32, #tpu.memory_space<vmem>>
      %dma_wait3A_489 = tpu.memref_squeeze %dma_wait3A_488 : memref<1x128x128xf32, #tpu.memory_space<vmem>> -> memref<128x128xf32, #tpu.memory_space<vmem>>
      %dma_wait3A_490 = arith.constant 0 : i32
      %dma_wait3A_491 = tpu.memref_slice %arg8[%add3A_483, %dma_wait3A_490] : memref<80x128xi32, #tpu.memory_space<vmem>> -> memref<1x128xi32, #tpu.memory_space<vmem>>
      %dma_wait3A_492 = tpu.memref_squeeze %dma_wait3A_491 : memref<1x128xi32, #tpu.memory_space<vmem>> -> memref<128xi32, #tpu.memory_space<vmem>>
      %dma_wait3A_493 = arith.constant 0 : i32
      %dma_wait3A_494 = arith.constant 0 : i32
      %dma_wait3A_495 = tpu.memref_slice %arg6[%dma_wait3A_493, %dma_wait3A_494] : memref<10256x128xf32, #tpu.memory_space<vmem_shared>> -> memref<10256x128xf32, #tpu.memory_space<vmem_shared>>
      %dma_wait3A_496 = tpu.memref_slice %arg11[%dma_wait3A_485] : memref<2x!tpu.dma_semaphore, #tpu.memory_space<semaphore_mem>> -> memref<1x!tpu.dma_semaphore, #tpu.memory_space<semaphore_mem>>
      %dma_wait3A_497 = tpu.memref_squeeze %dma_wait3A_496 : memref<1x!tpu.dma_semaphore, #tpu.memory_space<semaphore_mem>> -> memref<!tpu.dma_semaphore, #tpu.memory_space<semaphore_mem>>
      tpu.wait_indirect_dma semaphore(%dma_wait3A_497 : memref<!tpu.dma_semaphore, #tpu.memory_space<semaphore_mem>>) src(%dma_wait3A_489 : memref<128x128xf32, #tpu.memory_space<vmem>>) dst(%dma_wait3A_495 : memref<10256x128xf32, #tpu.memory_space<vmem_shared>>)
      %dma_start3A_498 = arith.constant 7 : i32
      %dma_start3A_499 = arith.constant 1 : i32
      %dma_start3A_500 = arith.constant 1 : i32
      %dma_start3A_501 = arith.constant 0 : i32
      %dma_start3A_502 = arith.constant 0 : i32
      %dma_start3A_503 = tpu.memref_slice %arg9[%dma_start3A_499, %dma_start3A_501, %dma_start3A_502] : memref<2x128x128xf32, #tpu.memory_space<vmem>> -> memref<1x128x128xf32, #tpu.memory_space<vmem>>
      %dma_start3A_504 = tpu.memref_squeeze %dma_start3A_503 : memref<1x128x128xf32, #tpu.memory_space<vmem>> -> memref<128x128xf32, #tpu.memory_space<vmem>>
      %dma_start3A_505 = arith.constant 0 : i32
      %dma_start3A_506 = tpu.memref_slice %arg7[%select_n3A_74, %dma_start3A_498, %dma_start3A_505] : memref<2x8x128xi32, #tpu.memory_space<vmem>> -> memref<1x1x128xi32, #tpu.memory_space<vmem>>
      %dma_start3A_507 = tpu.memref_squeeze %dma_start3A_506 : memref<1x1x128xi32, #tpu.memory_space<vmem>> -> memref<128xi32, #tpu.memory_space<vmem>>
      %dma_start3A_508 = arith.constant 0 : i32
      %dma_start3A_509 = arith.constant 0 : i32
      %dma_start3A_510 = tpu.memref_slice %arg2[%dma_start3A_508, %dma_start3A_509] : memref<40000x128xf32, #tpu.memory_space<hbm>> -> memref<40000x128xf32, #tpu.memory_space<hbm>>
      %dma_start3A_511 = tpu.memref_slice %arg10[%dma_start3A_500] : memref<2x!tpu.dma_semaphore, #tpu.memory_space<semaphore_mem>> -> memref<1x!tpu.dma_semaphore, #tpu.memory_space<semaphore_mem>>
      %dma_start3A_512 = tpu.memref_squeeze %dma_start3A_511 : memref<1x!tpu.dma_semaphore, #tpu.memory_space<semaphore_mem>> -> memref<!tpu.dma_semaphore, #tpu.memory_space<semaphore_mem>>
      tpu.enqueue_indirect_dma source(%dma_start3A_510 : memref<40000x128xf32, #tpu.memory_space<hbm>>) target(%dma_start3A_504 : memref<128x128xf32, #tpu.memory_space<vmem>>) offsets(%dma_start3A_507 : memref<128xi32, #tpu.memory_space<vmem>>) semaphore(%dma_start3A_512 : memref<!tpu.dma_semaphore, #tpu.memory_space<semaphore_mem>>)
      %dma_wait3A_513 = arith.constant 6 : i32
      %dma_wait3A_514 = arith.constant 0 : i32
      %dma_wait3A_515 = arith.constant 0 : i32
      %dma_wait3A_516 = arith.constant 0 : i32
      %dma_wait3A_517 = arith.constant 0 : i32
      %dma_wait3A_518 = tpu.memref_slice %arg9[%dma_wait3A_514, %dma_wait3A_516, %dma_wait3A_517] : memref<2x128x128xf32, #tpu.memory_space<vmem>> -> memref<1x128x128xf32, #tpu.memory_space<vmem>>
      %dma_wait3A_519 = tpu.memref_squeeze %dma_wait3A_518 : memref<1x128x128xf32, #tpu.memory_space<vmem>> -> memref<128x128xf32, #tpu.memory_space<vmem>>
      %dma_wait3A_520 = arith.constant 0 : i32
      %dma_wait3A_521 = tpu.memref_slice %arg7[%select_n3A_74, %dma_wait3A_513, %dma_wait3A_520] : memref<2x8x128xi32, #tpu.memory_space<vmem>> -> memref<1x1x128xi32, #tpu.memory_space<vmem>>
      %dma_wait3A_522 = tpu.memref_squeeze %dma_wait3A_521 : memref<1x1x128xi32, #tpu.memory_space<vmem>> -> memref<128xi32, #tpu.memory_space<vmem>>
      %dma_wait3A_523 = arith.constant 0 : i32
      %dma_wait3A_524 = arith.constant 0 : i32
      %dma_wait3A_525 = tpu.memref_slice %arg2[%dma_wait3A_523, %dma_wait3A_524] : memref<40000x128xf32, #tpu.memory_space<hbm>> -> memref<40000x128xf32, #tpu.memory_space<hbm>>
      %dma_wait3A_526 = tpu.memref_slice %arg10[%dma_wait3A_515] : memref<2x!tpu.dma_semaphore, #tpu.memory_space<semaphore_mem>> -> memref<1x!tpu.dma_semaphore, #tpu.memory_space<semaphore_mem>>
      %dma_wait3A_527 = tpu.memref_squeeze %dma_wait3A_526 : memref<1x!tpu.dma_semaphore, #tpu.memory_space<semaphore_mem>> -> memref<!tpu.dma_semaphore, #tpu.memory_space<semaphore_mem>>
      tpu.wait_indirect_dma semaphore(%dma_wait3A_527 : memref<!tpu.dma_semaphore, #tpu.memory_space<semaphore_mem>>) src(%dma_wait3A_525 : memref<40000x128xf32, #tpu.memory_space<hbm>>) dst(%dma_wait3A_519 : memref<128x128xf32, #tpu.memory_space<vmem>>)
      %add3A_528 = arith.constant 6 : i32
      %add3A_529 = arith.addi %mul3A_76, %add3A_528 : i32
      %dma_start3A_530 = arith.constant 0 : i32
      %dma_start3A_531 = arith.constant 0 : i32
      %dma_start3A_532 = arith.constant 0 : i32
      %dma_start3A_533 = arith.constant 0 : i32
      %dma_start3A_534 = tpu.memref_slice %arg9[%dma_start3A_530, %dma_start3A_532, %dma_start3A_533] : memref<2x128x128xf32, #tpu.memory_space<vmem>> -> memref<1x128x128xf32, #tpu.memory_space<vmem>>
      %dma_start3A_535 = tpu.memref_squeeze %dma_start3A_534 : memref<1x128x128xf32, #tpu.memory_space<vmem>> -> memref<128x128xf32, #tpu.memory_space<vmem>>
      %dma_start3A_536 = arith.constant 0 : i32
      %dma_start3A_537 = tpu.memref_slice %arg8[%add3A_529, %dma_start3A_536] : memref<80x128xi32, #tpu.memory_space<vmem>> -> memref<1x128xi32, #tpu.memory_space<vmem>>
      %dma_start3A_538 = tpu.memref_squeeze %dma_start3A_537 : memref<1x128xi32, #tpu.memory_space<vmem>> -> memref<128xi32, #tpu.memory_space<vmem>>
      %dma_start3A_539 = arith.constant 0 : i32
      %dma_start3A_540 = arith.constant 0 : i32
      %dma_start3A_541 = tpu.memref_slice %arg6[%dma_start3A_539, %dma_start3A_540] : memref<10256x128xf32, #tpu.memory_space<vmem_shared>> -> memref<10256x128xf32, #tpu.memory_space<vmem_shared>>
      %dma_start3A_542 = tpu.memref_slice %arg11[%dma_start3A_531] : memref<2x!tpu.dma_semaphore, #tpu.memory_space<semaphore_mem>> -> memref<1x!tpu.dma_semaphore, #tpu.memory_space<semaphore_mem>>
      %dma_start3A_543 = tpu.memref_squeeze %dma_start3A_542 : memref<1x!tpu.dma_semaphore, #tpu.memory_space<semaphore_mem>> -> memref<!tpu.dma_semaphore, #tpu.memory_space<semaphore_mem>>
      tpu.enqueue_indirect_dma source(%dma_start3A_535 : memref<128x128xf32, #tpu.memory_space<vmem>>) target(%dma_start3A_541 : memref<10256x128xf32, #tpu.memory_space<vmem_shared>>) offsets(%dma_start3A_538 : memref<128xi32, #tpu.memory_space<vmem>>) semaphore(%dma_start3A_543 : memref<!tpu.dma_semaphore, #tpu.memory_space<semaphore_mem>>) {add = true}
      %dma_wait3A_544 = arith.constant 7 : i32
      %dma_wait3A_545 = arith.constant 1 : i32
      %dma_wait3A_546 = arith.constant 1 : i32
      %dma_wait3A_547 = arith.constant 0 : i32
      %dma_wait3A_548 = arith.constant 0 : i32
      %dma_wait3A_549 = tpu.memref_slice %arg9[%dma_wait3A_545, %dma_wait3A_547, %dma_wait3A_548] : memref<2x128x128xf32, #tpu.memory_space<vmem>> -> memref<1x128x128xf32, #tpu.memory_space<vmem>>
      %dma_wait3A_550 = tpu.memref_squeeze %dma_wait3A_549 : memref<1x128x128xf32, #tpu.memory_space<vmem>> -> memref<128x128xf32, #tpu.memory_space<vmem>>
      %dma_wait3A_551 = arith.constant 0 : i32
      %dma_wait3A_552 = tpu.memref_slice %arg7[%select_n3A_74, %dma_wait3A_544, %dma_wait3A_551] : memref<2x8x128xi32, #tpu.memory_space<vmem>> -> memref<1x1x128xi32, #tpu.memory_space<vmem>>
      %dma_wait3A_553 = tpu.memref_squeeze %dma_wait3A_552 : memref<1x1x128xi32, #tpu.memory_space<vmem>> -> memref<128xi32, #tpu.memory_space<vmem>>
      %dma_wait3A_554 = arith.constant 0 : i32
      %dma_wait3A_555 = arith.constant 0 : i32
      %dma_wait3A_556 = tpu.memref_slice %arg2[%dma_wait3A_554, %dma_wait3A_555] : memref<40000x128xf32, #tpu.memory_space<hbm>> -> memref<40000x128xf32, #tpu.memory_space<hbm>>
      %dma_wait3A_557 = tpu.memref_slice %arg10[%dma_wait3A_546] : memref<2x!tpu.dma_semaphore, #tpu.memory_space<semaphore_mem>> -> memref<1x!tpu.dma_semaphore, #tpu.memory_space<semaphore_mem>>
      %dma_wait3A_558 = tpu.memref_squeeze %dma_wait3A_557 : memref<1x!tpu.dma_semaphore, #tpu.memory_space<semaphore_mem>> -> memref<!tpu.dma_semaphore, #tpu.memory_space<semaphore_mem>>
      tpu.wait_indirect_dma semaphore(%dma_wait3A_558 : memref<!tpu.dma_semaphore, #tpu.memory_space<semaphore_mem>>) src(%dma_wait3A_556 : memref<40000x128xf32, #tpu.memory_space<hbm>>) dst(%dma_wait3A_550 : memref<128x128xf32, #tpu.memory_space<vmem>>)
      %add3A_559 = arith.constant 7 : i32
      %add3A_560 = arith.addi %mul3A_76, %add3A_559 : i32
      %dma_start3A_561 = arith.constant 1 : i32
      %dma_start3A_562 = arith.constant 1 : i32
      %dma_start3A_563 = arith.constant 0 : i32
      %dma_start3A_564 = arith.constant 0 : i32
      %dma_start3A_565 = tpu.memref_slice %arg9[%dma_start3A_561, %dma_start3A_563, %dma_start3A_564] : memref<2x128x128xf32, #tpu.memory_space<vmem>> -> memref<1x128x128xf32, #tpu.memory_space<vmem>>
      %dma_start3A_566 = tpu.memref_squeeze %dma_start3A_565 : memref<1x128x128xf32, #tpu.memory_space<vmem>> -> memref<128x128xf32, #tpu.memory_space<vmem>>
      %dma_start3A_567 = arith.constant 0 : i32
      %dma_start3A_568 = tpu.memref_slice %arg8[%add3A_560, %dma_start3A_567] : memref<80x128xi32, #tpu.memory_space<vmem>> -> memref<1x128xi32, #tpu.memory_space<vmem>>
      %dma_start3A_569 = tpu.memref_squeeze %dma_start3A_568 : memref<1x128xi32, #tpu.memory_space<vmem>> -> memref<128xi32, #tpu.memory_space<vmem>>
      %dma_start3A_570 = arith.constant 0 : i32
      %dma_start3A_571 = arith.constant 0 : i32
      %dma_start3A_572 = tpu.memref_slice %arg6[%dma_start3A_570, %dma_start3A_571] : memref<10256x128xf32, #tpu.memory_space<vmem_shared>> -> memref<10256x128xf32, #tpu.memory_space<vmem_shared>>
      %dma_start3A_573 = tpu.memref_slice %arg11[%dma_start3A_562] : memref<2x!tpu.dma_semaphore, #tpu.memory_space<semaphore_mem>> -> memref<1x!tpu.dma_semaphore, #tpu.memory_space<semaphore_mem>>
      %dma_start3A_574 = tpu.memref_squeeze %dma_start3A_573 : memref<1x!tpu.dma_semaphore, #tpu.memory_space<semaphore_mem>> -> memref<!tpu.dma_semaphore, #tpu.memory_space<semaphore_mem>>
      tpu.enqueue_indirect_dma source(%dma_start3A_566 : memref<128x128xf32, #tpu.memory_space<vmem>>) target(%dma_start3A_572 : memref<10256x128xf32, #tpu.memory_space<vmem_shared>>) offsets(%dma_start3A_569 : memref<128xi32, #tpu.memory_space<vmem>>) semaphore(%dma_start3A_574 : memref<!tpu.dma_semaphore, #tpu.memory_space<semaphore_mem>>) {add = true}
      %add3A_575 = arith.constant 6 : i32
      %add3A_576 = arith.addi %mul3A_76, %add3A_575 : i32
      %dma_wait3A_577 = arith.constant 0 : i32
      %dma_wait3A_578 = arith.constant 0 : i32
      %dma_wait3A_579 = arith.constant 0 : i32
      %dma_wait3A_580 = arith.constant 0 : i32
      %dma_wait3A_581 = tpu.memref_slice %arg9[%dma_wait3A_577, %dma_wait3A_579, %dma_wait3A_580] : memref<2x128x128xf32, #tpu.memory_space<vmem>> -> memref<1x128x128xf32, #tpu.memory_space<vmem>>
      %dma_wait3A_582 = tpu.memref_squeeze %dma_wait3A_581 : memref<1x128x128xf32, #tpu.memory_space<vmem>> -> memref<128x128xf32, #tpu.memory_space<vmem>>
      %dma_wait3A_583 = arith.constant 0 : i32
      %dma_wait3A_584 = tpu.memref_slice %arg8[%add3A_576, %dma_wait3A_583] : memref<80x128xi32, #tpu.memory_space<vmem>> -> memref<1x128xi32, #tpu.memory_space<vmem>>
      %dma_wait3A_585 = tpu.memref_squeeze %dma_wait3A_584 : memref<1x128xi32, #tpu.memory_space<vmem>> -> memref<128xi32, #tpu.memory_space<vmem>>
      %dma_wait3A_586 = arith.constant 0 : i32
      %dma_wait3A_587 = arith.constant 0 : i32
      %dma_wait3A_588 = tpu.memref_slice %arg6[%dma_wait3A_586, %dma_wait3A_587] : memref<10256x128xf32, #tpu.memory_space<vmem_shared>> -> memref<10256x128xf32, #tpu.memory_space<vmem_shared>>
      %dma_wait3A_589 = tpu.memref_slice %arg11[%dma_wait3A_578] : memref<2x!tpu.dma_semaphore, #tpu.memory_space<semaphore_mem>> -> memref<1x!tpu.dma_semaphore, #tpu.memory_space<semaphore_mem>>
      %dma_wait3A_590 = tpu.memref_squeeze %dma_wait3A_589 : memref<1x!tpu.dma_semaphore, #tpu.memory_space<semaphore_mem>> -> memref<!tpu.dma_semaphore, #tpu.memory_space<semaphore_mem>>
      tpu.wait_indirect_dma semaphore(%dma_wait3A_590 : memref<!tpu.dma_semaphore, #tpu.memory_space<semaphore_mem>>) src(%dma_wait3A_582 : memref<128x128xf32, #tpu.memory_space<vmem>>) dst(%dma_wait3A_588 : memref<10256x128xf32, #tpu.memory_space<vmem_shared>>)
      %add3A_591 = arith.constant 7 : i32
      %add3A_592 = arith.addi %mul3A_76, %add3A_591 : i32
      %dma_wait3A_593 = arith.constant 1 : i32
      %dma_wait3A_594 = arith.constant 1 : i32
      %dma_wait3A_595 = arith.constant 0 : i32
      %dma_wait3A_596 = arith.constant 0 : i32
      %dma_wait3A_597 = tpu.memref_slice %arg9[%dma_wait3A_593, %dma_wait3A_595, %dma_wait3A_596] : memref<2x128x128xf32, #tpu.memory_space<vmem>> -> memref<1x128x128xf32, #tpu.memory_space<vmem>>
      %dma_wait3A_598 = tpu.memref_squeeze %dma_wait3A_597 : memref<1x128x128xf32, #tpu.memory_space<vmem>> -> memref<128x128xf32, #tpu.memory_space<vmem>>
      %dma_wait3A_599 = arith.constant 0 : i32
      %dma_wait3A_600 = tpu.memref_slice %arg8[%add3A_592, %dma_wait3A_599] : memref<80x128xi32, #tpu.memory_space<vmem>> -> memref<1x128xi32, #tpu.memory_space<vmem>>
      %dma_wait3A_601 = tpu.memref_squeeze %dma_wait3A_600 : memref<1x128xi32, #tpu.memory_space<vmem>> -> memref<128xi32, #tpu.memory_space<vmem>>
      %dma_wait3A_602 = arith.constant 0 : i32
      %dma_wait3A_603 = arith.constant 0 : i32
      %dma_wait3A_604 = tpu.memref_slice %arg6[%dma_wait3A_602, %dma_wait3A_603] : memref<10256x128xf32, #tpu.memory_space<vmem_shared>> -> memref<10256x128xf32, #tpu.memory_space<vmem_shared>>
      %dma_wait3A_605 = tpu.memref_slice %arg11[%dma_wait3A_594] : memref<2x!tpu.dma_semaphore, #tpu.memory_space<semaphore_mem>> -> memref<1x!tpu.dma_semaphore, #tpu.memory_space<semaphore_mem>>
      %dma_wait3A_606 = tpu.memref_squeeze %dma_wait3A_605 : memref<1x!tpu.dma_semaphore, #tpu.memory_space<semaphore_mem>> -> memref<!tpu.dma_semaphore, #tpu.memory_space<semaphore_mem>>
      tpu.wait_indirect_dma semaphore(%dma_wait3A_606 : memref<!tpu.dma_semaphore, #tpu.memory_space<semaphore_mem>>) src(%dma_wait3A_598 : memref<128x128xf32, #tpu.memory_space<vmem>>) dst(%dma_wait3A_604 : memref<10256x128xf32, #tpu.memory_space<vmem_shared>>)
      %add3A_607 = arith.constant 1 : i32
      %add3A_608 = arith.addi %scan3A_64, %add3A_607 : i32
      %jit3A_609 = arith.constant 2 : i32
      %eq3A_610 = arith.constant 0 : i32
      %eq3A_611 = arith.cmpi eq, %jit3A_609, %eq3A_610 : i32
      %jit3A_612 = arith.constant 1 : i32
      %select_n3A_613 = arith.select %eq3A_611, %jit3A_612, %jit3A_609 : i32
      %rem3A_614 = arith.remsi %add3A_608, %select_n3A_613 : i32
      %ne3A_615 = arith.constant 0 : i32
      %ne3A_616 = arith.cmpi ne, %rem3A_614, %ne3A_615 : i32
      %lt3A_617 = arith.constant 0 : i32
      %lt3A_618 = arith.cmpi slt, %rem3A_614, %lt3A_617 : i32
      %lt3A_619 = arith.constant 0 : i32
      %lt3A_620 = arith.cmpi slt, %select_n3A_613, %lt3A_619 : i32
      %ne3A_621 = arith.xori %lt3A_618, %lt3A_620 : i1
      %and3A_622 = arith.andi %ne3A_621, %ne3A_616 : i1
      %add3A_623 = arith.addi %rem3A_614, %select_n3A_613 : i32
      %select_n3A_624 = arith.select %and3A_622, %add3A_623, %rem3A_614 : i32
      %dma_wait3A_625 = arith.constant 0 : i32
      %dma_wait3A_626 = arith.constant 0 : i32
      %dma_wait3A_627 = tpu.memref_slice %arg7[%select_n3A_624, %dma_wait3A_625, %dma_wait3A_626] : memref<2x8x128xi32, #tpu.memory_space<vmem>> -> memref<1x8x128xi32, #tpu.memory_space<vmem>>
      %dma_wait3A_628 = tpu.memref_squeeze %dma_wait3A_627 : memref<1x8x128xi32, #tpu.memory_space<vmem>> -> memref<8x128xi32, #tpu.memory_space<vmem>>
      %dma_wait3A_629 = arith.constant 0 : i32
      %dma_wait3A_630 = tpu.memref_slice %arg3[%add3A_0, %arg1, %multiple_of3A, %dma_wait3A_629] : memref<4x16x88x128xi32, #tpu.memory_space<hbm>> -> memref<1x1x8x128xi32, #tpu.memory_space<hbm>>
      %dma_wait3A_631 = tpu.memref_squeeze %dma_wait3A_630 : memref<1x1x8x128xi32, #tpu.memory_space<hbm>> -> memref<8x128xi32, #tpu.memory_space<hbm>>
      %dma_wait3A_632 = arith.constant 0 : i32
      %dma_wait3A_633 = arith.constant 0 : i32
      %dma_wait3A_634 = tpu.memref_slice %arg7[%select_n3A_624, %dma_wait3A_632, %dma_wait3A_633] : memref<2x8x128xi32, #tpu.memory_space<vmem>> -> memref<1x8x128xi32, #tpu.memory_space<vmem>>
      %dma_wait3A_635 = tpu.memref_squeeze %dma_wait3A_634 : memref<1x8x128xi32, #tpu.memory_space<vmem>> -> memref<8x128xi32, #tpu.memory_space<vmem>>
      %dma_wait3A_636 = arith.constant 0 : i32
      %dma_wait3A_637 = tpu.memref_slice %arg3[%add3A_0, %arg1, %multiple_of3A, %dma_wait3A_636] : memref<4x16x88x128xi32, #tpu.memory_space<hbm>> -> memref<1x1x8x128xi32, #tpu.memory_space<hbm>>
      %dma_wait3A_638 = tpu.memref_squeeze %dma_wait3A_637 : memref<1x1x8x128xi32, #tpu.memory_space<hbm>> -> memref<8x128xi32, #tpu.memory_space<hbm>>
      tpu.wait_dma2 semaphore(%arg12 : memref<!tpu.dma_semaphore, #tpu.memory_space<semaphore_mem>>) src(%dma_wait3A_638 : memref<8x128xi32, #tpu.memory_space<hbm>>) dst(%dma_wait3A_635 : memref<8x128xi32, #tpu.memory_space<vmem>>)
    }
    %scan3A_13 = arith.constant 10 : i32
    %barrier3A_14 = arith.constant 0 : index
    tpu.barrier barrier_id(%barrier3A_14)
    %mul3A_15 = arith.constant 624 : i32
    %mul3A_16 = arith.muli %arg1, %mul3A_15 : i32
    %mul3A_17 = arith.constant 10000 : i32
    %mul3A_18 = arith.muli %add3A_0, %mul3A_17 : i32
    %mul3A_19 = arith.constant 624 : i32
    %mul3A_20 = arith.muli %arg1, %mul3A_19 : i32
    %add3A_21 = arith.addi %mul3A_18, %mul3A_20 : i32
    "tpu.region"() ({
      %run_scoped3A_64 = tpu.sem_alloc : memref<!tpu.dma_semaphore, #tpu.memory_space<semaphore_mem>>
      %dma_start3A = arith.constant 0 : i32
      %dma_start3A_65 = tpu.memref_slice %arg5[%add3A_21, %dma_start3A] : memref<40000x128xf32, #tpu.memory_space<hbm>> -> memref<624x128xf32, #tpu.memory_space<hbm>>
      %dma_start3A_66 = arith.constant 0 : i32
      %dma_start3A_67 = tpu.memref_slice %arg6[%mul3A_16, %dma_start3A_66] : memref<10256x128xf32, #tpu.memory_space<vmem_shared>> -> memref<624x128xf32, #tpu.memory_space<vmem_shared>>
      tpu.enqueue_dma source(%dma_start3A_67 : memref<624x128xf32, #tpu.memory_space<vmem_shared>>) target(%dma_start3A_65 : memref<624x128xf32, #tpu.memory_space<hbm>>) target_semaphore(%run_scoped3A_64 : memref<!tpu.dma_semaphore, #tpu.memory_space<semaphore_mem>>)
      %dma_wait3A = arith.constant 0 : i32
      %dma_wait3A_68 = tpu.memref_slice %arg5[%add3A_21, %dma_wait3A] : memref<40000x128xf32, #tpu.memory_space<hbm>> -> memref<624x128xf32, #tpu.memory_space<hbm>>
      %dma_wait3A_69 = arith.constant 0 : i32
      %dma_wait3A_70 = tpu.memref_slice %arg6[%mul3A_16, %dma_wait3A_69] : memref<10256x128xf32, #tpu.memory_space<vmem_shared>> -> memref<624x128xf32, #tpu.memory_space<vmem_shared>>
      tpu.wait_dma2 semaphore(%run_scoped3A_64 : memref<!tpu.dma_semaphore, #tpu.memory_space<semaphore_mem>>) src(%dma_wait3A_70 : memref<624x128xf32, #tpu.memory_space<vmem_shared>>) dst(%dma_wait3A_68 : memref<624x128xf32, #tpu.memory_space<hbm>>)
      tpu.yield
    }) : () -> ()
    %eq3A_22 = arith.constant 0 : i32
    %eq3A_23 = arith.cmpi eq, %arg1, %eq3A_22 : i32
    %convert_element_type3A_24 = arith.extui %eq3A_23 : i1 to i32
    %cond3A_25 = arith.constant 0 : i32
    %cond3A_26 = arith.cmpi ne, %convert_element_type3A_24, %cond3A_25 : i32
    scf.if %cond3A_26 {
      %mul3A_64 = arith.constant 10000 : i32
      %mul3A_65 = arith.muli %add3A_0, %mul3A_64 : i32
      %add3A_66 = arith.constant 9984 : i32
      %add3A_67 = arith.addi %mul3A_65, %add3A_66 : i32
      "tpu.region"() ({
        %run_scoped3A_68 = tpu.sem_alloc : memref<!tpu.dma_semaphore, #tpu.memory_space<semaphore_mem>>
        %dma_start3A = arith.constant 0 : i32
        %dma_start3A_69 = tpu.memref_slice %arg5[%add3A_67, %dma_start3A] : memref<40000x128xf32, #tpu.memory_space<hbm>> -> memref<16x128xf32, #tpu.memory_space<hbm>>
        %dma_start3A_70 = arith.constant 9984 : i32
        %dma_start3A_71 = arith.constant 0 : i32
        %dma_start3A_72 = tpu.memref_slice %arg6[%dma_start3A_70, %dma_start3A_71] : memref<10256x128xf32, #tpu.memory_space<vmem_shared>> -> memref<16x128xf32, #tpu.memory_space<vmem_shared>>
        tpu.enqueue_dma source(%dma_start3A_72 : memref<16x128xf32, #tpu.memory_space<vmem_shared>>) target(%dma_start3A_69 : memref<16x128xf32, #tpu.memory_space<hbm>>) target_semaphore(%run_scoped3A_68 : memref<!tpu.dma_semaphore, #tpu.memory_space<semaphore_mem>>)
        %dma_wait3A = arith.constant 0 : i32
        %dma_wait3A_73 = tpu.memref_slice %arg5[%add3A_67, %dma_wait3A] : memref<40000x128xf32, #tpu.memory_space<hbm>> -> memref<16x128xf32, #tpu.memory_space<hbm>>
        %dma_wait3A_74 = arith.constant 9984 : i32
        %dma_wait3A_75 = arith.constant 0 : i32
        %dma_wait3A_76 = tpu.memref_slice %arg6[%dma_wait3A_74, %dma_wait3A_75] : memref<10256x128xf32, #tpu.memory_space<vmem_shared>> -> memref<16x128xf32, #tpu.memory_space<vmem_shared>>
        tpu.wait_dma2 semaphore(%run_scoped3A_68 : memref<!tpu.dma_semaphore, #tpu.memory_space<semaphore_mem>>) src(%dma_wait3A_76 : memref<16x128xf32, #tpu.memory_space<vmem_shared>>) dst(%dma_wait3A_73 : memref<16x128xf32, #tpu.memory_space<hbm>>)
        tpu.yield
      }) : () -> ()
    } else {
    }
    %barrier3A_27 = arith.constant 0 : index
    tpu.barrier barrier_id(%barrier3A_27)
    %add3A_28 = arith.constant 2 : i32
    %add3A_29 = arith.addi %arg0, %add3A_28 : i32
    %mul3A_30 = arith.constant 10000 : i32
    %mul3A_31 = arith.muli %add3A_29, %mul3A_30 : i32
    %mul3A_32 = arith.constant 624 : i32
    %mul3A_33 = arith.muli %arg1, %mul3A_32 : i32
    %add3A_34 = arith.addi %mul3A_31, %mul3A_33 : i32
    %mul3A_35 = arith.constant 624 : i32
    %mul3A_36 = arith.muli %arg1, %mul3A_35 : i32
    "tpu.region"() ({
      %run_scoped3A_64 = tpu.sem_alloc : memref<!tpu.dma_semaphore, #tpu.memory_space<semaphore_mem>>
      %dma_start3A = arith.constant 0 : i32
      %dma_start3A_65 = tpu.memref_slice %arg6[%mul3A_36, %dma_start3A] : memref<10256x128xf32, #tpu.memory_space<vmem_shared>> -> memref<624x128xf32, #tpu.memory_space<vmem_shared>>
      %dma_start3A_66 = arith.constant 0 : i32
      %dma_start3A_67 = tpu.memref_slice %arg2[%add3A_34, %dma_start3A_66] : memref<40000x128xf32, #tpu.memory_space<hbm>> -> memref<624x128xf32, #tpu.memory_space<hbm>>
      tpu.enqueue_dma source(%dma_start3A_67 : memref<624x128xf32, #tpu.memory_space<hbm>>) target(%dma_start3A_65 : memref<624x128xf32, #tpu.memory_space<vmem_shared>>) target_semaphore(%run_scoped3A_64 : memref<!tpu.dma_semaphore, #tpu.memory_space<semaphore_mem>>)
      %dma_wait3A = arith.constant 0 : i32
      %dma_wait3A_68 = tpu.memref_slice %arg6[%mul3A_36, %dma_wait3A] : memref<10256x128xf32, #tpu.memory_space<vmem_shared>> -> memref<624x128xf32, #tpu.memory_space<vmem_shared>>
      %dma_wait3A_69 = arith.constant 0 : i32
      %dma_wait3A_70 = tpu.memref_slice %arg2[%add3A_34, %dma_wait3A_69] : memref<40000x128xf32, #tpu.memory_space<hbm>> -> memref<624x128xf32, #tpu.memory_space<hbm>>
      tpu.wait_dma2 semaphore(%run_scoped3A_64 : memref<!tpu.dma_semaphore, #tpu.memory_space<semaphore_mem>>) src(%dma_wait3A_70 : memref<624x128xf32, #tpu.memory_space<hbm>>) dst(%dma_wait3A_68 : memref<624x128xf32, #tpu.memory_space<vmem_shared>>)
      tpu.yield
    }) : () -> ()
    %eq3A_37 = arith.constant 0 : i32
    %eq3A_38 = arith.cmpi eq, %arg1, %eq3A_37 : i32
    %convert_element_type3A_39 = arith.extui %eq3A_38 : i1 to i32
    %cond3A_40 = arith.constant 0 : i32
    %cond3A_41 = arith.cmpi ne, %convert_element_type3A_39, %cond3A_40 : i32
    scf.if %cond3A_41 {
      %mul3A_64 = arith.constant 10000 : i32
      %mul3A_65 = arith.muli %add3A_29, %mul3A_64 : i32
      %add3A_66 = arith.constant 9984 : i32
      %add3A_67 = arith.addi %mul3A_65, %add3A_66 : i32
      "tpu.region"() ({
        %run_scoped3A_68 = tpu.sem_alloc : memref<!tpu.dma_semaphore, #tpu.memory_space<semaphore_mem>>
        %dma_start3A = arith.constant 9984 : i32
        %dma_start3A_69 = arith.constant 0 : i32
        %dma_start3A_70 = tpu.memref_slice %arg6[%dma_start3A, %dma_start3A_69] : memref<10256x128xf32, #tpu.memory_space<vmem_shared>> -> memref<16x128xf32, #tpu.memory_space<vmem_shared>>
        %dma_start3A_71 = arith.constant 0 : i32
        %dma_start3A_72 = tpu.memref_slice %arg2[%add3A_67, %dma_start3A_71] : memref<40000x128xf32, #tpu.memory_space<hbm>> -> memref<16x128xf32, #tpu.memory_space<hbm>>
        tpu.enqueue_dma source(%dma_start3A_72 : memref<16x128xf32, #tpu.memory_space<hbm>>) target(%dma_start3A_70 : memref<16x128xf32, #tpu.memory_space<vmem_shared>>) target_semaphore(%run_scoped3A_68 : memref<!tpu.dma_semaphore, #tpu.memory_space<semaphore_mem>>)
        %dma_wait3A = arith.constant 9984 : i32
        %dma_wait3A_73 = arith.constant 0 : i32
        %dma_wait3A_74 = tpu.memref_slice %arg6[%dma_wait3A, %dma_wait3A_73] : memref<10256x128xf32, #tpu.memory_space<vmem_shared>> -> memref<16x128xf32, #tpu.memory_space<vmem_shared>>
        %dma_wait3A_75 = arith.constant 0 : i32
        %dma_wait3A_76 = tpu.memref_slice %arg2[%add3A_67, %dma_wait3A_75] : memref<40000x128xf32, #tpu.memory_space<hbm>> -> memref<16x128xf32, #tpu.memory_space<hbm>>
        tpu.wait_dma2 semaphore(%run_scoped3A_68 : memref<!tpu.dma_semaphore, #tpu.memory_space<semaphore_mem>>) src(%dma_wait3A_76 : memref<16x128xf32, #tpu.memory_space<hbm>>) dst(%dma_wait3A_74 : memref<16x128xf32, #tpu.memory_space<vmem_shared>>)
        tpu.yield
      }) : () -> ()
    } else {
    }
    %run_scoped3A_42 = arith.constant 0 : i32
    "tpu.region"() ({
      %run_scoped3A_64 = tpu.sem_alloc : memref<!tpu.dma_semaphore, #tpu.memory_space<semaphore_mem>>
      %dma_start3A = arith.constant 0 : i32
      %dma_start3A_65 = arith.constant 0 : i32
      %dma_start3A_66 = tpu.memref_slice %arg7[%run_scoped3A_42, %dma_start3A, %dma_start3A_65] : memref<2x8x128xi32, #tpu.memory_space<vmem>> -> memref<1x8x128xi32, #tpu.memory_space<vmem>>
      %dma_start3A_67 = tpu.memref_squeeze %dma_start3A_66 : memref<1x8x128xi32, #tpu.memory_space<vmem>> -> memref<8x128xi32, #tpu.memory_space<vmem>>
      %dma_start3A_68 = arith.constant 0 : i32
      %dma_start3A_69 = arith.constant 0 : i32
      %dma_start3A_70 = tpu.memref_slice %arg3[%add3A_29, %arg1, %dma_start3A_68, %dma_start3A_69] : memref<4x16x88x128xi32, #tpu.memory_space<hbm>> -> memref<1x1x8x128xi32, #tpu.memory_space<hbm>>
      %dma_start3A_71 = tpu.memref_squeeze %dma_start3A_70 : memref<1x1x8x128xi32, #tpu.memory_space<hbm>> -> memref<8x128xi32, #tpu.memory_space<hbm>>
      %dma_start3A_72 = arith.constant 0 : i32
      %dma_start3A_73 = arith.constant 0 : i32
      %dma_start3A_74 = tpu.memref_slice %arg7[%run_scoped3A_42, %dma_start3A_72, %dma_start3A_73] : memref<2x8x128xi32, #tpu.memory_space<vmem>> -> memref<1x8x128xi32, #tpu.memory_space<vmem>>
      %dma_start3A_75 = tpu.memref_squeeze %dma_start3A_74 : memref<1x8x128xi32, #tpu.memory_space<vmem>> -> memref<8x128xi32, #tpu.memory_space<vmem>>
      %dma_start3A_76 = arith.constant 0 : i32
      %dma_start3A_77 = arith.constant 0 : i32
      %dma_start3A_78 = tpu.memref_slice %arg3[%add3A_29, %arg1, %dma_start3A_76, %dma_start3A_77] : memref<4x16x88x128xi32, #tpu.memory_space<hbm>> -> memref<1x1x8x128xi32, #tpu.memory_space<hbm>>
      %dma_start3A_79 = tpu.memref_squeeze %dma_start3A_78 : memref<1x1x8x128xi32, #tpu.memory_space<hbm>> -> memref<8x128xi32, #tpu.memory_space<hbm>>
      tpu.enqueue_dma source(%dma_start3A_79 : memref<8x128xi32, #tpu.memory_space<hbm>>) target(%dma_start3A_75 : memref<8x128xi32, #tpu.memory_space<vmem>>) target_semaphore(%run_scoped3A_64 : memref<!tpu.dma_semaphore, #tpu.memory_space<semaphore_mem>>)
      %dma_wait3A = arith.constant 0 : i32
      %dma_wait3A_80 = arith.constant 0 : i32
      %dma_wait3A_81 = tpu.memref_slice %arg7[%run_scoped3A_42, %dma_wait3A, %dma_wait3A_80] : memref<2x8x128xi32, #tpu.memory_space<vmem>> -> memref<1x8x128xi32, #tpu.memory_space<vmem>>
      %dma_wait3A_82 = tpu.memref_squeeze %dma_wait3A_81 : memref<1x8x128xi32, #tpu.memory_space<vmem>> -> memref<8x128xi32, #tpu.memory_space<vmem>>
      %dma_wait3A_83 = arith.constant 0 : i32
      %dma_wait3A_84 = arith.constant 0 : i32
      %dma_wait3A_85 = tpu.memref_slice %arg3[%add3A_29, %arg1, %dma_wait3A_83, %dma_wait3A_84] : memref<4x16x88x128xi32, #tpu.memory_space<hbm>> -> memref<1x1x8x128xi32, #tpu.memory_space<hbm>>
      %dma_wait3A_86 = tpu.memref_squeeze %dma_wait3A_85 : memref<1x1x8x128xi32, #tpu.memory_space<hbm>> -> memref<8x128xi32, #tpu.memory_space<hbm>>
      %dma_wait3A_87 = arith.constant 0 : i32
      %dma_wait3A_88 = arith.constant 0 : i32
      %dma_wait3A_89 = tpu.memref_slice %arg7[%run_scoped3A_42, %dma_wait3A_87, %dma_wait3A_88] : memref<2x8x128xi32, #tpu.memory_space<vmem>> -> memref<1x8x128xi32, #tpu.memory_space<vmem>>
      %dma_wait3A_90 = tpu.memref_squeeze %dma_wait3A_89 : memref<1x8x128xi32, #tpu.memory_space<vmem>> -> memref<8x128xi32, #tpu.memory_space<vmem>>
      %dma_wait3A_91 = arith.constant 0 : i32
      %dma_wait3A_92 = arith.constant 0 : i32
      %dma_wait3A_93 = tpu.memref_slice %arg3[%add3A_29, %arg1, %dma_wait3A_91, %dma_wait3A_92] : memref<4x16x88x128xi32, #tpu.memory_space<hbm>> -> memref<1x1x8x128xi32, #tpu.memory_space<hbm>>
      %dma_wait3A_94 = tpu.memref_squeeze %dma_wait3A_93 : memref<1x1x8x128xi32, #tpu.memory_space<hbm>> -> memref<8x128xi32, #tpu.memory_space<hbm>>
      tpu.wait_dma2 semaphore(%run_scoped3A_64 : memref<!tpu.dma_semaphore, #tpu.memory_space<semaphore_mem>>) src(%dma_wait3A_94 : memref<8x128xi32, #tpu.memory_space<hbm>>) dst(%dma_wait3A_90 : memref<8x128xi32, #tpu.memory_space<vmem>>)
      tpu.yield
    }) : () -> ()
    %barrier3A_43 = arith.constant 0 : index
    tpu.barrier barrier_id(%barrier3A_43)
    %scan3A_44 = arith.constant 0 : i32
    %scan3A_45 = arith.constant 0 : i32
    %scan3A_46 = arith.constant 10 : i32
    %scan3A_47 = arith.addi %scan3A_45, %scan3A_46 : i32
    %scan3A_48 = arith.constant 1 : i32
    scf.for %scan3A_64 = %scan3A_45 to %scan3A_47 step %scan3A_48  : i32 {
      %jit3A = arith.constant 2 : i32
      %eq3A_65 = arith.constant 0 : i32
      %eq3A_66 = arith.cmpi eq, %jit3A, %eq3A_65 : i32
      %jit3A_67 = arith.constant 1 : i32
      %select_n3A = arith.select %eq3A_66, %jit3A_67, %jit3A : i32
      %rem3A = arith.remsi %scan3A_64, %select_n3A : i32
      %ne3A = arith.constant 0 : i32
      %ne3A_68 = arith.cmpi ne, %rem3A, %ne3A : i32
      %lt3A = arith.constant 0 : i32
      %lt3A_69 = arith.cmpi slt, %rem3A, %lt3A : i32
      %lt3A_70 = arith.constant 0 : i32
      %lt3A_71 = arith.cmpi slt, %select_n3A, %lt3A_70 : i32
      %ne3A_72 = arith.xori %lt3A_69, %lt3A_71 : i1
      %and3A = arith.andi %ne3A_72, %ne3A_68 : i1
      %add3A_73 = arith.addi %rem3A, %select_n3A : i32
      %select_n3A_74 = arith.select %and3A, %add3A_73, %rem3A : i32
      %mul3A_75 = arith.constant 8 : i32
      %mul3A_76 = arith.muli %scan3A_64, %mul3A_75 : i32
      %add3A_77 = arith.constant 1 : i32
      %add3A_78 = arith.addi %scan3A_64, %add3A_77 : i32
      %mul3A_79 = arith.constant 8 : i32
      %mul3A_80 = arith.muli %add3A_78, %mul3A_79 : i32
      %multiple_of3A = tpu.assume_multiple %mul3A_80, 8 : i32
      %add3A_81 = arith.constant 1 : i32
      %add3A_82 = arith.addi %scan3A_64, %add3A_81 : i32
      %jit3A_83 = arith.constant 2 : i32
      %eq3A_84 = arith.constant 0 : i32
      %eq3A_85 = arith.cmpi eq, %jit3A_83, %eq3A_84 : i32
      %jit3A_86 = arith.constant 1 : i32
      %select_n3A_87 = arith.select %eq3A_85, %jit3A_86, %jit3A_83 : i32
      %rem3A_88 = arith.remsi %add3A_82, %select_n3A_87 : i32
      %ne3A_89 = arith.constant 0 : i32
      %ne3A_90 = arith.cmpi ne, %rem3A_88, %ne3A_89 : i32
      %lt3A_91 = arith.constant 0 : i32
      %lt3A_92 = arith.cmpi slt, %rem3A_88, %lt3A_91 : i32
      %lt3A_93 = arith.constant 0 : i32
      %lt3A_94 = arith.cmpi slt, %select_n3A_87, %lt3A_93 : i32
      %ne3A_95 = arith.xori %lt3A_92, %lt3A_94 : i1
      %and3A_96 = arith.andi %ne3A_95, %ne3A_90 : i1
      %add3A_97 = arith.addi %rem3A_88, %select_n3A_87 : i32
      %select_n3A_98 = arith.select %and3A_96, %add3A_97, %rem3A_88 : i32
      %dma_start3A = arith.constant 0 : i32
      %dma_start3A_99 = arith.constant 0 : i32
      %dma_start3A_100 = tpu.memref_slice %arg7[%select_n3A_98, %dma_start3A, %dma_start3A_99] : memref<2x8x128xi32, #tpu.memory_space<vmem>> -> memref<1x8x128xi32, #tpu.memory_space<vmem>>
      %dma_start3A_101 = tpu.memref_squeeze %dma_start3A_100 : memref<1x8x128xi32, #tpu.memory_space<vmem>> -> memref<8x128xi32, #tpu.memory_space<vmem>>
      %dma_start3A_102 = arith.constant 0 : i32
      %dma_start3A_103 = tpu.memref_slice %arg3[%add3A_29, %arg1, %multiple_of3A, %dma_start3A_102] : memref<4x16x88x128xi32, #tpu.memory_space<hbm>> -> memref<1x1x8x128xi32, #tpu.memory_space<hbm>>
      %dma_start3A_104 = tpu.memref_squeeze %dma_start3A_103 : memref<1x1x8x128xi32, #tpu.memory_space<hbm>> -> memref<8x128xi32, #tpu.memory_space<hbm>>
      %dma_start3A_105 = arith.constant 0 : i32
      %dma_start3A_106 = arith.constant 0 : i32
      %dma_start3A_107 = tpu.memref_slice %arg7[%select_n3A_98, %dma_start3A_105, %dma_start3A_106] : memref<2x8x128xi32, #tpu.memory_space<vmem>> -> memref<1x8x128xi32, #tpu.memory_space<vmem>>
      %dma_start3A_108 = tpu.memref_squeeze %dma_start3A_107 : memref<1x8x128xi32, #tpu.memory_space<vmem>> -> memref<8x128xi32, #tpu.memory_space<vmem>>
      %dma_start3A_109 = arith.constant 0 : i32
      %dma_start3A_110 = tpu.memref_slice %arg3[%add3A_29, %arg1, %multiple_of3A, %dma_start3A_109] : memref<4x16x88x128xi32, #tpu.memory_space<hbm>> -> memref<1x1x8x128xi32, #tpu.memory_space<hbm>>
      %dma_start3A_111 = tpu.memref_squeeze %dma_start3A_110 : memref<1x1x8x128xi32, #tpu.memory_space<hbm>> -> memref<8x128xi32, #tpu.memory_space<hbm>>
      tpu.enqueue_dma source(%dma_start3A_111 : memref<8x128xi32, #tpu.memory_space<hbm>>) target(%dma_start3A_108 : memref<8x128xi32, #tpu.memory_space<vmem>>) target_semaphore(%arg12 : memref<!tpu.dma_semaphore, #tpu.memory_space<semaphore_mem>>)
      %dma_start3A_112 = arith.constant 0 : i32
      %dma_start3A_113 = arith.constant 0 : i32
      %dma_start3A_114 = arith.constant 0 : i32
      %dma_start3A_115 = arith.constant 0 : i32
      %dma_start3A_116 = arith.constant 0 : i32
      %dma_start3A_117 = tpu.memref_slice %arg9[%dma_start3A_113, %dma_start3A_115, %dma_start3A_116] : memref<2x128x128xf32, #tpu.memory_space<vmem>> -> memref<1x128x128xf32, #tpu.memory_space<vmem>>
      %dma_start3A_118 = tpu.memref_squeeze %dma_start3A_117 : memref<1x128x128xf32, #tpu.memory_space<vmem>> -> memref<128x128xf32, #tpu.memory_space<vmem>>
      %dma_start3A_119 = arith.constant 0 : i32
      %dma_start3A_120 = tpu.memref_slice %arg7[%select_n3A_74, %dma_start3A_112, %dma_start3A_119] : memref<2x8x128xi32, #tpu.memory_space<vmem>> -> memref<1x1x128xi32, #tpu.memory_space<vmem>>
      %dma_start3A_121 = tpu.memref_squeeze %dma_start3A_120 : memref<1x1x128xi32, #tpu.memory_space<vmem>> -> memref<128xi32, #tpu.memory_space<vmem>>
      %dma_start3A_122 = arith.constant 0 : i32
      %dma_start3A_123 = arith.constant 0 : i32
      %dma_start3A_124 = tpu.memref_slice %arg2[%dma_start3A_122, %dma_start3A_123] : memref<40000x128xf32, #tpu.memory_space<hbm>> -> memref<40000x128xf32, #tpu.memory_space<hbm>>
      %dma_start3A_125 = tpu.memref_slice %arg10[%dma_start3A_114] : memref<2x!tpu.dma_semaphore, #tpu.memory_space<semaphore_mem>> -> memref<1x!tpu.dma_semaphore, #tpu.memory_space<semaphore_mem>>
      %dma_start3A_126 = tpu.memref_squeeze %dma_start3A_125 : memref<1x!tpu.dma_semaphore, #tpu.memory_space<semaphore_mem>> -> memref<!tpu.dma_semaphore, #tpu.memory_space<semaphore_mem>>
      tpu.enqueue_indirect_dma source(%dma_start3A_124 : memref<40000x128xf32, #tpu.memory_space<hbm>>) target(%dma_start3A_118 : memref<128x128xf32, #tpu.memory_space<vmem>>) offsets(%dma_start3A_121 : memref<128xi32, #tpu.memory_space<vmem>>) semaphore(%dma_start3A_126 : memref<!tpu.dma_semaphore, #tpu.memory_space<semaphore_mem>>)
      %dma_start3A_127 = arith.constant 1 : i32
      %dma_start3A_128 = arith.constant 1 : i32
      %dma_start3A_129 = arith.constant 1 : i32
      %dma_start3A_130 = arith.constant 0 : i32
      %dma_start3A_131 = arith.constant 0 : i32
      %dma_start3A_132 = tpu.memref_slice %arg9[%dma_start3A_128, %dma_start3A_130, %dma_start3A_131] : memref<2x128x128xf32, #tpu.memory_space<vmem>> -> memref<1x128x128xf32, #tpu.memory_space<vmem>>
      %dma_start3A_133 = tpu.memref_squeeze %dma_start3A_132 : memref<1x128x128xf32, #tpu.memory_space<vmem>> -> memref<128x128xf32, #tpu.memory_space<vmem>>
      %dma_start3A_134 = arith.constant 0 : i32
      %dma_start3A_135 = tpu.memref_slice %arg7[%select_n3A_74, %dma_start3A_127, %dma_start3A_134] : memref<2x8x128xi32, #tpu.memory_space<vmem>> -> memref<1x1x128xi32, #tpu.memory_space<vmem>>
      %dma_start3A_136 = tpu.memref_squeeze %dma_start3A_135 : memref<1x1x128xi32, #tpu.memory_space<vmem>> -> memref<128xi32, #tpu.memory_space<vmem>>
      %dma_start3A_137 = arith.constant 0 : i32
      %dma_start3A_138 = arith.constant 0 : i32
      %dma_start3A_139 = tpu.memref_slice %arg2[%dma_start3A_137, %dma_start3A_138] : memref<40000x128xf32, #tpu.memory_space<hbm>> -> memref<40000x128xf32, #tpu.memory_space<hbm>>
      %dma_start3A_140 = tpu.memref_slice %arg10[%dma_start3A_129] : memref<2x!tpu.dma_semaphore, #tpu.memory_space<semaphore_mem>> -> memref<1x!tpu.dma_semaphore, #tpu.memory_space<semaphore_mem>>
      %dma_start3A_141 = tpu.memref_squeeze %dma_start3A_140 : memref<1x!tpu.dma_semaphore, #tpu.memory_space<semaphore_mem>> -> memref<!tpu.dma_semaphore, #tpu.memory_space<semaphore_mem>>
      tpu.enqueue_indirect_dma source(%dma_start3A_139 : memref<40000x128xf32, #tpu.memory_space<hbm>>) target(%dma_start3A_133 : memref<128x128xf32, #tpu.memory_space<vmem>>) offsets(%dma_start3A_136 : memref<128xi32, #tpu.memory_space<vmem>>) semaphore(%dma_start3A_141 : memref<!tpu.dma_semaphore, #tpu.memory_space<semaphore_mem>>)
      %dma_wait3A = arith.constant 0 : i32
      %dma_wait3A_142 = arith.constant 0 : i32
      %dma_wait3A_143 = arith.constant 0 : i32
      %dma_wait3A_144 = arith.constant 0 : i32
      %dma_wait3A_145 = arith.constant 0 : i32
      %dma_wait3A_146 = tpu.memref_slice %arg9[%dma_wait3A_142, %dma_wait3A_144, %dma_wait3A_145] : memref<2x128x128xf32, #tpu.memory_space<vmem>> -> memref<1x128x128xf32, #tpu.memory_space<vmem>>
      %dma_wait3A_147 = tpu.memref_squeeze %dma_wait3A_146 : memref<1x128x128xf32, #tpu.memory_space<vmem>> -> memref<128x128xf32, #tpu.memory_space<vmem>>
      %dma_wait3A_148 = arith.constant 0 : i32
      %dma_wait3A_149 = tpu.memref_slice %arg7[%select_n3A_74, %dma_wait3A, %dma_wait3A_148] : memref<2x8x128xi32, #tpu.memory_space<vmem>> -> memref<1x1x128xi32, #tpu.memory_space<vmem>>
      %dma_wait3A_150 = tpu.memref_squeeze %dma_wait3A_149 : memref<1x1x128xi32, #tpu.memory_space<vmem>> -> memref<128xi32, #tpu.memory_space<vmem>>
      %dma_wait3A_151 = arith.constant 0 : i32
      %dma_wait3A_152 = arith.constant 0 : i32
      %dma_wait3A_153 = tpu.memref_slice %arg2[%dma_wait3A_151, %dma_wait3A_152] : memref<40000x128xf32, #tpu.memory_space<hbm>> -> memref<40000x128xf32, #tpu.memory_space<hbm>>
      %dma_wait3A_154 = tpu.memref_slice %arg10[%dma_wait3A_143] : memref<2x!tpu.dma_semaphore, #tpu.memory_space<semaphore_mem>> -> memref<1x!tpu.dma_semaphore, #tpu.memory_space<semaphore_mem>>
      %dma_wait3A_155 = tpu.memref_squeeze %dma_wait3A_154 : memref<1x!tpu.dma_semaphore, #tpu.memory_space<semaphore_mem>> -> memref<!tpu.dma_semaphore, #tpu.memory_space<semaphore_mem>>
      tpu.wait_indirect_dma semaphore(%dma_wait3A_155 : memref<!tpu.dma_semaphore, #tpu.memory_space<semaphore_mem>>) src(%dma_wait3A_153 : memref<40000x128xf32, #tpu.memory_space<hbm>>) dst(%dma_wait3A_147 : memref<128x128xf32, #tpu.memory_space<vmem>>)
      %add3A_156 = arith.constant 0 : i32
      %add3A_157 = arith.addi %mul3A_76, %add3A_156 : i32
      %dma_start3A_158 = arith.constant 0 : i32
      %dma_start3A_159 = arith.constant 0 : i32
      %dma_start3A_160 = arith.constant 0 : i32
      %dma_start3A_161 = arith.constant 0 : i32
      %dma_start3A_162 = tpu.memref_slice %arg9[%dma_start3A_158, %dma_start3A_160, %dma_start3A_161] : memref<2x128x128xf32, #tpu.memory_space<vmem>> -> memref<1x128x128xf32, #tpu.memory_space<vmem>>
      %dma_start3A_163 = tpu.memref_squeeze %dma_start3A_162 : memref<1x128x128xf32, #tpu.memory_space<vmem>> -> memref<128x128xf32, #tpu.memory_space<vmem>>
      %dma_start3A_164 = arith.constant 0 : i32
      %dma_start3A_165 = tpu.memref_slice %arg8[%add3A_157, %dma_start3A_164] : memref<80x128xi32, #tpu.memory_space<vmem>> -> memref<1x128xi32, #tpu.memory_space<vmem>>
      %dma_start3A_166 = tpu.memref_squeeze %dma_start3A_165 : memref<1x128xi32, #tpu.memory_space<vmem>> -> memref<128xi32, #tpu.memory_space<vmem>>
      %dma_start3A_167 = arith.constant 0 : i32
      %dma_start3A_168 = arith.constant 0 : i32
      %dma_start3A_169 = tpu.memref_slice %arg6[%dma_start3A_167, %dma_start3A_168] : memref<10256x128xf32, #tpu.memory_space<vmem_shared>> -> memref<10256x128xf32, #tpu.memory_space<vmem_shared>>
      %dma_start3A_170 = tpu.memref_slice %arg11[%dma_start3A_159] : memref<2x!tpu.dma_semaphore, #tpu.memory_space<semaphore_mem>> -> memref<1x!tpu.dma_semaphore, #tpu.memory_space<semaphore_mem>>
      %dma_start3A_171 = tpu.memref_squeeze %dma_start3A_170 : memref<1x!tpu.dma_semaphore, #tpu.memory_space<semaphore_mem>> -> memref<!tpu.dma_semaphore, #tpu.memory_space<semaphore_mem>>
      tpu.enqueue_indirect_dma source(%dma_start3A_163 : memref<128x128xf32, #tpu.memory_space<vmem>>) target(%dma_start3A_169 : memref<10256x128xf32, #tpu.memory_space<vmem_shared>>) offsets(%dma_start3A_166 : memref<128xi32, #tpu.memory_space<vmem>>) semaphore(%dma_start3A_171 : memref<!tpu.dma_semaphore, #tpu.memory_space<semaphore_mem>>) {add = true}
      %add3A_172 = arith.constant 0 : i32
      %add3A_173 = arith.addi %mul3A_76, %add3A_172 : i32
      %dma_wait3A_174 = arith.constant 0 : i32
      %dma_wait3A_175 = arith.constant 0 : i32
      %dma_wait3A_176 = arith.constant 0 : i32
      %dma_wait3A_177 = arith.constant 0 : i32
      %dma_wait3A_178 = tpu.memref_slice %arg9[%dma_wait3A_174, %dma_wait3A_176, %dma_wait3A_177] : memref<2x128x128xf32, #tpu.memory_space<vmem>> -> memref<1x128x128xf32, #tpu.memory_space<vmem>>
      %dma_wait3A_179 = tpu.memref_squeeze %dma_wait3A_178 : memref<1x128x128xf32, #tpu.memory_space<vmem>> -> memref<128x128xf32, #tpu.memory_space<vmem>>
      %dma_wait3A_180 = arith.constant 0 : i32
      %dma_wait3A_181 = tpu.memref_slice %arg8[%add3A_173, %dma_wait3A_180] : memref<80x128xi32, #tpu.memory_space<vmem>> -> memref<1x128xi32, #tpu.memory_space<vmem>>
      %dma_wait3A_182 = tpu.memref_squeeze %dma_wait3A_181 : memref<1x128xi32, #tpu.memory_space<vmem>> -> memref<128xi32, #tpu.memory_space<vmem>>
      %dma_wait3A_183 = arith.constant 0 : i32
      %dma_wait3A_184 = arith.constant 0 : i32
      %dma_wait3A_185 = tpu.memref_slice %arg6[%dma_wait3A_183, %dma_wait3A_184] : memref<10256x128xf32, #tpu.memory_space<vmem_shared>> -> memref<10256x128xf32, #tpu.memory_space<vmem_shared>>
      %dma_wait3A_186 = tpu.memref_slice %arg11[%dma_wait3A_175] : memref<2x!tpu.dma_semaphore, #tpu.memory_space<semaphore_mem>> -> memref<1x!tpu.dma_semaphore, #tpu.memory_space<semaphore_mem>>
      %dma_wait3A_187 = tpu.memref_squeeze %dma_wait3A_186 : memref<1x!tpu.dma_semaphore, #tpu.memory_space<semaphore_mem>> -> memref<!tpu.dma_semaphore, #tpu.memory_space<semaphore_mem>>
      tpu.wait_indirect_dma semaphore(%dma_wait3A_187 : memref<!tpu.dma_semaphore, #tpu.memory_space<semaphore_mem>>) src(%dma_wait3A_179 : memref<128x128xf32, #tpu.memory_space<vmem>>) dst(%dma_wait3A_185 : memref<10256x128xf32, #tpu.memory_space<vmem_shared>>)
      %dma_start3A_188 = arith.constant 2 : i32
      %dma_start3A_189 = arith.constant 0 : i32
      %dma_start3A_190 = arith.constant 0 : i32
      %dma_start3A_191 = arith.constant 0 : i32
      %dma_start3A_192 = arith.constant 0 : i32
      %dma_start3A_193 = tpu.memref_slice %arg9[%dma_start3A_189, %dma_start3A_191, %dma_start3A_192] : memref<2x128x128xf32, #tpu.memory_space<vmem>> -> memref<1x128x128xf32, #tpu.memory_space<vmem>>
      %dma_start3A_194 = tpu.memref_squeeze %dma_start3A_193 : memref<1x128x128xf32, #tpu.memory_space<vmem>> -> memref<128x128xf32, #tpu.memory_space<vmem>>
      %dma_start3A_195 = arith.constant 0 : i32
      %dma_start3A_196 = tpu.memref_slice %arg7[%select_n3A_74, %dma_start3A_188, %dma_start3A_195] : memref<2x8x128xi32, #tpu.memory_space<vmem>> -> memref<1x1x128xi32, #tpu.memory_space<vmem>>
      %dma_start3A_197 = tpu.memref_squeeze %dma_start3A_196 : memref<1x1x128xi32, #tpu.memory_space<vmem>> -> memref<128xi32, #tpu.memory_space<vmem>>
      %dma_start3A_198 = arith.constant 0 : i32
      %dma_start3A_199 = arith.constant 0 : i32
      %dma_start3A_200 = tpu.memref_slice %arg2[%dma_start3A_198, %dma_start3A_199] : memref<40000x128xf32, #tpu.memory_space<hbm>> -> memref<40000x128xf32, #tpu.memory_space<hbm>>
      %dma_start3A_201 = tpu.memref_slice %arg10[%dma_start3A_190] : memref<2x!tpu.dma_semaphore, #tpu.memory_space<semaphore_mem>> -> memref<1x!tpu.dma_semaphore, #tpu.memory_space<semaphore_mem>>
      %dma_start3A_202 = tpu.memref_squeeze %dma_start3A_201 : memref<1x!tpu.dma_semaphore, #tpu.memory_space<semaphore_mem>> -> memref<!tpu.dma_semaphore, #tpu.memory_space<semaphore_mem>>
      tpu.enqueue_indirect_dma source(%dma_start3A_200 : memref<40000x128xf32, #tpu.memory_space<hbm>>) target(%dma_start3A_194 : memref<128x128xf32, #tpu.memory_space<vmem>>) offsets(%dma_start3A_197 : memref<128xi32, #tpu.memory_space<vmem>>) semaphore(%dma_start3A_202 : memref<!tpu.dma_semaphore, #tpu.memory_space<semaphore_mem>>)
      %dma_wait3A_203 = arith.constant 1 : i32
      %dma_wait3A_204 = arith.constant 1 : i32
      %dma_wait3A_205 = arith.constant 1 : i32
      %dma_wait3A_206 = arith.constant 0 : i32
      %dma_wait3A_207 = arith.constant 0 : i32
      %dma_wait3A_208 = tpu.memref_slice %arg9[%dma_wait3A_204, %dma_wait3A_206, %dma_wait3A_207] : memref<2x128x128xf32, #tpu.memory_space<vmem>> -> memref<1x128x128xf32, #tpu.memory_space<vmem>>
      %dma_wait3A_209 = tpu.memref_squeeze %dma_wait3A_208 : memref<1x128x128xf32, #tpu.memory_space<vmem>> -> memref<128x128xf32, #tpu.memory_space<vmem>>
      %dma_wait3A_210 = arith.constant 0 : i32
      %dma_wait3A_211 = tpu.memref_slice %arg7[%select_n3A_74, %dma_wait3A_203, %dma_wait3A_210] : memref<2x8x128xi32, #tpu.memory_space<vmem>> -> memref<1x1x128xi32, #tpu.memory_space<vmem>>
      %dma_wait3A_212 = tpu.memref_squeeze %dma_wait3A_211 : memref<1x1x128xi32, #tpu.memory_space<vmem>> -> memref<128xi32, #tpu.memory_space<vmem>>
      %dma_wait3A_213 = arith.constant 0 : i32
      %dma_wait3A_214 = arith.constant 0 : i32
      %dma_wait3A_215 = tpu.memref_slice %arg2[%dma_wait3A_213, %dma_wait3A_214] : memref<40000x128xf32, #tpu.memory_space<hbm>> -> memref<40000x128xf32, #tpu.memory_space<hbm>>
      %dma_wait3A_216 = tpu.memref_slice %arg10[%dma_wait3A_205] : memref<2x!tpu.dma_semaphore, #tpu.memory_space<semaphore_mem>> -> memref<1x!tpu.dma_semaphore, #tpu.memory_space<semaphore_mem>>
      %dma_wait3A_217 = tpu.memref_squeeze %dma_wait3A_216 : memref<1x!tpu.dma_semaphore, #tpu.memory_space<semaphore_mem>> -> memref<!tpu.dma_semaphore, #tpu.memory_space<semaphore_mem>>
      tpu.wait_indirect_dma semaphore(%dma_wait3A_217 : memref<!tpu.dma_semaphore, #tpu.memory_space<semaphore_mem>>) src(%dma_wait3A_215 : memref<40000x128xf32, #tpu.memory_space<hbm>>) dst(%dma_wait3A_209 : memref<128x128xf32, #tpu.memory_space<vmem>>)
      %add3A_218 = arith.constant 1 : i32
      %add3A_219 = arith.addi %mul3A_76, %add3A_218 : i32
      %dma_start3A_220 = arith.constant 1 : i32
      %dma_start3A_221 = arith.constant 1 : i32
      %dma_start3A_222 = arith.constant 0 : i32
      %dma_start3A_223 = arith.constant 0 : i32
      %dma_start3A_224 = tpu.memref_slice %arg9[%dma_start3A_220, %dma_start3A_222, %dma_start3A_223] : memref<2x128x128xf32, #tpu.memory_space<vmem>> -> memref<1x128x128xf32, #tpu.memory_space<vmem>>
      %dma_start3A_225 = tpu.memref_squeeze %dma_start3A_224 : memref<1x128x128xf32, #tpu.memory_space<vmem>> -> memref<128x128xf32, #tpu.memory_space<vmem>>
      %dma_start3A_226 = arith.constant 0 : i32
      %dma_start3A_227 = tpu.memref_slice %arg8[%add3A_219, %dma_start3A_226] : memref<80x128xi32, #tpu.memory_space<vmem>> -> memref<1x128xi32, #tpu.memory_space<vmem>>
      %dma_start3A_228 = tpu.memref_squeeze %dma_start3A_227 : memref<1x128xi32, #tpu.memory_space<vmem>> -> memref<128xi32, #tpu.memory_space<vmem>>
      %dma_start3A_229 = arith.constant 0 : i32
      %dma_start3A_230 = arith.constant 0 : i32
      %dma_start3A_231 = tpu.memref_slice %arg6[%dma_start3A_229, %dma_start3A_230] : memref<10256x128xf32, #tpu.memory_space<vmem_shared>> -> memref<10256x128xf32, #tpu.memory_space<vmem_shared>>
      %dma_start3A_232 = tpu.memref_slice %arg11[%dma_start3A_221] : memref<2x!tpu.dma_semaphore, #tpu.memory_space<semaphore_mem>> -> memref<1x!tpu.dma_semaphore, #tpu.memory_space<semaphore_mem>>
      %dma_start3A_233 = tpu.memref_squeeze %dma_start3A_232 : memref<1x!tpu.dma_semaphore, #tpu.memory_space<semaphore_mem>> -> memref<!tpu.dma_semaphore, #tpu.memory_space<semaphore_mem>>
      tpu.enqueue_indirect_dma source(%dma_start3A_225 : memref<128x128xf32, #tpu.memory_space<vmem>>) target(%dma_start3A_231 : memref<10256x128xf32, #tpu.memory_space<vmem_shared>>) offsets(%dma_start3A_228 : memref<128xi32, #tpu.memory_space<vmem>>) semaphore(%dma_start3A_233 : memref<!tpu.dma_semaphore, #tpu.memory_space<semaphore_mem>>) {add = true}
      %add3A_234 = arith.constant 1 : i32
      %add3A_235 = arith.addi %mul3A_76, %add3A_234 : i32
      %dma_wait3A_236 = arith.constant 1 : i32
      %dma_wait3A_237 = arith.constant 1 : i32
      %dma_wait3A_238 = arith.constant 0 : i32
      %dma_wait3A_239 = arith.constant 0 : i32
      %dma_wait3A_240 = tpu.memref_slice %arg9[%dma_wait3A_236, %dma_wait3A_238, %dma_wait3A_239] : memref<2x128x128xf32, #tpu.memory_space<vmem>> -> memref<1x128x128xf32, #tpu.memory_space<vmem>>
      %dma_wait3A_241 = tpu.memref_squeeze %dma_wait3A_240 : memref<1x128x128xf32, #tpu.memory_space<vmem>> -> memref<128x128xf32, #tpu.memory_space<vmem>>
      %dma_wait3A_242 = arith.constant 0 : i32
      %dma_wait3A_243 = tpu.memref_slice %arg8[%add3A_235, %dma_wait3A_242] : memref<80x128xi32, #tpu.memory_space<vmem>> -> memref<1x128xi32, #tpu.memory_space<vmem>>
      %dma_wait3A_244 = tpu.memref_squeeze %dma_wait3A_243 : memref<1x128xi32, #tpu.memory_space<vmem>> -> memref<128xi32, #tpu.memory_space<vmem>>
      %dma_wait3A_245 = arith.constant 0 : i32
      %dma_wait3A_246 = arith.constant 0 : i32
      %dma_wait3A_247 = tpu.memref_slice %arg6[%dma_wait3A_245, %dma_wait3A_246] : memref<10256x128xf32, #tpu.memory_space<vmem_shared>> -> memref<10256x128xf32, #tpu.memory_space<vmem_shared>>
      %dma_wait3A_248 = tpu.memref_slice %arg11[%dma_wait3A_237] : memref<2x!tpu.dma_semaphore, #tpu.memory_space<semaphore_mem>> -> memref<1x!tpu.dma_semaphore, #tpu.memory_space<semaphore_mem>>
      %dma_wait3A_249 = tpu.memref_squeeze %dma_wait3A_248 : memref<1x!tpu.dma_semaphore, #tpu.memory_space<semaphore_mem>> -> memref<!tpu.dma_semaphore, #tpu.memory_space<semaphore_mem>>
      tpu.wait_indirect_dma semaphore(%dma_wait3A_249 : memref<!tpu.dma_semaphore, #tpu.memory_space<semaphore_mem>>) src(%dma_wait3A_241 : memref<128x128xf32, #tpu.memory_space<vmem>>) dst(%dma_wait3A_247 : memref<10256x128xf32, #tpu.memory_space<vmem_shared>>)
      %dma_start3A_250 = arith.constant 3 : i32
      %dma_start3A_251 = arith.constant 1 : i32
      %dma_start3A_252 = arith.constant 1 : i32
      %dma_start3A_253 = arith.constant 0 : i32
      %dma_start3A_254 = arith.constant 0 : i32
      %dma_start3A_255 = tpu.memref_slice %arg9[%dma_start3A_251, %dma_start3A_253, %dma_start3A_254] : memref<2x128x128xf32, #tpu.memory_space<vmem>> -> memref<1x128x128xf32, #tpu.memory_space<vmem>>
      %dma_start3A_256 = tpu.memref_squeeze %dma_start3A_255 : memref<1x128x128xf32, #tpu.memory_space<vmem>> -> memref<128x128xf32, #tpu.memory_space<vmem>>
      %dma_start3A_257 = arith.constant 0 : i32
      %dma_start3A_258 = tpu.memref_slice %arg7[%select_n3A_74, %dma_start3A_250, %dma_start3A_257] : memref<2x8x128xi32, #tpu.memory_space<vmem>> -> memref<1x1x128xi32, #tpu.memory_space<vmem>>
      %dma_start3A_259 = tpu.memref_squeeze %dma_start3A_258 : memref<1x1x128xi32, #tpu.memory_space<vmem>> -> memref<128xi32, #tpu.memory_space<vmem>>
      %dma_start3A_260 = arith.constant 0 : i32
      %dma_start3A_261 = arith.constant 0 : i32
      %dma_start3A_262 = tpu.memref_slice %arg2[%dma_start3A_260, %dma_start3A_261] : memref<40000x128xf32, #tpu.memory_space<hbm>> -> memref<40000x128xf32, #tpu.memory_space<hbm>>
      %dma_start3A_263 = tpu.memref_slice %arg10[%dma_start3A_252] : memref<2x!tpu.dma_semaphore, #tpu.memory_space<semaphore_mem>> -> memref<1x!tpu.dma_semaphore, #tpu.memory_space<semaphore_mem>>
      %dma_start3A_264 = tpu.memref_squeeze %dma_start3A_263 : memref<1x!tpu.dma_semaphore, #tpu.memory_space<semaphore_mem>> -> memref<!tpu.dma_semaphore, #tpu.memory_space<semaphore_mem>>
      tpu.enqueue_indirect_dma source(%dma_start3A_262 : memref<40000x128xf32, #tpu.memory_space<hbm>>) target(%dma_start3A_256 : memref<128x128xf32, #tpu.memory_space<vmem>>) offsets(%dma_start3A_259 : memref<128xi32, #tpu.memory_space<vmem>>) semaphore(%dma_start3A_264 : memref<!tpu.dma_semaphore, #tpu.memory_space<semaphore_mem>>)
      %dma_wait3A_265 = arith.constant 2 : i32
      %dma_wait3A_266 = arith.constant 0 : i32
      %dma_wait3A_267 = arith.constant 0 : i32
      %dma_wait3A_268 = arith.constant 0 : i32
      %dma_wait3A_269 = arith.constant 0 : i32
      %dma_wait3A_270 = tpu.memref_slice %arg9[%dma_wait3A_266, %dma_wait3A_268, %dma_wait3A_269] : memref<2x128x128xf32, #tpu.memory_space<vmem>> -> memref<1x128x128xf32, #tpu.memory_space<vmem>>
      %dma_wait3A_271 = tpu.memref_squeeze %dma_wait3A_270 : memref<1x128x128xf32, #tpu.memory_space<vmem>> -> memref<128x128xf32, #tpu.memory_space<vmem>>
      %dma_wait3A_272 = arith.constant 0 : i32
      %dma_wait3A_273 = tpu.memref_slice %arg7[%select_n3A_74, %dma_wait3A_265, %dma_wait3A_272] : memref<2x8x128xi32, #tpu.memory_space<vmem>> -> memref<1x1x128xi32, #tpu.memory_space<vmem>>
      %dma_wait3A_274 = tpu.memref_squeeze %dma_wait3A_273 : memref<1x1x128xi32, #tpu.memory_space<vmem>> -> memref<128xi32, #tpu.memory_space<vmem>>
      %dma_wait3A_275 = arith.constant 0 : i32
      %dma_wait3A_276 = arith.constant 0 : i32
      %dma_wait3A_277 = tpu.memref_slice %arg2[%dma_wait3A_275, %dma_wait3A_276] : memref<40000x128xf32, #tpu.memory_space<hbm>> -> memref<40000x128xf32, #tpu.memory_space<hbm>>
      %dma_wait3A_278 = tpu.memref_slice %arg10[%dma_wait3A_267] : memref<2x!tpu.dma_semaphore, #tpu.memory_space<semaphore_mem>> -> memref<1x!tpu.dma_semaphore, #tpu.memory_space<semaphore_mem>>
      %dma_wait3A_279 = tpu.memref_squeeze %dma_wait3A_278 : memref<1x!tpu.dma_semaphore, #tpu.memory_space<semaphore_mem>> -> memref<!tpu.dma_semaphore, #tpu.memory_space<semaphore_mem>>
      tpu.wait_indirect_dma semaphore(%dma_wait3A_279 : memref<!tpu.dma_semaphore, #tpu.memory_space<semaphore_mem>>) src(%dma_wait3A_277 : memref<40000x128xf32, #tpu.memory_space<hbm>>) dst(%dma_wait3A_271 : memref<128x128xf32, #tpu.memory_space<vmem>>)
      %add3A_280 = arith.constant 2 : i32
      %add3A_281 = arith.addi %mul3A_76, %add3A_280 : i32
      %dma_start3A_282 = arith.constant 0 : i32
      %dma_start3A_283 = arith.constant 0 : i32
      %dma_start3A_284 = arith.constant 0 : i32
      %dma_start3A_285 = arith.constant 0 : i32
      %dma_start3A_286 = tpu.memref_slice %arg9[%dma_start3A_282, %dma_start3A_284, %dma_start3A_285] : memref<2x128x128xf32, #tpu.memory_space<vmem>> -> memref<1x128x128xf32, #tpu.memory_space<vmem>>
      %dma_start3A_287 = tpu.memref_squeeze %dma_start3A_286 : memref<1x128x128xf32, #tpu.memory_space<vmem>> -> memref<128x128xf32, #tpu.memory_space<vmem>>
      %dma_start3A_288 = arith.constant 0 : i32
      %dma_start3A_289 = tpu.memref_slice %arg8[%add3A_281, %dma_start3A_288] : memref<80x128xi32, #tpu.memory_space<vmem>> -> memref<1x128xi32, #tpu.memory_space<vmem>>
      %dma_start3A_290 = tpu.memref_squeeze %dma_start3A_289 : memref<1x128xi32, #tpu.memory_space<vmem>> -> memref<128xi32, #tpu.memory_space<vmem>>
      %dma_start3A_291 = arith.constant 0 : i32
      %dma_start3A_292 = arith.constant 0 : i32
      %dma_start3A_293 = tpu.memref_slice %arg6[%dma_start3A_291, %dma_start3A_292] : memref<10256x128xf32, #tpu.memory_space<vmem_shared>> -> memref<10256x128xf32, #tpu.memory_space<vmem_shared>>
      %dma_start3A_294 = tpu.memref_slice %arg11[%dma_start3A_283] : memref<2x!tpu.dma_semaphore, #tpu.memory_space<semaphore_mem>> -> memref<1x!tpu.dma_semaphore, #tpu.memory_space<semaphore_mem>>
      %dma_start3A_295 = tpu.memref_squeeze %dma_start3A_294 : memref<1x!tpu.dma_semaphore, #tpu.memory_space<semaphore_mem>> -> memref<!tpu.dma_semaphore, #tpu.memory_space<semaphore_mem>>
      tpu.enqueue_indirect_dma source(%dma_start3A_287 : memref<128x128xf32, #tpu.memory_space<vmem>>) target(%dma_start3A_293 : memref<10256x128xf32, #tpu.memory_space<vmem_shared>>) offsets(%dma_start3A_290 : memref<128xi32, #tpu.memory_space<vmem>>) semaphore(%dma_start3A_295 : memref<!tpu.dma_semaphore, #tpu.memory_space<semaphore_mem>>) {add = true}
      %add3A_296 = arith.constant 2 : i32
      %add3A_297 = arith.addi %mul3A_76, %add3A_296 : i32
      %dma_wait3A_298 = arith.constant 0 : i32
      %dma_wait3A_299 = arith.constant 0 : i32
      %dma_wait3A_300 = arith.constant 0 : i32
      %dma_wait3A_301 = arith.constant 0 : i32
      %dma_wait3A_302 = tpu.memref_slice %arg9[%dma_wait3A_298, %dma_wait3A_300, %dma_wait3A_301] : memref<2x128x128xf32, #tpu.memory_space<vmem>> -> memref<1x128x128xf32, #tpu.memory_space<vmem>>
      %dma_wait3A_303 = tpu.memref_squeeze %dma_wait3A_302 : memref<1x128x128xf32, #tpu.memory_space<vmem>> -> memref<128x128xf32, #tpu.memory_space<vmem>>
      %dma_wait3A_304 = arith.constant 0 : i32
      %dma_wait3A_305 = tpu.memref_slice %arg8[%add3A_297, %dma_wait3A_304] : memref<80x128xi32, #tpu.memory_space<vmem>> -> memref<1x128xi32, #tpu.memory_space<vmem>>
      %dma_wait3A_306 = tpu.memref_squeeze %dma_wait3A_305 : memref<1x128xi32, #tpu.memory_space<vmem>> -> memref<128xi32, #tpu.memory_space<vmem>>
      %dma_wait3A_307 = arith.constant 0 : i32
      %dma_wait3A_308 = arith.constant 0 : i32
      %dma_wait3A_309 = tpu.memref_slice %arg6[%dma_wait3A_307, %dma_wait3A_308] : memref<10256x128xf32, #tpu.memory_space<vmem_shared>> -> memref<10256x128xf32, #tpu.memory_space<vmem_shared>>
      %dma_wait3A_310 = tpu.memref_slice %arg11[%dma_wait3A_299] : memref<2x!tpu.dma_semaphore, #tpu.memory_space<semaphore_mem>> -> memref<1x!tpu.dma_semaphore, #tpu.memory_space<semaphore_mem>>
      %dma_wait3A_311 = tpu.memref_squeeze %dma_wait3A_310 : memref<1x!tpu.dma_semaphore, #tpu.memory_space<semaphore_mem>> -> memref<!tpu.dma_semaphore, #tpu.memory_space<semaphore_mem>>
      tpu.wait_indirect_dma semaphore(%dma_wait3A_311 : memref<!tpu.dma_semaphore, #tpu.memory_space<semaphore_mem>>) src(%dma_wait3A_303 : memref<128x128xf32, #tpu.memory_space<vmem>>) dst(%dma_wait3A_309 : memref<10256x128xf32, #tpu.memory_space<vmem_shared>>)
      %dma_start3A_312 = arith.constant 4 : i32
      %dma_start3A_313 = arith.constant 0 : i32
      %dma_start3A_314 = arith.constant 0 : i32
      %dma_start3A_315 = arith.constant 0 : i32
      %dma_start3A_316 = arith.constant 0 : i32
      %dma_start3A_317 = tpu.memref_slice %arg9[%dma_start3A_313, %dma_start3A_315, %dma_start3A_316] : memref<2x128x128xf32, #tpu.memory_space<vmem>> -> memref<1x128x128xf32, #tpu.memory_space<vmem>>
      %dma_start3A_318 = tpu.memref_squeeze %dma_start3A_317 : memref<1x128x128xf32, #tpu.memory_space<vmem>> -> memref<128x128xf32, #tpu.memory_space<vmem>>
      %dma_start3A_319 = arith.constant 0 : i32
      %dma_start3A_320 = tpu.memref_slice %arg7[%select_n3A_74, %dma_start3A_312, %dma_start3A_319] : memref<2x8x128xi32, #tpu.memory_space<vmem>> -> memref<1x1x128xi32, #tpu.memory_space<vmem>>
      %dma_start3A_321 = tpu.memref_squeeze %dma_start3A_320 : memref<1x1x128xi32, #tpu.memory_space<vmem>> -> memref<128xi32, #tpu.memory_space<vmem>>
      %dma_start3A_322 = arith.constant 0 : i32
      %dma_start3A_323 = arith.constant 0 : i32
      %dma_start3A_324 = tpu.memref_slice %arg2[%dma_start3A_322, %dma_start3A_323] : memref<40000x128xf32, #tpu.memory_space<hbm>> -> memref<40000x128xf32, #tpu.memory_space<hbm>>
      %dma_start3A_325 = tpu.memref_slice %arg10[%dma_start3A_314] : memref<2x!tpu.dma_semaphore, #tpu.memory_space<semaphore_mem>> -> memref<1x!tpu.dma_semaphore, #tpu.memory_space<semaphore_mem>>
      %dma_start3A_326 = tpu.memref_squeeze %dma_start3A_325 : memref<1x!tpu.dma_semaphore, #tpu.memory_space<semaphore_mem>> -> memref<!tpu.dma_semaphore, #tpu.memory_space<semaphore_mem>>
      tpu.enqueue_indirect_dma source(%dma_start3A_324 : memref<40000x128xf32, #tpu.memory_space<hbm>>) target(%dma_start3A_318 : memref<128x128xf32, #tpu.memory_space<vmem>>) offsets(%dma_start3A_321 : memref<128xi32, #tpu.memory_space<vmem>>) semaphore(%dma_start3A_326 : memref<!tpu.dma_semaphore, #tpu.memory_space<semaphore_mem>>)
      %dma_wait3A_327 = arith.constant 3 : i32
      %dma_wait3A_328 = arith.constant 1 : i32
      %dma_wait3A_329 = arith.constant 1 : i32
      %dma_wait3A_330 = arith.constant 0 : i32
      %dma_wait3A_331 = arith.constant 0 : i32
      %dma_wait3A_332 = tpu.memref_slice %arg9[%dma_wait3A_328, %dma_wait3A_330, %dma_wait3A_331] : memref<2x128x128xf32, #tpu.memory_space<vmem>> -> memref<1x128x128xf32, #tpu.memory_space<vmem>>
      %dma_wait3A_333 = tpu.memref_squeeze %dma_wait3A_332 : memref<1x128x128xf32, #tpu.memory_space<vmem>> -> memref<128x128xf32, #tpu.memory_space<vmem>>
      %dma_wait3A_334 = arith.constant 0 : i32
      %dma_wait3A_335 = tpu.memref_slice %arg7[%select_n3A_74, %dma_wait3A_327, %dma_wait3A_334] : memref<2x8x128xi32, #tpu.memory_space<vmem>> -> memref<1x1x128xi32, #tpu.memory_space<vmem>>
      %dma_wait3A_336 = tpu.memref_squeeze %dma_wait3A_335 : memref<1x1x128xi32, #tpu.memory_space<vmem>> -> memref<128xi32, #tpu.memory_space<vmem>>
      %dma_wait3A_337 = arith.constant 0 : i32
      %dma_wait3A_338 = arith.constant 0 : i32
      %dma_wait3A_339 = tpu.memref_slice %arg2[%dma_wait3A_337, %dma_wait3A_338] : memref<40000x128xf32, #tpu.memory_space<hbm>> -> memref<40000x128xf32, #tpu.memory_space<hbm>>
      %dma_wait3A_340 = tpu.memref_slice %arg10[%dma_wait3A_329] : memref<2x!tpu.dma_semaphore, #tpu.memory_space<semaphore_mem>> -> memref<1x!tpu.dma_semaphore, #tpu.memory_space<semaphore_mem>>
      %dma_wait3A_341 = tpu.memref_squeeze %dma_wait3A_340 : memref<1x!tpu.dma_semaphore, #tpu.memory_space<semaphore_mem>> -> memref<!tpu.dma_semaphore, #tpu.memory_space<semaphore_mem>>
      tpu.wait_indirect_dma semaphore(%dma_wait3A_341 : memref<!tpu.dma_semaphore, #tpu.memory_space<semaphore_mem>>) src(%dma_wait3A_339 : memref<40000x128xf32, #tpu.memory_space<hbm>>) dst(%dma_wait3A_333 : memref<128x128xf32, #tpu.memory_space<vmem>>)
      %add3A_342 = arith.constant 3 : i32
      %add3A_343 = arith.addi %mul3A_76, %add3A_342 : i32
      %dma_start3A_344 = arith.constant 1 : i32
      %dma_start3A_345 = arith.constant 1 : i32
      %dma_start3A_346 = arith.constant 0 : i32
      %dma_start3A_347 = arith.constant 0 : i32
      %dma_start3A_348 = tpu.memref_slice %arg9[%dma_start3A_344, %dma_start3A_346, %dma_start3A_347] : memref<2x128x128xf32, #tpu.memory_space<vmem>> -> memref<1x128x128xf32, #tpu.memory_space<vmem>>
      %dma_start3A_349 = tpu.memref_squeeze %dma_start3A_348 : memref<1x128x128xf32, #tpu.memory_space<vmem>> -> memref<128x128xf32, #tpu.memory_space<vmem>>
      %dma_start3A_350 = arith.constant 0 : i32
      %dma_start3A_351 = tpu.memref_slice %arg8[%add3A_343, %dma_start3A_350] : memref<80x128xi32, #tpu.memory_space<vmem>> -> memref<1x128xi32, #tpu.memory_space<vmem>>
      %dma_start3A_352 = tpu.memref_squeeze %dma_start3A_351 : memref<1x128xi32, #tpu.memory_space<vmem>> -> memref<128xi32, #tpu.memory_space<vmem>>
      %dma_start3A_353 = arith.constant 0 : i32
      %dma_start3A_354 = arith.constant 0 : i32
      %dma_start3A_355 = tpu.memref_slice %arg6[%dma_start3A_353, %dma_start3A_354] : memref<10256x128xf32, #tpu.memory_space<vmem_shared>> -> memref<10256x128xf32, #tpu.memory_space<vmem_shared>>
      %dma_start3A_356 = tpu.memref_slice %arg11[%dma_start3A_345] : memref<2x!tpu.dma_semaphore, #tpu.memory_space<semaphore_mem>> -> memref<1x!tpu.dma_semaphore, #tpu.memory_space<semaphore_mem>>
      %dma_start3A_357 = tpu.memref_squeeze %dma_start3A_356 : memref<1x!tpu.dma_semaphore, #tpu.memory_space<semaphore_mem>> -> memref<!tpu.dma_semaphore, #tpu.memory_space<semaphore_mem>>
      tpu.enqueue_indirect_dma source(%dma_start3A_349 : memref<128x128xf32, #tpu.memory_space<vmem>>) target(%dma_start3A_355 : memref<10256x128xf32, #tpu.memory_space<vmem_shared>>) offsets(%dma_start3A_352 : memref<128xi32, #tpu.memory_space<vmem>>) semaphore(%dma_start3A_357 : memref<!tpu.dma_semaphore, #tpu.memory_space<semaphore_mem>>) {add = true}
      %add3A_358 = arith.constant 3 : i32
      %add3A_359 = arith.addi %mul3A_76, %add3A_358 : i32
      %dma_wait3A_360 = arith.constant 1 : i32
      %dma_wait3A_361 = arith.constant 1 : i32
      %dma_wait3A_362 = arith.constant 0 : i32
      %dma_wait3A_363 = arith.constant 0 : i32
      %dma_wait3A_364 = tpu.memref_slice %arg9[%dma_wait3A_360, %dma_wait3A_362, %dma_wait3A_363] : memref<2x128x128xf32, #tpu.memory_space<vmem>> -> memref<1x128x128xf32, #tpu.memory_space<vmem>>
      %dma_wait3A_365 = tpu.memref_squeeze %dma_wait3A_364 : memref<1x128x128xf32, #tpu.memory_space<vmem>> -> memref<128x128xf32, #tpu.memory_space<vmem>>
      %dma_wait3A_366 = arith.constant 0 : i32
      %dma_wait3A_367 = tpu.memref_slice %arg8[%add3A_359, %dma_wait3A_366] : memref<80x128xi32, #tpu.memory_space<vmem>> -> memref<1x128xi32, #tpu.memory_space<vmem>>
      %dma_wait3A_368 = tpu.memref_squeeze %dma_wait3A_367 : memref<1x128xi32, #tpu.memory_space<vmem>> -> memref<128xi32, #tpu.memory_space<vmem>>
      %dma_wait3A_369 = arith.constant 0 : i32
      %dma_wait3A_370 = arith.constant 0 : i32
      %dma_wait3A_371 = tpu.memref_slice %arg6[%dma_wait3A_369, %dma_wait3A_370] : memref<10256x128xf32, #tpu.memory_space<vmem_shared>> -> memref<10256x128xf32, #tpu.memory_space<vmem_shared>>
      %dma_wait3A_372 = tpu.memref_slice %arg11[%dma_wait3A_361] : memref<2x!tpu.dma_semaphore, #tpu.memory_space<semaphore_mem>> -> memref<1x!tpu.dma_semaphore, #tpu.memory_space<semaphore_mem>>
      %dma_wait3A_373 = tpu.memref_squeeze %dma_wait3A_372 : memref<1x!tpu.dma_semaphore, #tpu.memory_space<semaphore_mem>> -> memref<!tpu.dma_semaphore, #tpu.memory_space<semaphore_mem>>
      tpu.wait_indirect_dma semaphore(%dma_wait3A_373 : memref<!tpu.dma_semaphore, #tpu.memory_space<semaphore_mem>>) src(%dma_wait3A_365 : memref<128x128xf32, #tpu.memory_space<vmem>>) dst(%dma_wait3A_371 : memref<10256x128xf32, #tpu.memory_space<vmem_shared>>)
      %dma_start3A_374 = arith.constant 5 : i32
      %dma_start3A_375 = arith.constant 1 : i32
      %dma_start3A_376 = arith.constant 1 : i32
      %dma_start3A_377 = arith.constant 0 : i32
      %dma_start3A_378 = arith.constant 0 : i32
      %dma_start3A_379 = tpu.memref_slice %arg9[%dma_start3A_375, %dma_start3A_377, %dma_start3A_378] : memref<2x128x128xf32, #tpu.memory_space<vmem>> -> memref<1x128x128xf32, #tpu.memory_space<vmem>>
      %dma_start3A_380 = tpu.memref_squeeze %dma_start3A_379 : memref<1x128x128xf32, #tpu.memory_space<vmem>> -> memref<128x128xf32, #tpu.memory_space<vmem>>
      %dma_start3A_381 = arith.constant 0 : i32
      %dma_start3A_382 = tpu.memref_slice %arg7[%select_n3A_74, %dma_start3A_374, %dma_start3A_381] : memref<2x8x128xi32, #tpu.memory_space<vmem>> -> memref<1x1x128xi32, #tpu.memory_space<vmem>>
      %dma_start3A_383 = tpu.memref_squeeze %dma_start3A_382 : memref<1x1x128xi32, #tpu.memory_space<vmem>> -> memref<128xi32, #tpu.memory_space<vmem>>
      %dma_start3A_384 = arith.constant 0 : i32
      %dma_start3A_385 = arith.constant 0 : i32
      %dma_start3A_386 = tpu.memref_slice %arg2[%dma_start3A_384, %dma_start3A_385] : memref<40000x128xf32, #tpu.memory_space<hbm>> -> memref<40000x128xf32, #tpu.memory_space<hbm>>
      %dma_start3A_387 = tpu.memref_slice %arg10[%dma_start3A_376] : memref<2x!tpu.dma_semaphore, #tpu.memory_space<semaphore_mem>> -> memref<1x!tpu.dma_semaphore, #tpu.memory_space<semaphore_mem>>
      %dma_start3A_388 = tpu.memref_squeeze %dma_start3A_387 : memref<1x!tpu.dma_semaphore, #tpu.memory_space<semaphore_mem>> -> memref<!tpu.dma_semaphore, #tpu.memory_space<semaphore_mem>>
      tpu.enqueue_indirect_dma source(%dma_start3A_386 : memref<40000x128xf32, #tpu.memory_space<hbm>>) target(%dma_start3A_380 : memref<128x128xf32, #tpu.memory_space<vmem>>) offsets(%dma_start3A_383 : memref<128xi32, #tpu.memory_space<vmem>>) semaphore(%dma_start3A_388 : memref<!tpu.dma_semaphore, #tpu.memory_space<semaphore_mem>>)
      %dma_wait3A_389 = arith.constant 4 : i32
      %dma_wait3A_390 = arith.constant 0 : i32
      %dma_wait3A_391 = arith.constant 0 : i32
      %dma_wait3A_392 = arith.constant 0 : i32
      %dma_wait3A_393 = arith.constant 0 : i32
      %dma_wait3A_394 = tpu.memref_slice %arg9[%dma_wait3A_390, %dma_wait3A_392, %dma_wait3A_393] : memref<2x128x128xf32, #tpu.memory_space<vmem>> -> memref<1x128x128xf32, #tpu.memory_space<vmem>>
      %dma_wait3A_395 = tpu.memref_squeeze %dma_wait3A_394 : memref<1x128x128xf32, #tpu.memory_space<vmem>> -> memref<128x128xf32, #tpu.memory_space<vmem>>
      %dma_wait3A_396 = arith.constant 0 : i32
      %dma_wait3A_397 = tpu.memref_slice %arg7[%select_n3A_74, %dma_wait3A_389, %dma_wait3A_396] : memref<2x8x128xi32, #tpu.memory_space<vmem>> -> memref<1x1x128xi32, #tpu.memory_space<vmem>>
      %dma_wait3A_398 = tpu.memref_squeeze %dma_wait3A_397 : memref<1x1x128xi32, #tpu.memory_space<vmem>> -> memref<128xi32, #tpu.memory_space<vmem>>
      %dma_wait3A_399 = arith.constant 0 : i32
      %dma_wait3A_400 = arith.constant 0 : i32
      %dma_wait3A_401 = tpu.memref_slice %arg2[%dma_wait3A_399, %dma_wait3A_400] : memref<40000x128xf32, #tpu.memory_space<hbm>> -> memref<40000x128xf32, #tpu.memory_space<hbm>>
      %dma_wait3A_402 = tpu.memref_slice %arg10[%dma_wait3A_391] : memref<2x!tpu.dma_semaphore, #tpu.memory_space<semaphore_mem>> -> memref<1x!tpu.dma_semaphore, #tpu.memory_space<semaphore_mem>>
      %dma_wait3A_403 = tpu.memref_squeeze %dma_wait3A_402 : memref<1x!tpu.dma_semaphore, #tpu.memory_space<semaphore_mem>> -> memref<!tpu.dma_semaphore, #tpu.memory_space<semaphore_mem>>
      tpu.wait_indirect_dma semaphore(%dma_wait3A_403 : memref<!tpu.dma_semaphore, #tpu.memory_space<semaphore_mem>>) src(%dma_wait3A_401 : memref<40000x128xf32, #tpu.memory_space<hbm>>) dst(%dma_wait3A_395 : memref<128x128xf32, #tpu.memory_space<vmem>>)
      %add3A_404 = arith.constant 4 : i32
      %add3A_405 = arith.addi %mul3A_76, %add3A_404 : i32
      %dma_start3A_406 = arith.constant 0 : i32
      %dma_start3A_407 = arith.constant 0 : i32
      %dma_start3A_408 = arith.constant 0 : i32
      %dma_start3A_409 = arith.constant 0 : i32
      %dma_start3A_410 = tpu.memref_slice %arg9[%dma_start3A_406, %dma_start3A_408, %dma_start3A_409] : memref<2x128x128xf32, #tpu.memory_space<vmem>> -> memref<1x128x128xf32, #tpu.memory_space<vmem>>
      %dma_start3A_411 = tpu.memref_squeeze %dma_start3A_410 : memref<1x128x128xf32, #tpu.memory_space<vmem>> -> memref<128x128xf32, #tpu.memory_space<vmem>>
      %dma_start3A_412 = arith.constant 0 : i32
      %dma_start3A_413 = tpu.memref_slice %arg8[%add3A_405, %dma_start3A_412] : memref<80x128xi32, #tpu.memory_space<vmem>> -> memref<1x128xi32, #tpu.memory_space<vmem>>
      %dma_start3A_414 = tpu.memref_squeeze %dma_start3A_413 : memref<1x128xi32, #tpu.memory_space<vmem>> -> memref<128xi32, #tpu.memory_space<vmem>>
      %dma_start3A_415 = arith.constant 0 : i32
      %dma_start3A_416 = arith.constant 0 : i32
      %dma_start3A_417 = tpu.memref_slice %arg6[%dma_start3A_415, %dma_start3A_416] : memref<10256x128xf32, #tpu.memory_space<vmem_shared>> -> memref<10256x128xf32, #tpu.memory_space<vmem_shared>>
      %dma_start3A_418 = tpu.memref_slice %arg11[%dma_start3A_407] : memref<2x!tpu.dma_semaphore, #tpu.memory_space<semaphore_mem>> -> memref<1x!tpu.dma_semaphore, #tpu.memory_space<semaphore_mem>>
      %dma_start3A_419 = tpu.memref_squeeze %dma_start3A_418 : memref<1x!tpu.dma_semaphore, #tpu.memory_space<semaphore_mem>> -> memref<!tpu.dma_semaphore, #tpu.memory_space<semaphore_mem>>
      tpu.enqueue_indirect_dma source(%dma_start3A_411 : memref<128x128xf32, #tpu.memory_space<vmem>>) target(%dma_start3A_417 : memref<10256x128xf32, #tpu.memory_space<vmem_shared>>) offsets(%dma_start3A_414 : memref<128xi32, #tpu.memory_space<vmem>>) semaphore(%dma_start3A_419 : memref<!tpu.dma_semaphore, #tpu.memory_space<semaphore_mem>>) {add = true}
      %add3A_420 = arith.constant 4 : i32
      %add3A_421 = arith.addi %mul3A_76, %add3A_420 : i32
      %dma_wait3A_422 = arith.constant 0 : i32
      %dma_wait3A_423 = arith.constant 0 : i32
      %dma_wait3A_424 = arith.constant 0 : i32
      %dma_wait3A_425 = arith.constant 0 : i32
      %dma_wait3A_426 = tpu.memref_slice %arg9[%dma_wait3A_422, %dma_wait3A_424, %dma_wait3A_425] : memref<2x128x128xf32, #tpu.memory_space<vmem>> -> memref<1x128x128xf32, #tpu.memory_space<vmem>>
      %dma_wait3A_427 = tpu.memref_squeeze %dma_wait3A_426 : memref<1x128x128xf32, #tpu.memory_space<vmem>> -> memref<128x128xf32, #tpu.memory_space<vmem>>
      %dma_wait3A_428 = arith.constant 0 : i32
      %dma_wait3A_429 = tpu.memref_slice %arg8[%add3A_421, %dma_wait3A_428] : memref<80x128xi32, #tpu.memory_space<vmem>> -> memref<1x128xi32, #tpu.memory_space<vmem>>
      %dma_wait3A_430 = tpu.memref_squeeze %dma_wait3A_429 : memref<1x128xi32, #tpu.memory_space<vmem>> -> memref<128xi32, #tpu.memory_space<vmem>>
      %dma_wait3A_431 = arith.constant 0 : i32
      %dma_wait3A_432 = arith.constant 0 : i32
      %dma_wait3A_433 = tpu.memref_slice %arg6[%dma_wait3A_431, %dma_wait3A_432] : memref<10256x128xf32, #tpu.memory_space<vmem_shared>> -> memref<10256x128xf32, #tpu.memory_space<vmem_shared>>
      %dma_wait3A_434 = tpu.memref_slice %arg11[%dma_wait3A_423] : memref<2x!tpu.dma_semaphore, #tpu.memory_space<semaphore_mem>> -> memref<1x!tpu.dma_semaphore, #tpu.memory_space<semaphore_mem>>
      %dma_wait3A_435 = tpu.memref_squeeze %dma_wait3A_434 : memref<1x!tpu.dma_semaphore, #tpu.memory_space<semaphore_mem>> -> memref<!tpu.dma_semaphore, #tpu.memory_space<semaphore_mem>>
      tpu.wait_indirect_dma semaphore(%dma_wait3A_435 : memref<!tpu.dma_semaphore, #tpu.memory_space<semaphore_mem>>) src(%dma_wait3A_427 : memref<128x128xf32, #tpu.memory_space<vmem>>) dst(%dma_wait3A_433 : memref<10256x128xf32, #tpu.memory_space<vmem_shared>>)
      %dma_start3A_436 = arith.constant 6 : i32
      %dma_start3A_437 = arith.constant 0 : i32
      %dma_start3A_438 = arith.constant 0 : i32
      %dma_start3A_439 = arith.constant 0 : i32
      %dma_start3A_440 = arith.constant 0 : i32
      %dma_start3A_441 = tpu.memref_slice %arg9[%dma_start3A_437, %dma_start3A_439, %dma_start3A_440] : memref<2x128x128xf32, #tpu.memory_space<vmem>> -> memref<1x128x128xf32, #tpu.memory_space<vmem>>
      %dma_start3A_442 = tpu.memref_squeeze %dma_start3A_441 : memref<1x128x128xf32, #tpu.memory_space<vmem>> -> memref<128x128xf32, #tpu.memory_space<vmem>>
      %dma_start3A_443 = arith.constant 0 : i32
      %dma_start3A_444 = tpu.memref_slice %arg7[%select_n3A_74, %dma_start3A_436, %dma_start3A_443] : memref<2x8x128xi32, #tpu.memory_space<vmem>> -> memref<1x1x128xi32, #tpu.memory_space<vmem>>
      %dma_start3A_445 = tpu.memref_squeeze %dma_start3A_444 : memref<1x1x128xi32, #tpu.memory_space<vmem>> -> memref<128xi32, #tpu.memory_space<vmem>>
      %dma_start3A_446 = arith.constant 0 : i32
      %dma_start3A_447 = arith.constant 0 : i32
      %dma_start3A_448 = tpu.memref_slice %arg2[%dma_start3A_446, %dma_start3A_447] : memref<40000x128xf32, #tpu.memory_space<hbm>> -> memref<40000x128xf32, #tpu.memory_space<hbm>>
      %dma_start3A_449 = tpu.memref_slice %arg10[%dma_start3A_438] : memref<2x!tpu.dma_semaphore, #tpu.memory_space<semaphore_mem>> -> memref<1x!tpu.dma_semaphore, #tpu.memory_space<semaphore_mem>>
      %dma_start3A_450 = tpu.memref_squeeze %dma_start3A_449 : memref<1x!tpu.dma_semaphore, #tpu.memory_space<semaphore_mem>> -> memref<!tpu.dma_semaphore, #tpu.memory_space<semaphore_mem>>
      tpu.enqueue_indirect_dma source(%dma_start3A_448 : memref<40000x128xf32, #tpu.memory_space<hbm>>) target(%dma_start3A_442 : memref<128x128xf32, #tpu.memory_space<vmem>>) offsets(%dma_start3A_445 : memref<128xi32, #tpu.memory_space<vmem>>) semaphore(%dma_start3A_450 : memref<!tpu.dma_semaphore, #tpu.memory_space<semaphore_mem>>)
      %dma_wait3A_451 = arith.constant 5 : i32
      %dma_wait3A_452 = arith.constant 1 : i32
      %dma_wait3A_453 = arith.constant 1 : i32
      %dma_wait3A_454 = arith.constant 0 : i32
      %dma_wait3A_455 = arith.constant 0 : i32
      %dma_wait3A_456 = tpu.memref_slice %arg9[%dma_wait3A_452, %dma_wait3A_454, %dma_wait3A_455] : memref<2x128x128xf32, #tpu.memory_space<vmem>> -> memref<1x128x128xf32, #tpu.memory_space<vmem>>
      %dma_wait3A_457 = tpu.memref_squeeze %dma_wait3A_456 : memref<1x128x128xf32, #tpu.memory_space<vmem>> -> memref<128x128xf32, #tpu.memory_space<vmem>>
      %dma_wait3A_458 = arith.constant 0 : i32
      %dma_wait3A_459 = tpu.memref_slice %arg7[%select_n3A_74, %dma_wait3A_451, %dma_wait3A_458] : memref<2x8x128xi32, #tpu.memory_space<vmem>> -> memref<1x1x128xi32, #tpu.memory_space<vmem>>
      %dma_wait3A_460 = tpu.memref_squeeze %dma_wait3A_459 : memref<1x1x128xi32, #tpu.memory_space<vmem>> -> memref<128xi32, #tpu.memory_space<vmem>>
      %dma_wait3A_461 = arith.constant 0 : i32
      %dma_wait3A_462 = arith.constant 0 : i32
      %dma_wait3A_463 = tpu.memref_slice %arg2[%dma_wait3A_461, %dma_wait3A_462] : memref<40000x128xf32, #tpu.memory_space<hbm>> -> memref<40000x128xf32, #tpu.memory_space<hbm>>
      %dma_wait3A_464 = tpu.memref_slice %arg10[%dma_wait3A_453] : memref<2x!tpu.dma_semaphore, #tpu.memory_space<semaphore_mem>> -> memref<1x!tpu.dma_semaphore, #tpu.memory_space<semaphore_mem>>
      %dma_wait3A_465 = tpu.memref_squeeze %dma_wait3A_464 : memref<1x!tpu.dma_semaphore, #tpu.memory_space<semaphore_mem>> -> memref<!tpu.dma_semaphore, #tpu.memory_space<semaphore_mem>>
      tpu.wait_indirect_dma semaphore(%dma_wait3A_465 : memref<!tpu.dma_semaphore, #tpu.memory_space<semaphore_mem>>) src(%dma_wait3A_463 : memref<40000x128xf32, #tpu.memory_space<hbm>>) dst(%dma_wait3A_457 : memref<128x128xf32, #tpu.memory_space<vmem>>)
      %add3A_466 = arith.constant 5 : i32
      %add3A_467 = arith.addi %mul3A_76, %add3A_466 : i32
      %dma_start3A_468 = arith.constant 1 : i32
      %dma_start3A_469 = arith.constant 1 : i32
      %dma_start3A_470 = arith.constant 0 : i32
      %dma_start3A_471 = arith.constant 0 : i32
      %dma_start3A_472 = tpu.memref_slice %arg9[%dma_start3A_468, %dma_start3A_470, %dma_start3A_471] : memref<2x128x128xf32, #tpu.memory_space<vmem>> -> memref<1x128x128xf32, #tpu.memory_space<vmem>>
      %dma_start3A_473 = tpu.memref_squeeze %dma_start3A_472 : memref<1x128x128xf32, #tpu.memory_space<vmem>> -> memref<128x128xf32, #tpu.memory_space<vmem>>
      %dma_start3A_474 = arith.constant 0 : i32
      %dma_start3A_475 = tpu.memref_slice %arg8[%add3A_467, %dma_start3A_474] : memref<80x128xi32, #tpu.memory_space<vmem>> -> memref<1x128xi32, #tpu.memory_space<vmem>>
      %dma_start3A_476 = tpu.memref_squeeze %dma_start3A_475 : memref<1x128xi32, #tpu.memory_space<vmem>> -> memref<128xi32, #tpu.memory_space<vmem>>
      %dma_start3A_477 = arith.constant 0 : i32
      %dma_start3A_478 = arith.constant 0 : i32
      %dma_start3A_479 = tpu.memref_slice %arg6[%dma_start3A_477, %dma_start3A_478] : memref<10256x128xf32, #tpu.memory_space<vmem_shared>> -> memref<10256x128xf32, #tpu.memory_space<vmem_shared>>
      %dma_start3A_480 = tpu.memref_slice %arg11[%dma_start3A_469] : memref<2x!tpu.dma_semaphore, #tpu.memory_space<semaphore_mem>> -> memref<1x!tpu.dma_semaphore, #tpu.memory_space<semaphore_mem>>
      %dma_start3A_481 = tpu.memref_squeeze %dma_start3A_480 : memref<1x!tpu.dma_semaphore, #tpu.memory_space<semaphore_mem>> -> memref<!tpu.dma_semaphore, #tpu.memory_space<semaphore_mem>>
      tpu.enqueue_indirect_dma source(%dma_start3A_473 : memref<128x128xf32, #tpu.memory_space<vmem>>) target(%dma_start3A_479 : memref<10256x128xf32, #tpu.memory_space<vmem_shared>>) offsets(%dma_start3A_476 : memref<128xi32, #tpu.memory_space<vmem>>) semaphore(%dma_start3A_481 : memref<!tpu.dma_semaphore, #tpu.memory_space<semaphore_mem>>) {add = true}
      %add3A_482 = arith.constant 5 : i32
      %add3A_483 = arith.addi %mul3A_76, %add3A_482 : i32
      %dma_wait3A_484 = arith.constant 1 : i32
      %dma_wait3A_485 = arith.constant 1 : i32
      %dma_wait3A_486 = arith.constant 0 : i32
      %dma_wait3A_487 = arith.constant 0 : i32
      %dma_wait3A_488 = tpu.memref_slice %arg9[%dma_wait3A_484, %dma_wait3A_486, %dma_wait3A_487] : memref<2x128x128xf32, #tpu.memory_space<vmem>> -> memref<1x128x128xf32, #tpu.memory_space<vmem>>
      %dma_wait3A_489 = tpu.memref_squeeze %dma_wait3A_488 : memref<1x128x128xf32, #tpu.memory_space<vmem>> -> memref<128x128xf32, #tpu.memory_space<vmem>>
      %dma_wait3A_490 = arith.constant 0 : i32
      %dma_wait3A_491 = tpu.memref_slice %arg8[%add3A_483, %dma_wait3A_490] : memref<80x128xi32, #tpu.memory_space<vmem>> -> memref<1x128xi32, #tpu.memory_space<vmem>>
      %dma_wait3A_492 = tpu.memref_squeeze %dma_wait3A_491 : memref<1x128xi32, #tpu.memory_space<vmem>> -> memref<128xi32, #tpu.memory_space<vmem>>
      %dma_wait3A_493 = arith.constant 0 : i32
      %dma_wait3A_494 = arith.constant 0 : i32
      %dma_wait3A_495 = tpu.memref_slice %arg6[%dma_wait3A_493, %dma_wait3A_494] : memref<10256x128xf32, #tpu.memory_space<vmem_shared>> -> memref<10256x128xf32, #tpu.memory_space<vmem_shared>>
      %dma_wait3A_496 = tpu.memref_slice %arg11[%dma_wait3A_485] : memref<2x!tpu.dma_semaphore, #tpu.memory_space<semaphore_mem>> -> memref<1x!tpu.dma_semaphore, #tpu.memory_space<semaphore_mem>>
      %dma_wait3A_497 = tpu.memref_squeeze %dma_wait3A_496 : memref<1x!tpu.dma_semaphore, #tpu.memory_space<semaphore_mem>> -> memref<!tpu.dma_semaphore, #tpu.memory_space<semaphore_mem>>
      tpu.wait_indirect_dma semaphore(%dma_wait3A_497 : memref<!tpu.dma_semaphore, #tpu.memory_space<semaphore_mem>>) src(%dma_wait3A_489 : memref<128x128xf32, #tpu.memory_space<vmem>>) dst(%dma_wait3A_495 : memref<10256x128xf32, #tpu.memory_space<vmem_shared>>)
      %dma_start3A_498 = arith.constant 7 : i32
      %dma_start3A_499 = arith.constant 1 : i32
      %dma_start3A_500 = arith.constant 1 : i32
      %dma_start3A_501 = arith.constant 0 : i32
      %dma_start3A_502 = arith.constant 0 : i32
      %dma_start3A_503 = tpu.memref_slice %arg9[%dma_start3A_499, %dma_start3A_501, %dma_start3A_502] : memref<2x128x128xf32, #tpu.memory_space<vmem>> -> memref<1x128x128xf32, #tpu.memory_space<vmem>>
      %dma_start3A_504 = tpu.memref_squeeze %dma_start3A_503 : memref<1x128x128xf32, #tpu.memory_space<vmem>> -> memref<128x128xf32, #tpu.memory_space<vmem>>
      %dma_start3A_505 = arith.constant 0 : i32
      %dma_start3A_506 = tpu.memref_slice %arg7[%select_n3A_74, %dma_start3A_498, %dma_start3A_505] : memref<2x8x128xi32, #tpu.memory_space<vmem>> -> memref<1x1x128xi32, #tpu.memory_space<vmem>>
      %dma_start3A_507 = tpu.memref_squeeze %dma_start3A_506 : memref<1x1x128xi32, #tpu.memory_space<vmem>> -> memref<128xi32, #tpu.memory_space<vmem>>
      %dma_start3A_508 = arith.constant 0 : i32
      %dma_start3A_509 = arith.constant 0 : i32
      %dma_start3A_510 = tpu.memref_slice %arg2[%dma_start3A_508, %dma_start3A_509] : memref<40000x128xf32, #tpu.memory_space<hbm>> -> memref<40000x128xf32, #tpu.memory_space<hbm>>
      %dma_start3A_511 = tpu.memref_slice %arg10[%dma_start3A_500] : memref<2x!tpu.dma_semaphore, #tpu.memory_space<semaphore_mem>> -> memref<1x!tpu.dma_semaphore, #tpu.memory_space<semaphore_mem>>
      %dma_start3A_512 = tpu.memref_squeeze %dma_start3A_511 : memref<1x!tpu.dma_semaphore, #tpu.memory_space<semaphore_mem>> -> memref<!tpu.dma_semaphore, #tpu.memory_space<semaphore_mem>>
      tpu.enqueue_indirect_dma source(%dma_start3A_510 : memref<40000x128xf32, #tpu.memory_space<hbm>>) target(%dma_start3A_504 : memref<128x128xf32, #tpu.memory_space<vmem>>) offsets(%dma_start3A_507 : memref<128xi32, #tpu.memory_space<vmem>>) semaphore(%dma_start3A_512 : memref<!tpu.dma_semaphore, #tpu.memory_space<semaphore_mem>>)
      %dma_wait3A_513 = arith.constant 6 : i32
      %dma_wait3A_514 = arith.constant 0 : i32
      %dma_wait3A_515 = arith.constant 0 : i32
      %dma_wait3A_516 = arith.constant 0 : i32
      %dma_wait3A_517 = arith.constant 0 : i32
      %dma_wait3A_518 = tpu.memref_slice %arg9[%dma_wait3A_514, %dma_wait3A_516, %dma_wait3A_517] : memref<2x128x128xf32, #tpu.memory_space<vmem>> -> memref<1x128x128xf32, #tpu.memory_space<vmem>>
      %dma_wait3A_519 = tpu.memref_squeeze %dma_wait3A_518 : memref<1x128x128xf32, #tpu.memory_space<vmem>> -> memref<128x128xf32, #tpu.memory_space<vmem>>
      %dma_wait3A_520 = arith.constant 0 : i32
      %dma_wait3A_521 = tpu.memref_slice %arg7[%select_n3A_74, %dma_wait3A_513, %dma_wait3A_520] : memref<2x8x128xi32, #tpu.memory_space<vmem>> -> memref<1x1x128xi32, #tpu.memory_space<vmem>>
      %dma_wait3A_522 = tpu.memref_squeeze %dma_wait3A_521 : memref<1x1x128xi32, #tpu.memory_space<vmem>> -> memref<128xi32, #tpu.memory_space<vmem>>
      %dma_wait3A_523 = arith.constant 0 : i32
      %dma_wait3A_524 = arith.constant 0 : i32
      %dma_wait3A_525 = tpu.memref_slice %arg2[%dma_wait3A_523, %dma_wait3A_524] : memref<40000x128xf32, #tpu.memory_space<hbm>> -> memref<40000x128xf32, #tpu.memory_space<hbm>>
      %dma_wait3A_526 = tpu.memref_slice %arg10[%dma_wait3A_515] : memref<2x!tpu.dma_semaphore, #tpu.memory_space<semaphore_mem>> -> memref<1x!tpu.dma_semaphore, #tpu.memory_space<semaphore_mem>>
      %dma_wait3A_527 = tpu.memref_squeeze %dma_wait3A_526 : memref<1x!tpu.dma_semaphore, #tpu.memory_space<semaphore_mem>> -> memref<!tpu.dma_semaphore, #tpu.memory_space<semaphore_mem>>
      tpu.wait_indirect_dma semaphore(%dma_wait3A_527 : memref<!tpu.dma_semaphore, #tpu.memory_space<semaphore_mem>>) src(%dma_wait3A_525 : memref<40000x128xf32, #tpu.memory_space<hbm>>) dst(%dma_wait3A_519 : memref<128x128xf32, #tpu.memory_space<vmem>>)
      %add3A_528 = arith.constant 6 : i32
      %add3A_529 = arith.addi %mul3A_76, %add3A_528 : i32
      %dma_start3A_530 = arith.constant 0 : i32
      %dma_start3A_531 = arith.constant 0 : i32
      %dma_start3A_532 = arith.constant 0 : i32
      %dma_start3A_533 = arith.constant 0 : i32
      %dma_start3A_534 = tpu.memref_slice %arg9[%dma_start3A_530, %dma_start3A_532, %dma_start3A_533] : memref<2x128x128xf32, #tpu.memory_space<vmem>> -> memref<1x128x128xf32, #tpu.memory_space<vmem>>
      %dma_start3A_535 = tpu.memref_squeeze %dma_start3A_534 : memref<1x128x128xf32, #tpu.memory_space<vmem>> -> memref<128x128xf32, #tpu.memory_space<vmem>>
      %dma_start3A_536 = arith.constant 0 : i32
      %dma_start3A_537 = tpu.memref_slice %arg8[%add3A_529, %dma_start3A_536] : memref<80x128xi32, #tpu.memory_space<vmem>> -> memref<1x128xi32, #tpu.memory_space<vmem>>
      %dma_start3A_538 = tpu.memref_squeeze %dma_start3A_537 : memref<1x128xi32, #tpu.memory_space<vmem>> -> memref<128xi32, #tpu.memory_space<vmem>>
      %dma_start3A_539 = arith.constant 0 : i32
      %dma_start3A_540 = arith.constant 0 : i32
      %dma_start3A_541 = tpu.memref_slice %arg6[%dma_start3A_539, %dma_start3A_540] : memref<10256x128xf32, #tpu.memory_space<vmem_shared>> -> memref<10256x128xf32, #tpu.memory_space<vmem_shared>>
      %dma_start3A_542 = tpu.memref_slice %arg11[%dma_start3A_531] : memref<2x!tpu.dma_semaphore, #tpu.memory_space<semaphore_mem>> -> memref<1x!tpu.dma_semaphore, #tpu.memory_space<semaphore_mem>>
      %dma_start3A_543 = tpu.memref_squeeze %dma_start3A_542 : memref<1x!tpu.dma_semaphore, #tpu.memory_space<semaphore_mem>> -> memref<!tpu.dma_semaphore, #tpu.memory_space<semaphore_mem>>
      tpu.enqueue_indirect_dma source(%dma_start3A_535 : memref<128x128xf32, #tpu.memory_space<vmem>>) target(%dma_start3A_541 : memref<10256x128xf32, #tpu.memory_space<vmem_shared>>) offsets(%dma_start3A_538 : memref<128xi32, #tpu.memory_space<vmem>>) semaphore(%dma_start3A_543 : memref<!tpu.dma_semaphore, #tpu.memory_space<semaphore_mem>>) {add = true}
      %dma_wait3A_544 = arith.constant 7 : i32
      %dma_wait3A_545 = arith.constant 1 : i32
      %dma_wait3A_546 = arith.constant 1 : i32
      %dma_wait3A_547 = arith.constant 0 : i32
      %dma_wait3A_548 = arith.constant 0 : i32
      %dma_wait3A_549 = tpu.memref_slice %arg9[%dma_wait3A_545, %dma_wait3A_547, %dma_wait3A_548] : memref<2x128x128xf32, #tpu.memory_space<vmem>> -> memref<1x128x128xf32, #tpu.memory_space<vmem>>
      %dma_wait3A_550 = tpu.memref_squeeze %dma_wait3A_549 : memref<1x128x128xf32, #tpu.memory_space<vmem>> -> memref<128x128xf32, #tpu.memory_space<vmem>>
      %dma_wait3A_551 = arith.constant 0 : i32
      %dma_wait3A_552 = tpu.memref_slice %arg7[%select_n3A_74, %dma_wait3A_544, %dma_wait3A_551] : memref<2x8x128xi32, #tpu.memory_space<vmem>> -> memref<1x1x128xi32, #tpu.memory_space<vmem>>
      %dma_wait3A_553 = tpu.memref_squeeze %dma_wait3A_552 : memref<1x1x128xi32, #tpu.memory_space<vmem>> -> memref<128xi32, #tpu.memory_space<vmem>>
      %dma_wait3A_554 = arith.constant 0 : i32
      %dma_wait3A_555 = arith.constant 0 : i32
      %dma_wait3A_556 = tpu.memref_slice %arg2[%dma_wait3A_554, %dma_wait3A_555] : memref<40000x128xf32, #tpu.memory_space<hbm>> -> memref<40000x128xf32, #tpu.memory_space<hbm>>
      %dma_wait3A_557 = tpu.memref_slice %arg10[%dma_wait3A_546] : memref<2x!tpu.dma_semaphore, #tpu.memory_space<semaphore_mem>> -> memref<1x!tpu.dma_semaphore, #tpu.memory_space<semaphore_mem>>
      %dma_wait3A_558 = tpu.memref_squeeze %dma_wait3A_557 : memref<1x!tpu.dma_semaphore, #tpu.memory_space<semaphore_mem>> -> memref<!tpu.dma_semaphore, #tpu.memory_space<semaphore_mem>>
      tpu.wait_indirect_dma semaphore(%dma_wait3A_558 : memref<!tpu.dma_semaphore, #tpu.memory_space<semaphore_mem>>) src(%dma_wait3A_556 : memref<40000x128xf32, #tpu.memory_space<hbm>>) dst(%dma_wait3A_550 : memref<128x128xf32, #tpu.memory_space<vmem>>)
      %add3A_559 = arith.constant 7 : i32
      %add3A_560 = arith.addi %mul3A_76, %add3A_559 : i32
      %dma_start3A_561 = arith.constant 1 : i32
      %dma_start3A_562 = arith.constant 1 : i32
      %dma_start3A_563 = arith.constant 0 : i32
      %dma_start3A_564 = arith.constant 0 : i32
      %dma_start3A_565 = tpu.memref_slice %arg9[%dma_start3A_561, %dma_start3A_563, %dma_start3A_564] : memref<2x128x128xf32, #tpu.memory_space<vmem>> -> memref<1x128x128xf32, #tpu.memory_space<vmem>>
      %dma_start3A_566 = tpu.memref_squeeze %dma_start3A_565 : memref<1x128x128xf32, #tpu.memory_space<vmem>> -> memref<128x128xf32, #tpu.memory_space<vmem>>
      %dma_start3A_567 = arith.constant 0 : i32
      %dma_start3A_568 = tpu.memref_slice %arg8[%add3A_560, %dma_start3A_567] : memref<80x128xi32, #tpu.memory_space<vmem>> -> memref<1x128xi32, #tpu.memory_space<vmem>>
      %dma_start3A_569 = tpu.memref_squeeze %dma_start3A_568 : memref<1x128xi32, #tpu.memory_space<vmem>> -> memref<128xi32, #tpu.memory_space<vmem>>
      %dma_start3A_570 = arith.constant 0 : i32
      %dma_start3A_571 = arith.constant 0 : i32
      %dma_start3A_572 = tpu.memref_slice %arg6[%dma_start3A_570, %dma_start3A_571] : memref<10256x128xf32, #tpu.memory_space<vmem_shared>> -> memref<10256x128xf32, #tpu.memory_space<vmem_shared>>
      %dma_start3A_573 = tpu.memref_slice %arg11[%dma_start3A_562] : memref<2x!tpu.dma_semaphore, #tpu.memory_space<semaphore_mem>> -> memref<1x!tpu.dma_semaphore, #tpu.memory_space<semaphore_mem>>
      %dma_start3A_574 = tpu.memref_squeeze %dma_start3A_573 : memref<1x!tpu.dma_semaphore, #tpu.memory_space<semaphore_mem>> -> memref<!tpu.dma_semaphore, #tpu.memory_space<semaphore_mem>>
      tpu.enqueue_indirect_dma source(%dma_start3A_566 : memref<128x128xf32, #tpu.memory_space<vmem>>) target(%dma_start3A_572 : memref<10256x128xf32, #tpu.memory_space<vmem_shared>>) offsets(%dma_start3A_569 : memref<128xi32, #tpu.memory_space<vmem>>) semaphore(%dma_start3A_574 : memref<!tpu.dma_semaphore, #tpu.memory_space<semaphore_mem>>) {add = true}
      %add3A_575 = arith.constant 6 : i32
      %add3A_576 = arith.addi %mul3A_76, %add3A_575 : i32
      %dma_wait3A_577 = arith.constant 0 : i32
      %dma_wait3A_578 = arith.constant 0 : i32
      %dma_wait3A_579 = arith.constant 0 : i32
      %dma_wait3A_580 = arith.constant 0 : i32
      %dma_wait3A_581 = tpu.memref_slice %arg9[%dma_wait3A_577, %dma_wait3A_579, %dma_wait3A_580] : memref<2x128x128xf32, #tpu.memory_space<vmem>> -> memref<1x128x128xf32, #tpu.memory_space<vmem>>
      %dma_wait3A_582 = tpu.memref_squeeze %dma_wait3A_581 : memref<1x128x128xf32, #tpu.memory_space<vmem>> -> memref<128x128xf32, #tpu.memory_space<vmem>>
      %dma_wait3A_583 = arith.constant 0 : i32
      %dma_wait3A_584 = tpu.memref_slice %arg8[%add3A_576, %dma_wait3A_583] : memref<80x128xi32, #tpu.memory_space<vmem>> -> memref<1x128xi32, #tpu.memory_space<vmem>>
      %dma_wait3A_585 = tpu.memref_squeeze %dma_wait3A_584 : memref<1x128xi32, #tpu.memory_space<vmem>> -> memref<128xi32, #tpu.memory_space<vmem>>
      %dma_wait3A_586 = arith.constant 0 : i32
      %dma_wait3A_587 = arith.constant 0 : i32
      %dma_wait3A_588 = tpu.memref_slice %arg6[%dma_wait3A_586, %dma_wait3A_587] : memref<10256x128xf32, #tpu.memory_space<vmem_shared>> -> memref<10256x128xf32, #tpu.memory_space<vmem_shared>>
      %dma_wait3A_589 = tpu.memref_slice %arg11[%dma_wait3A_578] : memref<2x!tpu.dma_semaphore, #tpu.memory_space<semaphore_mem>> -> memref<1x!tpu.dma_semaphore, #tpu.memory_space<semaphore_mem>>
      %dma_wait3A_590 = tpu.memref_squeeze %dma_wait3A_589 : memref<1x!tpu.dma_semaphore, #tpu.memory_space<semaphore_mem>> -> memref<!tpu.dma_semaphore, #tpu.memory_space<semaphore_mem>>
      tpu.wait_indirect_dma semaphore(%dma_wait3A_590 : memref<!tpu.dma_semaphore, #tpu.memory_space<semaphore_mem>>) src(%dma_wait3A_582 : memref<128x128xf32, #tpu.memory_space<vmem>>) dst(%dma_wait3A_588 : memref<10256x128xf32, #tpu.memory_space<vmem_shared>>)
      %add3A_591 = arith.constant 7 : i32
      %add3A_592 = arith.addi %mul3A_76, %add3A_591 : i32
      %dma_wait3A_593 = arith.constant 1 : i32
      %dma_wait3A_594 = arith.constant 1 : i32
      %dma_wait3A_595 = arith.constant 0 : i32
      %dma_wait3A_596 = arith.constant 0 : i32
      %dma_wait3A_597 = tpu.memref_slice %arg9[%dma_wait3A_593, %dma_wait3A_595, %dma_wait3A_596] : memref<2x128x128xf32, #tpu.memory_space<vmem>> -> memref<1x128x128xf32, #tpu.memory_space<vmem>>
      %dma_wait3A_598 = tpu.memref_squeeze %dma_wait3A_597 : memref<1x128x128xf32, #tpu.memory_space<vmem>> -> memref<128x128xf32, #tpu.memory_space<vmem>>
      %dma_wait3A_599 = arith.constant 0 : i32
      %dma_wait3A_600 = tpu.memref_slice %arg8[%add3A_592, %dma_wait3A_599] : memref<80x128xi32, #tpu.memory_space<vmem>> -> memref<1x128xi32, #tpu.memory_space<vmem>>
      %dma_wait3A_601 = tpu.memref_squeeze %dma_wait3A_600 : memref<1x128xi32, #tpu.memory_space<vmem>> -> memref<128xi32, #tpu.memory_space<vmem>>
      %dma_wait3A_602 = arith.constant 0 : i32
      %dma_wait3A_603 = arith.constant 0 : i32
      %dma_wait3A_604 = tpu.memref_slice %arg6[%dma_wait3A_602, %dma_wait3A_603] : memref<10256x128xf32, #tpu.memory_space<vmem_shared>> -> memref<10256x128xf32, #tpu.memory_space<vmem_shared>>
      %dma_wait3A_605 = tpu.memref_slice %arg11[%dma_wait3A_594] : memref<2x!tpu.dma_semaphore, #tpu.memory_space<semaphore_mem>> -> memref<1x!tpu.dma_semaphore, #tpu.memory_space<semaphore_mem>>
      %dma_wait3A_606 = tpu.memref_squeeze %dma_wait3A_605 : memref<1x!tpu.dma_semaphore, #tpu.memory_space<semaphore_mem>> -> memref<!tpu.dma_semaphore, #tpu.memory_space<semaphore_mem>>
      tpu.wait_indirect_dma semaphore(%dma_wait3A_606 : memref<!tpu.dma_semaphore, #tpu.memory_space<semaphore_mem>>) src(%dma_wait3A_598 : memref<128x128xf32, #tpu.memory_space<vmem>>) dst(%dma_wait3A_604 : memref<10256x128xf32, #tpu.memory_space<vmem_shared>>)
      %add3A_607 = arith.constant 1 : i32
      %add3A_608 = arith.addi %scan3A_64, %add3A_607 : i32
      %jit3A_609 = arith.constant 2 : i32
      %eq3A_610 = arith.constant 0 : i32
      %eq3A_611 = arith.cmpi eq, %jit3A_609, %eq3A_610 : i32
      %jit3A_612 = arith.constant 1 : i32
      %select_n3A_613 = arith.select %eq3A_611, %jit3A_612, %jit3A_609 : i32
      %rem3A_614 = arith.remsi %add3A_608, %select_n3A_613 : i32
      %ne3A_615 = arith.constant 0 : i32
      %ne3A_616 = arith.cmpi ne, %rem3A_614, %ne3A_615 : i32
      %lt3A_617 = arith.constant 0 : i32
      %lt3A_618 = arith.cmpi slt, %rem3A_614, %lt3A_617 : i32
      %lt3A_619 = arith.constant 0 : i32
      %lt3A_620 = arith.cmpi slt, %select_n3A_613, %lt3A_619 : i32
      %ne3A_621 = arith.xori %lt3A_618, %lt3A_620 : i1
      %and3A_622 = arith.andi %ne3A_621, %ne3A_616 : i1
      %add3A_623 = arith.addi %rem3A_614, %select_n3A_613 : i32
      %select_n3A_624 = arith.select %and3A_622, %add3A_623, %rem3A_614 : i32
      %dma_wait3A_625 = arith.constant 0 : i32
      %dma_wait3A_626 = arith.constant 0 : i32
      %dma_wait3A_627 = tpu.memref_slice %arg7[%select_n3A_624, %dma_wait3A_625, %dma_wait3A_626] : memref<2x8x128xi32, #tpu.memory_space<vmem>> -> memref<1x8x128xi32, #tpu.memory_space<vmem>>
      %dma_wait3A_628 = tpu.memref_squeeze %dma_wait3A_627 : memref<1x8x128xi32, #tpu.memory_space<vmem>> -> memref<8x128xi32, #tpu.memory_space<vmem>>
      %dma_wait3A_629 = arith.constant 0 : i32
      %dma_wait3A_630 = tpu.memref_slice %arg3[%add3A_29, %arg1, %multiple_of3A, %dma_wait3A_629] : memref<4x16x88x128xi32, #tpu.memory_space<hbm>> -> memref<1x1x8x128xi32, #tpu.memory_space<hbm>>
      %dma_wait3A_631 = tpu.memref_squeeze %dma_wait3A_630 : memref<1x1x8x128xi32, #tpu.memory_space<hbm>> -> memref<8x128xi32, #tpu.memory_space<hbm>>
      %dma_wait3A_632 = arith.constant 0 : i32
      %dma_wait3A_633 = arith.constant 0 : i32
      %dma_wait3A_634 = tpu.memref_slice %arg7[%select_n3A_624, %dma_wait3A_632, %dma_wait3A_633] : memref<2x8x128xi32, #tpu.memory_space<vmem>> -> memref<1x8x128xi32, #tpu.memory_space<vmem>>
      %dma_wait3A_635 = tpu.memref_squeeze %dma_wait3A_634 : memref<1x8x128xi32, #tpu.memory_space<vmem>> -> memref<8x128xi32, #tpu.memory_space<vmem>>
      %dma_wait3A_636 = arith.constant 0 : i32
      %dma_wait3A_637 = tpu.memref_slice %arg3[%add3A_29, %arg1, %multiple_of3A, %dma_wait3A_636] : memref<4x16x88x128xi32, #tpu.memory_space<hbm>> -> memref<1x1x8x128xi32, #tpu.memory_space<hbm>>
      %dma_wait3A_638 = tpu.memref_squeeze %dma_wait3A_637 : memref<1x1x8x128xi32, #tpu.memory_space<hbm>> -> memref<8x128xi32, #tpu.memory_space<hbm>>
      tpu.wait_dma2 semaphore(%arg12 : memref<!tpu.dma_semaphore, #tpu.memory_space<semaphore_mem>>) src(%dma_wait3A_638 : memref<8x128xi32, #tpu.memory_space<hbm>>) dst(%dma_wait3A_635 : memref<8x128xi32, #tpu.memory_space<vmem>>)
    }
    %scan3A_49 = arith.constant 10 : i32
    %barrier3A_50 = arith.constant 0 : index
    tpu.barrier barrier_id(%barrier3A_50)
    %mul3A_51 = arith.constant 624 : i32
    %mul3A_52 = arith.muli %arg1, %mul3A_51 : i32
    %mul3A_53 = arith.constant 10000 : i32
    %mul3A_54 = arith.muli %add3A_29, %mul3A_53 : i32
    %mul3A_55 = arith.constant 624 : i32
    %mul3A_56 = arith.muli %arg1, %mul3A_55 : i32
    %add3A_57 = arith.addi %mul3A_54, %mul3A_56 : i32
    "tpu.region"() ({
      %run_scoped3A_64 = tpu.sem_alloc : memref<!tpu.dma_semaphore, #tpu.memory_space<semaphore_mem>>
      %dma_start3A = arith.constant 0 : i32
      %dma_start3A_65 = tpu.memref_slice %arg5[%add3A_57, %dma_start3A] : memref<40000x128xf32, #tpu.memory_space<hbm>> -> memref<624x128xf32, #tpu.memory_space<hbm>>
      %dma_start3A_66 = arith.constant 0 : i32
      %dma_start3A_67 = tpu.memref_slice %arg6[%mul3A_52, %dma_start3A_66] : memref<10256x128xf32, #tpu.memory_space<vmem_shared>> -> memref<624x128xf32, #tpu.memory_space<vmem_shared>>
      tpu.enqueue_dma source(%dma_start3A_67 : memref<624x128xf32, #tpu.memory_space<vmem_shared>>) target(%dma_start3A_65 : memref<624x128xf32, #tpu.memory_space<hbm>>) target_semaphore(%run_scoped3A_64 : memref<!tpu.dma_semaphore, #tpu.memory_space<semaphore_mem>>)
      %dma_wait3A = arith.constant 0 : i32
      %dma_wait3A_68 = tpu.memref_slice %arg5[%add3A_57, %dma_wait3A] : memref<40000x128xf32, #tpu.memory_space<hbm>> -> memref<624x128xf32, #tpu.memory_space<hbm>>
      %dma_wait3A_69 = arith.constant 0 : i32
      %dma_wait3A_70 = tpu.memref_slice %arg6[%mul3A_52, %dma_wait3A_69] : memref<10256x128xf32, #tpu.memory_space<vmem_shared>> -> memref<624x128xf32, #tpu.memory_space<vmem_shared>>
      tpu.wait_dma2 semaphore(%run_scoped3A_64 : memref<!tpu.dma_semaphore, #tpu.memory_space<semaphore_mem>>) src(%dma_wait3A_70 : memref<624x128xf32, #tpu.memory_space<vmem_shared>>) dst(%dma_wait3A_68 : memref<624x128xf32, #tpu.memory_space<hbm>>)
      tpu.yield
    }) : () -> ()
    %eq3A_58 = arith.constant 0 : i32
    %eq3A_59 = arith.cmpi eq, %arg1, %eq3A_58 : i32
    %convert_element_type3A_60 = arith.extui %eq3A_59 : i1 to i32
    %cond3A_61 = arith.constant 0 : i32
    %cond3A_62 = arith.cmpi ne, %convert_element_type3A_60, %cond3A_61 : i32
    scf.if %cond3A_62 {
      %mul3A_64 = arith.constant 10000 : i32
      %mul3A_65 = arith.muli %add3A_29, %mul3A_64 : i32
      %add3A_66 = arith.constant 9984 : i32
      %add3A_67 = arith.addi %mul3A_65, %add3A_66 : i32
      "tpu.region"() ({
        %run_scoped3A_68 = tpu.sem_alloc : memref<!tpu.dma_semaphore, #tpu.memory_space<semaphore_mem>>
        %dma_start3A = arith.constant 0 : i32
        %dma_start3A_69 = tpu.memref_slice %arg5[%add3A_67, %dma_start3A] : memref<40000x128xf32, #tpu.memory_space<hbm>> -> memref<16x128xf32, #tpu.memory_space<hbm>>
        %dma_start3A_70 = arith.constant 9984 : i32
        %dma_start3A_71 = arith.constant 0 : i32
        %dma_start3A_72 = tpu.memref_slice %arg6[%dma_start3A_70, %dma_start3A_71] : memref<10256x128xf32, #tpu.memory_space<vmem_shared>> -> memref<16x128xf32, #tpu.memory_space<vmem_shared>>
        tpu.enqueue_dma source(%dma_start3A_72 : memref<16x128xf32, #tpu.memory_space<vmem_shared>>) target(%dma_start3A_69 : memref<16x128xf32, #tpu.memory_space<hbm>>) target_semaphore(%run_scoped3A_68 : memref<!tpu.dma_semaphore, #tpu.memory_space<semaphore_mem>>)
        %dma_wait3A = arith.constant 0 : i32
        %dma_wait3A_73 = tpu.memref_slice %arg5[%add3A_67, %dma_wait3A] : memref<40000x128xf32, #tpu.memory_space<hbm>> -> memref<16x128xf32, #tpu.memory_space<hbm>>
        %dma_wait3A_74 = arith.constant 9984 : i32
        %dma_wait3A_75 = arith.constant 0 : i32
        %dma_wait3A_76 = tpu.memref_slice %arg6[%dma_wait3A_74, %dma_wait3A_75] : memref<10256x128xf32, #tpu.memory_space<vmem_shared>> -> memref<16x128xf32, #tpu.memory_space<vmem_shared>>
        tpu.wait_dma2 semaphore(%run_scoped3A_68 : memref<!tpu.dma_semaphore, #tpu.memory_space<semaphore_mem>>) src(%dma_wait3A_76 : memref<16x128xf32, #tpu.memory_space<vmem_shared>>) dst(%dma_wait3A_73 : memref<16x128xf32, #tpu.memory_space<hbm>>)
        tpu.yield
      }) : () -> ()
    } else {
    }
    %barrier3A_63 = arith.constant 0 : index
    tpu.barrier barrier_id(%barrier3A_63)
    return
  }
}

module attributes {stable_mosaic.version = 14 : i64} {
  func.func @_mm_stats_body(%arg0: i32, %arg1: memref<8000x128xf32, #tpu.memory_space<vmem>>, %arg2: memref<128x128xf32, #tpu.memory_space<vmem>>, %arg3: memref<1x128xf32, #tpu.memory_space<vmem>>, %arg4: memref<8000x128xf32, #tpu.memory_space<vmem>>, %arg5: memref<2x128xf32, #tpu.memory_space<vmem>>) attributes {dimension_semantics = [#tpu.dimension_semantics<arbitrary>], iteration_bounds = array<i64: 5>, scalar_prefetch = 0 : i64, scratch_operands = 0 : i64, tpu.core_type = #tpu.core_type<tc>, window_params = [{transform_indices = @transform_0, window_bounds = array<i64: 8000, 128>}, {pipeline_mode = #tpu.pipeline_mode<synchronous>, transform_indices = @transform_1, window_bounds = array<i64: 128, 128>}, {pipeline_mode = #tpu.pipeline_mode<synchronous>, transform_indices = @transform_2, window_bounds = array<i64: 1, 128>}, {transform_indices = @transform_3, window_bounds = array<i64: 8000, 128>}, {pipeline_mode = #tpu.pipeline_mode<synchronous>, transform_indices = @transform_4, window_bounds = array<i64: 2, 128>}]} {
    %get3A = arith.constant 0 : index
    %get3A_0 = arith.constant 0 : index
    %get3A_1 = vector.load %arg1[%get3A, %get3A_0] : memref<8000x128xf32, #tpu.memory_space<vmem>>, vector<8000x128xf32>
    %get3A_2 = arith.constant 0 : index
    %get3A_3 = arith.constant 0 : index
    %get3A_4 = vector.load %arg2[%get3A_2, %get3A_3] : memref<128x128xf32, #tpu.memory_space<vmem>>, vector<128x128xf32>
    %dot_general3A = arith.constant dense<0.000000e+00> : vector<8000x128xf32>
    %dot_general3A_5 = tpu.matmul %get3A_1, %get3A_4, %dot_general3A {dimension_numbers = #tpu.dot_dimension_numbers<[1], [0], [0], [1], [0, 0, 1, 1], [], []>, transpose_lhs_hint = false} : vector<8000x128xf32>, vector<128x128xf32>, vector<8000x128xf32> -> vector<8000x128xf32>
    %get3A_6 = arith.constant 0 : index
    %get3A_7 = arith.constant 0 : index
    %get3A_8 = vector.load %arg3[%get3A_6, %get3A_7] : memref<1x128xf32, #tpu.memory_space<vmem>>, vector<1x128xf32>
    %add3A = vector.broadcast %get3A_8 : vector<1x128xf32> to vector<8000x128xf32>
    %add3A_9 = arith.addf %dot_general3A_5, %add3A : vector<8000x128xf32>
    %swap3A = arith.constant 0 : index
    %swap3A_10 = arith.constant 0 : index
    %swap3A_11 = vector.load %arg4[%swap3A, %swap3A_10] : memref<8000x128xf32, #tpu.memory_space<vmem>>, vector<8000x128xf32>
    tpu.vector_store %arg4[%swap3A, %swap3A_10], %add3A_9 {strides = array<i32>} : memref<8000x128xf32, #tpu.memory_space<vmem>>, vector<8000x128xf32>,
    %reduce_sum3A = arith.constant dense<0.000000e+00> : vector<128xf32>
    %reduce_sum3A_12 = vector.multi_reduction <add>, %add3A_9, %reduce_sum3A [0] : vector<8000x128xf32> to vector<128xf32>
    %broadcast_in_dim3A = vector.shape_cast %reduce_sum3A_12 : vector<128xf32> to vector<1x128xf32>
    %mul3A = arith.mulf %add3A_9, %add3A_9 : vector<8000x128xf32>
    %reduce_sum3A_13 = arith.constant dense<0.000000e+00> : vector<128xf32>
    %reduce_sum3A_14 = vector.multi_reduction <add>, %mul3A, %reduce_sum3A_13 [0] : vector<8000x128xf32> to vector<128xf32>
    %broadcast_in_dim3A_15 = vector.shape_cast %reduce_sum3A_14 : vector<128xf32> to vector<1x128xf32>
    %concatenate3A = tpu.concatenate %broadcast_in_dim3A, %broadcast_in_dim3A_15 in 0 : vector<1x128xf32>, vector<1x128xf32> -> vector<2x128xf32>
    %eq3A = arith.constant 0 : i32
    %eq3A_16 = arith.cmpi eq, %arg0, %eq3A : i32
    %convert_element_type3A = arith.extui %eq3A_16 : i1 to i32
    %cond3A = arith.constant 0 : i32
    %cond3A_17 = arith.cmpi ne, %convert_element_type3A, %cond3A : i32
    scf.if %cond3A_17 {
      %broadcast_in_dim3A_25 = arith.constant 0.000000e+00 : f32
      %broadcast_in_dim3A_26 = vector.broadcast %broadcast_in_dim3A_25 : f32 to vector<2x128xf32>
      %swap3A_27 = arith.constant 0 : index
      %swap3A_28 = arith.constant 0 : index
      %swap3A_29 = vector.load %arg5[%swap3A_27, %swap3A_28] : memref<2x128xf32, #tpu.memory_space<vmem>>, vector<2x128xf32>
      tpu.vector_store %arg5[%swap3A_27, %swap3A_28], %broadcast_in_dim3A_26 {strides = array<i32>} : memref<2x128xf32, #tpu.memory_space<vmem>>, vector<2x128xf32>,
    } else {
    }
    %get3A_18 = arith.constant 0 : index
    %get3A_19 = arith.constant 0 : index
    %get3A_20 = vector.load %arg5[%get3A_18, %get3A_19] : memref<2x128xf32, #tpu.memory_space<vmem>>, vector<2x128xf32>
    %add3A_21 = arith.addf %get3A_20, %concatenate3A : vector<2x128xf32>
    %swap3A_22 = arith.constant 0 : index
    %swap3A_23 = arith.constant 0 : index
    %swap3A_24 = vector.load %arg5[%swap3A_22, %swap3A_23] : memref<2x128xf32, #tpu.memory_space<vmem>>, vector<2x128xf32>
    tpu.vector_store %arg5[%swap3A_22, %swap3A_23], %add3A_21 {strides = array<i32>} : memref<2x128xf32, #tpu.memory_space<vmem>>, vector<2x128xf32>,
    return
  }
  func.func @transform_0(%arg0: i32) -> (i32, i32) {
    %c0_i32 = arith.constant 0 : i32
    %c0_i32_0 = arith.constant 0 : i32
    return %arg0, %c0_i32 : i32, i32
  }
  func.func @transform_1(%arg0: i32) -> (i32, i32) {
    %c0_i32 = arith.constant 0 : i32
    %c0_i32_0 = arith.constant 0 : i32
    %c0_i32_1 = arith.constant 0 : i32
    return %c0_i32, %c0_i32_0 : i32, i32
  }
  func.func @transform_2(%arg0: i32) -> (i32, i32) {
    %c0_i32 = arith.constant 0 : i32
    %c0_i32_0 = arith.constant 0 : i32
    %c0_i32_1 = arith.constant 0 : i32
    return %c0_i32, %c0_i32_0 : i32, i32
  }
  func.func @transform_3(%arg0: i32) -> (i32, i32) {
    %c0_i32 = arith.constant 0 : i32
    %c0_i32_0 = arith.constant 0 : i32
    return %arg0, %c0_i32 : i32, i32
  }
  func.func @transform_4(%arg0: i32) -> (i32, i32) {
    %c0_i32 = arith.constant 0 : i32
    %c0_i32_0 = arith.constant 0 : i32
    %c0_i32_1 = arith.constant 0 : i32
    return %c0_i32, %c0_i32_0 : i32, i32
  }
}

module attributes {stable_mosaic.version = 14 : i64} {
  func.func @_bn_mm_stats_body(%arg0: i32, %arg1: memref<8000x128xf32, #tpu.memory_space<vmem>>, %arg2: memref<2x128xf32, #tpu.memory_space<vmem>>, %arg3: memref<1x128xf32, #tpu.memory_space<vmem>>, %arg4: memref<1x128xf32, #tpu.memory_space<vmem>>, %arg5: memref<128x128xf32, #tpu.memory_space<vmem>>, %arg6: memref<1x128xf32, #tpu.memory_space<vmem>>, %arg7: memref<8000x128xf32, #tpu.memory_space<vmem>>, %arg8: memref<2x128xf32, #tpu.memory_space<vmem>>) attributes {dimension_semantics = [#tpu.dimension_semantics<arbitrary>], iteration_bounds = array<i64: 5>, scalar_prefetch = 0 : i64, scratch_operands = 0 : i64, tpu.core_type = #tpu.core_type<tc>, window_params = [{transform_indices = @transform_0, window_bounds = array<i64: 8000, 128>}, {pipeline_mode = #tpu.pipeline_mode<synchronous>, transform_indices = @transform_1, window_bounds = array<i64: 2, 128>}, {pipeline_mode = #tpu.pipeline_mode<synchronous>, transform_indices = @transform_2, window_bounds = array<i64: 1, 128>}, {pipeline_mode = #tpu.pipeline_mode<synchronous>, transform_indices = @transform_3, window_bounds = array<i64: 1, 128>}, {pipeline_mode = #tpu.pipeline_mode<synchronous>, transform_indices = @transform_4, window_bounds = array<i64: 128, 128>}, {pipeline_mode = #tpu.pipeline_mode<synchronous>, transform_indices = @transform_5, window_bounds = array<i64: 1, 128>}, {transform_indices = @transform_6, window_bounds = array<i64: 8000, 128>}, {pipeline_mode = #tpu.pipeline_mode<synchronous>, transform_indices = @transform_7, window_bounds = array<i64: 2, 128>}]} {
    %get3A = arith.constant 0 : index
    %get3A_0 = arith.constant 0 : index
    %get3A_1 = vector.load %arg2[%get3A, %get3A_0] : memref<2x128xf32, #tpu.memory_space<vmem>>, vector<2x128xf32>
    %get3A_2 = arith.constant 0 : index
    %get3A_3 = arith.constant 0 : index
    %get3A_4 = vector.load %arg3[%get3A_2, %get3A_3] : memref<1x128xf32, #tpu.memory_space<vmem>>, vector<1x128xf32>
    %get3A_5 = arith.constant 0 : index
    %get3A_6 = arith.constant 0 : index
    %get3A_7 = vector.load %arg4[%get3A_5, %get3A_6] : memref<1x128xf32, #tpu.memory_space<vmem>>, vector<1x128xf32>
    %slice3A = vector.extract_strided_slice %get3A_1 {offsets = [0, 0], sizes = [1, 128], strides = [1, 1]} : vector<2x128xf32> to vector<1x128xf32>
    %mul3A = arith.constant 2.500000e-05 : f32
    %mul3A_8 = vector.broadcast %mul3A : f32 to vector<1x128xf32>
    %mul3A_9 = arith.mulf %slice3A, %mul3A_8 : vector<1x128xf32>
    %slice3A_10 = vector.extract_strided_slice %get3A_1 {offsets = [1, 0], sizes = [1, 128], strides = [1, 1]} : vector<2x128xf32> to vector<1x128xf32>
    %mul3A_11 = arith.constant 2.500000e-05 : f32
    %mul3A_12 = vector.broadcast %mul3A_11 : f32 to vector<1x128xf32>
    %mul3A_13 = arith.mulf %slice3A_10, %mul3A_12 : vector<1x128xf32>
    %mul3A_14 = arith.mulf %mul3A_9, %mul3A_9 : vector<1x128xf32>
    %sub3A = arith.subf %mul3A_13, %mul3A_14 : vector<1x128xf32>
    %add3A = arith.constant 9.99999974E-6 : f32
    %add3A_15 = vector.broadcast %add3A : f32 to vector<1x128xf32>
    %add3A_16 = arith.addf %sub3A, %add3A_15 : vector<1x128xf32>
    %rsqrt3A = math.rsqrt %add3A_16 : vector<1x128xf32>
    %mul3A_17 = arith.mulf %get3A_4, %rsqrt3A : vector<1x128xf32>
    %mul3A_18 = arith.mulf %mul3A_9, %mul3A_17 : vector<1x128xf32>
    %sub3A_19 = arith.subf %get3A_7, %mul3A_18 : vector<1x128xf32>
    %get3A_20 = arith.constant 0 : index
    %get3A_21 = arith.constant 0 : index
    %get3A_22 = vector.load %arg1[%get3A_20, %get3A_21] : memref<8000x128xf32, #tpu.memory_space<vmem>>, vector<8000x128xf32>
    %mul3A_23 = vector.broadcast %mul3A_17 : vector<1x128xf32> to vector<8000x128xf32>
    %mul3A_24 = arith.mulf %get3A_22, %mul3A_23 : vector<8000x128xf32>
    %add3A_25 = vector.broadcast %sub3A_19 : vector<1x128xf32> to vector<8000x128xf32>
    %add3A_26 = arith.addf %mul3A_24, %add3A_25 : vector<8000x128xf32>
    %max3A = arith.constant 0.000000e+00 : f32
    %max3A_27 = vector.broadcast %max3A : f32 to vector<8000x128xf32>
    %max3A_28 = arith.maximumf %add3A_26, %max3A_27 : vector<8000x128xf32>
    %get3A_29 = arith.constant 0 : index
    %get3A_30 = arith.constant 0 : index
    %get3A_31 = vector.load %arg5[%get3A_29, %get3A_30] : memref<128x128xf32, #tpu.memory_space<vmem>>, vector<128x128xf32>
    %dot_general3A = arith.constant dense<0.000000e+00> : vector<8000x128xf32>
    %dot_general3A_32 = tpu.matmul %max3A_28, %get3A_31, %dot_general3A {dimension_numbers = #tpu.dot_dimension_numbers<[1], [0], [0], [1], [0, 0, 1, 1], [], []>, transpose_lhs_hint = false} : vector<8000x128xf32>, vector<128x128xf32>, vector<8000x128xf32> -> vector<8000x128xf32>
    %get3A_33 = arith.constant 0 : index
    %get3A_34 = arith.constant 0 : index
    %get3A_35 = vector.load %arg6[%get3A_33, %get3A_34] : memref<1x128xf32, #tpu.memory_space<vmem>>, vector<1x128xf32>
    %add3A_36 = vector.broadcast %get3A_35 : vector<1x128xf32> to vector<8000x128xf32>
    %add3A_37 = arith.addf %dot_general3A_32, %add3A_36 : vector<8000x128xf32>
    %swap3A = arith.constant 0 : index
    %swap3A_38 = arith.constant 0 : index
    %swap3A_39 = vector.load %arg7[%swap3A, %swap3A_38] : memref<8000x128xf32, #tpu.memory_space<vmem>>, vector<8000x128xf32>
    tpu.vector_store %arg7[%swap3A, %swap3A_38], %add3A_37 {strides = array<i32>} : memref<8000x128xf32, #tpu.memory_space<vmem>>, vector<8000x128xf32>,
    %reduce_sum3A = arith.constant dense<0.000000e+00> : vector<128xf32>
    %reduce_sum3A_40 = vector.multi_reduction <add>, %add3A_37, %reduce_sum3A [0] : vector<8000x128xf32> to vector<128xf32>
    %broadcast_in_dim3A = vector.shape_cast %reduce_sum3A_40 : vector<128xf32> to vector<1x128xf32>
    %mul3A_41 = arith.mulf %add3A_37, %add3A_37 : vector<8000x128xf32>
    %reduce_sum3A_42 = arith.constant dense<0.000000e+00> : vector<128xf32>
    %reduce_sum3A_43 = vector.multi_reduction <add>, %mul3A_41, %reduce_sum3A_42 [0] : vector<8000x128xf32> to vector<128xf32>
    %broadcast_in_dim3A_44 = vector.shape_cast %reduce_sum3A_43 : vector<128xf32> to vector<1x128xf32>
    %concatenate3A = tpu.concatenate %broadcast_in_dim3A, %broadcast_in_dim3A_44 in 0 : vector<1x128xf32>, vector<1x128xf32> -> vector<2x128xf32>
    %eq3A = arith.constant 0 : i32
    %eq3A_45 = arith.cmpi eq, %arg0, %eq3A : i32
    %convert_element_type3A = arith.extui %eq3A_45 : i1 to i32
    %cond3A = arith.constant 0 : i32
    %cond3A_46 = arith.cmpi ne, %convert_element_type3A, %cond3A : i32
    scf.if %cond3A_46 {
      %broadcast_in_dim3A_54 = arith.constant 0.000000e+00 : f32
      %broadcast_in_dim3A_55 = vector.broadcast %broadcast_in_dim3A_54 : f32 to vector<2x128xf32>
      %swap3A_56 = arith.constant 0 : index
      %swap3A_57 = arith.constant 0 : index
      %swap3A_58 = vector.load %arg8[%swap3A_56, %swap3A_57] : memref<2x128xf32, #tpu.memory_space<vmem>>, vector<2x128xf32>
      tpu.vector_store %arg8[%swap3A_56, %swap3A_57], %broadcast_in_dim3A_55 {strides = array<i32>} : memref<2x128xf32, #tpu.memory_space<vmem>>, vector<2x128xf32>,
    } else {
    }
    %get3A_47 = arith.constant 0 : index
    %get3A_48 = arith.constant 0 : index
    %get3A_49 = vector.load %arg8[%get3A_47, %get3A_48] : memref<2x128xf32, #tpu.memory_space<vmem>>, vector<2x128xf32>
    %add3A_50 = arith.addf %get3A_49, %concatenate3A : vector<2x128xf32>
    %swap3A_51 = arith.constant 0 : index
    %swap3A_52 = arith.constant 0 : index
    %swap3A_53 = vector.load %arg8[%swap3A_51, %swap3A_52] : memref<2x128xf32, #tpu.memory_space<vmem>>, vector<2x128xf32>
    tpu.vector_store %arg8[%swap3A_51, %swap3A_52], %add3A_50 {strides = array<i32>} : memref<2x128xf32, #tpu.memory_space<vmem>>, vector<2x128xf32>,
    return
  }
  func.func @transform_0(%arg0: i32) -> (i32, i32) {
    %c0_i32 = arith.constant 0 : i32
    %c0_i32_0 = arith.constant 0 : i32
    return %arg0, %c0_i32 : i32, i32
  }
  func.func @transform_1(%arg0: i32) -> (i32, i32) {
    %c0_i32 = arith.constant 0 : i32
    %c0_i32_0 = arith.constant 0 : i32
    %c0_i32_1 = arith.constant 0 : i32
    return %c0_i32, %c0_i32_0 : i32, i32
  }
  func.func @transform_2(%arg0: i32) -> (i32, i32) {
    %c0_i32 = arith.constant 0 : i32
    %c0_i32_0 = arith.constant 0 : i32
    %c0_i32_1 = arith.constant 0 : i32
    return %c0_i32, %c0_i32_0 : i32, i32
  }
  func.func @transform_3(%arg0: i32) -> (i32, i32) {
    %c0_i32 = arith.constant 0 : i32
    %c0_i32_0 = arith.constant 0 : i32
    %c0_i32_1 = arith.constant 0 : i32
    return %c0_i32, %c0_i32_0 : i32, i32
  }
  func.func @transform_4(%arg0: i32) -> (i32, i32) {
    %c0_i32 = arith.constant 0 : i32
    %c0_i32_0 = arith.constant 0 : i32
    %c0_i32_1 = arith.constant 0 : i32
    return %c0_i32, %c0_i32_0 : i32, i32
  }
  func.func @transform_5(%arg0: i32) -> (i32, i32) {
    %c0_i32 = arith.constant 0 : i32
    %c0_i32_0 = arith.constant 0 : i32
    %c0_i32_1 = arith.constant 0 : i32
    return %c0_i32, %c0_i32_0 : i32, i32
  }
  func.func @transform_6(%arg0: i32) -> (i32, i32) {
    %c0_i32 = arith.constant 0 : i32
    %c0_i32_0 = arith.constant 0 : i32
    return %arg0, %c0_i32 : i32, i32
  }
  func.func @transform_7(%arg0: i32) -> (i32, i32) {
    %c0_i32 = arith.constant 0 : i32
    %c0_i32_0 = arith.constant 0 : i32
    %c0_i32_1 = arith.constant 0 : i32
    return %c0_i32, %c0_i32_0 : i32, i32
  }
}

module attributes {stable_mosaic.version = 14 : i64} {
  func.func @_bn_relu_body(%arg0: i32, %arg1: memref<8000x128xf32, #tpu.memory_space<vmem>>, %arg2: memref<2x128xf32, #tpu.memory_space<vmem>>, %arg3: memref<1x128xf32, #tpu.memory_space<vmem>>, %arg4: memref<1x128xf32, #tpu.memory_space<vmem>>, %arg5: memref<8000x128xf32, #tpu.memory_space<vmem>>) attributes {dimension_semantics = [#tpu.dimension_semantics<arbitrary>], iteration_bounds = array<i64: 5>, scalar_prefetch = 0 : i64, scratch_operands = 0 : i64, tpu.core_type = #tpu.core_type<tc>, window_params = [{transform_indices = @transform_0, window_bounds = array<i64: 8000, 128>}, {pipeline_mode = #tpu.pipeline_mode<synchronous>, transform_indices = @transform_1, window_bounds = array<i64: 2, 128>}, {pipeline_mode = #tpu.pipeline_mode<synchronous>, transform_indices = @transform_2, window_bounds = array<i64: 1, 128>}, {pipeline_mode = #tpu.pipeline_mode<synchronous>, transform_indices = @transform_3, window_bounds = array<i64: 1, 128>}, {transform_indices = @transform_4, window_bounds = array<i64: 8000, 128>}]} {
    %get3A = arith.constant 0 : index
    %get3A_0 = arith.constant 0 : index
    %get3A_1 = vector.load %arg2[%get3A, %get3A_0] : memref<2x128xf32, #tpu.memory_space<vmem>>, vector<2x128xf32>
    %get3A_2 = arith.constant 0 : index
    %get3A_3 = arith.constant 0 : index
    %get3A_4 = vector.load %arg3[%get3A_2, %get3A_3] : memref<1x128xf32, #tpu.memory_space<vmem>>, vector<1x128xf32>
    %get3A_5 = arith.constant 0 : index
    %get3A_6 = arith.constant 0 : index
    %get3A_7 = vector.load %arg4[%get3A_5, %get3A_6] : memref<1x128xf32, #tpu.memory_space<vmem>>, vector<1x128xf32>
    %slice3A = vector.extract_strided_slice %get3A_1 {offsets = [0, 0], sizes = [1, 128], strides = [1, 1]} : vector<2x128xf32> to vector<1x128xf32>
    %mul3A = arith.constant 2.500000e-05 : f32
    %mul3A_8 = vector.broadcast %mul3A : f32 to vector<1x128xf32>
    %mul3A_9 = arith.mulf %slice3A, %mul3A_8 : vector<1x128xf32>
    %slice3A_10 = vector.extract_strided_slice %get3A_1 {offsets = [1, 0], sizes = [1, 128], strides = [1, 1]} : vector<2x128xf32> to vector<1x128xf32>
    %mul3A_11 = arith.constant 2.500000e-05 : f32
    %mul3A_12 = vector.broadcast %mul3A_11 : f32 to vector<1x128xf32>
    %mul3A_13 = arith.mulf %slice3A_10, %mul3A_12 : vector<1x128xf32>
    %mul3A_14 = arith.mulf %mul3A_9, %mul3A_9 : vector<1x128xf32>
    %sub3A = arith.subf %mul3A_13, %mul3A_14 : vector<1x128xf32>
    %add3A = arith.constant 9.99999974E-6 : f32
    %add3A_15 = vector.broadcast %add3A : f32 to vector<1x128xf32>
    %add3A_16 = arith.addf %sub3A, %add3A_15 : vector<1x128xf32>
    %rsqrt3A = math.rsqrt %add3A_16 : vector<1x128xf32>
    %mul3A_17 = arith.mulf %get3A_4, %rsqrt3A : vector<1x128xf32>
    %mul3A_18 = arith.mulf %mul3A_9, %mul3A_17 : vector<1x128xf32>
    %sub3A_19 = arith.subf %get3A_7, %mul3A_18 : vector<1x128xf32>
    %get3A_20 = arith.constant 0 : index
    %get3A_21 = arith.constant 0 : index
    %get3A_22 = vector.load %arg1[%get3A_20, %get3A_21] : memref<8000x128xf32, #tpu.memory_space<vmem>>, vector<8000x128xf32>
    %mul3A_23 = vector.broadcast %mul3A_17 : vector<1x128xf32> to vector<8000x128xf32>
    %mul3A_24 = arith.mulf %get3A_22, %mul3A_23 : vector<8000x128xf32>
    %add3A_25 = vector.broadcast %sub3A_19 : vector<1x128xf32> to vector<8000x128xf32>
    %add3A_26 = arith.addf %mul3A_24, %add3A_25 : vector<8000x128xf32>
    %max3A = arith.constant 0.000000e+00 : f32
    %max3A_27 = vector.broadcast %max3A : f32 to vector<8000x128xf32>
    %max3A_28 = arith.maximumf %add3A_26, %max3A_27 : vector<8000x128xf32>
    %swap3A = arith.constant 0 : index
    %swap3A_29 = arith.constant 0 : index
    %swap3A_30 = vector.load %arg5[%swap3A, %swap3A_29] : memref<8000x128xf32, #tpu.memory_space<vmem>>, vector<8000x128xf32>
    tpu.vector_store %arg5[%swap3A, %swap3A_29], %max3A_28 {strides = array<i32>} : memref<8000x128xf32, #tpu.memory_space<vmem>>, vector<8000x128xf32>,
    return
  }
  func.func @transform_0(%arg0: i32) -> (i32, i32) {
    %c0_i32 = arith.constant 0 : i32
    %c0_i32_0 = arith.constant 0 : i32
    return %arg0, %c0_i32 : i32, i32
  }
  func.func @transform_1(%arg0: i32) -> (i32, i32) {
    %c0_i32 = arith.constant 0 : i32
    %c0_i32_0 = arith.constant 0 : i32
    %c0_i32_1 = arith.constant 0 : i32
    return %c0_i32, %c0_i32_0 : i32, i32
  }
  func.func @transform_2(%arg0: i32) -> (i32, i32) {
    %c0_i32 = arith.constant 0 : i32
    %c0_i32_0 = arith.constant 0 : i32
    %c0_i32_1 = arith.constant 0 : i32
    return %c0_i32, %c0_i32_0 : i32, i32
  }
  func.func @transform_3(%arg0: i32) -> (i32, i32) {
    %c0_i32 = arith.constant 0 : i32
    %c0_i32_0 = arith.constant 0 : i32
    %c0_i32_1 = arith.constant 0 : i32
    return %c0_i32, %c0_i32_0 : i32, i32
  }
  func.func @transform_4(%arg0: i32) -> (i32, i32) {
    %c0_i32 = arith.constant 0 : i32
    %c0_i32_0 = arith.constant 0 : i32
    return %arg0, %c0_i32 : i32, i32
  }
}

module attributes {stable_mosaic.version = 14 : i64} {
  func.func @_pred_body(%arg0: memref<3x32x128xf32, #tpu.memory_space<vmem>>, %arg1: memref<3x128xf32, #tpu.memory_space<vmem>>, %arg2: memref<1x1xf32, #tpu.memory_space<vmem>>, %arg3: memref<32x1xf32, #tpu.memory_space<vmem>>) attributes {dimension_semantics = [], scalar_prefetch = 0 : i64, scratch_operands = 0 : i64, tpu.core_type = #tpu.core_type<tc>} {
    %get3A = arith.constant 0 : index
    %get3A_0 = arith.constant 0 : index
    %get3A_1 = arith.constant 0 : index
    %get3A_2 = vector.load %arg0[%get3A, %get3A_0, %get3A_1] : memref<3x32x128xf32, #tpu.memory_space<vmem>>, vector<3x32x128xf32>
    %get3A_3 = arith.constant 0 : index
    %get3A_4 = arith.constant 0 : index
    %get3A_5 = vector.load %arg1[%get3A_3, %get3A_4] : memref<3x128xf32, #tpu.memory_space<vmem>>, vector<3x128xf32>
    %broadcast_in_dim3A = vector.shape_cast %get3A_5 : vector<3x128xf32> to vector<3x1x128xf32>
    %mul3A = vector.broadcast %broadcast_in_dim3A : vector<3x1x128xf32> to vector<3x32x128xf32>
    %mul3A_6 = arith.mulf %get3A_2, %mul3A : vector<3x32x128xf32>
    %reduce_sum3A = arith.constant dense<0.000000e+00> : vector<32x128xf32>
    %reduce_sum3A_7 = vector.multi_reduction <add>, %mul3A_6, %reduce_sum3A [0] : vector<3x32x128xf32> to vector<32x128xf32>
    %reduce_sum3A_8 = arith.constant dense<0.000000e+00> : vector<32xf32>
    %reduce_sum3A_9 = vector.multi_reduction <add>, %reduce_sum3A_7, %reduce_sum3A_8 [1] : vector<32x128xf32> to vector<32xf32>
    %broadcast_in_dim3A_10 = vector.shape_cast %reduce_sum3A_9 : vector<32xf32> to vector<32x1xf32>
    %get3A_11 = arith.constant 0 : index
    %get3A_12 = arith.constant 0 : index
    %get3A_13 = vector.load %arg2[%get3A_11, %get3A_12] : memref<1x1xf32, #tpu.memory_space<vmem>>, vector<1x1xf32>
    %add3A = vector.broadcast %get3A_13 : vector<1x1xf32> to vector<32x1xf32>
    %add3A_14 = arith.addf %broadcast_in_dim3A_10, %add3A : vector<32x1xf32>
    %logistic3A = arith.negf %add3A_14 : vector<32x1xf32>
    %logistic3A_15 = math.exp %logistic3A : vector<32x1xf32>
    %logistic3A_16 = arith.constant 1.000000e+00 : f32
    %logistic3A_17 = vector.broadcast %logistic3A_16 : f32 to vector<32x1xf32>
    %logistic3A_18 = arith.addf %logistic3A_17, %logistic3A_15 : vector<32x1xf32>
    %logistic3A_19 = arith.divf %logistic3A_17, %logistic3A_18 : vector<32x1xf32>
    %swap3A = arith.constant 0 : index
    %swap3A_20 = arith.constant 0 : index
    %swap3A_21 = vector.load %arg3[%swap3A, %swap3A_20] : memref<32x1xf32, #tpu.memory_space<vmem>>, vector<32x1xf32>
    tpu.vector_store %arg3[%swap3A, %swap3A_20], %logistic3A_19 {strides = array<i32>} : memref<32x1xf32, #tpu.memory_space<vmem>>, vector<32x1xf32>,
    return
  }
}

</mosaic_0001>

<sc_bundles>
// kernel: kernel.11.cloned.1.call-start
scs
__scs_entry_jumppad:
0x0: {  	(pc) =	sbr.rel $0x88, $3  }
0x1: {  	(tag) =	ssettag $0x0;
	lr =	simm.s32 $0x1  }
0x2: {  	[smem:$0x3F88] =	sst lr;
	_ =	strace $0xD0000000  }
0x3: {  	_ = 	snop  }
0x4: {  	_ = 	snop  }
0x5: {  	_ = 	snop  }
0x6: {  	_ = 	snop  }
0x7: {  	_ = 	snop  }
__scs_overlays_trampoline_lowered:
0x8: {  	[smem:$0x3F97] =	sst s0  }
0x9: {  	[smem:$0x3F98] =	sst s1  }
0xa: {  	[smem:$0x3F99] =	sst s2  }
0xb: {  	[smem:$0x3F9A] =	sst s3  }
0xc: {  	[smem:$0x3F9B] =	sst s4  }
0xd: {  	[smem:$0x3F9C] =	sst s5  }
0xe: {  	[smem:$0x3F9D] =	sst s6  }
0xf: {  	[smem:$0x3F9E] =	sst s7  }
0x10: {  	[smem:$0x3F9F] =	sst s8  }
0x11: {  	[smem:$0x3FA0] =	sst s9;
	s0 =	simm.s32 @!p0 $0x0  }
0x12: {  	s1 =	sld [smem:$0x3F86];
	s0 =	simm.s32 @p0 $0x1  }
0x13: {  	[smem:$0x3FA1] =	sst s0;
	s0 =	simm.s32 @!p1 $0x0  }
0x14: {  	s2 =	sld [smem:$0x3F85];
	s0 =	simm.s32 @p1 $0x1  }
0x15: {  	[smem:$0x3FA2] =	sst s0;
	s0 =	simm.s32 @!p2 $0x0  }
0x16: {  	s3 =	sld [smem:$0x3FDB];
	s0 =	simm.s32 @p2 $0x1  }
0x17: {  	s4 =	simm.s32 $0x1BF5;
	[smem:$0x3FA4] =	sst s0  }
0x18: {  	s0 =	sld [smem:$0x3F87];
	_ =	swait.ge [sflag:s4], $0x0  }
0x19: {  	s7 =	sld [smem:$0x3F88]  }
0x1a: {  	s8 =	sadd.s32 $0xFFFFE003, lr  }
0x1b: {  	s9 =	sadd.s32 $0xFFFFFEF7, lr;
	s5 =	simm.s32 $0xFFFFFFFF;
	p2 =	slt.u32 s8, $0xFFFFF086  }
0x1c: {  	p1 =	slt.u32 s9, $0xF7A;
	s5 =	simm.s32 @!p2 $0x0  }
0x1d: {  	s5 =	simm.s32 @p1 $0x1;
	p0 =	seq.s32 s7, s2  }
0x1e: {  	s7 =	smul.u32 @!p0 $0xF7A, s2;
	p2 =	seq.s32 @!p0 s5, $0x0  }
0x1f: {  	s9 =	smul.u32 $0xF7A, s1;
	s8 =	simm.s32 @!p0 $0x1BF5;
	p2 =	por !p2, p0  }
0x20: {  	[sflag:s8] =	ssyncset.s32 @!p0 $0xFFFFF086;
	s6 =	sadd.s32 @!p0 s3, s7;
	s7 =	simm.s32 @!p0 $0x108  }
0x21: {  	s3 =	sadd.s32 s3, s9;
	s6 =	sadd.s32 @!p0 $0x88, s6;
	s7 =	simm.s32 @p2 $0x1082  }
0x22: {  	[simem:s7], [sflag:s8] =	dma.local @!p0 [hbm:s6], $0xF7A  }
0x23: {  	s9 =	sor.u32 $0xD0000000, s2;
	s6 =	simm.s32 $0x108;
	_ =	swait.ge @!p0 [sflag:s8], $0x0  }
0x24: {  	s3 =	sadd.s32 $0x88, s3;
	s6 =	simm.s32 @!p1 $0x1082;
	[sflag:s4] =	ssyncset.s32 $0xFFFFF086  }
0x25: {  	[simem:s6], [sflag:s4] =	dma.local [hbm:s3], $0xF7A  }
0x26: {  	[smem:$0x3F88] =	sst s1;
	(tag) =	ssettag s2;
	_ =	strace s9  }
0x27: {  	s1 =	sld [smem:$0x3F98]  }
0x28: {  	s2 =	sld [smem:$0x3F99]  }
0x29: {  	s4 =	sld [smem:$0x3F9B]  }
0x2a: {  	p0 =	seq.s32 s5, $0x0;
	s5 =	sld [smem:$0x3F9C]  }
0x2b: {  	s6 =	sld [smem:$0x3F9D]  }
0x2c: {  	s7 =	sld [smem:$0x3F9E]  }
0x2d: {  	s3 =	simm.s32 $0x108;
	s8 =	sld [smem:$0x3F9F]  }
0x2e: {  	s3 =	simm.s32 @!p0 $0x1082;
	s9 =	sld [smem:$0x3FA0]  }
0x2f: {  	lr =	sadd.s32 s0, s3;
	s0 =	sld [smem:$0x3F97]  }
0x30: {  	s3 =	sld [smem:$0x3F9A]  }
0x31: {  	[smem:$0x3FA3] =	sst s10  }
0x32: {  	s10 =	sld [smem:$0x3FA1];
	_ =	sdelay $0x3  }
0x33: {  	p0 =	seq.s32 s10, $0x1;
	s10 =	sld [smem:$0x3FA3];
	_ =	sdelay $0x3  }
0x34: {  	[smem:$0x3FA3] =	sst s10  }
0x35: {  	s10 =	sld [smem:$0x3FA2];
	_ =	sdelay $0x3  }
0x36: {  	p1 =	seq.s32 s10, $0x1;
	s10 =	sld [smem:$0x3FA3];
	_ =	sdelay $0x3  }
0x37: {  	[smem:$0x3FA3] =	sst s10  }
0x38: {  	s10 =	sld [smem:$0x3FA4]  }
0x39: {  	_ = 	snop;
	(pc) =	sbr.ind lr, $3  }
0x3a: {  	_ = 	snop  }
0x3b: {  	_ = 	snop  }
0x3c: {  	p2 =	seq.s32 s10, $0x1;
	s10 =	sld [smem:$0x3FA3]  }
0x3d: {  	_ =	shalt  }
0x3e: {  	_ =	shalt  }
0x3f: {  	_ =	shalt  }
0x40: {  	_ =	shalt  }
0x41: {  	_ =	shalt  }
0x42: {  	_ =	shalt  }
0x43: {  	_ =	shalt  }
0x44: {  	_ =	shalt  }
0x45: {  	_ =	shalt  }
0x46: {  	_ =	shalt  }
0x47: {  	_ =	shalt  }
0x48: {  	_ =	shalt  }
0x49: {  	_ =	shalt  }
0x4a: {  	_ =	shalt  }
0x4b: {  	_ =	shalt  }
0x4c: {  	_ =	shalt  }
0x4d: {  	_ =	shalt  }
0x4e: {  	_ =	shalt  }
0x4f: {  	_ =	shalt  }
0x50: {  	_ =	shalt  }
0x51: {  	_ =	shalt  }
0x52: {  	_ =	shalt  }
0x53: {  	_ =	shalt  }
0x54: {  	_ =	shalt  }
0x55: {  	_ =	shalt  }
0x56: {  	_ =	shalt  }
0x57: {  	_ =	shalt  }
0x58: {  	_ =	shalt  }
0x59: {  	_ =	shalt  }
0x5a: {  	_ =	shalt  }
0x5b: {  	_ =	shalt  }
0x5c: {  	_ =	shalt  }
0x5d: {  	_ =	shalt  }
0x5e: {  	_ =	shalt  }
0x5f: {  	_ =	shalt  }
0x60: {  	_ =	shalt  }
0x61: {  	_ =	shalt  }
0x62: {  	_ =	shalt  }
0x63: {  	_ =	shalt  }
0x64: {  	_ =	shalt  }
0x65: {  	_ =	shalt  }
0x66: {  	_ =	shalt  }
0x67: {  	_ =	shalt  }
0x68: {  	_ =	shalt  }
0x69: {  	_ =	shalt  }
0x6a: {  	_ =	shalt  }
0x6b: {  	_ =	shalt  }
0x6c: {  	_ =	shalt  }
0x6d: {  	_ =	shalt  }
0x6e: {  	_ =	shalt  }
0x6f: {  	_ =	shalt  }
0x70: {  	_ =	shalt  }
0x71: {  	_ =	shalt  }
0x72: {  	_ =	shalt  }
0x73: {  	_ =	shalt  }
0x74: {  	_ =	shalt  }
0x75: {  	_ =	shalt  }
0x76: {  	_ =	shalt  }
0x77: {  	_ =	shalt  }
0x78: {  	_ =	shalt  }
0x79: {  	_ =	shalt  }
0x7a: {  	_ =	shalt  }
0x7b: {  	_ =	shalt  }
0x7c: {  	_ =	shalt  }
0x7d: {  	_ =	shalt  }
0x7e: {  	_ =	shalt  }
0x7f: {  	_ =	shalt  }
0x80: {  	_ =	shalt  }
0x81: {  	_ =	shalt  }
0x82: {  	_ =	shalt  }
0x83: {  	_ =	shalt  }
0x84: {  	_ =	shalt  }
0x85: {  	_ =	shalt  }
0x86: {  	_ =	shalt  }
0x87: {  	_ =	shalt  }
.Lfunc_end0:
.L_simem_size_0:
called_computation_lowered:
.L_overlay_start_0:
0x88: {  	s2 =	sld [smem:$0x3FD9]  }
0x89: {  	s3 =	sld [smem:$0x3FFE];
	_ =	sdelay $0x1  }
0x8a: {  	s1 =	srdreg.scid  }
0x8b: {  	s0 =	sand.u32 $0x1, s1  }
0x8c: {  	s16 =	sshll.u32 s0, $0xA;
	s2 =	sadd.s32 s3, s2  }
0x8d: {  	s2 =	sadd.s32 s2, s16  }
0x8e: {  	[smem:$0x3FAF] =	sst s2  }
0x8f: {  	_ = 	snop  }
0x90: {  	(tm) =	ssettm $0x1  }
0x91: {  	s17 =	sld [smem:$0x3FFB];
	_ =	sdelay $0x3  }
0x92: {  	_ =	strace s17  }
0x93: {  	s2 =	sld [smem:$0x3FFC];
	_ =	sdelay $0x3  }
0x94: {  	_ =	strace s2  }
0x95: {  	s2 =	sld [smem:$0x3FFD];
	_ =	sdelay $0x3  }
0x96: {  	_ =	strace s2  }
0x97: {  	_ =	strace $0x8FFFFFFF  }
0x98: {  	s18 =	sld [smem:$0x3FDB];
	_ =	sdelay $0x1  }
0x99: {  	s19 =	simm.s32 $_scs_section_size  }
0x9a: {  	s4 =	simm.s32 $_size__tile_overlayer_lowered;
	s5 =	simm.s32 $_tile_overlayer_lowered  }
0x9b: {  	s22 =	simm.s32 $0x1BFF;
	s21 =	sshll.u32 s5, $0x1;
	s2 =	sadd.s32 s19, s18  }
0x9c: {  	s6 =	simm.s32 $0x0;
	s20 =	sshll.u32 s4, $0x1;
	s4 =	sadd.s32 s21, s2  }
0x9d: {  	[timem:s6], [sflag:s22] =	dma.local [hbm:s4], s20  }
0x9e: {  	_ =	swait.ge [sflag:s22], s20  }
0x9f: {  	s3 =	ssub.s32 $0x0, s20;
	[sflag:s22] =	ssyncset.done $0x0  }
0xa0: {  	[sflag:s22] =	ssyncadd.s32 s3;
	_ =	sdelay $0x1  }
0xa1: {  	s23 =	simm.s32 $0x1B8B  }
0xa2: {  	_ =	swait.ge [sflag:s23], $0x1  }
0xa3: {  	[sflag:s23] =	ssyncset.done $0x0  }
0xa4: {  	s25 =	simm.s32 $0x1B8E;
	s24 =	sld [smem:$0x3FFE];
	[sflag:s23] =	ssyncadd.s32 $0xFFFFFFFF  }
0xa5: {  	s26 =	simm.s32 $execute0_lowered;
	[smem:$0x3FD2] =	sst s25  }
0xa6: {  	s4 =	sshll.u32 s26, $0x1;
	_ =	strace $0x80000046;
	[dreg:$0x1] =	wrdreg $0xFFFFFFFF  }
0xa7: {  	s28 =	simm.s32 $_size_execute0_lowered;
	s2 =	sadd.s32 s2, s4;
	[dreg:$0x0] =	wrdreg $0x0  }
0xa8: {  	s4 =	sshll.u32 s28, $0x1;
	[dreg:$0x2] =	wrdreg s2  }
0xa9: {  	[dreg:$0x3] =	wrdreg s4  }
0xaa: {  	[dreg:$0x4] =	wrdreg $0xC0  }
0xab: {  	_ =	task [dreg:s6], $0x5FFFF  }
0xac: {  	[dreg:$0x1] =	wrdreg $0xFFFFFFFF  }
0xad: {  	[dreg:$0x0] =	wrdreg $0x60  }
0xae: {  	[dreg:$0x2] =	wrdreg s24  }
0xaf: {  	[dreg:$0x3] =	wrdreg $0x0  }
0xb0: {  	[dreg:$0x4] =	wrdreg $0x9  }
0xb1: {  	_ =	task.clear_ibuf [dreg:s6], $0x5FFFF;
	_ =	strace $0x90000046  }
0xb2: {  	s29 =	simm.s32 $0x9;
	_ =	strace $0x80000048  }
0xb3: {  	_ =	swait.ge [sflag:s29], $0x1  }
0xb4: {  	[sflag:s29] =	ssyncadd.s32 $0xFFFFFFFF  }
0xb5: {  	_ =	strace $0x90000048  }
0xb6: {  	_ =	sfence  }
0xb7: {  	s30 =	sld [smem:$0x0];
	_ =	sdelay $0x2  }
0xb8: {  	s31 =	sshll.u32 s1, $0xD;
	s1 =	sshrl.u32 s1, $0x2  }
0xb9: {  	s3 =	sand.u32 $0x4000, s31;
	s1 =	sadd.s32 s1, s30  }
0xba: {  	s0 =	sor.u32 s3, s0;
	s1 =	sshll.u32 s1, $0x11  }
0xbb: {  	s0 =	sor.u32 s1, s0  }
0xbc: {  	s0 =	sadd.s32 $0x8F2B, s0  }
0xbd: {  	[sflag:s0] =	ssyncadd.remote.s32 $0x1  }
0xbe: {  	_ =	sfence.sel $0xFFFF  }
0xbf: {  	[dreg:$0x0] =	wrdreg $0xFFFFFFFF;
	(pc) =	sbr.abs _section_cstart, $3  }
0xc0: {  	[dreg:$0x1] =	wrdreg $0xFFFFFFFF  }
0xc1: {  	_ =	task.clear_ibuf [dreg:s6], $0x2FFFF;
	_ =	strace $0x9FFFFFFF  }
0xc2: {  	(tm) =	ssettm $0x7FFFFFFF  }
0xc3: {  	_ =	shalt  }
tec
execute0_lowered:
.L_overlay_start_1:
0x0: {  	(tag) =	ssettag $0x1  }
0x1: {  	s0 =	rddreg [dreg:$0x0]  }
0x2: {  	s1 =	rddreg [dreg:$0x1];
	s2 =	simm.s32 $0x0;
	s16 =	stileid.u32  }
0x3: {  	s5 =	srdreg.scid;
	s28 =	simm.s32 $0x1;
	s3 =	smul.u32 $0x500, s16  }
0x4: {  	s29 =	simm.s32 $0x3;
	s30 =	simm.s32 $0x2;
	s8 =	smul.u32 $0x270, s16  }
0x5: {  	s31 =	simm.s32 $0x4;
	[smem:$0x7FF] =	sst s2;
	s9 =	smul.u32 $0x4E000, s16  }
0x6: {  	s4 =	sadd.s32 $0x1EA00, s0;
	s6 =	sand.u32 $0x1, s5;
	s18 =	smul.u32 $0x2C00, s16  }
0x7: {  	s5 =	sadd.s32 $0x8A00, s0;
	s13 =	sadd.s32 $0x138000, s1;
	s11 =	smul.u32 $0x2710, s6  }
0x8: {  	p0 =	sne.s32 s16, $0x0;
	s16 =	simm.s32 $0x14080;
	s25 =	smul.u32 $0x138800, s6  }
0x9: {  	s7 =	ssub.s32 $0x2, s6;
	s17 =	smul.u32 $0x2C000, s6;
	s6 =	sor.u32 $0x2, s6  }
0xa: {  	_ =	strace $0x80000047;
	[dreg:$0x6] =	wrdreg s13;
	s19 =	smul.u32 $0x2710, s6  }
0xb: {  	s3 =	sadd.s32 s3, s0;
	s10 =	sshrl.u32 s7, $0x1;
	s14 =	smul.u32 $0x138800, s6  }
0xc: {  	s0 =	sadd.s32 $0xBAE00, s0;
	s23 =	sshrl.u32 s9, $0x2;
	s6 =	smul.u32 $0x2C000, s6  }
0xd: {  	s10 =	ssub.s32 s7, s10;
	s3 =	sadd.s32 $0x3A00, s3;
	s24 =	sadd.s32 s8, s11  }
0xe: {  	s7 =	sadd.s32 s23, s1;
	s11 =	sshrl.u32 s25, $0x3;
	s9 =	sadd.s32 s18, s17  }
0xf: {  	[dreg:$0x4] =	wrdreg s3;
	s26 =	sshll.u32 s24, $0x4;
	s11 =	sadd.s32 $0x27000, s11  }
0x10: {  	s20 =	sshrl.u32 s9, $0x3;
	s22 =	sadd.s32 s8, s19;
	s23 =	sshrl.u32 s14, $0x3  }
0x11: {  	s6 =	sadd.s32 s18, s6;
	s25 =	sadd.s32 $0x58400, s9;
	s12 =	sadd.s32 s4, s26  }
0x12: {  	s19 =	smax.u32 s10, $0x1;
	s15 =	sadd.s32 s4, s11;
	[dreg:$0x5] =	wrdreg s12  }
0x13: {  	s3 =	sadd.s32 s0, s26;
	s21 =	sadd.s32 s0, s11;
	[dreg:$0x7] =	wrdreg s15  }
0x14: {  	s8 =	sadd.s32 $0x27000, s23;
	s6 =	sshrl.u32 s6, $0x3;
	[dreg:$0x9] =	wrdreg s3  }
0x15: {  	s26 =	sadd.s32 $0x400, s9;
	s15 =	sadd.s32 s5, s20;
	[dreg:$0xa] =	wrdreg s21  }
0x16: {  	s3 =	sshll.u32 s22, $0x4;
	s24 =	sadd.s32 s4, s8;
	[dreg:$0x3] =	wrdreg s26  }
0x17: {  	s6 =	sadd.s32 s5, s6;
	s18 =	sadd.s32 s0, s8;
	[dreg:$0x8] =	wrdreg s15  }
0x18: {  	s22 =	simm.s32 $0x6;
	s26 =	simm.s32 $0x1B080;
	[dreg:$0xb] =	wrdreg s24  }
0x19: {  	s21 =	simm.s32 $0x0;
	s14 =	sadd.s32 s4, s3;
	[dreg:$0xc] =	wrdreg s6  }
0x1a: {  	s17 =	sadd.s32 s0, s3;
	s0 =	sshrl.u32 s25, $0x3;
	s24 =	simm.s32 $0x80  }
0x1b: {  	s25 =	simm.s32 $0x17080;
	s20 =	sadd.s32 s0, s5;
	s0 =	simm.s32 $0x5  }
.LBB2_1:
0x1c: {  	s3 =	rddreg [dreg:$0x4];
	s6 =	simm.s32 $0x14880  }
0x1d: {  	[tilespmem:s6], [sflag:$0x6] =	stream.linear.gather [hbm4b:s3+s2], $0x2800, $0x38;
	[tilespmem:$0x1F080] =	vst v63  }
0x1e: {  	s11 =	stileid.u32;
	_ =	swait.ge [sflag:s22], $0x2800  }
0x1f: {  	s3 =	sshll.u32 s11, $0x6;
	s6 =	sshrl.u32 s7, $0x3;
	[sflag:s22] =	ssyncset.done $0x0  }
0x20: {  	s3 =	sor.u32 $0x1C06, s3;
	s8 =	rddreg [dreg:$0x5];
	[sflag:s22] =	ssyncadd.s32 $0xFFFFD800  }
0x21: {  	[spmem:s6], [sflag:s3] =	dma.local [hbm:s8], $0x2700  }
0x22: {  	_ =	swait.ge [sflag:s22], $0x2700  }
0x23: {  	[sflag:s22] =	ssyncset.done $0x0;
	s8 =	rddreg [dreg:$0x6]  }
0x24: {  	s9 =	rddreg [dreg:$0x7];
	[sflag:s22] =	ssyncadd.s32 $0xFFFFD900;
	s8 =	sshrl.u32 @!p0 s8, $0x3  }
0x25: {  	[spmem:s8], [sflag:s3] =	dma.local @!p0 [hbm:s9], $0x100  }
0x26: {  	s9 =	simm.s32 @!p0 $0x6  }
0x27: {  	_ =	swait.ge @!p0 [sflag:s9], $0x100  }
0x28: {  	[sflag:s9] =	ssyncset.done @!p0 $0x0  }
0x29: {  	s12 =	rddreg [dreg:$0x8];
	[sflag:s9] =	ssyncadd.s32 @!p0 $0xFFFFFF00  }
0x2a: {  	[tilespmem:s16], [sflag:$0x6] =	stream.linear.gather [hbm4b:s12+s2], $0x400, $0x38;
	[tilespmem:$0x1F080] =	vst v63  }
0x2b: {  	_ =	swait.ge [sflag:s22], $0x400  }
0x2c: {  	[sflag:s22] =	ssyncset.done $0x0  }
0x2d: {  	[sflag:s22] =	ssyncadd.s32 $0xFFFFFC00  }
0x2e: {  	[bflag:$0x0] =	sbarrier.arrive $0xFFFF  }
0x2f: {  	s10 =	rddreg [dreg:$0x3]  }
0x30: {  	s9 =	simm.s32 $0x400;
	s10 =	sadd.s32 $0x0, s10  }
0x31: {  	s11 =	sand.u32 $0x400, s9;
	s10 =	sshrl.u32 s10, $0x3  }
0x32: {  	s11 =	sor.u32 $0x14080, s11;
	s10 =	sadd.s32 s5, s10  }
0x33: {  	[tilespmem:s11], [sflag:$0x5] =	stream.linear.gather [hbm4b:s10+s2], $0x400, $0x38;
	[tilespmem:$0x1F080] =	vst v63  }
0x34: {  	s10 =	sand.u32 $0x400, s2  }
0x35: {  	s13 =	sor.u32 $0x14080, s10  }
0x36: {  	[tilespmem:s25], [sflag:$0x1] =	stream.indirect.gather [hbm4b:s4+s24], $0x80, s13, s24, $0xb8;
	[tilespmem:$0x1F080] =	vst v63  }
0x37: {  	s15 =	sor.u32 $0x14100, s10  }
0x38: {  	[tilespmem:s26], [sflag:$0x2] =	stream.indirect.gather [hbm4b:s4+s24], $0x80, s15, s24, $0xb8;
	[tilespmem:$0x1F080] =	vst v63  }
0x39: {  	_ =	swait.ge [sflag:s28], $0x4000  }
0x3a: {  	[sflag:s28] =	ssyncset.done $0x0  }
0x3b: {  	s23 =	simm.s32 $0x14880;
	[sflag:s28] =	ssyncadd.s32 $0xFFFFC000  }
0x3c: {  	[spmem:s1] =	stream.indirect.scatter.add.f32 [tilespmem:s25], [sflag:$0x3], $0x80, s23, s24, $0xb8;
	[tilespmem:$0x1F080] =	vst v63  }
0x3d: {  	_ =	swait.ge [sflag:s29], $0x4000  }
0x3e: {  	[sflag:s29] =	ssyncset.done $0x0  }
0x3f: {  	s12 =	sor.u32 $0x14180, s10;
	[sflag:s29] =	ssyncadd.s32 $0xFFFFC000  }
0x40: {  	[tilespmem:s25], [sflag:$0x1] =	stream.indirect.gather [hbm4b:s4+s24], $0x80, s12, s24, $0xb8;
	[tilespmem:$0x1F080] =	vst v63  }
0x41: {  	_ =	swait.ge [sflag:s30], $0x4000  }
0x42: {  	[sflag:s30] =	ssyncset.done $0x0  }
0x43: {  	s13 =	simm.s32 $0x14900;
	[sflag:s30] =	ssyncadd.s32 $0xFFFFC000  }
0x44: {  	[spmem:s1] =	stream.indirect.scatter.add.f32 [tilespmem:s26], [sflag:$0x4], $0x80, s13, s24, $0xb8;
	[tilespmem:$0x1F080] =	vst v63  }
0x45: {  	_ =	swait.ge [sflag:s31], $0x4000  }
0x46: {  	[sflag:s31] =	ssyncset.done $0x0  }
0x47: {  	s15 =	sor.u32 $0x14200, s10;
	[sflag:s31] =	ssyncadd.s32 $0xFFFFC000  }
0x48: {  	[tilespmem:s26], [sflag:$0x2] =	stream.indirect.gather [hbm4b:s4+s24], $0x80, s15, s24, $0xb8;
	[tilespmem:$0x1F080] =	vst v63  }
0x49: {  	_ =	swait.ge [sflag:s28], $0x4000  }
0x4a: {  	[sflag:s28] =	ssyncset.done $0x0  }
0x4b: {  	s23 =	simm.s32 $0x14980;
	[sflag:s28] =	ssyncadd.s32 $0xFFFFC000  }
0x4c: {  	[spmem:s1] =	stream.indirect.scatter.add.f32 [tilespmem:s25], [sflag:$0x3], $0x80, s23, s24, $0xb8;
	[tilespmem:$0x1F080] =	vst v63  }
0x4d: {  	_ =	swait.ge [sflag:s29], $0x4000  }
0x4e: {  	[sflag:s29] =	ssyncset.done $0x0  }
0x4f: {  	s12 =	sor.u32 $0x14280, s10;
	[sflag:s29] =	ssyncadd.s32 $0xFFFFC000  }
0x50: {  	[tilespmem:s25], [sflag:$0x1] =	stream.indirect.gather [hbm4b:s4+s24], $0x80, s12, s24, $0xb8;
	[tilespmem:$0x1F080] =	vst v63  }
0x51: {  	_ =	swait.ge [sflag:s30], $0x4000  }
0x52: {  	[sflag:s30] =	ssyncset.done $0x0  }
0x53: {  	s13 =	simm.s32 $0x14A00;
	[sflag:s30] =	ssyncadd.s32 $0xFFFFC000  }
0x54: {  	[spmem:s1] =	stream.indirect.scatter.add.f32 [tilespmem:s26], [sflag:$0x4], $0x80, s13, s24, $0xb8;
	[tilespmem:$0x1F080] =	vst v63  }
0x55: {  	_ =	swait.ge [sflag:s31], $0x4000  }
0x56: {  	[sflag:s31] =	ssyncset.done $0x0  }
0x57: {  	s15 =	sor.u32 $0x14300, s10;
	[sflag:s31] =	ssyncadd.s32 $0xFFFFC000  }
0x58: {  	[tilespmem:s26], [sflag:$0x2] =	stream.indirect.gather [hbm4b:s4+s24], $0x80, s15, s24, $0xb8;
	[tilespmem:$0x1F080] =	vst v63  }
0x59: {  	_ =	swait.ge [sflag:s28], $0x4000  }
0x5a: {  	[sflag:s28] =	ssyncset.done $0x0  }
0x5b: {  	s23 =	simm.s32 $0x14A80;
	[sflag:s28] =	ssyncadd.s32 $0xFFFFC000  }
0x5c: {  	[spmem:s1] =	stream.indirect.scatter.add.f32 [tilespmem:s25], [sflag:$0x3], $0x80, s23, s24, $0xb8;
	[tilespmem:$0x1F080] =	vst v63  }
0x5d: {  	_ =	swait.ge [sflag:s29], $0x4000  }
0x5e: {  	[sflag:s29] =	ssyncset.done $0x0  }
0x5f: {  	s12 =	sor.u32 $0x14380, s10;
	[sflag:s29] =	ssyncadd.s32 $0xFFFFC000  }
0x60: {  	[tilespmem:s25], [sflag:$0x1] =	stream.indirect.gather [hbm4b:s4+s24], $0x80, s12, s24, $0xb8;
	[tilespmem:$0x1F080] =	vst v63  }
0x61: {  	_ =	swait.ge [sflag:s30], $0x4000  }
0x62: {  	[sflag:s30] =	ssyncset.done $0x0  }
0x63: {  	s13 =	simm.s32 $0x14B00;
	[sflag:s30] =	ssyncadd.s32 $0xFFFFC000  }
0x64: {  	[spmem:s1] =	stream.indirect.scatter.add.f32 [tilespmem:s26], [sflag:$0x4], $0x80, s13, s24, $0xb8;
	[tilespmem:$0x1F080] =	vst v63  }
0x65: {  	_ =	swait.ge [sflag:s31], $0x4000  }
0x66: {  	[sflag:s31] =	ssyncset.done $0x0  }
0x67: {  	s10 =	sadd.s32 $0x14400, s10;
	[sflag:s31] =	ssyncadd.s32 $0xFFFFC000  }
0x68: {  	[tilespmem:s26], [sflag:$0x2] =	stream.indirect.gather [hbm4b:s4+s24], $0x80, s10, s24, $0xb8;
	[tilespmem:$0x1F080] =	vst v63  }
0x69: {  	_ =	swait.ge [sflag:s28], $0x4000  }
0x6a: {  	[sflag:s28] =	ssyncset.done $0x0  }
0x6b: {  	s15 =	simm.s32 $0x14B80;
	[sflag:s28] =	ssyncadd.s32 $0xFFFFC000  }
0x6c: {  	[spmem:s1] =	stream.indirect.scatter.add.f32 [tilespmem:s25], [sflag:$0x3], $0x80, s15, s24, $0xb8;
	[tilespmem:$0x1F080] =	vst v63  }
0x6d: {  	_ =	swait.ge [sflag:s30], $0x4000  }
0x6e: {  	[sflag:s30] =	ssyncset.done $0x0  }
0x6f: {  	s23 =	simm.s32 $0x14C00;
	[sflag:s30] =	ssyncadd.s32 $0xFFFFC000  }
0x70: {  	[spmem:s1] =	stream.indirect.scatter.add.f32 [tilespmem:s26], [sflag:$0x4], $0x80, s23, s24, $0xb8;
	[tilespmem:$0x1F080] =	vst v63  }
0x71: {  	_ =	swait.ge [sflag:s29], $0x4000  }
0x72: {  	[sflag:s29] =	ssyncset.done $0x0  }
0x73: {  	[sflag:s29] =	ssyncadd.s32 $0xFFFFC000  }
0x74: {  	_ =	swait.ge [sflag:s31], $0x4000  }
0x75: {  	[sflag:s31] =	ssyncset.done $0x0  }
0x76: {  	[sflag:s31] =	ssyncadd.s32 $0xFFFFC000  }
0x77: {  	s10 =	simm.s32 $0x1000;
	_ =	swait.ge [sflag:s0], $0x400  }
.LBB2_2:
0x78: {  	s11 =	rddreg [dreg:$0x3]  }
0x79: {  	s13 =	sadd.s32 s9, s11;
	s11 =	sand.u32 $0x400, s9;
	s9 =	sadd.s32 $0x400, s9  }
0x7a: {  	[sflag:s0] =	ssyncset.done $0x0;
	s15 =	sand.u32 $0x400, s9;
	s13 =	sshrl.u32 s13, $0x3  }
0x7b: {  	[sflag:s0] =	ssyncadd.s32 $0xFFFFFC00;
	s15 =	sor.u32 $0x14080, s15;
	s13 =	sadd.s32 s5, s13  }
0x7c: {  	[tilespmem:s15], [sflag:$0x5] =	stream.linear.gather [hbm4b:s13+s2], $0x400, $0x38;
	[tilespmem:$0x1F080] =	vst v63  }
0x7d: {  	s23 =	sor.u32 $0x14080, s11  }
0x7e: {  	[tilespmem:s25], [sflag:$0x1] =	stream.indirect.gather [hbm4b:s4+s24], $0x80, s23, s24, $0xb8;
	[tilespmem:$0x1F080] =	vst v63  }
0x7f: {  	s15 =	sor.u32 $0x14100, s11  }
0x80: {  	[tilespmem:s26], [sflag:$0x2] =	stream.indirect.gather [hbm4b:s4+s24], $0x80, s15, s24, $0xb8;
	[tilespmem:$0x1F080] =	vst v63  }
0x81: {  	s12 =	smov.u32 s10;
	_ =	swait.ge [sflag:s28], $0x4000  }
0x82: {  	s12 =	sshra.s32 s12, $0x2;
	[sflag:s28] =	ssyncset.done $0x0  }
0x83: {  	s23 =	sadd.s32 $0x14880, s12;
	[sflag:s28] =	ssyncadd.s32 $0xFFFFC000  }
0x84: {  	[spmem:s1] =	stream.indirect.scatter.add.f32 [tilespmem:s25], [sflag:$0x3], $0x80, s23, s24, $0xb8;
	[tilespmem:$0x1F080] =	vst v63  }
0x85: {  	_ =	swait.ge [sflag:s29], $0x4000  }
0x86: {  	[sflag:s29] =	ssyncset.done $0x0  }
0x87: {  	s15 =	sor.u32 $0x14180, s11;
	[sflag:s29] =	ssyncadd.s32 $0xFFFFC000  }
0x88: {  	[tilespmem:s25], [sflag:$0x1] =	stream.indirect.gather [hbm4b:s4+s24], $0x80, s15, s24, $0xb8;
	[tilespmem:$0x1F080] =	vst v63  }
0x89: {  	_ =	swait.ge [sflag:s30], $0x4000  }
0x8a: {  	[sflag:s30] =	ssyncset.done $0x0  }
0x8b: {  	s23 =	sadd.s32 $0x14900, s12;
	[sflag:s30] =	ssyncadd.s32 $0xFFFFC000  }
0x8c: {  	[spmem:s1] =	stream.indirect.scatter.add.f32 [tilespmem:s26], [sflag:$0x4], $0x80, s23, s24, $0xb8;
	[tilespmem:$0x1F080] =	vst v63  }
0x8d: {  	_ =	swait.ge [sflag:s31], $0x4000  }
0x8e: {  	[sflag:s31] =	ssyncset.done $0x0  }
0x8f: {  	s15 =	sor.u32 $0x14200, s11;
	[sflag:s31] =	ssyncadd.s32 $0xFFFFC000  }
0x90: {  	[tilespmem:s26], [sflag:$0x2] =	stream.indirect.gather [hbm4b:s4+s24], $0x80, s15, s24, $0xb8;
	[tilespmem:$0x1F080] =	vst v63  }
0x91: {  	_ =	swait.ge [sflag:s28], $0x4000  }
0x92: {  	[sflag:s28] =	ssyncset.done $0x0  }
0x93: {  	s23 =	sadd.s32 $0x14980, s12;
	[sflag:s28] =	ssyncadd.s32 $0xFFFFC000  }
0x94: {  	[spmem:s1] =	stream.indirect.scatter.add.f32 [tilespmem:s25], [sflag:$0x3], $0x80, s23, s24, $0xb8;
	[tilespmem:$0x1F080] =	vst v63  }
0x95: {  	_ =	swait.ge [sflag:s29], $0x4000  }
0x96: {  	[sflag:s29] =	ssyncset.done $0x0  }
0x97: {  	s15 =	sor.u32 $0x14280, s11;
	[sflag:s29] =	ssyncadd.s32 $0xFFFFC000  }
0x98: {  	[tilespmem:s25], [sflag:$0x1] =	stream.indirect.gather [hbm4b:s4+s24], $0x80, s15, s24, $0xb8;
	[tilespmem:$0x1F080] =	vst v63  }
0x99: {  	_ =	swait.ge [sflag:s30], $0x4000  }
0x9a: {  	[sflag:s30] =	ssyncset.done $0x0  }
0x9b: {  	s23 =	sadd.s32 $0x14A00, s12;
	[sflag:s30] =	ssyncadd.s32 $0xFFFFC000  }
0x9c: {  	[spmem:s1] =	stream.indirect.scatter.add.f32 [tilespmem:s26], [sflag:$0x4], $0x80, s23, s24, $0xb8;
	[tilespmem:$0x1F080] =	vst v63  }
0x9d: {  	_ =	swait.ge [sflag:s31], $0x4000  }
0x9e: {  	[sflag:s31] =	ssyncset.done $0x0  }
0x9f: {  	s15 =	sor.u32 $0x14300, s11;
	[sflag:s31] =	ssyncadd.s32 $0xFFFFC000  }
0xa0: {  	[tilespmem:s26], [sflag:$0x2] =	stream.indirect.gather [hbm4b:s4+s24], $0x80, s15, s24, $0xb8;
	[tilespmem:$0x1F080] =	vst v63  }
0xa1: {  	_ =	swait.ge [sflag:s28], $0x4000  }
0xa2: {  	[sflag:s28] =	ssyncset.done $0x0  }
0xa3: {  	s23 =	sadd.s32 $0x14A80, s12;
	[sflag:s28] =	ssyncadd.s32 $0xFFFFC000  }
0xa4: {  	[spmem:s1] =	stream.indirect.scatter.add.f32 [tilespmem:s25], [sflag:$0x3], $0x80, s23, s24, $0xb8;
	[tilespmem:$0x1F080] =	vst v63  }
0xa5: {  	_ =	swait.ge [sflag:s29], $0x4000  }
0xa6: {  	[sflag:s29] =	ssyncset.done $0x0  }
0xa7: {  	s15 =	sor.u32 $0x14380, s11;
	[sflag:s29] =	ssyncadd.s32 $0xFFFFC000  }
0xa8: {  	[tilespmem:s25], [sflag:$0x1] =	stream.indirect.gather [hbm4b:s4+s24], $0x80, s15, s24, $0xb8;
	[tilespmem:$0x1F080] =	vst v63  }
0xa9: {  	_ =	swait.ge [sflag:s30], $0x4000  }
0xaa: {  	[sflag:s30] =	ssyncset.done $0x0  }
0xab: {  	s23 =	sadd.s32 $0x14B00, s12;
	[sflag:s30] =	ssyncadd.s32 $0xFFFFC000  }
0xac: {  	[spmem:s1] =	stream.indirect.scatter.add.f32 [tilespmem:s26], [sflag:$0x4], $0x80, s23, s24, $0xb8;
	[tilespmem:$0x1F080] =	vst v63  }
0xad: {  	_ =	swait.ge [sflag:s31], $0x4000  }
0xae: {  	[sflag:s31] =	ssyncset.done $0x0  }
0xaf: {  	s11 =	sadd.s32 $0x14400, s11;
	[sflag:s31] =	ssyncadd.s32 $0xFFFFC000  }
0xb0: {  	[tilespmem:s26], [sflag:$0x2] =	stream.indirect.gather [hbm4b:s4+s24], $0x80, s11, s24, $0xb8;
	[tilespmem:$0x1F080] =	vst v63  }
0xb1: {  	_ =	swait.ge [sflag:s28], $0x4000  }
0xb2: {  	[sflag:s28] =	ssyncset.done $0x0  }
0xb3: {  	s15 =	sadd.s32 $0x14B80, s12;
	[sflag:s28] =	ssyncadd.s32 $0xFFFFC000  }
0xb4: {  	[spmem:s1] =	stream.indirect.scatter.add.f32 [tilespmem:s25], [sflag:$0x3], $0x80, s15, s24, $0xb8;
	[tilespmem:$0x1F080] =	vst v63  }
0xb5: {  	_ =	swait.ge [sflag:s30], $0x4000  }
0xb6: {  	[sflag:s30] =	ssyncset.done $0x0  }
0xb7: {  	s23 =	sadd.s32 $0x14C00, s12;
	[sflag:s30] =	ssyncadd.s32 $0xFFFFC000  }
0xb8: {  	[spmem:s1] =	stream.indirect.scatter.add.f32 [tilespmem:s26], [sflag:$0x4], $0x80, s23, s24, $0xb8;
	[tilespmem:$0x1F080] =	vst v63  }
0xb9: {  	_ =	swait.ge [sflag:s29], $0x4000  }
0xba: {  	p1 =	sne.s32 s10, $0x9000;
	[sflag:s29] =	ssyncset.done $0x0  }
.Ltmp0:
0xbb: {  	[sflag:s29] =	ssyncadd.s32 $0xFFFFC000;
	(pc) =	sbr.rel @p1 .LBB2_2-.Ltmp0, $4  }
0xbc: {  	_ =	swait.ge [sflag:s31], $0x4000  }
0xbd: {  	[sflag:s31] =	ssyncset.done $0x0  }
0xbe: {  	[sflag:s31] =	ssyncadd.s32 $0xFFFFC000  }
0xbf: {  	s10 =	sadd.s32 $0x1000, s10;
	_ =	swait.ge [sflag:s0], $0x400  }
0xc0: {  	[sflag:s0] =	ssyncset.done $0x0  }
0xc1: {  	[sflag:s0] =	ssyncadd.s32 $0xFFFFFC00  }
0xc2: {  	[bflag:$0x0] =	sbarrier.arrive $0xFFFF  }
0xc3: {  	s9 =	rddreg [dreg:$0x9]  }
0xc4: {  	[hbm:s9], [sflag:s3] =	dma.local [spmem:s6], $0x2700  }
0xc5: {  	_ =	swait.ge [sflag:s22], $0x2700  }
0xc6: {  	[sflag:s22] =	ssyncset.done $0x0  }
0xc7: {  	[sflag:s22] =	ssyncadd.s32 $0xFFFFD900  }
0xc8: {  	s9 =	sshrl.u32 @p0 s7, $0x3;
	[bflag:$0x0] =	sbarrier.arrive @p0 $0xFFFF  }
0xc9: {  	[spmem:s9], [sflag:s3] =	dma.local @p0 [hbm:s14], $0x2700  }
0xca: {  	s9 =	simm.s32 @p0 $0x6  }
0xcb: {  	_ =	swait.ge @p0 [sflag:s9], $0x2700  }
0xcc: {  	[sflag:s9] =	ssyncset.done @p0 $0x0  }
0xcd: {  	[sflag:s9] =	ssyncadd.s32 @p0 $0xFFFFD900;
	s9 =	rddreg [dreg:$0xa]  }
0xce: {  	[hbm:s9], [sflag:s3] =	dma.local @!p0 [spmem:s8], $0x100  }
0xcf: {  	s9 =	simm.s32 @!p0 $0x6  }
0xd0: {  	_ =	swait.ge @!p0 [sflag:s9], $0x100  }
0xd1: {  	[sflag:s9] =	ssyncset.done @!p0 $0x0  }
0xd2: {  	[sflag:s9] =	ssyncadd.s32 @!p0 $0xFFFFFF00  }
0xd3: {  	s10 =	sshrl.u32 @!p0 s7, $0x3;
	[bflag:$0x0] =	sbarrier.arrive @!p0 $0xFFFF  }
0xd4: {  	[spmem:s10], [sflag:s3] =	dma.local @!p0 [hbm:s14], $0x2700  }
0xd5: {  	_ =	swait.ge @!p0 [sflag:s9], $0x2700  }
0xd6: {  	[sflag:s9] =	ssyncset.done @!p0 $0x0  }
0xd7: {  	s10 =	rddreg [dreg:$0xb];
	[sflag:s9] =	ssyncadd.s32 @!p0 $0xFFFFD900  }
0xd8: {  	[spmem:s8], [sflag:s3] =	dma.local @!p0 [hbm:s10], $0x100  }
0xd9: {  	_ =	swait.ge @!p0 [sflag:s9], $0x100  }
0xda: {  	[sflag:s9] =	ssyncset.done @!p0 $0x0  }
0xdb: {  	s23 =	simm.s32 $0x0;
	s11 =	rddreg [dreg:$0xc];
	[sflag:s9] =	ssyncadd.s32 @!p0 $0xFFFFFF00  }
0xdc: {  	[tilespmem:s16], [sflag:$0x6] =	stream.linear.gather [hbm4b:s11+s23], $0x400, $0x38;
	[tilespmem:$0x1F080] =	vst v63  }
0xdd: {  	_ =	swait.ge [sflag:s22], $0x400  }
0xde: {  	s9 =	simm.s32 $0x400;
	[sflag:s22] =	ssyncset.done $0x0  }
0xdf: {  	s11 =	sand.u32 $0x400, s9;
	[sflag:s22] =	ssyncadd.s32 $0xFFFFFC00  }
0xe0: {  	s10 =	sand.u32 $0x400, s23;
	s11 =	sor.u32 $0x14080, s11;
	[bflag:$0x0] =	sbarrier.arrive $0xFFFF  }
0xe1: {  	[tilespmem:s11], [sflag:$0x5] =	stream.linear.gather [hbm4b:s20+s2], $0x400, $0x38;
	[tilespmem:$0x1F080] =	vst v63  }
0xe2: {  	s12 =	sor.u32 $0x14080, s10  }
0xe3: {  	[tilespmem:s25], [sflag:$0x1] =	stream.indirect.gather [hbm4b:s4+s24], $0x80, s12, s24, $0xb8;
	[tilespmem:$0x1F080] =	vst v63  }
0xe4: {  	s13 =	sor.u32 $0x14100, s10  }
0xe5: {  	[tilespmem:s26], [sflag:$0x2] =	stream.indirect.gather [hbm4b:s4+s24], $0x80, s13, s24, $0xb8;
	[tilespmem:$0x1F080] =	vst v63  }
0xe6: {  	_ =	swait.ge [sflag:s28], $0x4000  }
0xe7: {  	[sflag:s28] =	ssyncset.done $0x0  }
0xe8: {  	s15 =	simm.s32 $0x14880;
	[sflag:s28] =	ssyncadd.s32 $0xFFFFC000  }
0xe9: {  	[spmem:s1] =	stream.indirect.scatter.add.f32 [tilespmem:s25], [sflag:$0x3], $0x80, s15, s24, $0xb8;
	[tilespmem:$0x1F080] =	vst v63  }
0xea: {  	_ =	swait.ge [sflag:s29], $0x4000  }
0xeb: {  	[sflag:s29] =	ssyncset.done $0x0  }
0xec: {  	s16 =	sor.u32 $0x14180, s10;
	[sflag:s29] =	ssyncadd.s32 $0xFFFFC000  }
0xed: {  	[tilespmem:s25], [sflag:$0x1] =	stream.indirect.gather [hbm4b:s4+s24], $0x80, s16, s24, $0xb8;
	[tilespmem:$0x1F080] =	vst v63  }
0xee: {  	_ =	swait.ge [sflag:s30], $0x4000  }
0xef: {  	[sflag:s30] =	ssyncset.done $0x0  }
0xf0: {  	s23 =	simm.s32 $0x14900;
	[sflag:s30] =	ssyncadd.s32 $0xFFFFC000  }
0xf1: {  	[spmem:s1] =	stream.indirect.scatter.add.f32 [tilespmem:s26], [sflag:$0x4], $0x80, s23, s24, $0xb8;
	[tilespmem:$0x1F080] =	vst v63  }
0xf2: {  	_ =	swait.ge [sflag:s31], $0x4000  }
0xf3: {  	[sflag:s31] =	ssyncset.done $0x0  }
0xf4: {  	s12 =	sor.u32 $0x14200, s10;
	[sflag:s31] =	ssyncadd.s32 $0xFFFFC000  }
0xf5: {  	[tilespmem:s26], [sflag:$0x2] =	stream.indirect.gather [hbm4b:s4+s24], $0x80, s12, s24, $0xb8;
	[tilespmem:$0x1F080] =	vst v63  }
0xf6: {  	_ =	swait.ge [sflag:s28], $0x4000  }
0xf7: {  	[sflag:s28] =	ssyncset.done $0x0  }
0xf8: {  	s13 =	simm.s32 $0x14980;
	[sflag:s28] =	ssyncadd.s32 $0xFFFFC000  }
0xf9: {  	[spmem:s1] =	stream.indirect.scatter.add.f32 [tilespmem:s25], [sflag:$0x3], $0x80, s13, s24, $0xb8;
	[tilespmem:$0x1F080] =	vst v63  }
0xfa: {  	_ =	swait.ge [sflag:s29], $0x4000  }
0xfb: {  	[sflag:s29] =	ssyncset.done $0x0  }
0xfc: {  	s15 =	sor.u32 $0x14280, s10;
	[sflag:s29] =	ssyncadd.s32 $0xFFFFC000  }
0xfd: {  	[tilespmem:s25], [sflag:$0x1] =	stream.indirect.gather [hbm4b:s4+s24], $0x80, s15, s24, $0xb8;
	[tilespmem:$0x1F080] =	vst v63  }
0xfe: {  	_ =	swait.ge [sflag:s30], $0x4000  }
0xff: {  	[sflag:s30] =	ssyncset.done $0x0  }
0x100: {  	s16 =	simm.s32 $0x14A00;
	[sflag:s30] =	ssyncadd.s32 $0xFFFFC000  }
0x101: {  	[spmem:s1] =	stream.indirect.scatter.add.f32 [tilespmem:s26], [sflag:$0x4], $0x80, s16, s24, $0xb8;
	[tilespmem:$0x1F080] =	vst v63  }
0x102: {  	_ =	swait.ge [sflag:s31], $0x4000  }
0x103: {  	[sflag:s31] =	ssyncset.done $0x0  }
0x104: {  	s23 =	sor.u32 $0x14300, s10;
	[sflag:s31] =	ssyncadd.s32 $0xFFFFC000  }
0x105: {  	[tilespmem:s26], [sflag:$0x2] =	stream.indirect.gather [hbm4b:s4+s24], $0x80, s23, s24, $0xb8;
	[tilespmem:$0x1F080] =	vst v63  }
0x106: {  	_ =	swait.ge [sflag:s28], $0x4000  }
0x107: {  	[sflag:s28] =	ssyncset.done $0x0  }
0x108: {  	s12 =	simm.s32 $0x14A80;
	[sflag:s28] =	ssyncadd.s32 $0xFFFFC000  }
0x109: {  	[spmem:s1] =	stream.indirect.scatter.add.f32 [tilespmem:s25], [sflag:$0x3], $0x80, s12, s24, $0xb8;
	[tilespmem:$0x1F080] =	vst v63  }
0x10a: {  	_ =	swait.ge [sflag:s29], $0x4000  }
0x10b: {  	[sflag:s29] =	ssyncset.done $0x0  }
0x10c: {  	s13 =	sor.u32 $0x14380, s10;
	[sflag:s29] =	ssyncadd.s32 $0xFFFFC000  }
0x10d: {  	[tilespmem:s25], [sflag:$0x1] =	stream.indirect.gather [hbm4b:s4+s24], $0x80, s13, s24, $0xb8;
	[tilespmem:$0x1F080] =	vst v63  }
0x10e: {  	_ =	swait.ge [sflag:s30], $0x4000  }
0x10f: {  	[sflag:s30] =	ssyncset.done $0x0  }
0x110: {  	s15 =	simm.s32 $0x14B00;
	[sflag:s30] =	ssyncadd.s32 $0xFFFFC000  }
0x111: {  	[spmem:s1] =	stream.indirect.scatter.add.f32 [tilespmem:s26], [sflag:$0x4], $0x80, s15, s24, $0xb8;
	[tilespmem:$0x1F080] =	vst v63  }
0x112: {  	_ =	swait.ge [sflag:s31], $0x4000  }
0x113: {  	[sflag:s31] =	ssyncset.done $0x0  }
0x114: {  	s10 =	sadd.s32 $0x14400, s10;
	[sflag:s31] =	ssyncadd.s32 $0xFFFFC000  }
0x115: {  	[tilespmem:s26], [sflag:$0x2] =	stream.indirect.gather [hbm4b:s4+s24], $0x80, s10, s24, $0xb8;
	[tilespmem:$0x1F080] =	vst v63  }
0x116: {  	_ =	swait.ge [sflag:s28], $0x4000  }
0x117: {  	[sflag:s28] =	ssyncset.done $0x0  }
0x118: {  	s16 =	simm.s32 $0x14B80;
	[sflag:s28] =	ssyncadd.s32 $0xFFFFC000  }
0x119: {  	[spmem:s1] =	stream.indirect.scatter.add.f32 [tilespmem:s25], [sflag:$0x3], $0x80, s16, s24, $0xb8;
	[tilespmem:$0x1F080] =	vst v63  }
0x11a: {  	_ =	swait.ge [sflag:s30], $0x4000  }
0x11b: {  	[sflag:s30] =	ssyncset.done $0x0  }
0x11c: {  	s23 =	simm.s32 $0x14C00;
	[sflag:s30] =	ssyncadd.s32 $0xFFFFC000  }
0x11d: {  	[spmem:s1] =	stream.indirect.scatter.add.f32 [tilespmem:s26], [sflag:$0x4], $0x80, s23, s24, $0xb8;
	[tilespmem:$0x1F080] =	vst v63  }
0x11e: {  	_ =	swait.ge [sflag:s29], $0x4000  }
0x11f: {  	[sflag:s29] =	ssyncset.done $0x0  }
0x120: {  	[sflag:s29] =	ssyncadd.s32 $0xFFFFC000  }
0x121: {  	_ =	swait.ge [sflag:s31], $0x4000  }
0x122: {  	[sflag:s31] =	ssyncset.done $0x0  }
0x123: {  	s11 =	simm.s32 $0x2000;
	[sflag:s31] =	ssyncadd.s32 $0xFFFFC000  }
0x124: {  	s12 =	sadd.s32 $0x80, s20;
	s13 =	simm.s32 $0x800;
	_ =	swait.ge [sflag:s0], $0x400  }
0x125: {  	s15 =	sand.u32 $0x400, s13;
	s10 =	simm.s32 $0x1000;
	[sflag:s0] =	ssyncset.done $0x0  }
.LBB2_4:
0x126: {  	s16 =	sor.u32 $0x14080, s15;
	s15 =	sand.u32 $0x400, s9  }
0x127: {  	[sflag:s0] =	ssyncadd.s32 $0xFFFFFC00;
	s23 =	smov.u32 s11;
	s9 =	smov.u32 s13  }
0x128: {  	[tilespmem:s16], [sflag:$0x5] =	stream.linear.gather [hbm4b:s12+s2], $0x400, $0x38;
	[tilespmem:$0x1F080] =	vst v63  }
0x129: {  	p1 =	sne.s32 s11, $0x9000;
	s11 =	sadd.s32 $0x1000, s11;
	s16 =	sor.u32 $0x14080, s15  }
0x12a: {  	[tilespmem:s25], [sflag:$0x1] =	stream.indirect.gather [hbm4b:s4+s24], $0x80, s16, s24, $0xb8;
	[tilespmem:$0x1F080] =	vst v63  }
0x12b: {  	s16 =	sor.u32 $0x14100, s15  }
0x12c: {  	[tilespmem:s26], [sflag:$0x2] =	stream.indirect.gather [hbm4b:s4+s24], $0x80, s16, s24, $0xb8;
	[tilespmem:$0x1F080] =	vst v63  }
0x12d: {  	_ =	swait.ge [sflag:s28], $0x4000  }
0x12e: {  	s16 =	sshra.s32 s10, $0x2;
	s10 =	smov.u32 s23;
	[sflag:s28] =	ssyncset.done $0x0  }
0x12f: {  	s23 =	sadd.s32 $0x14880, s16;
	[sflag:s28] =	ssyncadd.s32 $0xFFFFC000  }
0x130: {  	[spmem:s1] =	stream.indirect.scatter.add.f32 [tilespmem:s25], [sflag:$0x3], $0x80, s23, s24, $0xb8;
	[tilespmem:$0x1F080] =	vst v63  }
0x131: {  	_ =	swait.ge [sflag:s29], $0x4000  }
0x132: {  	[sflag:s29] =	ssyncset.done $0x0  }
0x133: {  	s23 =	sor.u32 $0x14180, s15;
	[sflag:s29] =	ssyncadd.s32 $0xFFFFC000  }
0x134: {  	[tilespmem:s25], [sflag:$0x1] =	stream.indirect.gather [hbm4b:s4+s24], $0x80, s23, s24, $0xb8;
	[tilespmem:$0x1F080] =	vst v63  }
0x135: {  	_ =	swait.ge [sflag:s30], $0x4000  }
0x136: {  	[sflag:s30] =	ssyncset.done $0x0  }
0x137: {  	s23 =	sadd.s32 $0x14900, s16;
	[sflag:s30] =	ssyncadd.s32 $0xFFFFC000  }
0x138: {  	[spmem:s1] =	stream.indirect.scatter.add.f32 [tilespmem:s26], [sflag:$0x4], $0x80, s23, s24, $0xb8;
	[tilespmem:$0x1F080] =	vst v63  }
0x139: {  	_ =	swait.ge [sflag:s31], $0x4000  }
0x13a: {  	[sflag:s31] =	ssyncset.done $0x0  }
0x13b: {  	s23 =	sor.u32 $0x14200, s15;
	[sflag:s31] =	ssyncadd.s32 $0xFFFFC000  }
0x13c: {  	[tilespmem:s26], [sflag:$0x2] =	stream.indirect.gather [hbm4b:s4+s24], $0x80, s23, s24, $0xb8;
	[tilespmem:$0x1F080] =	vst v63  }
0x13d: {  	_ =	swait.ge [sflag:s28], $0x4000  }
0x13e: {  	[sflag:s28] =	ssyncset.done $0x0  }
0x13f: {  	s23 =	sadd.s32 $0x14980, s16;
	[sflag:s28] =	ssyncadd.s32 $0xFFFFC000  }
0x140: {  	[spmem:s1] =	stream.indirect.scatter.add.f32 [tilespmem:s25], [sflag:$0x3], $0x80, s23, s24, $0xb8;
	[tilespmem:$0x1F080] =	vst v63  }
0x141: {  	_ =	swait.ge [sflag:s29], $0x4000  }
0x142: {  	[sflag:s29] =	ssyncset.done $0x0  }
0x143: {  	s23 =	sor.u32 $0x14280, s15;
	[sflag:s29] =	ssyncadd.s32 $0xFFFFC000  }
0x144: {  	[tilespmem:s25], [sflag:$0x1] =	stream.indirect.gather [hbm4b:s4+s24], $0x80, s23, s24, $0xb8;
	[tilespmem:$0x1F080] =	vst v63  }
0x145: {  	_ =	swait.ge [sflag:s30], $0x4000  }
0x146: {  	[sflag:s30] =	ssyncset.done $0x0  }
0x147: {  	s23 =	sadd.s32 $0x14A00, s16;
	[sflag:s30] =	ssyncadd.s32 $0xFFFFC000  }
0x148: {  	[spmem:s1] =	stream.indirect.scatter.add.f32 [tilespmem:s26], [sflag:$0x4], $0x80, s23, s24, $0xb8;
	[tilespmem:$0x1F080] =	vst v63  }
0x149: {  	_ =	swait.ge [sflag:s31], $0x4000  }
0x14a: {  	[sflag:s31] =	ssyncset.done $0x0  }
0x14b: {  	s23 =	sor.u32 $0x14300, s15;
	[sflag:s31] =	ssyncadd.s32 $0xFFFFC000  }
0x14c: {  	[tilespmem:s26], [sflag:$0x2] =	stream.indirect.gather [hbm4b:s4+s24], $0x80, s23, s24, $0xb8;
	[tilespmem:$0x1F080] =	vst v63  }
0x14d: {  	_ =	swait.ge [sflag:s28], $0x4000  }
0x14e: {  	[sflag:s28] =	ssyncset.done $0x0  }
0x14f: {  	s23 =	sadd.s32 $0x14A80, s16;
	[sflag:s28] =	ssyncadd.s32 $0xFFFFC000  }
0x150: {  	[spmem:s1] =	stream.indirect.scatter.add.f32 [tilespmem:s25], [sflag:$0x3], $0x80, s23, s24, $0xb8;
	[tilespmem:$0x1F080] =	vst v63  }
0x151: {  	_ =	swait.ge [sflag:s29], $0x4000  }
0x152: {  	[sflag:s29] =	ssyncset.done $0x0  }
0x153: {  	s23 =	sor.u32 $0x14380, s15;
	[sflag:s29] =	ssyncadd.s32 $0xFFFFC000  }
0x154: {  	[tilespmem:s25], [sflag:$0x1] =	stream.indirect.gather [hbm4b:s4+s24], $0x80, s23, s24, $0xb8;
	[tilespmem:$0x1F080] =	vst v63  }
0x155: {  	_ =	swait.ge [sflag:s30], $0x4000  }
0x156: {  	[sflag:s30] =	ssyncset.done $0x0  }
0x157: {  	s23 =	sadd.s32 $0x14B00, s16;
	[sflag:s30] =	ssyncadd.s32 $0xFFFFC000  }
0x158: {  	[spmem:s1] =	stream.indirect.scatter.add.f32 [tilespmem:s26], [sflag:$0x4], $0x80, s23, s24, $0xb8;
	[tilespmem:$0x1F080] =	vst v63  }
0x159: {  	_ =	swait.ge [sflag:s31], $0x4000  }
0x15a: {  	[sflag:s31] =	ssyncset.done $0x0  }
0x15b: {  	s15 =	sadd.s32 $0x14400, s15;
	[sflag:s31] =	ssyncadd.s32 $0xFFFFC000  }
0x15c: {  	[tilespmem:s26], [sflag:$0x2] =	stream.indirect.gather [hbm4b:s4+s24], $0x80, s15, s24, $0xb8;
	[tilespmem:$0x1F080] =	vst v63  }
0x15d: {  	_ =	swait.ge [sflag:s28], $0x4000  }
0x15e: {  	[sflag:s28] =	ssyncset.done $0x0  }
0x15f: {  	s15 =	sadd.s32 $0x14B80, s16;
	[sflag:s28] =	ssyncadd.s32 $0xFFFFC000  }
0x160: {  	[spmem:s1] =	stream.indirect.scatter.add.f32 [tilespmem:s25], [sflag:$0x3], $0x80, s15, s24, $0xb8;
	[tilespmem:$0x1F080] =	vst v63  }
0x161: {  	_ =	swait.ge [sflag:s30], $0x4000  }
0x162: {  	[sflag:s30] =	ssyncset.done $0x0  }
0x163: {  	s15 =	sadd.s32 $0x14C00, s16;
	[sflag:s30] =	ssyncadd.s32 $0xFFFFC000  }
0x164: {  	[spmem:s1] =	stream.indirect.scatter.add.f32 [tilespmem:s26], [sflag:$0x4], $0x80, s15, s24, $0xb8;
	[tilespmem:$0x1F080] =	vst v63  }
0x165: {  	_ =	swait.ge [sflag:s29], $0x4000  }
0x166: {  	[sflag:s29] =	ssyncset.done $0x0  }
0x167: {  	[sflag:s29] =	ssyncadd.s32 $0xFFFFC000  }
.Ltmp1:
0x168: {  	_ =	swait.ge [sflag:s31], $0x4000;
	(pc) =	sbr.rel @p1 .LBB2_4-.Ltmp1, $4  }
0x169: {  	[sflag:s31] =	ssyncset.done $0x0  }
0x16a: {  	[sflag:s31] =	ssyncadd.s32 $0xFFFFC000  }
0x16b: {  	s13 =	sadd.s32 $0x400, s13;
	_ =	swait.ge [sflag:s0], $0x400  }
0x16c: {  	s12 =	sadd.s32 $0x80, s12;
	s15 =	sand.u32 $0x400, s13;
	[sflag:s0] =	ssyncset.done $0x0  }
0x16d: {  	s13 =	sor.u32 $0x14080, s15;
	s11 =	sand.u32 $0x400, s9;
	[sflag:s0] =	ssyncadd.s32 $0xFFFFFC00  }
0x16e: {  	[tilespmem:s13], [sflag:$0x5] =	stream.linear.gather [hbm4b:s12+s2], $0x400, $0x38;
	[tilespmem:$0x1F080] =	vst v63  }
0x16f: {  	s9 =	sor.u32 $0x14080, s11  }
0x170: {  	[tilespmem:s25], [sflag:$0x1] =	stream.indirect.gather [hbm4b:s4+s24], $0x80, s9, s24, $0xb8;
	[tilespmem:$0x1F080] =	vst v63  }
0x171: {  	s15 =	sor.u32 $0x14100, s11  }
0x172: {  	[tilespmem:s26], [sflag:$0x2] =	stream.indirect.gather [hbm4b:s4+s24], $0x80, s15, s24, $0xb8;
	[tilespmem:$0x1F080] =	vst v63  }
0x173: {  	_ =	swait.ge [sflag:s28], $0x4000  }
0x174: {  	s9 =	sshra.s32 s10, $0x2;
	[sflag:s28] =	ssyncset.done $0x0  }
0x175: {  	s10 =	sadd.s32 $0x14880, s9;
	[sflag:s28] =	ssyncadd.s32 $0xFFFFC000  }
0x176: {  	[spmem:s1] =	stream.indirect.scatter.add.f32 [tilespmem:s25], [sflag:$0x3], $0x80, s10, s24, $0xb8;
	[tilespmem:$0x1F080] =	vst v63  }
0x177: {  	_ =	swait.ge [sflag:s29], $0x4000  }
0x178: {  	[sflag:s29] =	ssyncset.done $0x0  }
0x179: {  	s16 =	sor.u32 $0x14180, s11;
	[sflag:s29] =	ssyncadd.s32 $0xFFFFC000  }
0x17a: {  	[tilespmem:s25], [sflag:$0x1] =	stream.indirect.gather [hbm4b:s4+s24], $0x80, s16, s24, $0xb8;
	[tilespmem:$0x1F080] =	vst v63  }
0x17b: {  	_ =	swait.ge [sflag:s30], $0x4000  }
0x17c: {  	[sflag:s30] =	ssyncset.done $0x0  }
0x17d: {  	s23 =	sadd.s32 $0x14900, s9;
	[sflag:s30] =	ssyncadd.s32 $0xFFFFC000  }
0x17e: {  	[spmem:s1] =	stream.indirect.scatter.add.f32 [tilespmem:s26], [sflag:$0x4], $0x80, s23, s24, $0xb8;
	[tilespmem:$0x1F080] =	vst v63  }
0x17f: {  	_ =	swait.ge [sflag:s31], $0x4000  }
0x180: {  	[sflag:s31] =	ssyncset.done $0x0  }
0x181: {  	s12 =	sor.u32 $0x14200, s11;
	[sflag:s31] =	ssyncadd.s32 $0xFFFFC000  }
0x182: {  	[tilespmem:s26], [sflag:$0x2] =	stream.indirect.gather [hbm4b:s4+s24], $0x80, s12, s24, $0xb8;
	[tilespmem:$0x1F080] =	vst v63  }
0x183: {  	_ =	swait.ge [sflag:s28], $0x4000  }
0x184: {  	[sflag:s28] =	ssyncset.done $0x0  }
0x185: {  	s13 =	sadd.s32 $0x14980, s9;
	[sflag:s28] =	ssyncadd.s32 $0xFFFFC000  }
0x186: {  	[spmem:s1] =	stream.indirect.scatter.add.f32 [tilespmem:s25], [sflag:$0x3], $0x80, s13, s24, $0xb8;
	[tilespmem:$0x1F080] =	vst v63  }
0x187: {  	_ =	swait.ge [sflag:s29], $0x4000  }
0x188: {  	[sflag:s29] =	ssyncset.done $0x0  }
0x189: {  	s15 =	sor.u32 $0x14280, s11;
	[sflag:s29] =	ssyncadd.s32 $0xFFFFC000  }
0x18a: {  	[tilespmem:s25], [sflag:$0x1] =	stream.indirect.gather [hbm4b:s4+s24], $0x80, s15, s24, $0xb8;
	[tilespmem:$0x1F080] =	vst v63  }
0x18b: {  	_ =	swait.ge [sflag:s30], $0x4000  }
0x18c: {  	[sflag:s30] =	ssyncset.done $0x0  }
0x18d: {  	s16 =	sadd.s32 $0x14A00, s9;
	[sflag:s30] =	ssyncadd.s32 $0xFFFFC000  }
0x18e: {  	[spmem:s1] =	stream.indirect.scatter.add.f32 [tilespmem:s26], [sflag:$0x4], $0x80, s16, s24, $0xb8;
	[tilespmem:$0x1F080] =	vst v63  }
0x18f: {  	_ =	swait.ge [sflag:s31], $0x4000  }
0x190: {  	[sflag:s31] =	ssyncset.done $0x0  }
0x191: {  	s23 =	sor.u32 $0x14300, s11;
	[sflag:s31] =	ssyncadd.s32 $0xFFFFC000  }
0x192: {  	[tilespmem:s26], [sflag:$0x2] =	stream.indirect.gather [hbm4b:s4+s24], $0x80, s23, s24, $0xb8;
	[tilespmem:$0x1F080] =	vst v63  }
0x193: {  	_ =	swait.ge [sflag:s28], $0x4000  }
0x194: {  	[sflag:s28] =	ssyncset.done $0x0  }
0x195: {  	s12 =	sadd.s32 $0x14A80, s9;
	[sflag:s28] =	ssyncadd.s32 $0xFFFFC000  }
0x196: {  	[spmem:s1] =	stream.indirect.scatter.add.f32 [tilespmem:s25], [sflag:$0x3], $0x80, s12, s24, $0xb8;
	[tilespmem:$0x1F080] =	vst v63  }
0x197: {  	_ =	swait.ge [sflag:s29], $0x4000  }
0x198: {  	[sflag:s29] =	ssyncset.done $0x0  }
0x199: {  	s13 =	sor.u32 $0x14380, s11;
	[sflag:s29] =	ssyncadd.s32 $0xFFFFC000  }
0x19a: {  	[tilespmem:s25], [sflag:$0x1] =	stream.indirect.gather [hbm4b:s4+s24], $0x80, s13, s24, $0xb8;
	[tilespmem:$0x1F080] =	vst v63  }
0x19b: {  	_ =	swait.ge [sflag:s30], $0x4000  }
0x19c: {  	[sflag:s30] =	ssyncset.done $0x0  }
0x19d: {  	s15 =	sadd.s32 $0x14B00, s9;
	[sflag:s30] =	ssyncadd.s32 $0xFFFFC000  }
0x19e: {  	[spmem:s1] =	stream.indirect.scatter.add.f32 [tilespmem:s26], [sflag:$0x4], $0x80, s15, s24, $0xb8;
	[tilespmem:$0x1F080] =	vst v63  }
0x19f: {  	_ =	swait.ge [sflag:s31], $0x4000  }
0x1a0: {  	[sflag:s31] =	ssyncset.done $0x0  }
0x1a1: {  	s16 =	sadd.s32 $0x14400, s11;
	[sflag:s31] =	ssyncadd.s32 $0xFFFFC000  }
0x1a2: {  	[tilespmem:s26], [sflag:$0x2] =	stream.indirect.gather [hbm4b:s4+s24], $0x80, s16, s24, $0xb8;
	[tilespmem:$0x1F080] =	vst v63  }
0x1a3: {  	_ =	swait.ge [sflag:s28], $0x4000  }
0x1a4: {  	[sflag:s28] =	ssyncset.done $0x0  }
0x1a5: {  	s23 =	sadd.s32 $0x14B80, s9;
	[sflag:s28] =	ssyncadd.s32 $0xFFFFC000  }
0x1a6: {  	[spmem:s1] =	stream.indirect.scatter.add.f32 [tilespmem:s25], [sflag:$0x3], $0x80, s23, s24, $0xb8;
	[tilespmem:$0x1F080] =	vst v63  }
0x1a7: {  	_ =	swait.ge [sflag:s30], $0x4000  }
0x1a8: {  	[sflag:s30] =	ssyncset.done $0x0  }
0x1a9: {  	s9 =	sadd.s32 $0x14C00, s9;
	[sflag:s30] =	ssyncadd.s32 $0xFFFFC000  }
0x1aa: {  	[spmem:s1] =	stream.indirect.scatter.add.f32 [tilespmem:s26], [sflag:$0x4], $0x80, s9, s24, $0xb8;
	[tilespmem:$0x1F080] =	vst v63  }
0x1ab: {  	_ =	swait.ge [sflag:s29], $0x4000  }
0x1ac: {  	[sflag:s29] =	ssyncset.done $0x0  }
0x1ad: {  	[sflag:s29] =	ssyncadd.s32 $0xFFFFC000  }
0x1ae: {  	_ =	swait.ge [sflag:s31], $0x4000  }
0x1af: {  	[sflag:s31] =	ssyncset.done $0x0  }
0x1b0: {  	[sflag:s31] =	ssyncadd.s32 $0xFFFFC000  }
0x1b1: {  	_ =	swait.ge [sflag:s0], $0x400  }
0x1b2: {  	[sflag:s0] =	ssyncset.done $0x0  }
0x1b3: {  	[sflag:s0] =	ssyncadd.s32 $0xFFFFFC00  }
0x1b4: {  	[bflag:$0x0] =	sbarrier.arrive $0xFFFF  }
0x1b5: {  	[hbm:s17], [sflag:s3] =	dma.local [spmem:s6], $0x2700  }
0x1b6: {  	_ =	swait.ge [sflag:s22], $0x2700  }
0x1b7: {  	[sflag:s22] =	ssyncset.done $0x0  }
0x1b8: {  	s21 =	sadd.s32 $0x1, s21;
	[sflag:s22] =	ssyncadd.s32 $0xFFFFD900  }
0x1b9: {  	[hbm:s18], [sflag:s3] =	dma.local @!p0 [spmem:s8], $0x100  }
0x1ba: {  	p1 =	sne.s32 s21, s19;
	s3 =	simm.s32 @!p0 $0x6  }
.Ltmp2:
0x1bb: {  	_ =	swait.ge @!p0 [sflag:s3], $0x100;
	(pc) =	sbr.rel @p1 .LBB2_1-.Ltmp2, $4  }
0x1bc: {  	[sflag:s3] =	ssyncset.done @!p0 $0x0  }
0x1bd: {  	[sflag:s3] =	ssyncadd.s32 @!p0 $0xFFFFFF00  }
0x1be: {  	[bflag:$0x0] =	sbarrier.arrive $0xFFFF  }
0x1bf: {  	s16 =	simm.s32 $0x14080  }
0x1c0: {  	_ =	sfence.sel $0x180000  }
0x1c1: {  	[bflag:$0x0] =	sbarrier.arrive $0xFFFF  }
0x1c2: {  	_ =	strace $0x90000047  }
0x1c3: {  	[bflag:$0x2] =	sbarrier.arrive $0xFFFF  }
0x1c4: {  	s0 =	rddreg [dreg:$0x2]  }
0x1c5: {  	s0 =	sadd.s32 @!p0 $0x100000, s0  }
0x1c6: {  	[sflag:s0] =	ssyncadd.tile.s32 @!p0 $0x1;
	_ =	shalt  }
.Lfunc_end2:
_tile_overlayer_lowered:
.L_overlay_start_2:
0x1c7: {  	(tag) =	ssettag $0x2  }
0x1c8: {  	s0 =	rddreg [dreg:$0x0];
	s2 =	stileid.u32  }
0x1c9: {  	s1 =	rddreg [dreg:$0x1];
	p0 =	sne.s32 s2, $0x0  }
0x1ca: {  	s3 =	rddreg [dreg:$0x2];
	[bflag:$0x3] =	sbarrier.arrive $0xFFFF;
	s2 =	simm.s32 @!p0 $0x1C06  }
0x1cb: {  	[timem:s3], [sflag:s2] =	dma.local @!p0 [hbm:s0], s1  }
0x1cc: {  	s0 =	simm.s32 @!p0 $0x6  }
0x1cd: {  	_ =	swait.ge @!p0 [sflag:s0], s1  }
0x1ce: {  	s1 =	ssub.s32 @!p0 $0x0, s1;
	[sflag:s0] =	ssyncset.done @!p0 $0x0  }
0x1cf: {  	[sflag:s0] =	ssyncadd.s32 @!p0 s1  }
0x1d0: {  	[bflag:$0x3] =	sbarrier.arrive $0xFFFF  }
0x1d1: {  	_ =	shalt  }

// kernel: kernel.14.cloned.1.call-start
scs
__scs_entry_jumppad:
0x0: {  	(pc) =	sbr.rel $0x88, $3  }
0x1: {  	(tag) =	ssettag $0x0;
	lr =	simm.s32 $0x1  }
0x2: {  	[smem:$0x3F88] =	sst lr;
	_ =	strace $0xD0000000  }
0x3: {  	_ = 	snop  }
0x4: {  	_ = 	snop  }
0x5: {  	_ = 	snop  }
0x6: {  	_ = 	snop  }
0x7: {  	_ = 	snop  }
__scs_overlays_trampoline_lowered:
0x8: {  	[smem:$0x3F97] =	sst s0  }
0x9: {  	[smem:$0x3F98] =	sst s1  }
0xa: {  	[smem:$0x3F99] =	sst s2  }
0xb: {  	[smem:$0x3F9A] =	sst s3  }
0xc: {  	[smem:$0x3F9B] =	sst s4  }
0xd: {  	[smem:$0x3F9C] =	sst s5  }
0xe: {  	[smem:$0x3F9D] =	sst s6  }
0xf: {  	[smem:$0x3F9E] =	sst s7  }
0x10: {  	[smem:$0x3F9F] =	sst s8  }
0x11: {  	[smem:$0x3FA0] =	sst s9;
	s0 =	simm.s32 @!p0 $0x0  }
0x12: {  	s1 =	sld [smem:$0x3F86];
	s0 =	simm.s32 @p0 $0x1  }
0x13: {  	[smem:$0x3FA1] =	sst s0;
	s0 =	simm.s32 @!p1 $0x0  }
0x14: {  	s2 =	sld [smem:$0x3F85];
	s0 =	simm.s32 @p1 $0x1  }
0x15: {  	[smem:$0x3FA2] =	sst s0;
	s0 =	simm.s32 @!p2 $0x0  }
0x16: {  	s3 =	sld [smem:$0x3FDB];
	s0 =	simm.s32 @p2 $0x1  }
0x17: {  	s4 =	simm.s32 $0x1BF5;
	[smem:$0x3FA4] =	sst s0  }
0x18: {  	s0 =	sld [smem:$0x3F87];
	_ =	swait.ge [sflag:s4], $0x0  }
0x19: {  	s7 =	sld [smem:$0x3F88]  }
0x1a: {  	s8 =	sadd.s32 $0xFFFFE003, lr  }
0x1b: {  	s9 =	sadd.s32 $0xFFFFFEF7, lr;
	s5 =	simm.s32 $0xFFFFFFFF;
	p2 =	slt.u32 s8, $0xFFFFF086  }
0x1c: {  	p1 =	slt.u32 s9, $0xF7A;
	s5 =	simm.s32 @!p2 $0x0  }
0x1d: {  	s5 =	simm.s32 @p1 $0x1;
	p0 =	seq.s32 s7, s2  }
0x1e: {  	s7 =	smul.u32 @!p0 $0xF7A, s2;
	p2 =	seq.s32 @!p0 s5, $0x0  }
0x1f: {  	s9 =	smul.u32 $0xF7A, s1;
	s8 =	simm.s32 @!p0 $0x1BF5;
	p2 =	por !p2, p0  }
0x20: {  	[sflag:s8] =	ssyncset.s32 @!p0 $0xFFFFF086;
	s6 =	sadd.s32 @!p0 s3, s7;
	s7 =	simm.s32 @!p0 $0x108  }
0x21: {  	s3 =	sadd.s32 s3, s9;
	s6 =	sadd.s32 @!p0 $0x88, s6;
	s7 =	simm.s32 @p2 $0x1082  }
0x22: {  	[simem:s7], [sflag:s8] =	dma.local @!p0 [hbm:s6], $0xF7A  }
0x23: {  	s9 =	sor.u32 $0xD0000000, s2;
	s6 =	simm.s32 $0x108;
	_ =	swait.ge @!p0 [sflag:s8], $0x0  }
0x24: {  	s3 =	sadd.s32 $0x88, s3;
	s6 =	simm.s32 @!p1 $0x1082;
	[sflag:s4] =	ssyncset.s32 $0xFFFFF086  }
0x25: {  	[simem:s6], [sflag:s4] =	dma.local [hbm:s3], $0xF7A  }
0x26: {  	[smem:$0x3F88] =	sst s1;
	(tag) =	ssettag s2;
	_ =	strace s9  }
0x27: {  	s1 =	sld [smem:$0x3F98]  }
0x28: {  	s2 =	sld [smem:$0x3F99]  }
0x29: {  	s4 =	sld [smem:$0x3F9B]  }
0x2a: {  	p0 =	seq.s32 s5, $0x0;
	s5 =	sld [smem:$0x3F9C]  }
0x2b: {  	s6 =	sld [smem:$0x3F9D]  }
0x2c: {  	s7 =	sld [smem:$0x3F9E]  }
0x2d: {  	s3 =	simm.s32 $0x108;
	s8 =	sld [smem:$0x3F9F]  }
0x2e: {  	s3 =	simm.s32 @!p0 $0x1082;
	s9 =	sld [smem:$0x3FA0]  }
0x2f: {  	lr =	sadd.s32 s0, s3;
	s0 =	sld [smem:$0x3F97]  }
0x30: {  	s3 =	sld [smem:$0x3F9A]  }
0x31: {  	[smem:$0x3FA3] =	sst s10  }
0x32: {  	s10 =	sld [smem:$0x3FA1];
	_ =	sdelay $0x3  }
0x33: {  	p0 =	seq.s32 s10, $0x1;
	s10 =	sld [smem:$0x3FA3];
	_ =	sdelay $0x3  }
0x34: {  	[smem:$0x3FA3] =	sst s10  }
0x35: {  	s10 =	sld [smem:$0x3FA2];
	_ =	sdelay $0x3  }
0x36: {  	p1 =	seq.s32 s10, $0x1;
	s10 =	sld [smem:$0x3FA3];
	_ =	sdelay $0x3  }
0x37: {  	[smem:$0x3FA3] =	sst s10  }
0x38: {  	s10 =	sld [smem:$0x3FA4]  }
0x39: {  	_ = 	snop;
	(pc) =	sbr.ind lr, $3  }
0x3a: {  	_ = 	snop  }
0x3b: {  	_ = 	snop  }
0x3c: {  	p2 =	seq.s32 s10, $0x1;
	s10 =	sld [smem:$0x3FA3]  }
0x3d: {  	_ =	shalt  }
0x3e: {  	_ =	shalt  }
0x3f: {  	_ =	shalt  }
0x40: {  	_ =	shalt  }
0x41: {  	_ =	shalt  }
0x42: {  	_ =	shalt  }
0x43: {  	_ =	shalt  }
0x44: {  	_ =	shalt  }
0x45: {  	_ =	shalt  }
0x46: {  	_ =	shalt  }
0x47: {  	_ =	shalt  }
0x48: {  	_ =	shalt  }
0x49: {  	_ =	shalt  }
0x4a: {  	_ =	shalt  }
0x4b: {  	_ =	shalt  }
0x4c: {  	_ =	shalt  }
0x4d: {  	_ =	shalt  }
0x4e: {  	_ =	shalt  }
0x4f: {  	_ =	shalt  }
0x50: {  	_ =	shalt  }
0x51: {  	_ =	shalt  }
0x52: {  	_ =	shalt  }
0x53: {  	_ =	shalt  }
0x54: {  	_ =	shalt  }
0x55: {  	_ =	shalt  }
0x56: {  	_ =	shalt  }
0x57: {  	_ =	shalt  }
0x58: {  	_ =	shalt  }
0x59: {  	_ =	shalt  }
0x5a: {  	_ =	shalt  }
0x5b: {  	_ =	shalt  }
0x5c: {  	_ =	shalt  }
0x5d: {  	_ =	shalt  }
0x5e: {  	_ =	shalt  }
0x5f: {  	_ =	shalt  }
0x60: {  	_ =	shalt  }
0x61: {  	_ =	shalt  }
0x62: {  	_ =	shalt  }
0x63: {  	_ =	shalt  }
0x64: {  	_ =	shalt  }
0x65: {  	_ =	shalt  }
0x66: {  	_ =	shalt  }
0x67: {  	_ =	shalt  }
0x68: {  	_ =	shalt  }
0x69: {  	_ =	shalt  }
0x6a: {  	_ =	shalt  }
0x6b: {  	_ =	shalt  }
0x6c: {  	_ =	shalt  }
0x6d: {  	_ =	shalt  }
0x6e: {  	_ =	shalt  }
0x6f: {  	_ =	shalt  }
0x70: {  	_ =	shalt  }
0x71: {  	_ =	shalt  }
0x72: {  	_ =	shalt  }
0x73: {  	_ =	shalt  }
0x74: {  	_ =	shalt  }
0x75: {  	_ =	shalt  }
0x76: {  	_ =	shalt  }
0x77: {  	_ =	shalt  }
0x78: {  	_ =	shalt  }
0x79: {  	_ =	shalt  }
0x7a: {  	_ =	shalt  }
0x7b: {  	_ =	shalt  }
0x7c: {  	_ =	shalt  }
0x7d: {  	_ =	shalt  }
0x7e: {  	_ =	shalt  }
0x7f: {  	_ =	shalt  }
0x80: {  	_ =	shalt  }
0x81: {  	_ =	shalt  }
0x82: {  	_ =	shalt  }
0x83: {  	_ =	shalt  }
0x84: {  	_ =	shalt  }
0x85: {  	_ =	shalt  }
0x86: {  	_ =	shalt  }
0x87: {  	_ =	shalt  }
.Lfunc_end0:
.L_simem_size_0:
called_computation.1_lowered:
.L_overlay_start_0:
0x88: {  	s2 =	sld [smem:$0x3FD9]  }
0x89: {  	s3 =	sld [smem:$0x3FFE];
	_ =	sdelay $0x1  }
0x8a: {  	s1 =	srdreg.scid  }
0x8b: {  	s0 =	sand.u32 $0x1, s1  }
0x8c: {  	s16 =	sshll.u32 s0, $0xA;
	s2 =	sadd.s32 s3, s2  }
0x8d: {  	s2 =	sadd.s32 s2, s16  }
0x8e: {  	[smem:$0x3FAF] =	sst s2  }
0x8f: {  	_ = 	snop  }
0x90: {  	(tm) =	ssettm $0x1  }
0x91: {  	s17 =	sld [smem:$0x3FFB];
	_ =	sdelay $0x3  }
0x92: {  	_ =	strace s17  }
0x93: {  	s2 =	sld [smem:$0x3FFC];
	_ =	sdelay $0x3  }
0x94: {  	_ =	strace s2  }
0x95: {  	s2 =	sld [smem:$0x3FFD];
	_ =	sdelay $0x3  }
0x96: {  	_ =	strace s2  }
0x97: {  	_ =	strace $0x8FFFFFFF  }
0x98: {  	s18 =	sld [smem:$0x3FDB];
	_ =	sdelay $0x1  }
0x99: {  	s19 =	simm.s32 $_scs_section_size  }
0x9a: {  	s4 =	simm.s32 $_size__tile_overlayer_lowered;
	s5 =	simm.s32 $_tile_overlayer_lowered  }
0x9b: {  	s22 =	simm.s32 $0x1BFF;
	s21 =	sshll.u32 s5, $0x1;
	s2 =	sadd.s32 s19, s18  }
0x9c: {  	s6 =	simm.s32 $0x0;
	s20 =	sshll.u32 s4, $0x1;
	s4 =	sadd.s32 s21, s2  }
0x9d: {  	[timem:s6], [sflag:s22] =	dma.local [hbm:s4], s20  }
0x9e: {  	_ =	swait.ge [sflag:s22], s20  }
0x9f: {  	s3 =	ssub.s32 $0x0, s20;
	[sflag:s22] =	ssyncset.done $0x0  }
0xa0: {  	[sflag:s22] =	ssyncadd.s32 s3;
	_ =	sdelay $0x1  }
0xa1: {  	s23 =	simm.s32 $0x1B8B  }
0xa2: {  	_ =	swait.ge [sflag:s23], $0x1  }
0xa3: {  	[sflag:s23] =	ssyncset.done $0x0  }
0xa4: {  	s25 =	simm.s32 $0x1B8E;
	s24 =	sld [smem:$0x3FFE];
	[sflag:s23] =	ssyncadd.s32 $0xFFFFFFFF  }
0xa5: {  	s26 =	simm.s32 $execute0_lowered;
	[smem:$0x3FD2] =	sst s25  }
0xa6: {  	s4 =	sshll.u32 s26, $0x1;
	_ =	strace $0x80000049;
	[dreg:$0x1] =	wrdreg $0xFFFFFFFF  }
0xa7: {  	s28 =	simm.s32 $_size_execute0_lowered;
	s2 =	sadd.s32 s2, s4;
	[dreg:$0x0] =	wrdreg $0x0  }
0xa8: {  	s4 =	sshll.u32 s28, $0x1;
	[dreg:$0x2] =	wrdreg s2  }
0xa9: {  	[dreg:$0x3] =	wrdreg s4  }
0xaa: {  	[dreg:$0x4] =	wrdreg $0xC0  }
0xab: {  	_ =	task [dreg:s6], $0x5FFFF  }
0xac: {  	[dreg:$0x1] =	wrdreg $0xFFFFFFFF  }
0xad: {  	[dreg:$0x0] =	wrdreg $0x60  }
0xae: {  	[dreg:$0x2] =	wrdreg s24  }
0xaf: {  	[dreg:$0x3] =	wrdreg $0x0  }
0xb0: {  	[dreg:$0x4] =	wrdreg $0x9  }
0xb1: {  	_ =	task.clear_ibuf [dreg:s6], $0x5FFFF;
	_ =	strace $0x90000049  }
0xb2: {  	s29 =	simm.s32 $0x9;
	_ =	strace $0x8000004B  }
0xb3: {  	_ =	swait.ge [sflag:s29], $0x1  }
0xb4: {  	[sflag:s29] =	ssyncadd.s32 $0xFFFFFFFF  }
0xb5: {  	_ =	strace $0x9000004B  }
0xb6: {  	_ =	sfence  }
0xb7: {  	s30 =	sld [smem:$0x0];
	_ =	sdelay $0x2  }
0xb8: {  	s31 =	sshll.u32 s1, $0xD;
	s1 =	sshrl.u32 s1, $0x2  }
0xb9: {  	s3 =	sand.u32 $0x4000, s31;
	s1 =	sadd.s32 s1, s30  }
0xba: {  	s0 =	sor.u32 s3, s0;
	s1 =	sshll.u32 s1, $0x11  }
0xbb: {  	s0 =	sor.u32 s1, s0  }
0xbc: {  	s0 =	sadd.s32 $0x8F2B, s0  }
0xbd: {  	[sflag:s0] =	ssyncadd.remote.s32 $0x1  }
0xbe: {  	_ =	sfence.sel $0xFFFF  }
0xbf: {  	[dreg:$0x0] =	wrdreg $0xFFFFFFFF;
	(pc) =	sbr.abs _section_cstart, $3  }
0xc0: {  	[dreg:$0x1] =	wrdreg $0xFFFFFFFF  }
0xc1: {  	_ =	task.clear_ibuf [dreg:s6], $0x2FFFF;
	_ =	strace $0x9FFFFFFF  }
0xc2: {  	(tm) =	ssettm $0x7FFFFFFF  }
0xc3: {  	_ =	shalt  }
tec
execute0_lowered:
.L_overlay_start_1:
0x0: {  	(tag) =	ssettag $0x1  }
0x1: {  	s0 =	rddreg [dreg:$0x0]  }
0x2: {  	s1 =	rddreg [dreg:$0x1];
	s2 =	simm.s32 $0x0;
	s16 =	stileid.u32  }
0x3: {  	s5 =	srdreg.scid;
	s28 =	simm.s32 $0x1;
	s3 =	smul.u32 $0x500, s16  }
0x4: {  	s29 =	simm.s32 $0x3;
	s30 =	simm.s32 $0x2;
	s8 =	smul.u32 $0x270, s16  }
0x5: {  	s31 =	simm.s32 $0x4;
	[smem:$0x7FF] =	sst s2;
	s9 =	smul.u32 $0x4E000, s16  }
0x6: {  	s4 =	sadd.s32 $0xBAE00, s0;
	s6 =	sand.u32 $0x1, s5;
	s18 =	smul.u32 $0x2C00, s16  }
0x7: {  	s5 =	sadd.s32 $0x8A00, s0;
	s13 =	sadd.s32 $0x138000, s1;
	s11 =	smul.u32 $0x2710, s6  }
0x8: {  	p0 =	sne.s32 s16, $0x0;
	s16 =	simm.s32 $0x14080;
	s25 =	smul.u32 $0x138800, s6  }
0x9: {  	s7 =	ssub.s32 $0x2, s6;
	s17 =	smul.u32 $0x2C000, s6;
	s6 =	sor.u32 $0x2, s6  }
0xa: {  	_ =	strace $0x8000004A;
	[dreg:$0x6] =	wrdreg s13;
	s19 =	smul.u32 $0x2710, s6  }
0xb: {  	s3 =	sadd.s32 s3, s0;
	s10 =	sshrl.u32 s7, $0x1;
	s14 =	smul.u32 $0x138800, s6  }
0xc: {  	s0 =	sadd.s32 $0x157200, s0;
	s23 =	sshrl.u32 s9, $0x2;
	s6 =	smul.u32 $0x2C000, s6  }
0xd: {  	s10 =	ssub.s32 s7, s10;
	s3 =	sadd.s32 $0x3A00, s3;
	s24 =	sadd.s32 s8, s11  }
0xe: {  	s7 =	sadd.s32 s23, s1;
	s11 =	sshrl.u32 s25, $0x3;
	s9 =	sadd.s32 s18, s17  }
0xf: {  	[dreg:$0x4] =	wrdreg s3;
	s26 =	sshll.u32 s24, $0x4;
	s11 =	sadd.s32 $0x27000, s11  }
0x10: {  	s20 =	sshrl.u32 s9, $0x3;
	s22 =	sadd.s32 s8, s19;
	s23 =	sshrl.u32 s14, $0x3  }
0x11: {  	s6 =	sadd.s32 s18, s6;
	s25 =	sadd.s32 $0x58400, s9;
	s12 =	sadd.s32 s4, s26  }
0x12: {  	s19 =	smax.u32 s10, $0x1;
	s15 =	sadd.s32 s4, s11;
	[dreg:$0x5] =	wrdreg s12  }
0x13: {  	s3 =	sadd.s32 s0, s26;
	s21 =	sadd.s32 s0, s11;
	[dreg:$0x7] =	wrdreg s15  }
0x14: {  	s8 =	sadd.s32 $0x27000, s23;
	s6 =	sshrl.u32 s6, $0x3;
	[dreg:$0x9] =	wrdreg s3  }
0x15: {  	s26 =	sadd.s32 $0x400, s9;
	s15 =	sadd.s32 s5, s20;
	[dreg:$0xa] =	wrdreg s21  }
0x16: {  	s3 =	sshll.u32 s22, $0x4;
	s24 =	sadd.s32 s4, s8;
	[dreg:$0x3] =	wrdreg s26  }
0x17: {  	s6 =	sadd.s32 s5, s6;
	s18 =	sadd.s32 s0, s8;
	[dreg:$0x8] =	wrdreg s15  }
0x18: {  	s22 =	simm.s32 $0x6;
	s26 =	simm.s32 $0x1B080;
	[dreg:$0xb] =	wrdreg s24  }
0x19: {  	s21 =	simm.s32 $0x0;
	s14 =	sadd.s32 s4, s3;
	[dreg:$0xc] =	wrdreg s6  }
0x1a: {  	s17 =	sadd.s32 s0, s3;
	s0 =	sshrl.u32 s25, $0x3;
	s24 =	simm.s32 $0x80  }
0x1b: {  	s25 =	simm.s32 $0x17080;
	s20 =	sadd.s32 s0, s5;
	s0 =	simm.s32 $0x5  }
.LBB2_1:
0x1c: {  	s3 =	rddreg [dreg:$0x4];
	s6 =	simm.s32 $0x14880  }
0x1d: {  	[tilespmem:s6], [sflag:$0x6] =	stream.linear.gather [hbm4b:s3+s2], $0x2800, $0x38;
	[tilespmem:$0x1F080] =	vst v63  }
0x1e: {  	s11 =	stileid.u32;
	_ =	swait.ge [sflag:s22], $0x2800  }
0x1f: {  	s3 =	sshll.u32 s11, $0x6;
	s6 =	sshrl.u32 s7, $0x3;
	[sflag:s22] =	ssyncset.done $0x0  }
0x20: {  	s3 =	sor.u32 $0x1C06, s3;
	s8 =	rddreg [dreg:$0x5];
	[sflag:s22] =	ssyncadd.s32 $0xFFFFD800  }
0x21: {  	[spmem:s6], [sflag:s3] =	dma.local [hbm:s8], $0x2700  }
0x22: {  	_ =	swait.ge [sflag:s22], $0x2700  }
0x23: {  	[sflag:s22] =	ssyncset.done $0x0;
	s8 =	rddreg [dreg:$0x6]  }
0x24: {  	s9 =	rddreg [dreg:$0x7];
	[sflag:s22] =	ssyncadd.s32 $0xFFFFD900;
	s8 =	sshrl.u32 @!p0 s8, $0x3  }
0x25: {  	[spmem:s8], [sflag:s3] =	dma.local @!p0 [hbm:s9], $0x100  }
0x26: {  	s9 =	simm.s32 @!p0 $0x6  }
0x27: {  	_ =	swait.ge @!p0 [sflag:s9], $0x100  }
0x28: {  	[sflag:s9] =	ssyncset.done @!p0 $0x0  }
0x29: {  	s12 =	rddreg [dreg:$0x8];
	[sflag:s9] =	ssyncadd.s32 @!p0 $0xFFFFFF00  }
0x2a: {  	[tilespmem:s16], [sflag:$0x6] =	stream.linear.gather [hbm4b:s12+s2], $0x400, $0x38;
	[tilespmem:$0x1F080] =	vst v63  }
0x2b: {  	_ =	swait.ge [sflag:s22], $0x400  }
0x2c: {  	[sflag:s22] =	ssyncset.done $0x0  }
0x2d: {  	[sflag:s22] =	ssyncadd.s32 $0xFFFFFC00  }
0x2e: {  	[bflag:$0x0] =	sbarrier.arrive $0xFFFF  }
0x2f: {  	s10 =	rddreg [dreg:$0x3]  }
0x30: {  	s9 =	simm.s32 $0x400;
	s10 =	sadd.s32 $0x0, s10  }
0x31: {  	s11 =	sand.u32 $0x400, s9;
	s10 =	sshrl.u32 s10, $0x3  }
0x32: {  	s11 =	sor.u32 $0x14080, s11;
	s10 =	sadd.s32 s5, s10  }
0x33: {  	[tilespmem:s11], [sflag:$0x5] =	stream.linear.gather [hbm4b:s10+s2], $0x400, $0x38;
	[tilespmem:$0x1F080] =	vst v63  }
0x34: {  	s10 =	sand.u32 $0x400, s2  }
0x35: {  	s13 =	sor.u32 $0x14080, s10  }
0x36: {  	[tilespmem:s25], [sflag:$0x1] =	stream.indirect.gather [hbm4b:s4+s24], $0x80, s13, s24, $0xb8;
	[tilespmem:$0x1F080] =	vst v63  }
0x37: {  	s15 =	sor.u32 $0x14100, s10  }
0x38: {  	[tilespmem:s26], [sflag:$0x2] =	stream.indirect.gather [hbm4b:s4+s24], $0x80, s15, s24, $0xb8;
	[tilespmem:$0x1F080] =	vst v63  }
0x39: {  	_ =	swait.ge [sflag:s28], $0x4000  }
0x3a: {  	[sflag:s28] =	ssyncset.done $0x0  }
0x3b: {  	s23 =	simm.s32 $0x14880;
	[sflag:s28] =	ssyncadd.s32 $0xFFFFC000  }
0x3c: {  	[spmem:s1] =	stream.indirect.scatter.add.f32 [tilespmem:s25], [sflag:$0x3], $0x80, s23, s24, $0xb8;
	[tilespmem:$0x1F080] =	vst v63  }
0x3d: {  	_ =	swait.ge [sflag:s29], $0x4000  }
0x3e: {  	[sflag:s29] =	ssyncset.done $0x0  }
0x3f: {  	s12 =	sor.u32 $0x14180, s10;
	[sflag:s29] =	ssyncadd.s32 $0xFFFFC000  }
0x40: {  	[tilespmem:s25], [sflag:$0x1] =	stream.indirect.gather [hbm4b:s4+s24], $0x80, s12, s24, $0xb8;
	[tilespmem:$0x1F080] =	vst v63  }
0x41: {  	_ =	swait.ge [sflag:s30], $0x4000  }
0x42: {  	[sflag:s30] =	ssyncset.done $0x0  }
0x43: {  	s13 =	simm.s32 $0x14900;
	[sflag:s30] =	ssyncadd.s32 $0xFFFFC000  }
0x44: {  	[spmem:s1] =	stream.indirect.scatter.add.f32 [tilespmem:s26], [sflag:$0x4], $0x80, s13, s24, $0xb8;
	[tilespmem:$0x1F080] =	vst v63  }
0x45: {  	_ =	swait.ge [sflag:s31], $0x4000  }
0x46: {  	[sflag:s31] =	ssyncset.done $0x0  }
0x47: {  	s15 =	sor.u32 $0x14200, s10;
	[sflag:s31] =	ssyncadd.s32 $0xFFFFC000  }
0x48: {  	[tilespmem:s26], [sflag:$0x2] =	stream.indirect.gather [hbm4b:s4+s24], $0x80, s15, s24, $0xb8;
	[tilespmem:$0x1F080] =	vst v63  }
0x49: {  	_ =	swait.ge [sflag:s28], $0x4000  }
0x4a: {  	[sflag:s28] =	ssyncset.done $0x0  }
0x4b: {  	s23 =	simm.s32 $0x14980;
	[sflag:s28] =	ssyncadd.s32 $0xFFFFC000  }
0x4c: {  	[spmem:s1] =	stream.indirect.scatter.add.f32 [tilespmem:s25], [sflag:$0x3], $0x80, s23, s24, $0xb8;
	[tilespmem:$0x1F080] =	vst v63  }
0x4d: {  	_ =	swait.ge [sflag:s29], $0x4000  }
0x4e: {  	[sflag:s29] =	ssyncset.done $0x0  }
0x4f: {  	s12 =	sor.u32 $0x14280, s10;
	[sflag:s29] =	ssyncadd.s32 $0xFFFFC000  }
0x50: {  	[tilespmem:s25], [sflag:$0x1] =	stream.indirect.gather [hbm4b:s4+s24], $0x80, s12, s24, $0xb8;
	[tilespmem:$0x1F080] =	vst v63  }
0x51: {  	_ =	swait.ge [sflag:s30], $0x4000  }
0x52: {  	[sflag:s30] =	ssyncset.done $0x0  }
0x53: {  	s13 =	simm.s32 $0x14A00;
	[sflag:s30] =	ssyncadd.s32 $0xFFFFC000  }
0x54: {  	[spmem:s1] =	stream.indirect.scatter.add.f32 [tilespmem:s26], [sflag:$0x4], $0x80, s13, s24, $0xb8;
	[tilespmem:$0x1F080] =	vst v63  }
0x55: {  	_ =	swait.ge [sflag:s31], $0x4000  }
0x56: {  	[sflag:s31] =	ssyncset.done $0x0  }
0x57: {  	s15 =	sor.u32 $0x14300, s10;
	[sflag:s31] =	ssyncadd.s32 $0xFFFFC000  }
0x58: {  	[tilespmem:s26], [sflag:$0x2] =	stream.indirect.gather [hbm4b:s4+s24], $0x80, s15, s24, $0xb8;
	[tilespmem:$0x1F080] =	vst v63  }
0x59: {  	_ =	swait.ge [sflag:s28], $0x4000  }
0x5a: {  	[sflag:s28] =	ssyncset.done $0x0  }
0x5b: {  	s23 =	simm.s32 $0x14A80;
	[sflag:s28] =	ssyncadd.s32 $0xFFFFC000  }
0x5c: {  	[spmem:s1] =	stream.indirect.scatter.add.f32 [tilespmem:s25], [sflag:$0x3], $0x80, s23, s24, $0xb8;
	[tilespmem:$0x1F080] =	vst v63  }
0x5d: {  	_ =	swait.ge [sflag:s29], $0x4000  }
0x5e: {  	[sflag:s29] =	ssyncset.done $0x0  }
0x5f: {  	s12 =	sor.u32 $0x14380, s10;
	[sflag:s29] =	ssyncadd.s32 $0xFFFFC000  }
0x60: {  	[tilespmem:s25], [sflag:$0x1] =	stream.indirect.gather [hbm4b:s4+s24], $0x80, s12, s24, $0xb8;
	[tilespmem:$0x1F080] =	vst v63  }
0x61: {  	_ =	swait.ge [sflag:s30], $0x4000  }
0x62: {  	[sflag:s30] =	ssyncset.done $0x0  }
0x63: {  	s13 =	simm.s32 $0x14B00;
	[sflag:s30] =	ssyncadd.s32 $0xFFFFC000  }
0x64: {  	[spmem:s1] =	stream.indirect.scatter.add.f32 [tilespmem:s26], [sflag:$0x4], $0x80, s13, s24, $0xb8;
	[tilespmem:$0x1F080] =	vst v63  }
0x65: {  	_ =	swait.ge [sflag:s31], $0x4000  }
0x66: {  	[sflag:s31] =	ssyncset.done $0x0  }
0x67: {  	s10 =	sadd.s32 $0x14400, s10;
	[sflag:s31] =	ssyncadd.s32 $0xFFFFC000  }
0x68: {  	[tilespmem:s26], [sflag:$0x2] =	stream.indirect.gather [hbm4b:s4+s24], $0x80, s10, s24, $0xb8;
	[tilespmem:$0x1F080] =	vst v63  }
0x69: {  	_ =	swait.ge [sflag:s28], $0x4000  }
0x6a: {  	[sflag:s28] =	ssyncset.done $0x0  }
0x6b: {  	s15 =	simm.s32 $0x14B80;
	[sflag:s28] =	ssyncadd.s32 $0xFFFFC000  }
0x6c: {  	[spmem:s1] =	stream.indirect.scatter.add.f32 [tilespmem:s25], [sflag:$0x3], $0x80, s15, s24, $0xb8;
	[tilespmem:$0x1F080] =	vst v63  }
0x6d: {  	_ =	swait.ge [sflag:s30], $0x4000  }
0x6e: {  	[sflag:s30] =	ssyncset.done $0x0  }
0x6f: {  	s23 =	simm.s32 $0x14C00;
	[sflag:s30] =	ssyncadd.s32 $0xFFFFC000  }
0x70: {  	[spmem:s1] =	stream.indirect.scatter.add.f32 [tilespmem:s26], [sflag:$0x4], $0x80, s23, s24, $0xb8;
	[tilespmem:$0x1F080] =	vst v63  }
0x71: {  	_ =	swait.ge [sflag:s29], $0x4000  }
0x72: {  	[sflag:s29] =	ssyncset.done $0x0  }
0x73: {  	[sflag:s29] =	ssyncadd.s32 $0xFFFFC000  }
0x74: {  	_ =	swait.ge [sflag:s31], $0x4000  }
0x75: {  	[sflag:s31] =	ssyncset.done $0x0  }
0x76: {  	[sflag:s31] =	ssyncadd.s32 $0xFFFFC000  }
0x77: {  	s10 =	simm.s32 $0x1000;
	_ =	swait.ge [sflag:s0], $0x400  }
.LBB2_2:
0x78: {  	s11 =	rddreg [dreg:$0x3]  }
0x79: {  	s13 =	sadd.s32 s9, s11;
	s11 =	sand.u32 $0x400, s9;
	s9 =	sadd.s32 $0x400, s9  }
0x7a: {  	[sflag:s0] =	ssyncset.done $0x0;
	s15 =	sand.u32 $0x400, s9;
	s13 =	sshrl.u32 s13, $0x3  }
0x7b: {  	[sflag:s0] =	ssyncadd.s32 $0xFFFFFC00;
	s15 =	sor.u32 $0x14080, s15;
	s13 =	sadd.s32 s5, s13  }
0x7c: {  	[tilespmem:s15], [sflag:$0x5] =	stream.linear.gather [hbm4b:s13+s2], $0x400, $0x38;
	[tilespmem:$0x1F080] =	vst v63  }
0x7d: {  	s23 =	sor.u32 $0x14080, s11  }
0x7e: {  	[tilespmem:s25], [sflag:$0x1] =	stream.indirect.gather [hbm4b:s4+s24], $0x80, s23, s24, $0xb8;
	[tilespmem:$0x1F080] =	vst v63  }
0x7f: {  	s15 =	sor.u32 $0x14100, s11  }
0x80: {  	[tilespmem:s26], [sflag:$0x2] =	stream.indirect.gather [hbm4b:s4+s24], $0x80, s15, s24, $0xb8;
	[tilespmem:$0x1F080] =	vst v63  }
0x81: {  	s12 =	smov.u32 s10;
	_ =	swait.ge [sflag:s28], $0x4000  }
0x82: {  	s12 =	sshra.s32 s12, $0x2;
	[sflag:s28] =	ssyncset.done $0x0  }
0x83: {  	s23 =	sadd.s32 $0x14880, s12;
	[sflag:s28] =	ssyncadd.s32 $0xFFFFC000  }
0x84: {  	[spmem:s1] =	stream.indirect.scatter.add.f32 [tilespmem:s25], [sflag:$0x3], $0x80, s23, s24, $0xb8;
	[tilespmem:$0x1F080] =	vst v63  }
0x85: {  	_ =	swait.ge [sflag:s29], $0x4000  }
0x86: {  	[sflag:s29] =	ssyncset.done $0x0  }
0x87: {  	s15 =	sor.u32 $0x14180, s11;
	[sflag:s29] =	ssyncadd.s32 $0xFFFFC000  }
0x88: {  	[tilespmem:s25], [sflag:$0x1] =	stream.indirect.gather [hbm4b:s4+s24], $0x80, s15, s24, $0xb8;
	[tilespmem:$0x1F080] =	vst v63  }
0x89: {  	_ =	swait.ge [sflag:s30], $0x4000  }
0x8a: {  	[sflag:s30] =	ssyncset.done $0x0  }
0x8b: {  	s23 =	sadd.s32 $0x14900, s12;
	[sflag:s30] =	ssyncadd.s32 $0xFFFFC000  }
0x8c: {  	[spmem:s1] =	stream.indirect.scatter.add.f32 [tilespmem:s26], [sflag:$0x4], $0x80, s23, s24, $0xb8;
	[tilespmem:$0x1F080] =	vst v63  }
0x8d: {  	_ =	swait.ge [sflag:s31], $0x4000  }
0x8e: {  	[sflag:s31] =	ssyncset.done $0x0  }
0x8f: {  	s15 =	sor.u32 $0x14200, s11;
	[sflag:s31] =	ssyncadd.s32 $0xFFFFC000  }
0x90: {  	[tilespmem:s26], [sflag:$0x2] =	stream.indirect.gather [hbm4b:s4+s24], $0x80, s15, s24, $0xb8;
	[tilespmem:$0x1F080] =	vst v63  }
0x91: {  	_ =	swait.ge [sflag:s28], $0x4000  }
0x92: {  	[sflag:s28] =	ssyncset.done $0x0  }
0x93: {  	s23 =	sadd.s32 $0x14980, s12;
	[sflag:s28] =	ssyncadd.s32 $0xFFFFC000  }
0x94: {  	[spmem:s1] =	stream.indirect.scatter.add.f32 [tilespmem:s25], [sflag:$0x3], $0x80, s23, s24, $0xb8;
	[tilespmem:$0x1F080] =	vst v63  }
0x95: {  	_ =	swait.ge [sflag:s29], $0x4000  }
0x96: {  	[sflag:s29] =	ssyncset.done $0x0  }
0x97: {  	s15 =	sor.u32 $0x14280, s11;
	[sflag:s29] =	ssyncadd.s32 $0xFFFFC000  }
0x98: {  	[tilespmem:s25], [sflag:$0x1] =	stream.indirect.gather [hbm4b:s4+s24], $0x80, s15, s24, $0xb8;
	[tilespmem:$0x1F080] =	vst v63  }
0x99: {  	_ =	swait.ge [sflag:s30], $0x4000  }
0x9a: {  	[sflag:s30] =	ssyncset.done $0x0  }
0x9b: {  	s23 =	sadd.s32 $0x14A00, s12;
	[sflag:s30] =	ssyncadd.s32 $0xFFFFC000  }
0x9c: {  	[spmem:s1] =	stream.indirect.scatter.add.f32 [tilespmem:s26], [sflag:$0x4], $0x80, s23, s24, $0xb8;
	[tilespmem:$0x1F080] =	vst v63  }
0x9d: {  	_ =	swait.ge [sflag:s31], $0x4000  }
0x9e: {  	[sflag:s31] =	ssyncset.done $0x0  }
0x9f: {  	s15 =	sor.u32 $0x14300, s11;
	[sflag:s31] =	ssyncadd.s32 $0xFFFFC000  }
0xa0: {  	[tilespmem:s26], [sflag:$0x2] =	stream.indirect.gather [hbm4b:s4+s24], $0x80, s15, s24, $0xb8;
	[tilespmem:$0x1F080] =	vst v63  }
0xa1: {  	_ =	swait.ge [sflag:s28], $0x4000  }
0xa2: {  	[sflag:s28] =	ssyncset.done $0x0  }
0xa3: {  	s23 =	sadd.s32 $0x14A80, s12;
	[sflag:s28] =	ssyncadd.s32 $0xFFFFC000  }
0xa4: {  	[spmem:s1] =	stream.indirect.scatter.add.f32 [tilespmem:s25], [sflag:$0x3], $0x80, s23, s24, $0xb8;
	[tilespmem:$0x1F080] =	vst v63  }
0xa5: {  	_ =	swait.ge [sflag:s29], $0x4000  }
0xa6: {  	[sflag:s29] =	ssyncset.done $0x0  }
0xa7: {  	s15 =	sor.u32 $0x14380, s11;
	[sflag:s29] =	ssyncadd.s32 $0xFFFFC000  }
0xa8: {  	[tilespmem:s25], [sflag:$0x1] =	stream.indirect.gather [hbm4b:s4+s24], $0x80, s15, s24, $0xb8;
	[tilespmem:$0x1F080] =	vst v63  }
0xa9: {  	_ =	swait.ge [sflag:s30], $0x4000  }
0xaa: {  	[sflag:s30] =	ssyncset.done $0x0  }
0xab: {  	s23 =	sadd.s32 $0x14B00, s12;
	[sflag:s30] =	ssyncadd.s32 $0xFFFFC000  }
0xac: {  	[spmem:s1] =	stream.indirect.scatter.add.f32 [tilespmem:s26], [sflag:$0x4], $0x80, s23, s24, $0xb8;
	[tilespmem:$0x1F080] =	vst v63  }
0xad: {  	_ =	swait.ge [sflag:s31], $0x4000  }
0xae: {  	[sflag:s31] =	ssyncset.done $0x0  }
0xaf: {  	s11 =	sadd.s32 $0x14400, s11;
	[sflag:s31] =	ssyncadd.s32 $0xFFFFC000  }
0xb0: {  	[tilespmem:s26], [sflag:$0x2] =	stream.indirect.gather [hbm4b:s4+s24], $0x80, s11, s24, $0xb8;
	[tilespmem:$0x1F080] =	vst v63  }
0xb1: {  	_ =	swait.ge [sflag:s28], $0x4000  }
0xb2: {  	[sflag:s28] =	ssyncset.done $0x0  }
0xb3: {  	s15 =	sadd.s32 $0x14B80, s12;
	[sflag:s28] =	ssyncadd.s32 $0xFFFFC000  }
0xb4: {  	[spmem:s1] =	stream.indirect.scatter.add.f32 [tilespmem:s25], [sflag:$0x3], $0x80, s15, s24, $0xb8;
	[tilespmem:$0x1F080] =	vst v63  }
0xb5: {  	_ =	swait.ge [sflag:s30], $0x4000  }
0xb6: {  	[sflag:s30] =	ssyncset.done $0x0  }
0xb7: {  	s23 =	sadd.s32 $0x14C00, s12;
	[sflag:s30] =	ssyncadd.s32 $0xFFFFC000  }
0xb8: {  	[spmem:s1] =	stream.indirect.scatter.add.f32 [tilespmem:s26], [sflag:$0x4], $0x80, s23, s24, $0xb8;
	[tilespmem:$0x1F080] =	vst v63  }
0xb9: {  	_ =	swait.ge [sflag:s29], $0x4000  }
0xba: {  	p1 =	sne.s32 s10, $0x9000;
	[sflag:s29] =	ssyncset.done $0x0  }
.Ltmp0:
0xbb: {  	[sflag:s29] =	ssyncadd.s32 $0xFFFFC000;
	(pc) =	sbr.rel @p1 .LBB2_2-.Ltmp0, $4  }
0xbc: {  	_ =	swait.ge [sflag:s31], $0x4000  }
0xbd: {  	[sflag:s31] =	ssyncset.done $0x0  }
0xbe: {  	[sflag:s31] =	ssyncadd.s32 $0xFFFFC000  }
0xbf: {  	s10 =	sadd.s32 $0x1000, s10;
	_ =	swait.ge [sflag:s0], $0x400  }
0xc0: {  	[sflag:s0] =	ssyncset.done $0x0  }
0xc1: {  	[sflag:s0] =	ssyncadd.s32 $0xFFFFFC00  }
0xc2: {  	[bflag:$0x0] =	sbarrier.arrive $0xFFFF  }
0xc3: {  	s9 =	rddreg [dreg:$0x9]  }
0xc4: {  	[hbm:s9], [sflag:s3] =	dma.local [spmem:s6], $0x2700  }
0xc5: {  	_ =	swait.ge [sflag:s22], $0x2700  }
0xc6: {  	[sflag:s22] =	ssyncset.done $0x0  }
0xc7: {  	[sflag:s22] =	ssyncadd.s32 $0xFFFFD900  }
0xc8: {  	s9 =	sshrl.u32 @p0 s7, $0x3;
	[bflag:$0x0] =	sbarrier.arrive @p0 $0xFFFF  }
0xc9: {  	[spmem:s9], [sflag:s3] =	dma.local @p0 [hbm:s14], $0x2700  }
0xca: {  	s9 =	simm.s32 @p0 $0x6  }
0xcb: {  	_ =	swait.ge @p0 [sflag:s9], $0x2700  }
0xcc: {  	[sflag:s9] =	ssyncset.done @p0 $0x0  }
0xcd: {  	[sflag:s9] =	ssyncadd.s32 @p0 $0xFFFFD900;
	s9 =	rddreg [dreg:$0xa]  }
0xce: {  	[hbm:s9], [sflag:s3] =	dma.local @!p0 [spmem:s8], $0x100  }
0xcf: {  	s9 =	simm.s32 @!p0 $0x6  }
0xd0: {  	_ =	swait.ge @!p0 [sflag:s9], $0x100  }
0xd1: {  	[sflag:s9] =	ssyncset.done @!p0 $0x0  }
0xd2: {  	[sflag:s9] =	ssyncadd.s32 @!p0 $0xFFFFFF00  }
0xd3: {  	s10 =	sshrl.u32 @!p0 s7, $0x3;
	[bflag:$0x0] =	sbarrier.arrive @!p0 $0xFFFF  }
0xd4: {  	[spmem:s10], [sflag:s3] =	dma.local @!p0 [hbm:s14], $0x2700  }
0xd5: {  	_ =	swait.ge @!p0 [sflag:s9], $0x2700  }
0xd6: {  	[sflag:s9] =	ssyncset.done @!p0 $0x0  }
0xd7: {  	s10 =	rddreg [dreg:$0xb];
	[sflag:s9] =	ssyncadd.s32 @!p0 $0xFFFFD900  }
0xd8: {  	[spmem:s8], [sflag:s3] =	dma.local @!p0 [hbm:s10], $0x100  }
0xd9: {  	_ =	swait.ge @!p0 [sflag:s9], $0x100  }
0xda: {  	[sflag:s9] =	ssyncset.done @!p0 $0x0  }
0xdb: {  	s23 =	simm.s32 $0x0;
	s11 =	rddreg [dreg:$0xc];
	[sflag:s9] =	ssyncadd.s32 @!p0 $0xFFFFFF00  }
0xdc: {  	[tilespmem:s16], [sflag:$0x6] =	stream.linear.gather [hbm4b:s11+s23], $0x400, $0x38;
	[tilespmem:$0x1F080] =	vst v63  }
0xdd: {  	_ =	swait.ge [sflag:s22], $0x400  }
0xde: {  	s9 =	simm.s32 $0x400;
	[sflag:s22] =	ssyncset.done $0x0  }
0xdf: {  	s11 =	sand.u32 $0x400, s9;
	[sflag:s22] =	ssyncadd.s32 $0xFFFFFC00  }
0xe0: {  	s10 =	sand.u32 $0x400, s23;
	s11 =	sor.u32 $0x14080, s11;
	[bflag:$0x0] =	sbarrier.arrive $0xFFFF  }
0xe1: {  	[tilespmem:s11], [sflag:$0x5] =	stream.linear.gather [hbm4b:s20+s2], $0x400, $0x38;
	[tilespmem:$0x1F080] =	vst v63  }
0xe2: {  	s12 =	sor.u32 $0x14080, s10  }
0xe3: {  	[tilespmem:s25], [sflag:$0x1] =	stream.indirect.gather [hbm4b:s4+s24], $0x80, s12, s24, $0xb8;
	[tilespmem:$0x1F080] =	vst v63  }
0xe4: {  	s13 =	sor.u32 $0x14100, s10  }
0xe5: {  	[tilespmem:s26], [sflag:$0x2] =	stream.indirect.gather [hbm4b:s4+s24], $0x80, s13, s24, $0xb8;
	[tilespmem:$0x1F080] =	vst v63  }
0xe6: {  	_ =	swait.ge [sflag:s28], $0x4000  }
0xe7: {  	[sflag:s28] =	ssyncset.done $0x0  }
0xe8: {  	s15 =	simm.s32 $0x14880;
	[sflag:s28] =	ssyncadd.s32 $0xFFFFC000  }
0xe9: {  	[spmem:s1] =	stream.indirect.scatter.add.f32 [tilespmem:s25], [sflag:$0x3], $0x80, s15, s24, $0xb8;
	[tilespmem:$0x1F080] =	vst v63  }
0xea: {  	_ =	swait.ge [sflag:s29], $0x4000  }
0xeb: {  	[sflag:s29] =	ssyncset.done $0x0  }
0xec: {  	s16 =	sor.u32 $0x14180, s10;
	[sflag:s29] =	ssyncadd.s32 $0xFFFFC000  }
0xed: {  	[tilespmem:s25], [sflag:$0x1] =	stream.indirect.gather [hbm4b:s4+s24], $0x80, s16, s24, $0xb8;
	[tilespmem:$0x1F080] =	vst v63  }
0xee: {  	_ =	swait.ge [sflag:s30], $0x4000  }
0xef: {  	[sflag:s30] =	ssyncset.done $0x0  }
0xf0: {  	s23 =	simm.s32 $0x14900;
	[sflag:s30] =	ssyncadd.s32 $0xFFFFC000  }
0xf1: {  	[spmem:s1] =	stream.indirect.scatter.add.f32 [tilespmem:s26], [sflag:$0x4], $0x80, s23, s24, $0xb8;
	[tilespmem:$0x1F080] =	vst v63  }
0xf2: {  	_ =	swait.ge [sflag:s31], $0x4000  }
0xf3: {  	[sflag:s31] =	ssyncset.done $0x0  }
0xf4: {  	s12 =	sor.u32 $0x14200, s10;
	[sflag:s31] =	ssyncadd.s32 $0xFFFFC000  }
0xf5: {  	[tilespmem:s26], [sflag:$0x2] =	stream.indirect.gather [hbm4b:s4+s24], $0x80, s12, s24, $0xb8;
	[tilespmem:$0x1F080] =	vst v63  }
0xf6: {  	_ =	swait.ge [sflag:s28], $0x4000  }
0xf7: {  	[sflag:s28] =	ssyncset.done $0x0  }
0xf8: {  	s13 =	simm.s32 $0x14980;
	[sflag:s28] =	ssyncadd.s32 $0xFFFFC000  }
0xf9: {  	[spmem:s1] =	stream.indirect.scatter.add.f32 [tilespmem:s25], [sflag:$0x3], $0x80, s13, s24, $0xb8;
	[tilespmem:$0x1F080] =	vst v63  }
0xfa: {  	_ =	swait.ge [sflag:s29], $0x4000  }
0xfb: {  	[sflag:s29] =	ssyncset.done $0x0  }
0xfc: {  	s15 =	sor.u32 $0x14280, s10;
	[sflag:s29] =	ssyncadd.s32 $0xFFFFC000  }
0xfd: {  	[tilespmem:s25], [sflag:$0x1] =	stream.indirect.gather [hbm4b:s4+s24], $0x80, s15, s24, $0xb8;
	[tilespmem:$0x1F080] =	vst v63  }
0xfe: {  	_ =	swait.ge [sflag:s30], $0x4000  }
0xff: {  	[sflag:s30] =	ssyncset.done $0x0  }
0x100: {  	s16 =	simm.s32 $0x14A00;
	[sflag:s30] =	ssyncadd.s32 $0xFFFFC000  }
0x101: {  	[spmem:s1] =	stream.indirect.scatter.add.f32 [tilespmem:s26], [sflag:$0x4], $0x80, s16, s24, $0xb8;
	[tilespmem:$0x1F080] =	vst v63  }
0x102: {  	_ =	swait.ge [sflag:s31], $0x4000  }
0x103: {  	[sflag:s31] =	ssyncset.done $0x0  }
0x104: {  	s23 =	sor.u32 $0x14300, s10;
	[sflag:s31] =	ssyncadd.s32 $0xFFFFC000  }
0x105: {  	[tilespmem:s26], [sflag:$0x2] =	stream.indirect.gather [hbm4b:s4+s24], $0x80, s23, s24, $0xb8;
	[tilespmem:$0x1F080] =	vst v63  }
0x106: {  	_ =	swait.ge [sflag:s28], $0x4000  }
0x107: {  	[sflag:s28] =	ssyncset.done $0x0  }
0x108: {  	s12 =	simm.s32 $0x14A80;
	[sflag:s28] =	ssyncadd.s32 $0xFFFFC000  }
0x109: {  	[spmem:s1] =	stream.indirect.scatter.add.f32 [tilespmem:s25], [sflag:$0x3], $0x80, s12, s24, $0xb8;
	[tilespmem:$0x1F080] =	vst v63  }
0x10a: {  	_ =	swait.ge [sflag:s29], $0x4000  }
0x10b: {  	[sflag:s29] =	ssyncset.done $0x0  }
0x10c: {  	s13 =	sor.u32 $0x14380, s10;
	[sflag:s29] =	ssyncadd.s32 $0xFFFFC000  }
0x10d: {  	[tilespmem:s25], [sflag:$0x1] =	stream.indirect.gather [hbm4b:s4+s24], $0x80, s13, s24, $0xb8;
	[tilespmem:$0x1F080] =	vst v63  }
0x10e: {  	_ =	swait.ge [sflag:s30], $0x4000  }
0x10f: {  	[sflag:s30] =	ssyncset.done $0x0  }
0x110: {  	s15 =	simm.s32 $0x14B00;
	[sflag:s30] =	ssyncadd.s32 $0xFFFFC000  }
0x111: {  	[spmem:s1] =	stream.indirect.scatter.add.f32 [tilespmem:s26], [sflag:$0x4], $0x80, s15, s24, $0xb8;
	[tilespmem:$0x1F080] =	vst v63  }
0x112: {  	_ =	swait.ge [sflag:s31], $0x4000  }
0x113: {  	[sflag:s31] =	ssyncset.done $0x0  }
0x114: {  	s10 =	sadd.s32 $0x14400, s10;
	[sflag:s31] =	ssyncadd.s32 $0xFFFFC000  }
0x115: {  	[tilespmem:s26], [sflag:$0x2] =	stream.indirect.gather [hbm4b:s4+s24], $0x80, s10, s24, $0xb8;
	[tilespmem:$0x1F080] =	vst v63  }
0x116: {  	_ =	swait.ge [sflag:s28], $0x4000  }
0x117: {  	[sflag:s28] =	ssyncset.done $0x0  }
0x118: {  	s16 =	simm.s32 $0x14B80;
	[sflag:s28] =	ssyncadd.s32 $0xFFFFC000  }
0x119: {  	[spmem:s1] =	stream.indirect.scatter.add.f32 [tilespmem:s25], [sflag:$0x3], $0x80, s16, s24, $0xb8;
	[tilespmem:$0x1F080] =	vst v63  }
0x11a: {  	_ =	swait.ge [sflag:s30], $0x4000  }
0x11b: {  	[sflag:s30] =	ssyncset.done $0x0  }
0x11c: {  	s23 =	simm.s32 $0x14C00;
	[sflag:s30] =	ssyncadd.s32 $0xFFFFC000  }
0x11d: {  	[spmem:s1] =	stream.indirect.scatter.add.f32 [tilespmem:s26], [sflag:$0x4], $0x80, s23, s24, $0xb8;
	[tilespmem:$0x1F080] =	vst v63  }
0x11e: {  	_ =	swait.ge [sflag:s29], $0x4000  }
0x11f: {  	[sflag:s29] =	ssyncset.done $0x0  }
0x120: {  	[sflag:s29] =	ssyncadd.s32 $0xFFFFC000  }
0x121: {  	_ =	swait.ge [sflag:s31], $0x4000  }
0x122: {  	[sflag:s31] =	ssyncset.done $0x0  }
0x123: {  	s11 =	simm.s32 $0x2000;
	[sflag:s31] =	ssyncadd.s32 $0xFFFFC000  }
0x124: {  	s12 =	sadd.s32 $0x80, s20;
	s13 =	simm.s32 $0x800;
	_ =	swait.ge [sflag:s0], $0x400  }
0x125: {  	s15 =	sand.u32 $0x400, s13;
	s10 =	simm.s32 $0x1000;
	[sflag:s0] =	ssyncset.done $0x0  }
.LBB2_4:
0x126: {  	s16 =	sor.u32 $0x14080, s15;
	s15 =	sand.u32 $0x400, s9  }
0x127: {  	[sflag:s0] =	ssyncadd.s32 $0xFFFFFC00;
	s23 =	smov.u32 s11;
	s9 =	smov.u32 s13  }
0x128: {  	[tilespmem:s16], [sflag:$0x5] =	stream.linear.gather [hbm4b:s12+s2], $0x400, $0x38;
	[tilespmem:$0x1F080] =	vst v63  }
0x129: {  	p1 =	sne.s32 s11, $0x9000;
	s11 =	sadd.s32 $0x1000, s11;
	s16 =	sor.u32 $0x14080, s15  }
0x12a: {  	[tilespmem:s25], [sflag:$0x1] =	stream.indirect.gather [hbm4b:s4+s24], $0x80, s16, s24, $0xb8;
	[tilespmem:$0x1F080] =	vst v63  }
0x12b: {  	s16 =	sor.u32 $0x14100, s15  }
0x12c: {  	[tilespmem:s26], [sflag:$0x2] =	stream.indirect.gather [hbm4b:s4+s24], $0x80, s16, s24, $0xb8;
	[tilespmem:$0x1F080] =	vst v63  }
0x12d: {  	_ =	swait.ge [sflag:s28], $0x4000  }
0x12e: {  	s16 =	sshra.s32 s10, $0x2;
	s10 =	smov.u32 s23;
	[sflag:s28] =	ssyncset.done $0x0  }
0x12f: {  	s23 =	sadd.s32 $0x14880, s16;
	[sflag:s28] =	ssyncadd.s32 $0xFFFFC000  }
0x130: {  	[spmem:s1] =	stream.indirect.scatter.add.f32 [tilespmem:s25], [sflag:$0x3], $0x80, s23, s24, $0xb8;
	[tilespmem:$0x1F080] =	vst v63  }
0x131: {  	_ =	swait.ge [sflag:s29], $0x4000  }
0x132: {  	[sflag:s29] =	ssyncset.done $0x0  }
0x133: {  	s23 =	sor.u32 $0x14180, s15;
	[sflag:s29] =	ssyncadd.s32 $0xFFFFC000  }
0x134: {  	[tilespmem:s25], [sflag:$0x1] =	stream.indirect.gather [hbm4b:s4+s24], $0x80, s23, s24, $0xb8;
	[tilespmem:$0x1F080] =	vst v63  }
0x135: {  	_ =	swait.ge [sflag:s30], $0x4000  }
0x136: {  	[sflag:s30] =	ssyncset.done $0x0  }
0x137: {  	s23 =	sadd.s32 $0x14900, s16;
	[sflag:s30] =	ssyncadd.s32 $0xFFFFC000  }
0x138: {  	[spmem:s1] =	stream.indirect.scatter.add.f32 [tilespmem:s26], [sflag:$0x4], $0x80, s23, s24, $0xb8;
	[tilespmem:$0x1F080] =	vst v63  }
0x139: {  	_ =	swait.ge [sflag:s31], $0x4000  }
0x13a: {  	[sflag:s31] =	ssyncset.done $0x0  }
0x13b: {  	s23 =	sor.u32 $0x14200, s15;
	[sflag:s31] =	ssyncadd.s32 $0xFFFFC000  }
0x13c: {  	[tilespmem:s26], [sflag:$0x2] =	stream.indirect.gather [hbm4b:s4+s24], $0x80, s23, s24, $0xb8;
	[tilespmem:$0x1F080] =	vst v63  }
0x13d: {  	_ =	swait.ge [sflag:s28], $0x4000  }
0x13e: {  	[sflag:s28] =	ssyncset.done $0x0  }
0x13f: {  	s23 =	sadd.s32 $0x14980, s16;
	[sflag:s28] =	ssyncadd.s32 $0xFFFFC000  }
0x140: {  	[spmem:s1] =	stream.indirect.scatter.add.f32 [tilespmem:s25], [sflag:$0x3], $0x80, s23, s24, $0xb8;
	[tilespmem:$0x1F080] =	vst v63  }
0x141: {  	_ =	swait.ge [sflag:s29], $0x4000  }
0x142: {  	[sflag:s29] =	ssyncset.done $0x0  }
0x143: {  	s23 =	sor.u32 $0x14280, s15;
	[sflag:s29] =	ssyncadd.s32 $0xFFFFC000  }
0x144: {  	[tilespmem:s25], [sflag:$0x1] =	stream.indirect.gather [hbm4b:s4+s24], $0x80, s23, s24, $0xb8;
	[tilespmem:$0x1F080] =	vst v63  }
0x145: {  	_ =	swait.ge [sflag:s30], $0x4000  }
0x146: {  	[sflag:s30] =	ssyncset.done $0x0  }
0x147: {  	s23 =	sadd.s32 $0x14A00, s16;
	[sflag:s30] =	ssyncadd.s32 $0xFFFFC000  }
0x148: {  	[spmem:s1] =	stream.indirect.scatter.add.f32 [tilespmem:s26], [sflag:$0x4], $0x80, s23, s24, $0xb8;
	[tilespmem:$0x1F080] =	vst v63  }
0x149: {  	_ =	swait.ge [sflag:s31], $0x4000  }
0x14a: {  	[sflag:s31] =	ssyncset.done $0x0  }
0x14b: {  	s23 =	sor.u32 $0x14300, s15;
	[sflag:s31] =	ssyncadd.s32 $0xFFFFC000  }
0x14c: {  	[tilespmem:s26], [sflag:$0x2] =	stream.indirect.gather [hbm4b:s4+s24], $0x80, s23, s24, $0xb8;
	[tilespmem:$0x1F080] =	vst v63  }
0x14d: {  	_ =	swait.ge [sflag:s28], $0x4000  }
0x14e: {  	[sflag:s28] =	ssyncset.done $0x0  }
0x14f: {  	s23 =	sadd.s32 $0x14A80, s16;
	[sflag:s28] =	ssyncadd.s32 $0xFFFFC000  }
0x150: {  	[spmem:s1] =	stream.indirect.scatter.add.f32 [tilespmem:s25], [sflag:$0x3], $0x80, s23, s24, $0xb8;
	[tilespmem:$0x1F080] =	vst v63  }
0x151: {  	_ =	swait.ge [sflag:s29], $0x4000  }
0x152: {  	[sflag:s29] =	ssyncset.done $0x0  }
0x153: {  	s23 =	sor.u32 $0x14380, s15;
	[sflag:s29] =	ssyncadd.s32 $0xFFFFC000  }
0x154: {  	[tilespmem:s25], [sflag:$0x1] =	stream.indirect.gather [hbm4b:s4+s24], $0x80, s23, s24, $0xb8;
	[tilespmem:$0x1F080] =	vst v63  }
0x155: {  	_ =	swait.ge [sflag:s30], $0x4000  }
0x156: {  	[sflag:s30] =	ssyncset.done $0x0  }
0x157: {  	s23 =	sadd.s32 $0x14B00, s16;
	[sflag:s30] =	ssyncadd.s32 $0xFFFFC000  }
0x158: {  	[spmem:s1] =	stream.indirect.scatter.add.f32 [tilespmem:s26], [sflag:$0x4], $0x80, s23, s24, $0xb8;
	[tilespmem:$0x1F080] =	vst v63  }
0x159: {  	_ =	swait.ge [sflag:s31], $0x4000  }
0x15a: {  	[sflag:s31] =	ssyncset.done $0x0  }
0x15b: {  	s15 =	sadd.s32 $0x14400, s15;
	[sflag:s31] =	ssyncadd.s32 $0xFFFFC000  }
0x15c: {  	[tilespmem:s26], [sflag:$0x2] =	stream.indirect.gather [hbm4b:s4+s24], $0x80, s15, s24, $0xb8;
	[tilespmem:$0x1F080] =	vst v63  }
0x15d: {  	_ =	swait.ge [sflag:s28], $0x4000  }
0x15e: {  	[sflag:s28] =	ssyncset.done $0x0  }
0x15f: {  	s15 =	sadd.s32 $0x14B80, s16;
	[sflag:s28] =	ssyncadd.s32 $0xFFFFC000  }
0x160: {  	[spmem:s1] =	stream.indirect.scatter.add.f32 [tilespmem:s25], [sflag:$0x3], $0x80, s15, s24, $0xb8;
	[tilespmem:$0x1F080] =	vst v63  }
0x161: {  	_ =	swait.ge [sflag:s30], $0x4000  }
0x162: {  	[sflag:s30] =	ssyncset.done $0x0  }
0x163: {  	s15 =	sadd.s32 $0x14C00, s16;
	[sflag:s30] =	ssyncadd.s32 $0xFFFFC000  }
0x164: {  	[spmem:s1] =	stream.indirect.scatter.add.f32 [tilespmem:s26], [sflag:$0x4], $0x80, s15, s24, $0xb8;
	[tilespmem:$0x1F080] =	vst v63  }
0x165: {  	_ =	swait.ge [sflag:s29], $0x4000  }
0x166: {  	[sflag:s29] =	ssyncset.done $0x0  }
0x167: {  	[sflag:s29] =	ssyncadd.s32 $0xFFFFC000  }
.Ltmp1:
0x168: {  	_ =	swait.ge [sflag:s31], $0x4000;
	(pc) =	sbr.rel @p1 .LBB2_4-.Ltmp1, $4  }
0x169: {  	[sflag:s31] =	ssyncset.done $0x0  }
0x16a: {  	[sflag:s31] =	ssyncadd.s32 $0xFFFFC000  }
0x16b: {  	s13 =	sadd.s32 $0x400, s13;
	_ =	swait.ge [sflag:s0], $0x400  }
0x16c: {  	s12 =	sadd.s32 $0x80, s12;
	s15 =	sand.u32 $0x400, s13;
	[sflag:s0] =	ssyncset.done $0x0  }
0x16d: {  	s13 =	sor.u32 $0x14080, s15;
	s11 =	sand.u32 $0x400, s9;
	[sflag:s0] =	ssyncadd.s32 $0xFFFFFC00  }
0x16e: {  	[tilespmem:s13], [sflag:$0x5] =	stream.linear.gather [hbm4b:s12+s2], $0x400, $0x38;
	[tilespmem:$0x1F080] =	vst v63  }
0x16f: {  	s9 =	sor.u32 $0x14080, s11  }
0x170: {  	[tilespmem:s25], [sflag:$0x1] =	stream.indirect.gather [hbm4b:s4+s24], $0x80, s9, s24, $0xb8;
	[tilespmem:$0x1F080] =	vst v63  }
0x171: {  	s15 =	sor.u32 $0x14100, s11  }
0x172: {  	[tilespmem:s26], [sflag:$0x2] =	stream.indirect.gather [hbm4b:s4+s24], $0x80, s15, s24, $0xb8;
	[tilespmem:$0x1F080] =	vst v63  }
0x173: {  	_ =	swait.ge [sflag:s28], $0x4000  }
0x174: {  	s9 =	sshra.s32 s10, $0x2;
	[sflag:s28] =	ssyncset.done $0x0  }
0x175: {  	s10 =	sadd.s32 $0x14880, s9;
	[sflag:s28] =	ssyncadd.s32 $0xFFFFC000  }
0x176: {  	[spmem:s1] =	stream.indirect.scatter.add.f32 [tilespmem:s25], [sflag:$0x3], $0x80, s10, s24, $0xb8;
	[tilespmem:$0x1F080] =	vst v63  }
0x177: {  	_ =	swait.ge [sflag:s29], $0x4000  }
0x178: {  	[sflag:s29] =	ssyncset.done $0x0  }
0x179: {  	s16 =	sor.u32 $0x14180, s11;
	[sflag:s29] =	ssyncadd.s32 $0xFFFFC000  }
0x17a: {  	[tilespmem:s25], [sflag:$0x1] =	stream.indirect.gather [hbm4b:s4+s24], $0x80, s16, s24, $0xb8;
	[tilespmem:$0x1F080] =	vst v63  }
0x17b: {  	_ =	swait.ge [sflag:s30], $0x4000  }
0x17c: {  	[sflag:s30] =	ssyncset.done $0x0  }
0x17d: {  	s23 =	sadd.s32 $0x14900, s9;
	[sflag:s30] =	ssyncadd.s32 $0xFFFFC000  }
0x17e: {  	[spmem:s1] =	stream.indirect.scatter.add.f32 [tilespmem:s26], [sflag:$0x4], $0x80, s23, s24, $0xb8;
	[tilespmem:$0x1F080] =	vst v63  }
0x17f: {  	_ =	swait.ge [sflag:s31], $0x4000  }
0x180: {  	[sflag:s31] =	ssyncset.done $0x0  }
0x181: {  	s12 =	sor.u32 $0x14200, s11;
	[sflag:s31] =	ssyncadd.s32 $0xFFFFC000  }
0x182: {  	[tilespmem:s26], [sflag:$0x2] =	stream.indirect.gather [hbm4b:s4+s24], $0x80, s12, s24, $0xb8;
	[tilespmem:$0x1F080] =	vst v63  }
0x183: {  	_ =	swait.ge [sflag:s28], $0x4000  }
0x184: {  	[sflag:s28] =	ssyncset.done $0x0  }
0x185: {  	s13 =	sadd.s32 $0x14980, s9;
	[sflag:s28] =	ssyncadd.s32 $0xFFFFC000  }
0x186: {  	[spmem:s1] =	stream.indirect.scatter.add.f32 [tilespmem:s25], [sflag:$0x3], $0x80, s13, s24, $0xb8;
	[tilespmem:$0x1F080] =	vst v63  }
0x187: {  	_ =	swait.ge [sflag:s29], $0x4000  }
0x188: {  	[sflag:s29] =	ssyncset.done $0x0  }
0x189: {  	s15 =	sor.u32 $0x14280, s11;
	[sflag:s29] =	ssyncadd.s32 $0xFFFFC000  }
0x18a: {  	[tilespmem:s25], [sflag:$0x1] =	stream.indirect.gather [hbm4b:s4+s24], $0x80, s15, s24, $0xb8;
	[tilespmem:$0x1F080] =	vst v63  }
0x18b: {  	_ =	swait.ge [sflag:s30], $0x4000  }
0x18c: {  	[sflag:s30] =	ssyncset.done $0x0  }
0x18d: {  	s16 =	sadd.s32 $0x14A00, s9;
	[sflag:s30] =	ssyncadd.s32 $0xFFFFC000  }
0x18e: {  	[spmem:s1] =	stream.indirect.scatter.add.f32 [tilespmem:s26], [sflag:$0x4], $0x80, s16, s24, $0xb8;
	[tilespmem:$0x1F080] =	vst v63  }
0x18f: {  	_ =	swait.ge [sflag:s31], $0x4000  }
0x190: {  	[sflag:s31] =	ssyncset.done $0x0  }
0x191: {  	s23 =	sor.u32 $0x14300, s11;
	[sflag:s31] =	ssyncadd.s32 $0xFFFFC000  }
0x192: {  	[tilespmem:s26], [sflag:$0x2] =	stream.indirect.gather [hbm4b:s4+s24], $0x80, s23, s24, $0xb8;
	[tilespmem:$0x1F080] =	vst v63  }
0x193: {  	_ =	swait.ge [sflag:s28], $0x4000  }
0x194: {  	[sflag:s28] =	ssyncset.done $0x0  }
0x195: {  	s12 =	sadd.s32 $0x14A80, s9;
	[sflag:s28] =	ssyncadd.s32 $0xFFFFC000  }
0x196: {  	[spmem:s1] =	stream.indirect.scatter.add.f32 [tilespmem:s25], [sflag:$0x3], $0x80, s12, s24, $0xb8;
	[tilespmem:$0x1F080] =	vst v63  }
0x197: {  	_ =	swait.ge [sflag:s29], $0x4000  }
0x198: {  	[sflag:s29] =	ssyncset.done $0x0  }
0x199: {  	s13 =	sor.u32 $0x14380, s11;
	[sflag:s29] =	ssyncadd.s32 $0xFFFFC000  }
0x19a: {  	[tilespmem:s25], [sflag:$0x1] =	stream.indirect.gather [hbm4b:s4+s24], $0x80, s13, s24, $0xb8;
	[tilespmem:$0x1F080] =	vst v63  }
0x19b: {  	_ =	swait.ge [sflag:s30], $0x4000  }
0x19c: {  	[sflag:s30] =	ssyncset.done $0x0  }
0x19d: {  	s15 =	sadd.s32 $0x14B00, s9;
	[sflag:s30] =	ssyncadd.s32 $0xFFFFC000  }
0x19e: {  	[spmem:s1] =	stream.indirect.scatter.add.f32 [tilespmem:s26], [sflag:$0x4], $0x80, s15, s24, $0xb8;
	[tilespmem:$0x1F080] =	vst v63  }
0x19f: {  	_ =	swait.ge [sflag:s31], $0x4000  }
0x1a0: {  	[sflag:s31] =	ssyncset.done $0x0  }
0x1a1: {  	s16 =	sadd.s32 $0x14400, s11;
	[sflag:s31] =	ssyncadd.s32 $0xFFFFC000  }
0x1a2: {  	[tilespmem:s26], [sflag:$0x2] =	stream.indirect.gather [hbm4b:s4+s24], $0x80, s16, s24, $0xb8;
	[tilespmem:$0x1F080] =	vst v63  }
0x1a3: {  	_ =	swait.ge [sflag:s28], $0x4000  }
0x1a4: {  	[sflag:s28] =	ssyncset.done $0x0  }
0x1a5: {  	s23 =	sadd.s32 $0x14B80, s9;
	[sflag:s28] =	ssyncadd.s32 $0xFFFFC000  }
0x1a6: {  	[spmem:s1] =	stream.indirect.scatter.add.f32 [tilespmem:s25], [sflag:$0x3], $0x80, s23, s24, $0xb8;
	[tilespmem:$0x1F080] =	vst v63  }
0x1a7: {  	_ =	swait.ge [sflag:s30], $0x4000  }
0x1a8: {  	[sflag:s30] =	ssyncset.done $0x0  }
0x1a9: {  	s9 =	sadd.s32 $0x14C00, s9;
	[sflag:s30] =	ssyncadd.s32 $0xFFFFC000  }
0x1aa: {  	[spmem:s1] =	stream.indirect.scatter.add.f32 [tilespmem:s26], [sflag:$0x4], $0x80, s9, s24, $0xb8;
	[tilespmem:$0x1F080] =	vst v63  }
0x1ab: {  	_ =	swait.ge [sflag:s29], $0x4000  }
0x1ac: {  	[sflag:s29] =	ssyncset.done $0x0  }
0x1ad: {  	[sflag:s29] =	ssyncadd.s32 $0xFFFFC000  }
0x1ae: {  	_ =	swait.ge [sflag:s31], $0x4000  }
0x1af: {  	[sflag:s31] =	ssyncset.done $0x0  }
0x1b0: {  	[sflag:s31] =	ssyncadd.s32 $0xFFFFC000  }
0x1b1: {  	_ =	swait.ge [sflag:s0], $0x400  }
0x1b2: {  	[sflag:s0] =	ssyncset.done $0x0  }
0x1b3: {  	[sflag:s0] =	ssyncadd.s32 $0xFFFFFC00  }
0x1b4: {  	[bflag:$0x0] =	sbarrier.arrive $0xFFFF  }
0x1b5: {  	[hbm:s17], [sflag:s3] =	dma.local [spmem:s6], $0x2700  }
0x1b6: {  	_ =	swait.ge [sflag:s22], $0x2700  }
0x1b7: {  	[sflag:s22] =	ssyncset.done $0x0  }
0x1b8: {  	s21 =	sadd.s32 $0x1, s21;
	[sflag:s22] =	ssyncadd.s32 $0xFFFFD900  }
0x1b9: {  	[hbm:s18], [sflag:s3] =	dma.local @!p0 [spmem:s8], $0x100  }
0x1ba: {  	p1 =	sne.s32 s21, s19;
	s3 =	simm.s32 @!p0 $0x6  }
.Ltmp2:
0x1bb: {  	_ =	swait.ge @!p0 [sflag:s3], $0x100;
	(pc) =	sbr.rel @p1 .LBB2_1-.Ltmp2, $4  }
0x1bc: {  	[sflag:s3] =	ssyncset.done @!p0 $0x0  }
0x1bd: {  	[sflag:s3] =	ssyncadd.s32 @!p0 $0xFFFFFF00  }
0x1be: {  	[bflag:$0x0] =	sbarrier.arrive $0xFFFF  }
0x1bf: {  	s16 =	simm.s32 $0x14080  }
0x1c0: {  	_ =	sfence.sel $0x180000  }
0x1c1: {  	[bflag:$0x0] =	sbarrier.arrive $0xFFFF  }
0x1c2: {  	_ =	strace $0x9000004A  }
0x1c3: {  	[bflag:$0x2] =	sbarrier.arrive $0xFFFF  }
0x1c4: {  	s0 =	rddreg [dreg:$0x2]  }
0x1c5: {  	s0 =	sadd.s32 @!p0 $0x100000, s0  }
0x1c6: {  	[sflag:s0] =	ssyncadd.tile.s32 @!p0 $0x1;
	_ =	shalt  }
.Lfunc_end2:
_tile_overlayer_lowered:
.L_overlay_start_2:
0x1c7: {  	(tag) =	ssettag $0x2  }
0x1c8: {  	s0 =	rddreg [dreg:$0x0];
	s2 =	stileid.u32  }
0x1c9: {  	s1 =	rddreg [dreg:$0x1];
	p0 =	sne.s32 s2, $0x0  }
0x1ca: {  	s3 =	rddreg [dreg:$0x2];
	[bflag:$0x3] =	sbarrier.arrive $0xFFFF;
	s2 =	simm.s32 @!p0 $0x1C06  }
0x1cb: {  	[timem:s3], [sflag:s2] =	dma.local @!p0 [hbm:s0], s1  }
0x1cc: {  	s0 =	simm.s32 @!p0 $0x6  }
0x1cd: {  	_ =	swait.ge @!p0 [sflag:s0], s1  }
0x1ce: {  	s1 =	ssub.s32 @!p0 $0x0, s1;
	[sflag:s0] =	ssyncset.done @!p0 $0x0  }
0x1cf: {  	[sflag:s0] =	ssyncadd.s32 @!p0 s1  }
0x1d0: {  	[bflag:$0x3] =	sbarrier.arrive $0xFFFF  }
0x1d1: {  	_ =	shalt  }

</sc_bundles>
